<compile_context>
chip_gen: v7x
topology: tpu7x:2x2x1
jax: 0.10.2.dev20260603
libtpu: 0.0.44.dev20260713+nightly
codegen_flags: <defaults>
</compile_context>

<pallas_src>
import functools

import jax
import jax.numpy as jnp
import numpy as np
from jax import lax
from jax.experimental import pallas as pl
from jax.experimental.pallas import tpu as pltpu
from jax.experimental.pallas import tpu_sc as plsc

_BS, _K, _N = 16, 8, 128
_H, _W = 256, 256
_OH, _OW = 512, 256
_C = _BS * _K
_CHUNK_ROWS = 128
_NCHUNK = _OH // _CHUNK_ROWS
_L = 16


def _rev(x):
    return lax.rev(x, (0,))


def _cswap(ak, av, bk, bv):
    cond = ak > bk
    lk = jnp.where(cond, bk, ak)
    lv = jnp.where(cond, bv, av)
    hk = jnp.where(cond, ak, bk)
    hv = jnp.where(cond, av, bv)
    return lk, lv, hk, hv


def _bitonic_merge(seq):
    m = len(seq)
    if m == 1:
        k, v = seq[0]
        sk, sv = plsc.sort_key_val(k, v)
        return [(sk, sv)]
    half = m // 2
    lo, hi = [], []
    for i in range(half):
        ak, av = seq[i]
        bk, bv = seq[i + half]
        lk, lv, hk, hv = _cswap(ak, av, bk, bv)
        lo.append((lk, lv))
        hi.append((hk, hv))
    return _bitonic_merge(lo) + _bitonic_merge(hi)


def _merge_sorted(a, b):
    br = [(_rev(k), _rev(v)) for (k, v) in reversed(b)]
    lo, hi = [], []
    for (ak, av), (bk, bv) in zip(a, br):
        lk, lv, hk, hv = _cswap(ak, av, bk, bv)
        lo.append((lk, lv))
        hi.append((hk, hv))
    return _bitonic_merge(lo) + _bitonic_merge(hi)


def _paint_call(ts, v, const01):
    mesh = plsc.VectorSubcoreMesh(core_axis_name="c", subcore_axis_name="s")
    info = plsc.get_sparse_core_info()
    nc = info.num_cores
    nw = nc * info.num_subcores
    curves_per_w = _C // nw
    eps = float(np.spacing(np.finfo(np.float32).eps))

    @functools.partial(
        pl.kernel,
        out_type=jax.ShapeDtypeStruct((_BS, _K, _OH, _OW), jnp.float32),
        mesh=mesh,
        compiler_params=pltpu.CompilerParams(needs_layout_passes=False),
        scratch_types=[
            pltpu.VMEM((2, _CHUNK_ROWS, _OW), jnp.float32),
            pltpu.VMEM((_N,), jnp.float32),
            pltpu.VMEM((_N,), jnp.float32),
            pltpu.VMEM((_N,), jnp.float32),
            pltpu.VMEM((_N,), jnp.float32),
            pltpu.VMEM((2 * _H,), jnp.int32),
            pltpu.SemaphoreType.DMA,
            pltpu.SemaphoreType.DMA,
        ],
    )
    def body(ts_hbm, v_hbm, const_hbm, out_hbm, buf, tbuf, vbuf, tso, vso,
             viv, sem0, sem1):
        wid = lax.axis_index("s") * nc + lax.axis_index("c")
        pltpu.sync_copy(const_hbm, buf.at[0])
        pltpu.sync_copy(const_hbm, buf.at[1])

        lanes = lax.iota(jnp.int32, _L)

        def scatter_pass(slot, vbase, r0, sgn):
            slot_v = lanes - lanes + slot

            def body_j(j, carry):
                rloc = j * _L + lanes
                r = r0 + rloc
                m = lax.shift_right_logical(r, 1)
                is_odd = lax.bitwise_and(r, 1) == 1
                ya = jnp.where(is_odd, m, jnp.maximum(m - 1, 0))
                yb = jnp.where(is_odd, jnp.minimum(m + 1, _H - 1), m)
                wa = jnp.where(is_odd, jnp.float32(0.675 * sgn),
                               jnp.float32(0.225 * sgn))
                wb = jnp.where(is_odd, jnp.float32(0.225 * sgn),
                               jnp.float32(0.675 * sgn))
                ca = plsc.load_gather(viv, [vbase + ya])
                cb = plsc.load_gather(viv, [vbase + yb])
                plsc.addupdate_scatter(buf, [slot_v, rloc, ca], wa)
                plsc.addupdate_scatter(buf, [slot_v, rloc, cb], wb)
                return carry
            lax.fori_loop(0, _CHUNK_ROWS // _L, body_j, 0)

        def drain(slot):
            @pl.when(slot == 0)
            def _():
                pltpu.make_async_copy(const_hbm, buf.at[0], sem0).wait()

            @pl.when(slot == 1)
            def _():
                pltpu.make_async_copy(const_hbm, buf.at[1], sem1).wait()

        def per_step(g, carry):
            k = lax.div(g, _NCHUNK)
            ch = lax.rem(g, _NCHUNK)
            c = wid * curves_per_w + k
            b = lax.div(c, _K)
            kk = lax.rem(c, _K)
            slot = lax.rem(g, 2)
            vbase = lax.rem(k, 2) * _H
            r0 = ch * _CHUNK_ROWS

            @pl.when(ch == 0)
            def _sort_and_search():
                pltpu.sync_copy(ts_hbm.at[c], tbuf)
                pltpu.sync_copy(v_hbm.at[c], vbuf)
                runs = []
                for i in range(_N // _L):
                    ki = tbuf[pl.ds(i * _L, _L)]
                    vi_ = vbuf[pl.ds(i * _L, _L)]
                    runs.append([plsc.sort_key_val(ki, vi_)])
                while len(runs) > 1:
                    runs = [_merge_sorted(runs[i], runs[i + 1])
                            for i in range(0, len(runs), 2)]
                for i, (ki, vi_) in enumerate(runs[0]):
                    tso[pl.ds(i * _L, _L)] = ki
                    vso[pl.ds(i * _L, _L)] = vi_
                zero16 = lanes - lanes
                t_first = runs[0][0][0][0]
                v_first = runs[0][0][1][0]
                t_last = runs[0][-1][0][_L - 1]
                v_last = runs[0][-1][1][_L - 1]
                for qi in range(_H // _L):
                    tqi = lanes + qi * _L
                    tqf = tqi.astype(jnp.float32)
                    cnt = zero16
                    for s in (64, 32, 16, 8, 4, 2, 1):
                        val = plsc.load_gather(tso, [cnt + (s - 1)])
                        cnt = cnt + jnp.where(val <= tqf, s, 0)
                    i1 = jnp.clip(cnt, 1, _N - 1)
                    i0 = i1 - 1
                    tlo = plsc.load_gather(tso, [i0])
                    vlo = plsc.load_gather(vso, [i0])
                    thi = plsc.load_gather(tso, [i1])
                    vhi = plsc.load_gather(vso, [i1])
                    dx = thi - tlo
                    dx0 = jnp.abs(dx) <= eps
                    f = jnp.where(
                        dx0, vlo,
                        vlo + ((tqf - tlo)
                               / jnp.where(dx0, jnp.float32(1.0), dx))
                        * (vhi - vlo))
                    f = jnp.where(tqf < t_first, v_first, f)
                    f = jnp.where(tqf > t_last, v_last, f)
                    fc = jnp.minimum(jnp.maximum(f + 0.5, 0.0), float(_W - 1))
                    plsc.store_scatter(viv, [vbase + qi * _L + lanes],
                                       fc.astype(jnp.int32))

            @pl.when(g >= 2)
            def _retire():
                drain(slot)
                g2 = g - 2
                k2 = lax.div(g2, _NCHUNK)
                ch2 = lax.rem(g2, _NCHUNK)
                scatter_pass(slot, lax.rem(k2, 2) * _H,
                             ch2 * _CHUNK_ROWS, -1.0)

            scatter_pass(slot, vbase, r0, 1.0)
            dst = out_hbm.at[b, kk, pl.ds(r0, _CHUNK_ROWS)]

            @pl.when(slot == 0)
            def _():
                pltpu.async_copy(buf.at[0], dst, sem0)

            @pl.when(slot == 1)
            def _():
                pltpu.async_copy(buf.at[1], dst, sem1)

            return carry

        lax.fori_loop(0, curves_per_w * _NCHUNK, per_step, 0)
        pltpu.make_async_copy(const_hbm, buf.at[0], sem0).wait()
        pltpu.make_async_copy(const_hbm, buf.at[1], sem1).wait()

    return body(ts, v, const01)


def kernel(VelPoints, VMM):
    t = VelPoints[..., 0].reshape(_C, _N) / np.float32(1.0 / (_H - 1))
    ts = jnp.where(t > 0, t, jnp.float32(1e9))
    vmin = jnp.repeat(VMM[:, 0], _K).reshape(_C, 1)
    vmax = jnp.repeat(VMM[:, 1], _K).reshape(_C, 1)
    stepv = (vmax - vmin) / np.float32(_W - 1)
    v = (VelPoints[..., 1].reshape(_C, _N) - vmin) / stepv
    const01 = jnp.full((_CHUNK_ROWS, _OW), 0.01, jnp.float32)
    return _paint_call(ts, v, const01)

# --- scband reference (transcript-rebuilt; emitter-appended) ---
"""Pipeline reference for scband-cvencoder-1322849927632 (READ-ONLY COPY).

The authoritative reference and input builder live on the scoring server;
editing this copy changes nothing except your own understanding.
"""

import jax, jax.numpy as jnp
import numpy as np

BS, K, N = 16, 8, 128
H, W = 256, 256
OUT_H, OUT_W = 512, 256
T0, T1 = 0.0, 1.0


def setup_inputs(seed: int = 0):
    key = jax.random.key(seed)
    k1, k2 = jax.random.split(key)
    VelPoints = jax.random.uniform(k1, (BS, K, N, 2), dtype=jnp.float32)
    VMM = jax.random.uniform(k2, (BS, 2), dtype=jnp.float32)
    return {"VelPoints": VelPoints, "VMM": VMM}


def _bilinear_resize(img, oh, ow):
    # Faithful to F.interpolate(mode='bilinear', align_corners=False)
    b, c, h, w = img.shape
    sy = h / oh
    sx = w / ow
    ys = jnp.maximum((jnp.arange(oh, dtype=jnp.float32) + 0.5) * sy - 0.5, 0.0)
    xs = jnp.maximum((jnp.arange(ow, dtype=jnp.float32) + 0.5) * sx - 0.5, 0.0)
    y0 = jnp.floor(ys).astype(jnp.int32)
    y1 = jnp.minimum(y0 + 1, h - 1)
    x0 = jnp.floor(xs).astype(jnp.int32)
    x1 = jnp.minimum(x0 + 1, w - 1)
    wy = (ys - y0.astype(jnp.float32))[:, None]
    wx = (xs - x0.astype(jnp.float32))[None, :]
    Ia = img[:, :, y0][:, :, :, x0]
    Ib = img[:, :, y0][:, :, :, x1]
    Ic = img[:, :, y1][:, :, :, x0]
    Id = img[:, :, y1][:, :, :, x1]
    top = Ia * (1.0 - wx) + Ib * wx
    bot = Ic * (1.0 - wx) + Id * wx
    return top * (1.0 - wy) + bot * wy


def _encode_curve(points):
    # points: (N, 2) normalized (t, v) grid coords.
    # Faithful to: filter t>0, linearly interpolate v over t at tq=arange(H),
    # clip to grid (interpolation helper), then scatter-add 0.9 onto 0.01 base.
    t = points[:, 0]
    v = points[:, 1]
    valid = t > 0
    t_s = jnp.where(valid, t, 1e9)  # push filtered-out points past all queries
    order = jnp.argsort(t_s)
    t_sorted = jnp.take(t_s, order)
    v_sorted = jnp.take(v, order)
    tq = jnp.arange(H, dtype=jnp.float32)
    vq = jnp.interp(tq, t_sorted, v_sorted)
    vi = jnp.clip(jnp.round(vq), 0, W - 1).astype(jnp.int32)
    ti = jnp.arange(H, dtype=jnp.int32)
    hot = ti * W + vi
    mask = jnp.full((H * W,), 0.01, dtype=jnp.float32)
    mask = mask.at[hot].add(0.9)
    return mask


def reference(VelPoints, VMM):
    step_t = (T1 - T0) / (H - 1)
    t = (VelPoints[..., 0] - T0) / step_t
    vmin = VMM[:, 0][:, None, None]
    vmax = VMM[:, 1][:, None, None]
    step_v = (vmax - vmin) / (W - 1)
    v = (VelPoints[..., 1] - vmin) / step_v
    pts = jnp.stack([t, v], axis=-1).reshape(-1, N, 2)
    masks = jax.vmap(_encode_curve)(pts)
    soft = masks.reshape(BS, K, H, W)
    return _bilinear_resize(soft, OUT_H, OUT_W)

if __name__ == "__main__":
    import jax
    _d = setup_inputs()
    print(jax.jit(kernel)(*tuple(_d.values())))

</pallas_src>

<mosaic_0001>
#map = affine_map<(d0, d1) -> (0, 0)>
#map1 = affine_map<(d0, d1) -> (0, 0, 0, 0)>
module attributes {stable_mosaic.version = 14 : i64} {
  func.func @body(%arg0: i32, %arg1: i32, %arg2: memref<128x128xf32, #tpu.memory_space<hbm>>, %arg3: memref<128x128xf32, #tpu.memory_space<hbm>>, %arg4: memref<128x256xf32, #tpu.memory_space<hbm>>, %arg5: memref<16x8x512x256xf32, #tpu.memory_space<hbm>>, %arg6: memref<2x128x256xf32, #tpu.memory_space<vmem>>, %arg7: memref<128xf32, #tpu.memory_space<vmem>>, %arg8: memref<128xf32, #tpu.memory_space<vmem>>, %arg9: memref<128xf32, #tpu.memory_space<vmem>>, %arg10: memref<128xf32, #tpu.memory_space<vmem>>, %arg11: memref<512xi32, #tpu.memory_space<vmem>>, %arg12: memref<!tpu.dma_semaphore, #tpu.memory_space<semaphore_mem>>, %arg13: memref<!tpu.dma_semaphore, #tpu.memory_space<semaphore_mem>>) attributes {dimension_semantics = [#tpu.dimension_semantics<core_parallel>, #tpu.dimension_semantics<subcore_parallel>], iteration_bounds = array<i64: 2, 16>, scalar_prefetch = 0 : i64, scratch_operands = 8 : i64, tpu.core_type = #tpu.core_type<sc_vector_subcore>, window_params = [{transform_indices = #map}, {transform_indices = #map}, {transform_indices = #map}, {transform_indices = #map1}]} {
    %mul3A = arith.constant 2 : i32
    %mul3A_0 = arith.muli %arg1, %mul3A : i32
    %add3A = arith.addi %mul3A_0, %arg0 : i32
    %run_scoped3A = arith.constant 0 : i32
    "tpu.region"() ({
      %run_scoped3A_24 = tpu.sem_alloc : memref<!tpu.dma_semaphore, #tpu.memory_space<semaphore_mem>>
      %dma_start3A = arith.constant 0 : i32
      %dma_start3A_25 = arith.constant 0 : i32
      %dma_start3A_26 = tpu.memref_slice %arg6[%run_scoped3A, %dma_start3A, %dma_start3A_25] : memref<2x128x256xf32, #tpu.memory_space<vmem>> -> memref<1x128x256xf32, #tpu.memory_space<vmem>>
      %dma_start3A_27 = tpu.memref_squeeze %dma_start3A_26 : memref<1x128x256xf32, #tpu.memory_space<vmem>> -> memref<128x256xf32, #tpu.memory_space<vmem>>
      %dma_start3A_28 = arith.constant 0 : i32
      %dma_start3A_29 = arith.constant 0 : i32
      %dma_start3A_30 = tpu.memref_slice %arg6[%run_scoped3A, %dma_start3A_28, %dma_start3A_29] : memref<2x128x256xf32, #tpu.memory_space<vmem>> -> memref<1x128x256xf32, #tpu.memory_space<vmem>>
      %dma_start3A_31 = tpu.memref_squeeze %dma_start3A_30 : memref<1x128x256xf32, #tpu.memory_space<vmem>> -> memref<128x256xf32, #tpu.memory_space<vmem>>
      tpu.enqueue_dma source(%arg4 : memref<128x256xf32, #tpu.memory_space<hbm>>) target(%dma_start3A_31 : memref<128x256xf32, #tpu.memory_space<vmem>>) target_semaphore(%run_scoped3A_24 : memref<!tpu.dma_semaphore, #tpu.memory_space<semaphore_mem>>)
      %dma_wait3A_32 = arith.constant 0 : i32
      %dma_wait3A_33 = arith.constant 0 : i32
      %dma_wait3A_34 = tpu.memref_slice %arg6[%run_scoped3A, %dma_wait3A_32, %dma_wait3A_33] : memref<2x128x256xf32, #tpu.memory_space<vmem>> -> memref<1x128x256xf32, #tpu.memory_space<vmem>>
      %dma_wait3A_35 = tpu.memref_squeeze %dma_wait3A_34 : memref<1x128x256xf32, #tpu.memory_space<vmem>> -> memref<128x256xf32, #tpu.memory_space<vmem>>
      %dma_wait3A_36 = arith.constant 0 : i32
      %dma_wait3A_37 = arith.constant 0 : i32
      %dma_wait3A_38 = tpu.memref_slice %arg6[%run_scoped3A, %dma_wait3A_36, %dma_wait3A_37] : memref<2x128x256xf32, #tpu.memory_space<vmem>> -> memref<1x128x256xf32, #tpu.memory_space<vmem>>
      %dma_wait3A_39 = tpu.memref_squeeze %dma_wait3A_38 : memref<1x128x256xf32, #tpu.memory_space<vmem>> -> memref<128x256xf32, #tpu.memory_space<vmem>>
      tpu.wait_dma2 semaphore(%run_scoped3A_24 : memref<!tpu.dma_semaphore, #tpu.memory_space<semaphore_mem>>) src(%arg4 : memref<128x256xf32, #tpu.memory_space<hbm>>) dst(%dma_wait3A_39 : memref<128x256xf32, #tpu.memory_space<vmem>>)
      tpu.yield
    }) : () -> ()
    %run_scoped3A_1 = arith.constant 1 : i32
    "tpu.region"() ({
      %run_scoped3A_24 = tpu.sem_alloc : memref<!tpu.dma_semaphore, #tpu.memory_space<semaphore_mem>>
      %dma_start3A = arith.constant 0 : i32
      %dma_start3A_25 = arith.constant 0 : i32
      %dma_start3A_26 = tpu.memref_slice %arg6[%run_scoped3A_1, %dma_start3A, %dma_start3A_25] : memref<2x128x256xf32, #tpu.memory_space<vmem>> -> memref<1x128x256xf32, #tpu.memory_space<vmem>>
      %dma_start3A_27 = tpu.memref_squeeze %dma_start3A_26 : memref<1x128x256xf32, #tpu.memory_space<vmem>> -> memref<128x256xf32, #tpu.memory_space<vmem>>
      %dma_start3A_28 = arith.constant 0 : i32
      %dma_start3A_29 = arith.constant 0 : i32
      %dma_start3A_30 = tpu.memref_slice %arg6[%run_scoped3A_1, %dma_start3A_28, %dma_start3A_29] : memref<2x128x256xf32, #tpu.memory_space<vmem>> -> memref<1x128x256xf32, #tpu.memory_space<vmem>>
      %dma_start3A_31 = tpu.memref_squeeze %dma_start3A_30 : memref<1x128x256xf32, #tpu.memory_space<vmem>> -> memref<128x256xf32, #tpu.memory_space<vmem>>
      tpu.enqueue_dma source(%arg4 : memref<128x256xf32, #tpu.memory_space<hbm>>) target(%dma_start3A_31 : memref<128x256xf32, #tpu.memory_space<vmem>>) target_semaphore(%run_scoped3A_24 : memref<!tpu.dma_semaphore, #tpu.memory_space<semaphore_mem>>)
      %dma_wait3A_32 = arith.constant 0 : i32
      %dma_wait3A_33 = arith.constant 0 : i32
      %dma_wait3A_34 = tpu.memref_slice %arg6[%run_scoped3A_1, %dma_wait3A_32, %dma_wait3A_33] : memref<2x128x256xf32, #tpu.memory_space<vmem>> -> memref<1x128x256xf32, #tpu.memory_space<vmem>>
      %dma_wait3A_35 = tpu.memref_squeeze %dma_wait3A_34 : memref<1x128x256xf32, #tpu.memory_space<vmem>> -> memref<128x256xf32, #tpu.memory_space<vmem>>
      %dma_wait3A_36 = arith.constant 0 : i32
      %dma_wait3A_37 = arith.constant 0 : i32
      %dma_wait3A_38 = tpu.memref_slice %arg6[%run_scoped3A_1, %dma_wait3A_36, %dma_wait3A_37] : memref<2x128x256xf32, #tpu.memory_space<vmem>> -> memref<1x128x256xf32, #tpu.memory_space<vmem>>
      %dma_wait3A_39 = tpu.memref_squeeze %dma_wait3A_38 : memref<1x128x256xf32, #tpu.memory_space<vmem>> -> memref<128x256xf32, #tpu.memory_space<vmem>>
      tpu.wait_dma2 semaphore(%run_scoped3A_24 : memref<!tpu.dma_semaphore, #tpu.memory_space<semaphore_mem>>) src(%arg4 : memref<128x256xf32, #tpu.memory_space<hbm>>) dst(%dma_wait3A_39 : memref<128x256xf32, #tpu.memory_space<vmem>>)
      tpu.yield
    }) : () -> ()
    %iota3A = tpu.iota {dimensions = array<i32: 0>} : vector<16xi32>
    %scan3A = arith.constant 0 : i32
    %scan3A_2 = arith.constant 0 : i32
    %scan3A_3 = arith.constant 16 : i32
    %scan3A_4 = arith.addi %scan3A_2, %scan3A_3 : i32
    %scan3A_5 = arith.constant 1 : i32
    scf.for %scan3A_24 = %scan3A_2 to %scan3A_4 step %scan3A_5  : i32 {
      %div3A = arith.constant 4 : i32
      %div3A_25 = arith.divsi %scan3A_24, %div3A : i32
      %rem3A = arith.constant 4 : i32
      %rem3A_26 = arith.remsi %scan3A_24, %rem3A : i32
      %mul3A_27 = arith.constant 4 : i32
      %mul3A_28 = arith.muli %add3A, %mul3A_27 : i32
      %add3A_29 = arith.addi %mul3A_28, %div3A_25 : i32
      %div3A_30 = arith.constant 8 : i32
      %div3A_31 = arith.divsi %add3A_29, %div3A_30 : i32
      %rem3A_32 = arith.constant 8 : i32
      %rem3A_33 = arith.remsi %add3A_29, %rem3A_32 : i32
      %rem3A_34 = arith.constant 2 : i32
      %rem3A_35 = arith.remsi %scan3A_24, %rem3A_34 : i32
      %rem3A_36 = arith.constant 2 : i32
      %rem3A_37 = arith.remsi %div3A_25, %rem3A_36 : i32
      %mul3A_38 = arith.constant 256 : i32
      %mul3A_39 = arith.muli %rem3A_37, %mul3A_38 : i32
      %mul3A_40 = arith.constant 128 : i32
      %mul3A_41 = arith.muli %rem3A_26, %mul3A_40 : i32
      %eq3A = arith.constant 0 : i32
      %eq3A_42 = arith.cmpi eq, %rem3A_26, %eq3A : i32
      %convert_element_type3A = arith.extui %eq3A_42 : i1 to i32
      %cond3A = arith.constant 0 : i32
      %cond3A_43 = arith.cmpi ne, %convert_element_type3A, %cond3A : i32
      scf.if %cond3A_43 {
        "tpu.region"() ({
          %run_scoped3A_2571 = tpu.sem_alloc : memref<!tpu.dma_semaphore, #tpu.memory_space<semaphore_mem>>
          %dma_start3A = arith.constant 0 : i32
          %dma_start3A_2572 = tpu.memref_slice %arg2[%add3A_29, %dma_start3A] : memref<128x128xf32, #tpu.memory_space<hbm>> -> memref<1x128xf32, #tpu.memory_space<hbm>>
          %dma_start3A_2573 = tpu.memref_squeeze %dma_start3A_2572 : memref<1x128xf32, #tpu.memory_space<hbm>> -> memref<128xf32, #tpu.memory_space<hbm>>
          %dma_start3A_2574 = arith.constant 0 : i32
          %dma_start3A_2575 = tpu.memref_slice %arg2[%add3A_29, %dma_start3A_2574] : memref<128x128xf32, #tpu.memory_space<hbm>> -> memref<1x128xf32, #tpu.memory_space<hbm>>
          %dma_start3A_2576 = tpu.memref_squeeze %dma_start3A_2575 : memref<1x128xf32, #tpu.memory_space<hbm>> -> memref<128xf32, #tpu.memory_space<hbm>>
          tpu.enqueue_dma source(%dma_start3A_2576 : memref<128xf32, #tpu.memory_space<hbm>>) target(%arg7 : memref<128xf32, #tpu.memory_space<vmem>>) target_semaphore(%run_scoped3A_2571 : memref<!tpu.dma_semaphore, #tpu.memory_space<semaphore_mem>>)
          %dma_wait3A_2577 = arith.constant 0 : i32
          %dma_wait3A_2578 = tpu.memref_slice %arg2[%add3A_29, %dma_wait3A_2577] : memref<128x128xf32, #tpu.memory_space<hbm>> -> memref<1x128xf32, #tpu.memory_space<hbm>>
          %dma_wait3A_2579 = tpu.memref_squeeze %dma_wait3A_2578 : memref<1x128xf32, #tpu.memory_space<hbm>> -> memref<128xf32, #tpu.memory_space<hbm>>
          %dma_wait3A_2580 = arith.constant 0 : i32
          %dma_wait3A_2581 = tpu.memref_slice %arg2[%add3A_29, %dma_wait3A_2580] : memref<128x128xf32, #tpu.memory_space<hbm>> -> memref<1x128xf32, #tpu.memory_space<hbm>>
          %dma_wait3A_2582 = tpu.memref_squeeze %dma_wait3A_2581 : memref<1x128xf32, #tpu.memory_space<hbm>> -> memref<128xf32, #tpu.memory_space<hbm>>
          tpu.wait_dma2 semaphore(%run_scoped3A_2571 : memref<!tpu.dma_semaphore, #tpu.memory_space<semaphore_mem>>) src(%dma_wait3A_2582 : memref<128xf32, #tpu.memory_space<hbm>>) dst(%arg7 : memref<128xf32, #tpu.memory_space<vmem>>)
          tpu.yield
        }) : () -> ()
        "tpu.region"() ({
          %run_scoped3A_2571 = tpu.sem_alloc : memref<!tpu.dma_semaphore, #tpu.memory_space<semaphore_mem>>
          %dma_start3A = arith.constant 0 : i32
          %dma_start3A_2572 = tpu.memref_slice %arg3[%add3A_29, %dma_start3A] : memref<128x128xf32, #tpu.memory_space<hbm>> -> memref<1x128xf32, #tpu.memory_space<hbm>>
          %dma_start3A_2573 = tpu.memref_squeeze %dma_start3A_2572 : memref<1x128xf32, #tpu.memory_space<hbm>> -> memref<128xf32, #tpu.memory_space<hbm>>
          %dma_start3A_2574 = arith.constant 0 : i32
          %dma_start3A_2575 = tpu.memref_slice %arg3[%add3A_29, %dma_start3A_2574] : memref<128x128xf32, #tpu.memory_space<hbm>> -> memref<1x128xf32, #tpu.memory_space<hbm>>
          %dma_start3A_2576 = tpu.memref_squeeze %dma_start3A_2575 : memref<1x128xf32, #tpu.memory_space<hbm>> -> memref<128xf32, #tpu.memory_space<hbm>>
          tpu.enqueue_dma source(%dma_start3A_2576 : memref<128xf32, #tpu.memory_space<hbm>>) target(%arg8 : memref<128xf32, #tpu.memory_space<vmem>>) target_semaphore(%run_scoped3A_2571 : memref<!tpu.dma_semaphore, #tpu.memory_space<semaphore_mem>>)
          %dma_wait3A_2577 = arith.constant 0 : i32
          %dma_wait3A_2578 = tpu.memref_slice %arg3[%add3A_29, %dma_wait3A_2577] : memref<128x128xf32, #tpu.memory_space<hbm>> -> memref<1x128xf32, #tpu.memory_space<hbm>>
          %dma_wait3A_2579 = tpu.memref_squeeze %dma_wait3A_2578 : memref<1x128xf32, #tpu.memory_space<hbm>> -> memref<128xf32, #tpu.memory_space<hbm>>
          %dma_wait3A_2580 = arith.constant 0 : i32
          %dma_wait3A_2581 = tpu.memref_slice %arg3[%add3A_29, %dma_wait3A_2580] : memref<128x128xf32, #tpu.memory_space<hbm>> -> memref<1x128xf32, #tpu.memory_space<hbm>>
          %dma_wait3A_2582 = tpu.memref_squeeze %dma_wait3A_2581 : memref<1x128xf32, #tpu.memory_space<hbm>> -> memref<128xf32, #tpu.memory_space<hbm>>
          tpu.wait_dma2 semaphore(%run_scoped3A_2571 : memref<!tpu.dma_semaphore, #tpu.memory_space<semaphore_mem>>) src(%dma_wait3A_2582 : memref<128xf32, #tpu.memory_space<hbm>>) dst(%arg8 : memref<128xf32, #tpu.memory_space<vmem>>)
          tpu.yield
        }) : () -> ()
        %get3A = arith.constant 0 : index
        %get3A_66 = tpu.vector_load %arg7[%get3A] {strides = array<i32>} : memref<128xf32, #tpu.memory_space<vmem>>, vector<16xf32>,
        %get3A_67 = arith.constant 0 : index
        %get3A_68 = tpu.vector_load %arg8[%get3A_67] {strides = array<i32>} : memref<128xf32, #tpu.memory_space<vmem>>, vector<16xf32>,
        %masked_sort3A = arith.constant dense<true> : vector<16xi1>
        %masked_sort3A_69, %masked_sort3A_70, %masked_sort3A_71 = tpu.sort %get3A_66, %get3A_68 masked %masked_sort3A : (vector<16xf32>, vector<16xf32>, vector<16xi1>) -> (vector<16xi1>, vector<16xf32>, vector<16xf32>)
        %get3A_72 = arith.constant 16 : index
        %get3A_73 = tpu.vector_load %arg7[%get3A_72] {strides = array<i32>} : memref<128xf32, #tpu.memory_space<vmem>>, vector<16xf32>,
        %get3A_74 = arith.constant 16 : index
        %get3A_75 = tpu.vector_load %arg8[%get3A_74] {strides = array<i32>} : memref<128xf32, #tpu.memory_space<vmem>>, vector<16xf32>,
        %masked_sort3A_76 = arith.constant dense<true> : vector<16xi1>
        %masked_sort3A_77, %masked_sort3A_78, %masked_sort3A_79 = tpu.sort %get3A_73, %get3A_75 masked %masked_sort3A_76 : (vector<16xf32>, vector<16xf32>, vector<16xi1>) -> (vector<16xi1>, vector<16xf32>, vector<16xf32>)
        %get3A_80 = arith.constant 32 : index
        %get3A_81 = tpu.vector_load %arg7[%get3A_80] {strides = array<i32>} : memref<128xf32, #tpu.memory_space<vmem>>, vector<16xf32>,
        %get3A_82 = arith.constant 32 : index
        %get3A_83 = tpu.vector_load %arg8[%get3A_82] {strides = array<i32>} : memref<128xf32, #tpu.memory_space<vmem>>, vector<16xf32>,
        %masked_sort3A_84 = arith.constant dense<true> : vector<16xi1>
        %masked_sort3A_85, %masked_sort3A_86, %masked_sort3A_87 = tpu.sort %get3A_81, %get3A_83 masked %masked_sort3A_84 : (vector<16xf32>, vector<16xf32>, vector<16xi1>) -> (vector<16xi1>, vector<16xf32>, vector<16xf32>)
        %get3A_88 = arith.constant 48 : index
        %get3A_89 = tpu.vector_load %arg7[%get3A_88] {strides = array<i32>} : memref<128xf32, #tpu.memory_space<vmem>>, vector<16xf32>,
        %get3A_90 = arith.constant 48 : index
        %get3A_91 = tpu.vector_load %arg8[%get3A_90] {strides = array<i32>} : memref<128xf32, #tpu.memory_space<vmem>>, vector<16xf32>,
        %masked_sort3A_92 = arith.constant dense<true> : vector<16xi1>
        %masked_sort3A_93, %masked_sort3A_94, %masked_sort3A_95 = tpu.sort %get3A_89, %get3A_91 masked %masked_sort3A_92 : (vector<16xf32>, vector<16xf32>, vector<16xi1>) -> (vector<16xi1>, vector<16xf32>, vector<16xf32>)
        %get3A_96 = arith.constant 64 : index
        %get3A_97 = tpu.vector_load %arg7[%get3A_96] {strides = array<i32>} : memref<128xf32, #tpu.memory_space<vmem>>, vector<16xf32>,
        %get3A_98 = arith.constant 64 : index
        %get3A_99 = tpu.vector_load %arg8[%get3A_98] {strides = array<i32>} : memref<128xf32, #tpu.memory_space<vmem>>, vector<16xf32>,
        %masked_sort3A_100 = arith.constant dense<true> : vector<16xi1>
        %masked_sort3A_101, %masked_sort3A_102, %masked_sort3A_103 = tpu.sort %get3A_97, %get3A_99 masked %masked_sort3A_100 : (vector<16xf32>, vector<16xf32>, vector<16xi1>) -> (vector<16xi1>, vector<16xf32>, vector<16xf32>)
        %get3A_104 = arith.constant 80 : index
        %get3A_105 = tpu.vector_load %arg7[%get3A_104] {strides = array<i32>} : memref<128xf32, #tpu.memory_space<vmem>>, vector<16xf32>,
        %get3A_106 = arith.constant 80 : index
        %get3A_107 = tpu.vector_load %arg8[%get3A_106] {strides = array<i32>} : memref<128xf32, #tpu.memory_space<vmem>>, vector<16xf32>,
        %masked_sort3A_108 = arith.constant dense<true> : vector<16xi1>
        %masked_sort3A_109, %masked_sort3A_110, %masked_sort3A_111 = tpu.sort %get3A_105, %get3A_107 masked %masked_sort3A_108 : (vector<16xf32>, vector<16xf32>, vector<16xi1>) -> (vector<16xi1>, vector<16xf32>, vector<16xf32>)
        %get3A_112 = arith.constant 96 : index
        %get3A_113 = tpu.vector_load %arg7[%get3A_112] {strides = array<i32>} : memref<128xf32, #tpu.memory_space<vmem>>, vector<16xf32>,
        %get3A_114 = arith.constant 96 : index
        %get3A_115 = tpu.vector_load %arg8[%get3A_114] {strides = array<i32>} : memref<128xf32, #tpu.memory_space<vmem>>, vector<16xf32>,
        %masked_sort3A_116 = arith.constant dense<true> : vector<16xi1>
        %masked_sort3A_117, %masked_sort3A_118, %masked_sort3A_119 = tpu.sort %get3A_113, %get3A_115 masked %masked_sort3A_116 : (vector<16xf32>, vector<16xf32>, vector<16xi1>) -> (vector<16xi1>, vector<16xf32>, vector<16xf32>)
        %get3A_120 = arith.constant 112 : index
        %get3A_121 = tpu.vector_load %arg7[%get3A_120] {strides = array<i32>} : memref<128xf32, #tpu.memory_space<vmem>>, vector<16xf32>,
        %get3A_122 = arith.constant 112 : index
        %get3A_123 = tpu.vector_load %arg8[%get3A_122] {strides = array<i32>} : memref<128xf32, #tpu.memory_space<vmem>>, vector<16xf32>,
        %masked_sort3A_124 = arith.constant dense<true> : vector<16xi1>
        %masked_sort3A_125, %masked_sort3A_126, %masked_sort3A_127 = tpu.sort %get3A_121, %get3A_123 masked %masked_sort3A_124 : (vector<16xf32>, vector<16xf32>, vector<16xi1>) -> (vector<16xi1>, vector<16xf32>, vector<16xf32>)
        %rev3A = arith.constant 15 : i32
        %rev3A_128 = vector.broadcast %rev3A : i32 to vector<16xi32>
        %rev3A_129 = tpu.iota {dimensions = array<i32: 0>} : vector<16xi32>
        %rev3A_130 = arith.subi %rev3A_128, %rev3A_129 : vector<16xi32>
        %rev3A_131 = tpu.dynamic_gather %masked_sort3A_78[%rev3A_130] in [0] : vector<16xf32>, vector<16xi32> -> vector<16xf32>
        %rev3A_132 = arith.constant 15 : i32
        %rev3A_133 = vector.broadcast %rev3A_132 : i32 to vector<16xi32>
        %rev3A_134 = tpu.iota {dimensions = array<i32: 0>} : vector<16xi32>
        %rev3A_135 = arith.subi %rev3A_133, %rev3A_134 : vector<16xi32>
        %rev3A_136 = tpu.dynamic_gather %masked_sort3A_79[%rev3A_135] in [0] : vector<16xf32>, vector<16xi32> -> vector<16xf32>
        %gt3A = arith.cmpf ogt, %masked_sort3A_70, %rev3A_131 : vector<16xf32>
        %select_n3A = arith.select %gt3A, %rev3A_131, %masked_sort3A_70 : vector<16xi1>, vector<16xf32>
        %select_n3A_137 = arith.select %gt3A, %rev3A_136, %masked_sort3A_71 : vector<16xi1>, vector<16xf32>
        %select_n3A_138 = arith.select %gt3A, %masked_sort3A_70, %rev3A_131 : vector<16xi1>, vector<16xf32>
        %select_n3A_139 = arith.select %gt3A, %masked_sort3A_71, %rev3A_136 : vector<16xi1>, vector<16xf32>
        %masked_sort3A_140 = arith.constant dense<true> : vector<16xi1>
        %masked_sort3A_141, %masked_sort3A_142, %masked_sort3A_143 = tpu.sort %select_n3A, %select_n3A_137 masked %masked_sort3A_140 : (vector<16xf32>, vector<16xf32>, vector<16xi1>) -> (vector<16xi1>, vector<16xf32>, vector<16xf32>)
        %masked_sort3A_144 = arith.constant dense<true> : vector<16xi1>
        %masked_sort3A_145, %masked_sort3A_146, %masked_sort3A_147 = tpu.sort %select_n3A_138, %select_n3A_139 masked %masked_sort3A_144 : (vector<16xf32>, vector<16xf32>, vector<16xi1>) -> (vector<16xi1>, vector<16xf32>, vector<16xf32>)
        %rev3A_148 = arith.constant 15 : i32
        %rev3A_149 = vector.broadcast %rev3A_148 : i32 to vector<16xi32>
        %rev3A_150 = tpu.iota {dimensions = array<i32: 0>} : vector<16xi32>
        %rev3A_151 = arith.subi %rev3A_149, %rev3A_150 : vector<16xi32>
        %rev3A_152 = tpu.dynamic_gather %masked_sort3A_94[%rev3A_151] in [0] : vector<16xf32>, vector<16xi32> -> vector<16xf32>
        %rev3A_153 = arith.constant 15 : i32
        %rev3A_154 = vector.broadcast %rev3A_153 : i32 to vector<16xi32>
        %rev3A_155 = tpu.iota {dimensions = array<i32: 0>} : vector<16xi32>
        %rev3A_156 = arith.subi %rev3A_154, %rev3A_155 : vector<16xi32>
        %rev3A_157 = tpu.dynamic_gather %masked_sort3A_95[%rev3A_156] in [0] : vector<16xf32>, vector<16xi32> -> vector<16xf32>
        %gt3A_158 = arith.cmpf ogt, %masked_sort3A_86, %rev3A_152 : vector<16xf32>
        %select_n3A_159 = arith.select %gt3A_158, %rev3A_152, %masked_sort3A_86 : vector<16xi1>, vector<16xf32>
        %select_n3A_160 = arith.select %gt3A_158, %rev3A_157, %masked_sort3A_87 : vector<16xi1>, vector<16xf32>
        %select_n3A_161 = arith.select %gt3A_158, %masked_sort3A_86, %rev3A_152 : vector<16xi1>, vector<16xf32>
        %select_n3A_162 = arith.select %gt3A_158, %masked_sort3A_87, %rev3A_157 : vector<16xi1>, vector<16xf32>
        %masked_sort3A_163 = arith.constant dense<true> : vector<16xi1>
        %masked_sort3A_164, %masked_sort3A_165, %masked_sort3A_166 = tpu.sort %select_n3A_159, %select_n3A_160 masked %masked_sort3A_163 : (vector<16xf32>, vector<16xf32>, vector<16xi1>) -> (vector<16xi1>, vector<16xf32>, vector<16xf32>)
        %masked_sort3A_167 = arith.constant dense<true> : vector<16xi1>
        %masked_sort3A_168, %masked_sort3A_169, %masked_sort3A_170 = tpu.sort %select_n3A_161, %select_n3A_162 masked %masked_sort3A_167 : (vector<16xf32>, vector<16xf32>, vector<16xi1>) -> (vector<16xi1>, vector<16xf32>, vector<16xf32>)
        %rev3A_171 = arith.constant 15 : i32
        %rev3A_172 = vector.broadcast %rev3A_171 : i32 to vector<16xi32>
        %rev3A_173 = tpu.iota {dimensions = array<i32: 0>} : vector<16xi32>
        %rev3A_174 = arith.subi %rev3A_172, %rev3A_173 : vector<16xi32>
        %rev3A_175 = tpu.dynamic_gather %masked_sort3A_110[%rev3A_174] in [0] : vector<16xf32>, vector<16xi32> -> vector<16xf32>
        %rev3A_176 = arith.constant 15 : i32
        %rev3A_177 = vector.broadcast %rev3A_176 : i32 to vector<16xi32>
        %rev3A_178 = tpu.iota {dimensions = array<i32: 0>} : vector<16xi32>
        %rev3A_179 = arith.subi %rev3A_177, %rev3A_178 : vector<16xi32>
        %rev3A_180 = tpu.dynamic_gather %masked_sort3A_111[%rev3A_179] in [0] : vector<16xf32>, vector<16xi32> -> vector<16xf32>
        %gt3A_181 = arith.cmpf ogt, %masked_sort3A_102, %rev3A_175 : vector<16xf32>
        %select_n3A_182 = arith.select %gt3A_181, %rev3A_175, %masked_sort3A_102 : vector<16xi1>, vector<16xf32>
        %select_n3A_183 = arith.select %gt3A_181, %rev3A_180, %masked_sort3A_103 : vector<16xi1>, vector<16xf32>
        %select_n3A_184 = arith.select %gt3A_181, %masked_sort3A_102, %rev3A_175 : vector<16xi1>, vector<16xf32>
        %select_n3A_185 = arith.select %gt3A_181, %masked_sort3A_103, %rev3A_180 : vector<16xi1>, vector<16xf32>
        %masked_sort3A_186 = arith.constant dense<true> : vector<16xi1>
        %masked_sort3A_187, %masked_sort3A_188, %masked_sort3A_189 = tpu.sort %select_n3A_182, %select_n3A_183 masked %masked_sort3A_186 : (vector<16xf32>, vector<16xf32>, vector<16xi1>) -> (vector<16xi1>, vector<16xf32>, vector<16xf32>)
        %masked_sort3A_190 = arith.constant dense<true> : vector<16xi1>
        %masked_sort3A_191, %masked_sort3A_192, %masked_sort3A_193 = tpu.sort %select_n3A_184, %select_n3A_185 masked %masked_sort3A_190 : (vector<16xf32>, vector<16xf32>, vector<16xi1>) -> (vector<16xi1>, vector<16xf32>, vector<16xf32>)
        %rev3A_194 = arith.constant 15 : i32
        %rev3A_195 = vector.broadcast %rev3A_194 : i32 to vector<16xi32>
        %rev3A_196 = tpu.iota {dimensions = array<i32: 0>} : vector<16xi32>
        %rev3A_197 = arith.subi %rev3A_195, %rev3A_196 : vector<16xi32>
        %rev3A_198 = tpu.dynamic_gather %masked_sort3A_126[%rev3A_197] in [0] : vector<16xf32>, vector<16xi32> -> vector<16xf32>
        %rev3A_199 = arith.constant 15 : i32
        %rev3A_200 = vector.broadcast %rev3A_199 : i32 to vector<16xi32>
        %rev3A_201 = tpu.iota {dimensions = array<i32: 0>} : vector<16xi32>
        %rev3A_202 = arith.subi %rev3A_200, %rev3A_201 : vector<16xi32>
        %rev3A_203 = tpu.dynamic_gather %masked_sort3A_127[%rev3A_202] in [0] : vector<16xf32>, vector<16xi32> -> vector<16xf32>
        %gt3A_204 = arith.cmpf ogt, %masked_sort3A_118, %rev3A_198 : vector<16xf32>
        %select_n3A_205 = arith.select %gt3A_204, %rev3A_198, %masked_sort3A_118 : vector<16xi1>, vector<16xf32>
        %select_n3A_206 = arith.select %gt3A_204, %rev3A_203, %masked_sort3A_119 : vector<16xi1>, vector<16xf32>
        %select_n3A_207 = arith.select %gt3A_204, %masked_sort3A_118, %rev3A_198 : vector<16xi1>, vector<16xf32>
        %select_n3A_208 = arith.select %gt3A_204, %masked_sort3A_119, %rev3A_203 : vector<16xi1>, vector<16xf32>
        %masked_sort3A_209 = arith.constant dense<true> : vector<16xi1>
        %masked_sort3A_210, %masked_sort3A_211, %masked_sort3A_212 = tpu.sort %select_n3A_205, %select_n3A_206 masked %masked_sort3A_209 : (vector<16xf32>, vector<16xf32>, vector<16xi1>) -> (vector<16xi1>, vector<16xf32>, vector<16xf32>)
        %masked_sort3A_213 = arith.constant dense<true> : vector<16xi1>
        %masked_sort3A_214, %masked_sort3A_215, %masked_sort3A_216 = tpu.sort %select_n3A_207, %select_n3A_208 masked %masked_sort3A_213 : (vector<16xf32>, vector<16xf32>, vector<16xi1>) -> (vector<16xi1>, vector<16xf32>, vector<16xf32>)
        %rev3A_217 = arith.constant 15 : i32
        %rev3A_218 = vector.broadcast %rev3A_217 : i32 to vector<16xi32>
        %rev3A_219 = tpu.iota {dimensions = array<i32: 0>} : vector<16xi32>
        %rev3A_220 = arith.subi %rev3A_218, %rev3A_219 : vector<16xi32>
        %rev3A_221 = tpu.dynamic_gather %masked_sort3A_169[%rev3A_220] in [0] : vector<16xf32>, vector<16xi32> -> vector<16xf32>
        %rev3A_222 = arith.constant 15 : i32
        %rev3A_223 = vector.broadcast %rev3A_222 : i32 to vector<16xi32>
        %rev3A_224 = tpu.iota {dimensions = array<i32: 0>} : vector<16xi32>
        %rev3A_225 = arith.subi %rev3A_223, %rev3A_224 : vector<16xi32>
        %rev3A_226 = tpu.dynamic_gather %masked_sort3A_170[%rev3A_225] in [0] : vector<16xf32>, vector<16xi32> -> vector<16xf32>
        %rev3A_227 = arith.constant 15 : i32
        %rev3A_228 = vector.broadcast %rev3A_227 : i32 to vector<16xi32>
        %rev3A_229 = tpu.iota {dimensions = array<i32: 0>} : vector<16xi32>
        %rev3A_230 = arith.subi %rev3A_228, %rev3A_229 : vector<16xi32>
        %rev3A_231 = tpu.dynamic_gather %masked_sort3A_165[%rev3A_230] in [0] : vector<16xf32>, vector<16xi32> -> vector<16xf32>
        %rev3A_232 = arith.constant 15 : i32
        %rev3A_233 = vector.broadcast %rev3A_232 : i32 to vector<16xi32>
        %rev3A_234 = tpu.iota {dimensions = array<i32: 0>} : vector<16xi32>
        %rev3A_235 = arith.subi %rev3A_233, %rev3A_234 : vector<16xi32>
        %rev3A_236 = tpu.dynamic_gather %masked_sort3A_166[%rev3A_235] in [0] : vector<16xf32>, vector<16xi32> -> vector<16xf32>
        %gt3A_237 = arith.cmpf ogt, %masked_sort3A_142, %rev3A_221 : vector<16xf32>
        %select_n3A_238 = arith.select %gt3A_237, %rev3A_221, %masked_sort3A_142 : vector<16xi1>, vector<16xf32>
        %select_n3A_239 = arith.select %gt3A_237, %rev3A_226, %masked_sort3A_143 : vector<16xi1>, vector<16xf32>
        %select_n3A_240 = arith.select %gt3A_237, %masked_sort3A_142, %rev3A_221 : vector<16xi1>, vector<16xf32>
        %select_n3A_241 = arith.select %gt3A_237, %masked_sort3A_143, %rev3A_226 : vector<16xi1>, vector<16xf32>
        %gt3A_242 = arith.cmpf ogt, %masked_sort3A_146, %rev3A_231 : vector<16xf32>
        %select_n3A_243 = arith.select %gt3A_242, %rev3A_231, %masked_sort3A_146 : vector<16xi1>, vector<16xf32>
        %select_n3A_244 = arith.select %gt3A_242, %rev3A_236, %masked_sort3A_147 : vector<16xi1>, vector<16xf32>
        %select_n3A_245 = arith.select %gt3A_242, %masked_sort3A_146, %rev3A_231 : vector<16xi1>, vector<16xf32>
        %select_n3A_246 = arith.select %gt3A_242, %masked_sort3A_147, %rev3A_236 : vector<16xi1>, vector<16xf32>
        %gt3A_247 = arith.cmpf ogt, %select_n3A_238, %select_n3A_243 : vector<16xf32>
        %select_n3A_248 = arith.select %gt3A_247, %select_n3A_243, %select_n3A_238 : vector<16xi1>, vector<16xf32>
        %select_n3A_249 = arith.select %gt3A_247, %select_n3A_244, %select_n3A_239 : vector<16xi1>, vector<16xf32>
        %select_n3A_250 = arith.select %gt3A_247, %select_n3A_238, %select_n3A_243 : vector<16xi1>, vector<16xf32>
        %select_n3A_251 = arith.select %gt3A_247, %select_n3A_239, %select_n3A_244 : vector<16xi1>, vector<16xf32>
        %masked_sort3A_252 = arith.constant dense<true> : vector<16xi1>
        %masked_sort3A_253, %masked_sort3A_254, %masked_sort3A_255 = tpu.sort %select_n3A_248, %select_n3A_249 masked %masked_sort3A_252 : (vector<16xf32>, vector<16xf32>, vector<16xi1>) -> (vector<16xi1>, vector<16xf32>, vector<16xf32>)
        %masked_sort3A_256 = arith.constant dense<true> : vector<16xi1>
        %masked_sort3A_257, %masked_sort3A_258, %masked_sort3A_259 = tpu.sort %select_n3A_250, %select_n3A_251 masked %masked_sort3A_256 : (vector<16xf32>, vector<16xf32>, vector<16xi1>) -> (vector<16xi1>, vector<16xf32>, vector<16xf32>)
        %gt3A_260 = arith.cmpf ogt, %select_n3A_240, %select_n3A_245 : vector<16xf32>
        %select_n3A_261 = arith.select %gt3A_260, %select_n3A_245, %select_n3A_240 : vector<16xi1>, vector<16xf32>
        %select_n3A_262 = arith.select %gt3A_260, %select_n3A_246, %select_n3A_241 : vector<16xi1>, vector<16xf32>
        %select_n3A_263 = arith.select %gt3A_260, %select_n3A_240, %select_n3A_245 : vector<16xi1>, vector<16xf32>
        %select_n3A_264 = arith.select %gt3A_260, %select_n3A_241, %select_n3A_246 : vector<16xi1>, vector<16xf32>
        %masked_sort3A_265 = arith.constant dense<true> : vector<16xi1>
        %masked_sort3A_266, %masked_sort3A_267, %masked_sort3A_268 = tpu.sort %select_n3A_261, %select_n3A_262 masked %masked_sort3A_265 : (vector<16xf32>, vector<16xf32>, vector<16xi1>) -> (vector<16xi1>, vector<16xf32>, vector<16xf32>)
        %masked_sort3A_269 = arith.constant dense<true> : vector<16xi1>
        %masked_sort3A_270, %masked_sort3A_271, %masked_sort3A_272 = tpu.sort %select_n3A_263, %select_n3A_264 masked %masked_sort3A_269 : (vector<16xf32>, vector<16xf32>, vector<16xi1>) -> (vector<16xi1>, vector<16xf32>, vector<16xf32>)
        %rev3A_273 = arith.constant 15 : i32
        %rev3A_274 = vector.broadcast %rev3A_273 : i32 to vector<16xi32>
        %rev3A_275 = tpu.iota {dimensions = array<i32: 0>} : vector<16xi32>
        %rev3A_276 = arith.subi %rev3A_274, %rev3A_275 : vector<16xi32>
        %rev3A_277 = tpu.dynamic_gather %masked_sort3A_215[%rev3A_276] in [0] : vector<16xf32>, vector<16xi32> -> vector<16xf32>
        %rev3A_278 = arith.constant 15 : i32
        %rev3A_279 = vector.broadcast %rev3A_278 : i32 to vector<16xi32>
        %rev3A_280 = tpu.iota {dimensions = array<i32: 0>} : vector<16xi32>
        %rev3A_281 = arith.subi %rev3A_279, %rev3A_280 : vector<16xi32>
        %rev3A_282 = tpu.dynamic_gather %masked_sort3A_216[%rev3A_281] in [0] : vector<16xf32>, vector<16xi32> -> vector<16xf32>
        %rev3A_283 = arith.constant 15 : i32
        %rev3A_284 = vector.broadcast %rev3A_283 : i32 to vector<16xi32>
        %rev3A_285 = tpu.iota {dimensions = array<i32: 0>} : vector<16xi32>
        %rev3A_286 = arith.subi %rev3A_284, %rev3A_285 : vector<16xi32>
        %rev3A_287 = tpu.dynamic_gather %masked_sort3A_211[%rev3A_286] in [0] : vector<16xf32>, vector<16xi32> -> vector<16xf32>
        %rev3A_288 = arith.constant 15 : i32
        %rev3A_289 = vector.broadcast %rev3A_288 : i32 to vector<16xi32>
        %rev3A_290 = tpu.iota {dimensions = array<i32: 0>} : vector<16xi32>
        %rev3A_291 = arith.subi %rev3A_289, %rev3A_290 : vector<16xi32>
        %rev3A_292 = tpu.dynamic_gather %masked_sort3A_212[%rev3A_291] in [0] : vector<16xf32>, vector<16xi32> -> vector<16xf32>
        %gt3A_293 = arith.cmpf ogt, %masked_sort3A_188, %rev3A_277 : vector<16xf32>
        %select_n3A_294 = arith.select %gt3A_293, %rev3A_277, %masked_sort3A_188 : vector<16xi1>, vector<16xf32>
        %select_n3A_295 = arith.select %gt3A_293, %rev3A_282, %masked_sort3A_189 : vector<16xi1>, vector<16xf32>
        %select_n3A_296 = arith.select %gt3A_293, %masked_sort3A_188, %rev3A_277 : vector<16xi1>, vector<16xf32>
        %select_n3A_297 = arith.select %gt3A_293, %masked_sort3A_189, %rev3A_282 : vector<16xi1>, vector<16xf32>
        %gt3A_298 = arith.cmpf ogt, %masked_sort3A_192, %rev3A_287 : vector<16xf32>
        %select_n3A_299 = arith.select %gt3A_298, %rev3A_287, %masked_sort3A_192 : vector<16xi1>, vector<16xf32>
        %select_n3A_300 = arith.select %gt3A_298, %rev3A_292, %masked_sort3A_193 : vector<16xi1>, vector<16xf32>
        %select_n3A_301 = arith.select %gt3A_298, %masked_sort3A_192, %rev3A_287 : vector<16xi1>, vector<16xf32>
        %select_n3A_302 = arith.select %gt3A_298, %masked_sort3A_193, %rev3A_292 : vector<16xi1>, vector<16xf32>
        %gt3A_303 = arith.cmpf ogt, %select_n3A_294, %select_n3A_299 : vector<16xf32>
        %select_n3A_304 = arith.select %gt3A_303, %select_n3A_299, %select_n3A_294 : vector<16xi1>, vector<16xf32>
        %select_n3A_305 = arith.select %gt3A_303, %select_n3A_300, %select_n3A_295 : vector<16xi1>, vector<16xf32>
        %select_n3A_306 = arith.select %gt3A_303, %select_n3A_294, %select_n3A_299 : vector<16xi1>, vector<16xf32>
        %select_n3A_307 = arith.select %gt3A_303, %select_n3A_295, %select_n3A_300 : vector<16xi1>, vector<16xf32>
        %masked_sort3A_308 = arith.constant dense<true> : vector<16xi1>
        %masked_sort3A_309, %masked_sort3A_310, %masked_sort3A_311 = tpu.sort %select_n3A_304, %select_n3A_305 masked %masked_sort3A_308 : (vector<16xf32>, vector<16xf32>, vector<16xi1>) -> (vector<16xi1>, vector<16xf32>, vector<16xf32>)
        %masked_sort3A_312 = arith.constant dense<true> : vector<16xi1>
        %masked_sort3A_313, %masked_sort3A_314, %masked_sort3A_315 = tpu.sort %select_n3A_306, %select_n3A_307 masked %masked_sort3A_312 : (vector<16xf32>, vector<16xf32>, vector<16xi1>) -> (vector<16xi1>, vector<16xf32>, vector<16xf32>)
        %gt3A_316 = arith.cmpf ogt, %select_n3A_296, %select_n3A_301 : vector<16xf32>
        %select_n3A_317 = arith.select %gt3A_316, %select_n3A_301, %select_n3A_296 : vector<16xi1>, vector<16xf32>
        %select_n3A_318 = arith.select %gt3A_316, %select_n3A_302, %select_n3A_297 : vector<16xi1>, vector<16xf32>
        %select_n3A_319 = arith.select %gt3A_316, %select_n3A_296, %select_n3A_301 : vector<16xi1>, vector<16xf32>
        %select_n3A_320 = arith.select %gt3A_316, %select_n3A_297, %select_n3A_302 : vector<16xi1>, vector<16xf32>
        %masked_sort3A_321 = arith.constant dense<true> : vector<16xi1>
        %masked_sort3A_322, %masked_sort3A_323, %masked_sort3A_324 = tpu.sort %select_n3A_317, %select_n3A_318 masked %masked_sort3A_321 : (vector<16xf32>, vector<16xf32>, vector<16xi1>) -> (vector<16xi1>, vector<16xf32>, vector<16xf32>)
        %masked_sort3A_325 = arith.constant dense<true> : vector<16xi1>
        %masked_sort3A_326, %masked_sort3A_327, %masked_sort3A_328 = tpu.sort %select_n3A_319, %select_n3A_320 masked %masked_sort3A_325 : (vector<16xf32>, vector<16xf32>, vector<16xi1>) -> (vector<16xi1>, vector<16xf32>, vector<16xf32>)
        %rev3A_329 = arith.constant 15 : i32
        %rev3A_330 = vector.broadcast %rev3A_329 : i32 to vector<16xi32>
        %rev3A_331 = tpu.iota {dimensions = array<i32: 0>} : vector<16xi32>
        %rev3A_332 = arith.subi %rev3A_330, %rev3A_331 : vector<16xi32>
        %rev3A_333 = tpu.dynamic_gather %masked_sort3A_327[%rev3A_332] in [0] : vector<16xf32>, vector<16xi32> -> vector<16xf32>
        %rev3A_334 = arith.constant 15 : i32
        %rev3A_335 = vector.broadcast %rev3A_334 : i32 to vector<16xi32>
        %rev3A_336 = tpu.iota {dimensions = array<i32: 0>} : vector<16xi32>
        %rev3A_337 = arith.subi %rev3A_335, %rev3A_336 : vector<16xi32>
        %rev3A_338 = tpu.dynamic_gather %masked_sort3A_328[%rev3A_337] in [0] : vector<16xf32>, vector<16xi32> -> vector<16xf32>
        %rev3A_339 = arith.constant 15 : i32
        %rev3A_340 = vector.broadcast %rev3A_339 : i32 to vector<16xi32>
        %rev3A_341 = tpu.iota {dimensions = array<i32: 0>} : vector<16xi32>
        %rev3A_342 = arith.subi %rev3A_340, %rev3A_341 : vector<16xi32>
        %rev3A_343 = tpu.dynamic_gather %masked_sort3A_323[%rev3A_342] in [0] : vector<16xf32>, vector<16xi32> -> vector<16xf32>
        %rev3A_344 = arith.constant 15 : i32
        %rev3A_345 = vector.broadcast %rev3A_344 : i32 to vector<16xi32>
        %rev3A_346 = tpu.iota {dimensions = array<i32: 0>} : vector<16xi32>
        %rev3A_347 = arith.subi %rev3A_345, %rev3A_346 : vector<16xi32>
        %rev3A_348 = tpu.dynamic_gather %masked_sort3A_324[%rev3A_347] in [0] : vector<16xf32>, vector<16xi32> -> vector<16xf32>
        %rev3A_349 = arith.constant 15 : i32
        %rev3A_350 = vector.broadcast %rev3A_349 : i32 to vector<16xi32>
        %rev3A_351 = tpu.iota {dimensions = array<i32: 0>} : vector<16xi32>
        %rev3A_352 = arith.subi %rev3A_350, %rev3A_351 : vector<16xi32>
        %rev3A_353 = tpu.dynamic_gather %masked_sort3A_314[%rev3A_352] in [0] : vector<16xf32>, vector<16xi32> -> vector<16xf32>
        %rev3A_354 = arith.constant 15 : i32
        %rev3A_355 = vector.broadcast %rev3A_354 : i32 to vector<16xi32>
        %rev3A_356 = tpu.iota {dimensions = array<i32: 0>} : vector<16xi32>
        %rev3A_357 = arith.subi %rev3A_355, %rev3A_356 : vector<16xi32>
        %rev3A_358 = tpu.dynamic_gather %masked_sort3A_315[%rev3A_357] in [0] : vector<16xf32>, vector<16xi32> -> vector<16xf32>
        %rev3A_359 = arith.constant 15 : i32
        %rev3A_360 = vector.broadcast %rev3A_359 : i32 to vector<16xi32>
        %rev3A_361 = tpu.iota {dimensions = array<i32: 0>} : vector<16xi32>
        %rev3A_362 = arith.subi %rev3A_360, %rev3A_361 : vector<16xi32>
        %rev3A_363 = tpu.dynamic_gather %masked_sort3A_310[%rev3A_362] in [0] : vector<16xf32>, vector<16xi32> -> vector<16xf32>
        %rev3A_364 = arith.constant 15 : i32
        %rev3A_365 = vector.broadcast %rev3A_364 : i32 to vector<16xi32>
        %rev3A_366 = tpu.iota {dimensions = array<i32: 0>} : vector<16xi32>
        %rev3A_367 = arith.subi %rev3A_365, %rev3A_366 : vector<16xi32>
        %rev3A_368 = tpu.dynamic_gather %masked_sort3A_311[%rev3A_367] in [0] : vector<16xf32>, vector<16xi32> -> vector<16xf32>
        %gt3A_369 = arith.cmpf ogt, %masked_sort3A_254, %rev3A_333 : vector<16xf32>
        %select_n3A_370 = arith.select %gt3A_369, %rev3A_333, %masked_sort3A_254 : vector<16xi1>, vector<16xf32>
        %select_n3A_371 = arith.select %gt3A_369, %rev3A_338, %masked_sort3A_255 : vector<16xi1>, vector<16xf32>
        %select_n3A_372 = arith.select %gt3A_369, %masked_sort3A_254, %rev3A_333 : vector<16xi1>, vector<16xf32>
        %select_n3A_373 = arith.select %gt3A_369, %masked_sort3A_255, %rev3A_338 : vector<16xi1>, vector<16xf32>
        %gt3A_374 = arith.cmpf ogt, %masked_sort3A_258, %rev3A_343 : vector<16xf32>
        %select_n3A_375 = arith.select %gt3A_374, %rev3A_343, %masked_sort3A_258 : vector<16xi1>, vector<16xf32>
        %select_n3A_376 = arith.select %gt3A_374, %rev3A_348, %masked_sort3A_259 : vector<16xi1>, vector<16xf32>
        %select_n3A_377 = arith.select %gt3A_374, %masked_sort3A_258, %rev3A_343 : vector<16xi1>, vector<16xf32>
        %select_n3A_378 = arith.select %gt3A_374, %masked_sort3A_259, %rev3A_348 : vector<16xi1>, vector<16xf32>
        %gt3A_379 = arith.cmpf ogt, %masked_sort3A_267, %rev3A_353 : vector<16xf32>
        %select_n3A_380 = arith.select %gt3A_379, %rev3A_353, %masked_sort3A_267 : vector<16xi1>, vector<16xf32>
        %select_n3A_381 = arith.select %gt3A_379, %rev3A_358, %masked_sort3A_268 : vector<16xi1>, vector<16xf32>
        %select_n3A_382 = arith.select %gt3A_379, %masked_sort3A_267, %rev3A_353 : vector<16xi1>, vector<16xf32>
        %select_n3A_383 = arith.select %gt3A_379, %masked_sort3A_268, %rev3A_358 : vector<16xi1>, vector<16xf32>
        %gt3A_384 = arith.cmpf ogt, %masked_sort3A_271, %rev3A_363 : vector<16xf32>
        %select_n3A_385 = arith.select %gt3A_384, %rev3A_363, %masked_sort3A_271 : vector<16xi1>, vector<16xf32>
        %select_n3A_386 = arith.select %gt3A_384, %rev3A_368, %masked_sort3A_272 : vector<16xi1>, vector<16xf32>
        %select_n3A_387 = arith.select %gt3A_384, %masked_sort3A_271, %rev3A_363 : vector<16xi1>, vector<16xf32>
        %select_n3A_388 = arith.select %gt3A_384, %masked_sort3A_272, %rev3A_368 : vector<16xi1>, vector<16xf32>
        %gt3A_389 = arith.cmpf ogt, %select_n3A_370, %select_n3A_380 : vector<16xf32>
        %select_n3A_390 = arith.select %gt3A_389, %select_n3A_380, %select_n3A_370 : vector<16xi1>, vector<16xf32>
        %select_n3A_391 = arith.select %gt3A_389, %select_n3A_381, %select_n3A_371 : vector<16xi1>, vector<16xf32>
        %select_n3A_392 = arith.select %gt3A_389, %select_n3A_370, %select_n3A_380 : vector<16xi1>, vector<16xf32>
        %select_n3A_393 = arith.select %gt3A_389, %select_n3A_371, %select_n3A_381 : vector<16xi1>, vector<16xf32>
        %gt3A_394 = arith.cmpf ogt, %select_n3A_375, %select_n3A_385 : vector<16xf32>
        %select_n3A_395 = arith.select %gt3A_394, %select_n3A_385, %select_n3A_375 : vector<16xi1>, vector<16xf32>
        %select_n3A_396 = arith.select %gt3A_394, %select_n3A_386, %select_n3A_376 : vector<16xi1>, vector<16xf32>
        %select_n3A_397 = arith.select %gt3A_394, %select_n3A_375, %select_n3A_385 : vector<16xi1>, vector<16xf32>
        %select_n3A_398 = arith.select %gt3A_394, %select_n3A_376, %select_n3A_386 : vector<16xi1>, vector<16xf32>
        %gt3A_399 = arith.cmpf ogt, %select_n3A_390, %select_n3A_395 : vector<16xf32>
        %select_n3A_400 = arith.select %gt3A_399, %select_n3A_395, %select_n3A_390 : vector<16xi1>, vector<16xf32>
        %select_n3A_401 = arith.select %gt3A_399, %select_n3A_396, %select_n3A_391 : vector<16xi1>, vector<16xf32>
        %select_n3A_402 = arith.select %gt3A_399, %select_n3A_390, %select_n3A_395 : vector<16xi1>, vector<16xf32>
        %select_n3A_403 = arith.select %gt3A_399, %select_n3A_391, %select_n3A_396 : vector<16xi1>, vector<16xf32>
        %masked_sort3A_404 = arith.constant dense<true> : vector<16xi1>
        %masked_sort3A_405, %masked_sort3A_406, %masked_sort3A_407 = tpu.sort %select_n3A_400, %select_n3A_401 masked %masked_sort3A_404 : (vector<16xf32>, vector<16xf32>, vector<16xi1>) -> (vector<16xi1>, vector<16xf32>, vector<16xf32>)
        %masked_sort3A_408 = arith.constant dense<true> : vector<16xi1>
        %masked_sort3A_409, %masked_sort3A_410, %masked_sort3A_411 = tpu.sort %select_n3A_402, %select_n3A_403 masked %masked_sort3A_408 : (vector<16xf32>, vector<16xf32>, vector<16xi1>) -> (vector<16xi1>, vector<16xf32>, vector<16xf32>)
        %gt3A_412 = arith.cmpf ogt, %select_n3A_392, %select_n3A_397 : vector<16xf32>
        %select_n3A_413 = arith.select %gt3A_412, %select_n3A_397, %select_n3A_392 : vector<16xi1>, vector<16xf32>
        %select_n3A_414 = arith.select %gt3A_412, %select_n3A_398, %select_n3A_393 : vector<16xi1>, vector<16xf32>
        %select_n3A_415 = arith.select %gt3A_412, %select_n3A_392, %select_n3A_397 : vector<16xi1>, vector<16xf32>
        %select_n3A_416 = arith.select %gt3A_412, %select_n3A_393, %select_n3A_398 : vector<16xi1>, vector<16xf32>
        %masked_sort3A_417 = arith.constant dense<true> : vector<16xi1>
        %masked_sort3A_418, %masked_sort3A_419, %masked_sort3A_420 = tpu.sort %select_n3A_413, %select_n3A_414 masked %masked_sort3A_417 : (vector<16xf32>, vector<16xf32>, vector<16xi1>) -> (vector<16xi1>, vector<16xf32>, vector<16xf32>)
        %masked_sort3A_421 = arith.constant dense<true> : vector<16xi1>
        %masked_sort3A_422, %masked_sort3A_423, %masked_sort3A_424 = tpu.sort %select_n3A_415, %select_n3A_416 masked %masked_sort3A_421 : (vector<16xf32>, vector<16xf32>, vector<16xi1>) -> (vector<16xi1>, vector<16xf32>, vector<16xf32>)
        %gt3A_425 = arith.cmpf ogt, %select_n3A_372, %select_n3A_382 : vector<16xf32>
        %select_n3A_426 = arith.select %gt3A_425, %select_n3A_382, %select_n3A_372 : vector<16xi1>, vector<16xf32>
        %select_n3A_427 = arith.select %gt3A_425, %select_n3A_383, %select_n3A_373 : vector<16xi1>, vector<16xf32>
        %select_n3A_428 = arith.select %gt3A_425, %select_n3A_372, %select_n3A_382 : vector<16xi1>, vector<16xf32>
        %select_n3A_429 = arith.select %gt3A_425, %select_n3A_373, %select_n3A_383 : vector<16xi1>, vector<16xf32>
        %gt3A_430 = arith.cmpf ogt, %select_n3A_377, %select_n3A_387 : vector<16xf32>
        %select_n3A_431 = arith.select %gt3A_430, %select_n3A_387, %select_n3A_377 : vector<16xi1>, vector<16xf32>
        %select_n3A_432 = arith.select %gt3A_430, %select_n3A_388, %select_n3A_378 : vector<16xi1>, vector<16xf32>
        %select_n3A_433 = arith.select %gt3A_430, %select_n3A_377, %select_n3A_387 : vector<16xi1>, vector<16xf32>
        %select_n3A_434 = arith.select %gt3A_430, %select_n3A_378, %select_n3A_388 : vector<16xi1>, vector<16xf32>
        %gt3A_435 = arith.cmpf ogt, %select_n3A_426, %select_n3A_431 : vector<16xf32>
        %select_n3A_436 = arith.select %gt3A_435, %select_n3A_431, %select_n3A_426 : vector<16xi1>, vector<16xf32>
        %select_n3A_437 = arith.select %gt3A_435, %select_n3A_432, %select_n3A_427 : vector<16xi1>, vector<16xf32>
        %select_n3A_438 = arith.select %gt3A_435, %select_n3A_426, %select_n3A_431 : vector<16xi1>, vector<16xf32>
        %select_n3A_439 = arith.select %gt3A_435, %select_n3A_427, %select_n3A_432 : vector<16xi1>, vector<16xf32>
        %masked_sort3A_440 = arith.constant dense<true> : vector<16xi1>
        %masked_sort3A_441, %masked_sort3A_442, %masked_sort3A_443 = tpu.sort %select_n3A_436, %select_n3A_437 masked %masked_sort3A_440 : (vector<16xf32>, vector<16xf32>, vector<16xi1>) -> (vector<16xi1>, vector<16xf32>, vector<16xf32>)
        %masked_sort3A_444 = arith.constant dense<true> : vector<16xi1>
        %masked_sort3A_445, %masked_sort3A_446, %masked_sort3A_447 = tpu.sort %select_n3A_438, %select_n3A_439 masked %masked_sort3A_444 : (vector<16xf32>, vector<16xf32>, vector<16xi1>) -> (vector<16xi1>, vector<16xf32>, vector<16xf32>)
        %gt3A_448 = arith.cmpf ogt, %select_n3A_428, %select_n3A_433 : vector<16xf32>
        %select_n3A_449 = arith.select %gt3A_448, %select_n3A_433, %select_n3A_428 : vector<16xi1>, vector<16xf32>
        %select_n3A_450 = arith.select %gt3A_448, %select_n3A_434, %select_n3A_429 : vector<16xi1>, vector<16xf32>
        %select_n3A_451 = arith.select %gt3A_448, %select_n3A_428, %select_n3A_433 : vector<16xi1>, vector<16xf32>
        %select_n3A_452 = arith.select %gt3A_448, %select_n3A_429, %select_n3A_434 : vector<16xi1>, vector<16xf32>
        %masked_sort3A_453 = arith.constant dense<true> : vector<16xi1>
        %masked_sort3A_454, %masked_sort3A_455, %masked_sort3A_456 = tpu.sort %select_n3A_449, %select_n3A_450 masked %masked_sort3A_453 : (vector<16xf32>, vector<16xf32>, vector<16xi1>) -> (vector<16xi1>, vector<16xf32>, vector<16xf32>)
        %masked_sort3A_457 = arith.constant dense<true> : vector<16xi1>
        %masked_sort3A_458, %masked_sort3A_459, %masked_sort3A_460 = tpu.sort %select_n3A_451, %select_n3A_452 masked %masked_sort3A_457 : (vector<16xf32>, vector<16xf32>, vector<16xi1>) -> (vector<16xi1>, vector<16xf32>, vector<16xf32>)
        %swap3A = arith.constant 0 : index
        %swap3A_461 = tpu.vector_load %arg9[%swap3A] {strides = array<i32>} : memref<128xf32, #tpu.memory_space<vmem>>, vector<16xf32>,
        tpu.vector_store %arg9[%swap3A], %masked_sort3A_406 {strides = array<i32>} : memref<128xf32, #tpu.memory_space<vmem>>, vector<16xf32>,
        %swap3A_462 = arith.constant 0 : index
        %swap3A_463 = tpu.vector_load %arg10[%swap3A_462] {strides = array<i32>} : memref<128xf32, #tpu.memory_space<vmem>>, vector<16xf32>,
        tpu.vector_store %arg10[%swap3A_462], %masked_sort3A_407 {strides = array<i32>} : memref<128xf32, #tpu.memory_space<vmem>>, vector<16xf32>,
        %swap3A_464 = arith.constant 16 : index
        %swap3A_465 = tpu.vector_load %arg9[%swap3A_464] {strides = array<i32>} : memref<128xf32, #tpu.memory_space<vmem>>, vector<16xf32>,
        tpu.vector_store %arg9[%swap3A_464], %masked_sort3A_410 {strides = array<i32>} : memref<128xf32, #tpu.memory_space<vmem>>, vector<16xf32>,
        %swap3A_466 = arith.constant 16 : index
        %swap3A_467 = tpu.vector_load %arg10[%swap3A_466] {strides = array<i32>} : memref<128xf32, #tpu.memory_space<vmem>>, vector<16xf32>,
        tpu.vector_store %arg10[%swap3A_466], %masked_sort3A_411 {strides = array<i32>} : memref<128xf32, #tpu.memory_space<vmem>>, vector<16xf32>,
        %swap3A_468 = arith.constant 32 : index
        %swap3A_469 = tpu.vector_load %arg9[%swap3A_468] {strides = array<i32>} : memref<128xf32, #tpu.memory_space<vmem>>, vector<16xf32>,
        tpu.vector_store %arg9[%swap3A_468], %masked_sort3A_419 {strides = array<i32>} : memref<128xf32, #tpu.memory_space<vmem>>, vector<16xf32>,
        %swap3A_470 = arith.constant 32 : index
        %swap3A_471 = tpu.vector_load %arg10[%swap3A_470] {strides = array<i32>} : memref<128xf32, #tpu.memory_space<vmem>>, vector<16xf32>,
        tpu.vector_store %arg10[%swap3A_470], %masked_sort3A_420 {strides = array<i32>} : memref<128xf32, #tpu.memory_space<vmem>>, vector<16xf32>,
        %swap3A_472 = arith.constant 48 : index
        %swap3A_473 = tpu.vector_load %arg9[%swap3A_472] {strides = array<i32>} : memref<128xf32, #tpu.memory_space<vmem>>, vector<16xf32>,
        tpu.vector_store %arg9[%swap3A_472], %masked_sort3A_423 {strides = array<i32>} : memref<128xf32, #tpu.memory_space<vmem>>, vector<16xf32>,
        %swap3A_474 = arith.constant 48 : index
        %swap3A_475 = tpu.vector_load %arg10[%swap3A_474] {strides = array<i32>} : memref<128xf32, #tpu.memory_space<vmem>>, vector<16xf32>,
        tpu.vector_store %arg10[%swap3A_474], %masked_sort3A_424 {strides = array<i32>} : memref<128xf32, #tpu.memory_space<vmem>>, vector<16xf32>,
        %swap3A_476 = arith.constant 64 : index
        %swap3A_477 = tpu.vector_load %arg9[%swap3A_476] {strides = array<i32>} : memref<128xf32, #tpu.memory_space<vmem>>, vector<16xf32>,
        tpu.vector_store %arg9[%swap3A_476], %masked_sort3A_442 {strides = array<i32>} : memref<128xf32, #tpu.memory_space<vmem>>, vector<16xf32>,
        %swap3A_478 = arith.constant 64 : index
        %swap3A_479 = tpu.vector_load %arg10[%swap3A_478] {strides = array<i32>} : memref<128xf32, #tpu.memory_space<vmem>>, vector<16xf32>,
        tpu.vector_store %arg10[%swap3A_478], %masked_sort3A_443 {strides = array<i32>} : memref<128xf32, #tpu.memory_space<vmem>>, vector<16xf32>,
        %swap3A_480 = arith.constant 80 : index
        %swap3A_481 = tpu.vector_load %arg9[%swap3A_480] {strides = array<i32>} : memref<128xf32, #tpu.memory_space<vmem>>, vector<16xf32>,
        tpu.vector_store %arg9[%swap3A_480], %masked_sort3A_446 {strides = array<i32>} : memref<128xf32, #tpu.memory_space<vmem>>, vector<16xf32>,
        %swap3A_482 = arith.constant 80 : index
        %swap3A_483 = tpu.vector_load %arg10[%swap3A_482] {strides = array<i32>} : memref<128xf32, #tpu.memory_space<vmem>>, vector<16xf32>,
        tpu.vector_store %arg10[%swap3A_482], %masked_sort3A_447 {strides = array<i32>} : memref<128xf32, #tpu.memory_space<vmem>>, vector<16xf32>,
        %swap3A_484 = arith.constant 96 : index
        %swap3A_485 = tpu.vector_load %arg9[%swap3A_484] {strides = array<i32>} : memref<128xf32, #tpu.memory_space<vmem>>, vector<16xf32>,
        tpu.vector_store %arg9[%swap3A_484], %masked_sort3A_455 {strides = array<i32>} : memref<128xf32, #tpu.memory_space<vmem>>, vector<16xf32>,
        %swap3A_486 = arith.constant 96 : index
        %swap3A_487 = tpu.vector_load %arg10[%swap3A_486] {strides = array<i32>} : memref<128xf32, #tpu.memory_space<vmem>>, vector<16xf32>,
        tpu.vector_store %arg10[%swap3A_486], %masked_sort3A_456 {strides = array<i32>} : memref<128xf32, #tpu.memory_space<vmem>>, vector<16xf32>,
        %swap3A_488 = arith.constant 112 : index
        %swap3A_489 = tpu.vector_load %arg9[%swap3A_488] {strides = array<i32>} : memref<128xf32, #tpu.memory_space<vmem>>, vector<16xf32>,
        tpu.vector_store %arg9[%swap3A_488], %masked_sort3A_459 {strides = array<i32>} : memref<128xf32, #tpu.memory_space<vmem>>, vector<16xf32>,
        %swap3A_490 = arith.constant 112 : index
        %swap3A_491 = tpu.vector_load %arg10[%swap3A_490] {strides = array<i32>} : memref<128xf32, #tpu.memory_space<vmem>>, vector<16xf32>,
        tpu.vector_store %arg10[%swap3A_490], %masked_sort3A_460 {strides = array<i32>} : memref<128xf32, #tpu.memory_space<vmem>>, vector<16xf32>,
        %sub3A_492 = arith.subi %iota3A, %iota3A : vector<16xi32>
        %slice3A = vector.extract_strided_slice %masked_sort3A_406 {offsets = [0], sizes = [1], strides = [1]} : vector<16xf32> to vector<1xf32>
        %squeeze3A = vector.extract %slice3A[0] : f32 from vector<1xf32>
        %slice3A_493 = vector.extract_strided_slice %masked_sort3A_407 {offsets = [0], sizes = [1], strides = [1]} : vector<16xf32> to vector<1xf32>
        %squeeze3A_494 = vector.extract %slice3A_493[0] : f32 from vector<1xf32>
        %slice3A_495 = vector.extract_strided_slice %masked_sort3A_459 {offsets = [15], sizes = [1], strides = [1]} : vector<16xf32> to vector<1xf32>
        %squeeze3A_496 = vector.extract %slice3A_495[0] : f32 from vector<1xf32>
        %slice3A_497 = vector.extract_strided_slice %masked_sort3A_460 {offsets = [15], sizes = [1], strides = [1]} : vector<16xf32> to vector<1xf32>
        %squeeze3A_498 = vector.extract %slice3A_497[0] : f32 from vector<1xf32>
        %add3A_499 = arith.constant 0 : i32
        %add3A_500 = vector.broadcast %add3A_499 : i32 to vector<16xi32>
        %add3A_501 = arith.addi %iota3A, %add3A_500 : vector<16xi32>
        %convert_element_type3A_502 = arith.sitofp %add3A_501 : vector<16xi32> to vector<16xf32>
        %add3A_503 = arith.constant 63 : i32
        %add3A_504 = vector.broadcast %add3A_503 : i32 to vector<16xi32>
        %add3A_505 = arith.addi %sub3A_492, %add3A_504 : vector<16xi32>
        %gather3A = tpu.vector_load_idx %arg9[%add3A_505] : memref<128xf32, #tpu.memory_space<vmem>>[vector<16xi32>], vector<16xf32>,
        %le3A = arith.cmpf ole, %gather3A, %convert_element_type3A_502 : vector<16xf32>
        %jit3A = arith.constant 64 : i32
        %jit3A_506 = arith.constant 0 : i32
        %broadcast_in_dim3A = vector.broadcast %jit3A : i32 to vector<16xi32>
        %broadcast_in_dim3A_507 = vector.broadcast %jit3A_506 : i32 to vector<16xi32>
        %select_n3A_508 = arith.select %le3A, %broadcast_in_dim3A, %broadcast_in_dim3A_507 : vector<16xi1>, vector<16xi32>
        %add3A_509 = arith.addi %sub3A_492, %select_n3A_508 : vector<16xi32>
        %add3A_510 = arith.constant 31 : i32
        %add3A_511 = vector.broadcast %add3A_510 : i32 to vector<16xi32>
        %add3A_512 = arith.addi %add3A_509, %add3A_511 : vector<16xi32>
        %gather3A_513 = tpu.vector_load_idx %arg9[%add3A_512] : memref<128xf32, #tpu.memory_space<vmem>>[vector<16xi32>], vector<16xf32>,
        %le3A_514 = arith.cmpf ole, %gather3A_513, %convert_element_type3A_502 : vector<16xf32>
        %jit3A_515 = arith.constant 32 : i32
        %jit3A_516 = arith.constant 0 : i32
        %broadcast_in_dim3A_517 = vector.broadcast %jit3A_515 : i32 to vector<16xi32>
        %broadcast_in_dim3A_518 = vector.broadcast %jit3A_516 : i32 to vector<16xi32>
        %select_n3A_519 = arith.select %le3A_514, %broadcast_in_dim3A_517, %broadcast_in_dim3A_518 : vector<16xi1>, vector<16xi32>
        %add3A_520 = arith.addi %add3A_509, %select_n3A_519 : vector<16xi32>
        %add3A_521 = arith.constant 15 : i32
        %add3A_522 = vector.broadcast %add3A_521 : i32 to vector<16xi32>
        %add3A_523 = arith.addi %add3A_520, %add3A_522 : vector<16xi32>
        %gather3A_524 = tpu.vector_load_idx %arg9[%add3A_523] : memref<128xf32, #tpu.memory_space<vmem>>[vector<16xi32>], vector<16xf32>,
        %le3A_525 = arith.cmpf ole, %gather3A_524, %convert_element_type3A_502 : vector<16xf32>
        %jit3A_526 = arith.constant 16 : i32
        %jit3A_527 = arith.constant 0 : i32
        %broadcast_in_dim3A_528 = vector.broadcast %jit3A_526 : i32 to vector<16xi32>
        %broadcast_in_dim3A_529 = vector.broadcast %jit3A_527 : i32 to vector<16xi32>
        %select_n3A_530 = arith.select %le3A_525, %broadcast_in_dim3A_528, %broadcast_in_dim3A_529 : vector<16xi1>, vector<16xi32>
        %add3A_531 = arith.addi %add3A_520, %select_n3A_530 : vector<16xi32>
        %add3A_532 = arith.constant 7 : i32
        %add3A_533 = vector.broadcast %add3A_532 : i32 to vector<16xi32>
        %add3A_534 = arith.addi %add3A_531, %add3A_533 : vector<16xi32>
        %gather3A_535 = tpu.vector_load_idx %arg9[%add3A_534] : memref<128xf32, #tpu.memory_space<vmem>>[vector<16xi32>], vector<16xf32>,
        %le3A_536 = arith.cmpf ole, %gather3A_535, %convert_element_type3A_502 : vector<16xf32>
        %jit3A_537 = arith.constant 8 : i32
        %jit3A_538 = arith.constant 0 : i32
        %broadcast_in_dim3A_539 = vector.broadcast %jit3A_537 : i32 to vector<16xi32>
        %broadcast_in_dim3A_540 = vector.broadcast %jit3A_538 : i32 to vector<16xi32>
        %select_n3A_541 = arith.select %le3A_536, %broadcast_in_dim3A_539, %broadcast_in_dim3A_540 : vector<16xi1>, vector<16xi32>
        %add3A_542 = arith.addi %add3A_531, %select_n3A_541 : vector<16xi32>
        %add3A_543 = arith.constant 3 : i32
        %add3A_544 = vector.broadcast %add3A_543 : i32 to vector<16xi32>
        %add3A_545 = arith.addi %add3A_542, %add3A_544 : vector<16xi32>
        %gather3A_546 = tpu.vector_load_idx %arg9[%add3A_545] : memref<128xf32, #tpu.memory_space<vmem>>[vector<16xi32>], vector<16xf32>,
        %le3A_547 = arith.cmpf ole, %gather3A_546, %convert_element_type3A_502 : vector<16xf32>
        %jit3A_548 = arith.constant 4 : i32
        %jit3A_549 = arith.constant 0 : i32
        %broadcast_in_dim3A_550 = vector.broadcast %jit3A_548 : i32 to vector<16xi32>
        %broadcast_in_dim3A_551 = vector.broadcast %jit3A_549 : i32 to vector<16xi32>
        %select_n3A_552 = arith.select %le3A_547, %broadcast_in_dim3A_550, %broadcast_in_dim3A_551 : vector<16xi1>, vector<16xi32>
        %add3A_553 = arith.addi %add3A_542, %select_n3A_552 : vector<16xi32>
        %add3A_554 = arith.constant 1 : i32
        %add3A_555 = vector.broadcast %add3A_554 : i32 to vector<16xi32>
        %add3A_556 = arith.addi %add3A_553, %add3A_555 : vector<16xi32>
        %gather3A_557 = tpu.vector_load_idx %arg9[%add3A_556] : memref<128xf32, #tpu.memory_space<vmem>>[vector<16xi32>], vector<16xf32>,
        %le3A_558 = arith.cmpf ole, %gather3A_557, %convert_element_type3A_502 : vector<16xf32>
        %jit3A_559 = arith.constant 2 : i32
        %jit3A_560 = arith.constant 0 : i32
        %broadcast_in_dim3A_561 = vector.broadcast %jit3A_559 : i32 to vector<16xi32>
        %broadcast_in_dim3A_562 = vector.broadcast %jit3A_560 : i32 to vector<16xi32>
        %select_n3A_563 = arith.select %le3A_558, %broadcast_in_dim3A_561, %broadcast_in_dim3A_562 : vector<16xi1>, vector<16xi32>
        %add3A_564 = arith.addi %add3A_553, %select_n3A_563 : vector<16xi32>
        %add3A_565 = arith.constant 0 : i32
        %add3A_566 = vector.broadcast %add3A_565 : i32 to vector<16xi32>
        %add3A_567 = arith.addi %add3A_564, %add3A_566 : vector<16xi32>
        %gather3A_568 = tpu.vector_load_idx %arg9[%add3A_567] : memref<128xf32, #tpu.memory_space<vmem>>[vector<16xi32>], vector<16xf32>,
        %le3A_569 = arith.cmpf ole, %gather3A_568, %convert_element_type3A_502 : vector<16xf32>
        %jit3A_570 = arith.constant 1 : i32
        %jit3A_571 = arith.constant 0 : i32
        %broadcast_in_dim3A_572 = vector.broadcast %jit3A_570 : i32 to vector<16xi32>
        %broadcast_in_dim3A_573 = vector.broadcast %jit3A_571 : i32 to vector<16xi32>
        %select_n3A_574 = arith.select %le3A_569, %broadcast_in_dim3A_572, %broadcast_in_dim3A_573 : vector<16xi1>, vector<16xi32>
        %add3A_575 = arith.addi %add3A_564, %select_n3A_574 : vector<16xi32>
        %jit3A_576 = arith.constant 1 : i32
        %jit3A_577 = arith.constant 127 : i32
        %max3A = vector.broadcast %jit3A_576 : i32 to vector<16xi32>
        %max3A_578 = arith.maxsi %max3A, %add3A_575 : vector<16xi32>
        %min3A = vector.broadcast %jit3A_577 : i32 to vector<16xi32>
        %min3A_579 = arith.minsi %min3A, %max3A_578 : vector<16xi32>
        %sub3A_580 = arith.constant 1 : i32
        %sub3A_581 = vector.broadcast %sub3A_580 : i32 to vector<16xi32>
        %sub3A_582 = arith.subi %min3A_579, %sub3A_581 : vector<16xi32>
        %gather3A_583 = tpu.vector_load_idx %arg9[%sub3A_582] : memref<128xf32, #tpu.memory_space<vmem>>[vector<16xi32>], vector<16xf32>,
        %gather3A_584 = tpu.vector_load_idx %arg10[%sub3A_582] : memref<128xf32, #tpu.memory_space<vmem>>[vector<16xi32>], vector<16xf32>,
        %gather3A_585 = tpu.vector_load_idx %arg9[%min3A_579] : memref<128xf32, #tpu.memory_space<vmem>>[vector<16xi32>], vector<16xf32>,
        %gather3A_586 = tpu.vector_load_idx %arg10[%min3A_579] : memref<128xf32, #tpu.memory_space<vmem>>[vector<16xi32>], vector<16xf32>,
        %sub3A_587 = arith.subf %gather3A_585, %gather3A_583 : vector<16xf32>
        %abs3A = math.absf %sub3A_587 : vector<16xf32>
        %le3A_588 = arith.constant 1.42108547E-14 : f32
        %le3A_589 = vector.broadcast %le3A_588 : f32 to vector<16xf32>
        %le3A_590 = arith.cmpf ole, %abs3A, %le3A_589 : vector<16xf32>
        %sub3A_591 = arith.subf %convert_element_type3A_502, %gather3A_583 : vector<16xf32>
        %jit3A_592 = arith.constant 1.000000e+00 : f32
        %broadcast_in_dim3A_593 = vector.broadcast %jit3A_592 : f32 to vector<16xf32>
        %select_n3A_594 = arith.select %le3A_590, %broadcast_in_dim3A_593, %sub3A_587 : vector<16xi1>, vector<16xf32>
        %div3A_595 = arith.divf %sub3A_591, %select_n3A_594 : vector<16xf32>
        %sub3A_596 = arith.subf %gather3A_586, %gather3A_584 : vector<16xf32>
        %mul3A_597 = arith.mulf %div3A_595, %sub3A_596 : vector<16xf32>
        %add3A_598 = arith.addf %gather3A_584, %mul3A_597 : vector<16xf32>
        %select_n3A_599 = arith.select %le3A_590, %gather3A_584, %add3A_598 : vector<16xi1>, vector<16xf32>
        %lt3A = vector.broadcast %squeeze3A : f32 to vector<16xf32>
        %lt3A_600 = arith.cmpf olt, %convert_element_type3A_502, %lt3A : vector<16xf32>
        %broadcast_in_dim3A_601 = vector.broadcast %squeeze3A_494 : f32 to vector<16xf32>
        %select_n3A_602 = arith.select %lt3A_600, %broadcast_in_dim3A_601, %select_n3A_599 : vector<16xi1>, vector<16xf32>
        %gt3A_603 = vector.broadcast %squeeze3A_496 : f32 to vector<16xf32>
        %gt3A_604 = arith.cmpf ogt, %convert_element_type3A_502, %gt3A_603 : vector<16xf32>
        %broadcast_in_dim3A_605 = vector.broadcast %squeeze3A_498 : f32 to vector<16xf32>
        %select_n3A_606 = arith.select %gt3A_604, %broadcast_in_dim3A_605, %select_n3A_602 : vector<16xi1>, vector<16xf32>
        %add3A_607 = arith.constant 5.000000e-01 : f32
        %add3A_608 = vector.broadcast %add3A_607 : f32 to vector<16xf32>
        %add3A_609 = arith.addf %select_n3A_606, %add3A_608 : vector<16xf32>
        %max3A_610 = arith.constant 0.000000e+00 : f32
        %max3A_611 = vector.broadcast %max3A_610 : f32 to vector<16xf32>
        %max3A_612 = arith.maximumf %add3A_609, %max3A_611 : vector<16xf32>
        %min3A_613 = arith.constant 2.550000e+02 : f32
        %min3A_614 = vector.broadcast %min3A_613 : f32 to vector<16xf32>
        %min3A_615 = arith.minimumf %max3A_612, %min3A_614 : vector<16xf32>
        %add3A_616 = arith.constant 0 : i32
        %add3A_617 = arith.addi %mul3A_39, %add3A_616 : i32
        %add3A_618 = vector.broadcast %add3A_617 : i32 to vector<16xi32>
        %add3A_619 = arith.addi %add3A_618, %iota3A : vector<16xi32>
        %convert_element_type3A_620 = arith.fptosi %min3A_615 : vector<16xf32> to vector<16xi32>
        tpu.vector_store_idx %arg11[%add3A_619], %convert_element_type3A_620 : memref<512xi32, #tpu.memory_space<vmem>>[vector<16xi32>], vector<16xi32>,
        %add3A_621 = arith.constant 16 : i32
        %add3A_622 = vector.broadcast %add3A_621 : i32 to vector<16xi32>
        %add3A_623 = arith.addi %iota3A, %add3A_622 : vector<16xi32>
        %convert_element_type3A_624 = arith.sitofp %add3A_623 : vector<16xi32> to vector<16xf32>
        %add3A_625 = arith.constant 63 : i32
        %add3A_626 = vector.broadcast %add3A_625 : i32 to vector<16xi32>
        %add3A_627 = arith.addi %sub3A_492, %add3A_626 : vector<16xi32>
        %gather3A_628 = tpu.vector_load_idx %arg9[%add3A_627] : memref<128xf32, #tpu.memory_space<vmem>>[vector<16xi32>], vector<16xf32>,
        %le3A_629 = arith.cmpf ole, %gather3A_628, %convert_element_type3A_624 : vector<16xf32>
        %jit3A_630 = arith.constant 64 : i32
        %jit3A_631 = arith.constant 0 : i32
        %broadcast_in_dim3A_632 = vector.broadcast %jit3A_630 : i32 to vector<16xi32>
        %broadcast_in_dim3A_633 = vector.broadcast %jit3A_631 : i32 to vector<16xi32>
        %select_n3A_634 = arith.select %le3A_629, %broadcast_in_dim3A_632, %broadcast_in_dim3A_633 : vector<16xi1>, vector<16xi32>
        %add3A_635 = arith.addi %sub3A_492, %select_n3A_634 : vector<16xi32>
        %add3A_636 = arith.constant 31 : i32
        %add3A_637 = vector.broadcast %add3A_636 : i32 to vector<16xi32>
        %add3A_638 = arith.addi %add3A_635, %add3A_637 : vector<16xi32>
        %gather3A_639 = tpu.vector_load_idx %arg9[%add3A_638] : memref<128xf32, #tpu.memory_space<vmem>>[vector<16xi32>], vector<16xf32>,
        %le3A_640 = arith.cmpf ole, %gather3A_639, %convert_element_type3A_624 : vector<16xf32>
        %jit3A_641 = arith.constant 32 : i32
        %jit3A_642 = arith.constant 0 : i32
        %broadcast_in_dim3A_643 = vector.broadcast %jit3A_641 : i32 to vector<16xi32>
        %broadcast_in_dim3A_644 = vector.broadcast %jit3A_642 : i32 to vector<16xi32>
        %select_n3A_645 = arith.select %le3A_640, %broadcast_in_dim3A_643, %broadcast_in_dim3A_644 : vector<16xi1>, vector<16xi32>
        %add3A_646 = arith.addi %add3A_635, %select_n3A_645 : vector<16xi32>
        %add3A_647 = arith.constant 15 : i32
        %add3A_648 = vector.broadcast %add3A_647 : i32 to vector<16xi32>
        %add3A_649 = arith.addi %add3A_646, %add3A_648 : vector<16xi32>
        %gather3A_650 = tpu.vector_load_idx %arg9[%add3A_649] : memref<128xf32, #tpu.memory_space<vmem>>[vector<16xi32>], vector<16xf32>,
        %le3A_651 = arith.cmpf ole, %gather3A_650, %convert_element_type3A_624 : vector<16xf32>
        %jit3A_652 = arith.constant 16 : i32
        %jit3A_653 = arith.constant 0 : i32
        %broadcast_in_dim3A_654 = vector.broadcast %jit3A_652 : i32 to vector<16xi32>
        %broadcast_in_dim3A_655 = vector.broadcast %jit3A_653 : i32 to vector<16xi32>
        %select_n3A_656 = arith.select %le3A_651, %broadcast_in_dim3A_654, %broadcast_in_dim3A_655 : vector<16xi1>, vector<16xi32>
        %add3A_657 = arith.addi %add3A_646, %select_n3A_656 : vector<16xi32>
        %add3A_658 = arith.constant 7 : i32
        %add3A_659 = vector.broadcast %add3A_658 : i32 to vector<16xi32>
        %add3A_660 = arith.addi %add3A_657, %add3A_659 : vector<16xi32>
        %gather3A_661 = tpu.vector_load_idx %arg9[%add3A_660] : memref<128xf32, #tpu.memory_space<vmem>>[vector<16xi32>], vector<16xf32>,
        %le3A_662 = arith.cmpf ole, %gather3A_661, %convert_element_type3A_624 : vector<16xf32>
        %jit3A_663 = arith.constant 8 : i32
        %jit3A_664 = arith.constant 0 : i32
        %broadcast_in_dim3A_665 = vector.broadcast %jit3A_663 : i32 to vector<16xi32>
        %broadcast_in_dim3A_666 = vector.broadcast %jit3A_664 : i32 to vector<16xi32>
        %select_n3A_667 = arith.select %le3A_662, %broadcast_in_dim3A_665, %broadcast_in_dim3A_666 : vector<16xi1>, vector<16xi32>
        %add3A_668 = arith.addi %add3A_657, %select_n3A_667 : vector<16xi32>
        %add3A_669 = arith.constant 3 : i32
        %add3A_670 = vector.broadcast %add3A_669 : i32 to vector<16xi32>
        %add3A_671 = arith.addi %add3A_668, %add3A_670 : vector<16xi32>
        %gather3A_672 = tpu.vector_load_idx %arg9[%add3A_671] : memref<128xf32, #tpu.memory_space<vmem>>[vector<16xi32>], vector<16xf32>,
        %le3A_673 = arith.cmpf ole, %gather3A_672, %convert_element_type3A_624 : vector<16xf32>
        %jit3A_674 = arith.constant 4 : i32
        %jit3A_675 = arith.constant 0 : i32
        %broadcast_in_dim3A_676 = vector.broadcast %jit3A_674 : i32 to vector<16xi32>
        %broadcast_in_dim3A_677 = vector.broadcast %jit3A_675 : i32 to vector<16xi32>
        %select_n3A_678 = arith.select %le3A_673, %broadcast_in_dim3A_676, %broadcast_in_dim3A_677 : vector<16xi1>, vector<16xi32>
        %add3A_679 = arith.addi %add3A_668, %select_n3A_678 : vector<16xi32>
        %add3A_680 = arith.constant 1 : i32
        %add3A_681 = vector.broadcast %add3A_680 : i32 to vector<16xi32>
        %add3A_682 = arith.addi %add3A_679, %add3A_681 : vector<16xi32>
        %gather3A_683 = tpu.vector_load_idx %arg9[%add3A_682] : memref<128xf32, #tpu.memory_space<vmem>>[vector<16xi32>], vector<16xf32>,
        %le3A_684 = arith.cmpf ole, %gather3A_683, %convert_element_type3A_624 : vector<16xf32>
        %jit3A_685 = arith.constant 2 : i32
        %jit3A_686 = arith.constant 0 : i32
        %broadcast_in_dim3A_687 = vector.broadcast %jit3A_685 : i32 to vector<16xi32>
        %broadcast_in_dim3A_688 = vector.broadcast %jit3A_686 : i32 to vector<16xi32>
        %select_n3A_689 = arith.select %le3A_684, %broadcast_in_dim3A_687, %broadcast_in_dim3A_688 : vector<16xi1>, vector<16xi32>
        %add3A_690 = arith.addi %add3A_679, %select_n3A_689 : vector<16xi32>
        %add3A_691 = arith.constant 0 : i32
        %add3A_692 = vector.broadcast %add3A_691 : i32 to vector<16xi32>
        %add3A_693 = arith.addi %add3A_690, %add3A_692 : vector<16xi32>
        %gather3A_694 = tpu.vector_load_idx %arg9[%add3A_693] : memref<128xf32, #tpu.memory_space<vmem>>[vector<16xi32>], vector<16xf32>,
        %le3A_695 = arith.cmpf ole, %gather3A_694, %convert_element_type3A_624 : vector<16xf32>
        %jit3A_696 = arith.constant 1 : i32
        %jit3A_697 = arith.constant 0 : i32
        %broadcast_in_dim3A_698 = vector.broadcast %jit3A_696 : i32 to vector<16xi32>
        %broadcast_in_dim3A_699 = vector.broadcast %jit3A_697 : i32 to vector<16xi32>
        %select_n3A_700 = arith.select %le3A_695, %broadcast_in_dim3A_698, %broadcast_in_dim3A_699 : vector<16xi1>, vector<16xi32>
        %add3A_701 = arith.addi %add3A_690, %select_n3A_700 : vector<16xi32>
        %jit3A_702 = arith.constant 1 : i32
        %jit3A_703 = arith.constant 127 : i32
        %max3A_704 = vector.broadcast %jit3A_702 : i32 to vector<16xi32>
        %max3A_705 = arith.maxsi %max3A_704, %add3A_701 : vector<16xi32>
        %min3A_706 = vector.broadcast %jit3A_703 : i32 to vector<16xi32>
        %min3A_707 = arith.minsi %min3A_706, %max3A_705 : vector<16xi32>
        %sub3A_708 = arith.constant 1 : i32
        %sub3A_709 = vector.broadcast %sub3A_708 : i32 to vector<16xi32>
        %sub3A_710 = arith.subi %min3A_707, %sub3A_709 : vector<16xi32>
        %gather3A_711 = tpu.vector_load_idx %arg9[%sub3A_710] : memref<128xf32, #tpu.memory_space<vmem>>[vector<16xi32>], vector<16xf32>,
        %gather3A_712 = tpu.vector_load_idx %arg10[%sub3A_710] : memref<128xf32, #tpu.memory_space<vmem>>[vector<16xi32>], vector<16xf32>,
        %gather3A_713 = tpu.vector_load_idx %arg9[%min3A_707] : memref<128xf32, #tpu.memory_space<vmem>>[vector<16xi32>], vector<16xf32>,
        %gather3A_714 = tpu.vector_load_idx %arg10[%min3A_707] : memref<128xf32, #tpu.memory_space<vmem>>[vector<16xi32>], vector<16xf32>,
        %sub3A_715 = arith.subf %gather3A_713, %gather3A_711 : vector<16xf32>
        %abs3A_716 = math.absf %sub3A_715 : vector<16xf32>
        %le3A_717 = arith.constant 1.42108547E-14 : f32
        %le3A_718 = vector.broadcast %le3A_717 : f32 to vector<16xf32>
        %le3A_719 = arith.cmpf ole, %abs3A_716, %le3A_718 : vector<16xf32>
        %sub3A_720 = arith.subf %convert_element_type3A_624, %gather3A_711 : vector<16xf32>
        %jit3A_721 = arith.constant 1.000000e+00 : f32
        %broadcast_in_dim3A_722 = vector.broadcast %jit3A_721 : f32 to vector<16xf32>
        %select_n3A_723 = arith.select %le3A_719, %broadcast_in_dim3A_722, %sub3A_715 : vector<16xi1>, vector<16xf32>
        %div3A_724 = arith.divf %sub3A_720, %select_n3A_723 : vector<16xf32>
        %sub3A_725 = arith.subf %gather3A_714, %gather3A_712 : vector<16xf32>
        %mul3A_726 = arith.mulf %div3A_724, %sub3A_725 : vector<16xf32>
        %add3A_727 = arith.addf %gather3A_712, %mul3A_726 : vector<16xf32>
        %select_n3A_728 = arith.select %le3A_719, %gather3A_712, %add3A_727 : vector<16xi1>, vector<16xf32>
        %lt3A_729 = vector.broadcast %squeeze3A : f32 to vector<16xf32>
        %lt3A_730 = arith.cmpf olt, %convert_element_type3A_624, %lt3A_729 : vector<16xf32>
        %broadcast_in_dim3A_731 = vector.broadcast %squeeze3A_494 : f32 to vector<16xf32>
        %select_n3A_732 = arith.select %lt3A_730, %broadcast_in_dim3A_731, %select_n3A_728 : vector<16xi1>, vector<16xf32>
        %gt3A_733 = vector.broadcast %squeeze3A_496 : f32 to vector<16xf32>
        %gt3A_734 = arith.cmpf ogt, %convert_element_type3A_624, %gt3A_733 : vector<16xf32>
        %broadcast_in_dim3A_735 = vector.broadcast %squeeze3A_498 : f32 to vector<16xf32>
        %select_n3A_736 = arith.select %gt3A_734, %broadcast_in_dim3A_735, %select_n3A_732 : vector<16xi1>, vector<16xf32>
        %add3A_737 = arith.constant 5.000000e-01 : f32
        %add3A_738 = vector.broadcast %add3A_737 : f32 to vector<16xf32>
        %add3A_739 = arith.addf %select_n3A_736, %add3A_738 : vector<16xf32>
        %max3A_740 = arith.constant 0.000000e+00 : f32
        %max3A_741 = vector.broadcast %max3A_740 : f32 to vector<16xf32>
        %max3A_742 = arith.maximumf %add3A_739, %max3A_741 : vector<16xf32>
        %min3A_743 = arith.constant 2.550000e+02 : f32
        %min3A_744 = vector.broadcast %min3A_743 : f32 to vector<16xf32>
        %min3A_745 = arith.minimumf %max3A_742, %min3A_744 : vector<16xf32>
        %add3A_746 = arith.constant 16 : i32
        %add3A_747 = arith.addi %mul3A_39, %add3A_746 : i32
        %add3A_748 = vector.broadcast %add3A_747 : i32 to vector<16xi32>
        %add3A_749 = arith.addi %add3A_748, %iota3A : vector<16xi32>
        %convert_element_type3A_750 = arith.fptosi %min3A_745 : vector<16xf32> to vector<16xi32>
        tpu.vector_store_idx %arg11[%add3A_749], %convert_element_type3A_750 : memref<512xi32, #tpu.memory_space<vmem>>[vector<16xi32>], vector<16xi32>,
        %add3A_751 = arith.constant 32 : i32
        %add3A_752 = vector.broadcast %add3A_751 : i32 to vector<16xi32>
        %add3A_753 = arith.addi %iota3A, %add3A_752 : vector<16xi32>
        %convert_element_type3A_754 = arith.sitofp %add3A_753 : vector<16xi32> to vector<16xf32>
        %add3A_755 = arith.constant 63 : i32
        %add3A_756 = vector.broadcast %add3A_755 : i32 to vector<16xi32>
        %add3A_757 = arith.addi %sub3A_492, %add3A_756 : vector<16xi32>
        %gather3A_758 = tpu.vector_load_idx %arg9[%add3A_757] : memref<128xf32, #tpu.memory_space<vmem>>[vector<16xi32>], vector<16xf32>,
        %le3A_759 = arith.cmpf ole, %gather3A_758, %convert_element_type3A_754 : vector<16xf32>
        %jit3A_760 = arith.constant 64 : i32
        %jit3A_761 = arith.constant 0 : i32
        %broadcast_in_dim3A_762 = vector.broadcast %jit3A_760 : i32 to vector<16xi32>
        %broadcast_in_dim3A_763 = vector.broadcast %jit3A_761 : i32 to vector<16xi32>
        %select_n3A_764 = arith.select %le3A_759, %broadcast_in_dim3A_762, %broadcast_in_dim3A_763 : vector<16xi1>, vector<16xi32>
        %add3A_765 = arith.addi %sub3A_492, %select_n3A_764 : vector<16xi32>
        %add3A_766 = arith.constant 31 : i32
        %add3A_767 = vector.broadcast %add3A_766 : i32 to vector<16xi32>
        %add3A_768 = arith.addi %add3A_765, %add3A_767 : vector<16xi32>
        %gather3A_769 = tpu.vector_load_idx %arg9[%add3A_768] : memref<128xf32, #tpu.memory_space<vmem>>[vector<16xi32>], vector<16xf32>,
        %le3A_770 = arith.cmpf ole, %gather3A_769, %convert_element_type3A_754 : vector<16xf32>
        %jit3A_771 = arith.constant 32 : i32
        %jit3A_772 = arith.constant 0 : i32
        %broadcast_in_dim3A_773 = vector.broadcast %jit3A_771 : i32 to vector<16xi32>
        %broadcast_in_dim3A_774 = vector.broadcast %jit3A_772 : i32 to vector<16xi32>
        %select_n3A_775 = arith.select %le3A_770, %broadcast_in_dim3A_773, %broadcast_in_dim3A_774 : vector<16xi1>, vector<16xi32>
        %add3A_776 = arith.addi %add3A_765, %select_n3A_775 : vector<16xi32>
        %add3A_777 = arith.constant 15 : i32
        %add3A_778 = vector.broadcast %add3A_777 : i32 to vector<16xi32>
        %add3A_779 = arith.addi %add3A_776, %add3A_778 : vector<16xi32>
        %gather3A_780 = tpu.vector_load_idx %arg9[%add3A_779] : memref<128xf32, #tpu.memory_space<vmem>>[vector<16xi32>], vector<16xf32>,
        %le3A_781 = arith.cmpf ole, %gather3A_780, %convert_element_type3A_754 : vector<16xf32>
        %jit3A_782 = arith.constant 16 : i32
        %jit3A_783 = arith.constant 0 : i32
        %broadcast_in_dim3A_784 = vector.broadcast %jit3A_782 : i32 to vector<16xi32>
        %broadcast_in_dim3A_785 = vector.broadcast %jit3A_783 : i32 to vector<16xi32>
        %select_n3A_786 = arith.select %le3A_781, %broadcast_in_dim3A_784, %broadcast_in_dim3A_785 : vector<16xi1>, vector<16xi32>
        %add3A_787 = arith.addi %add3A_776, %select_n3A_786 : vector<16xi32>
        %add3A_788 = arith.constant 7 : i32
        %add3A_789 = vector.broadcast %add3A_788 : i32 to vector<16xi32>
        %add3A_790 = arith.addi %add3A_787, %add3A_789 : vector<16xi32>
        %gather3A_791 = tpu.vector_load_idx %arg9[%add3A_790] : memref<128xf32, #tpu.memory_space<vmem>>[vector<16xi32>], vector<16xf32>,
        %le3A_792 = arith.cmpf ole, %gather3A_791, %convert_element_type3A_754 : vector<16xf32>
        %jit3A_793 = arith.constant 8 : i32
        %jit3A_794 = arith.constant 0 : i32
        %broadcast_in_dim3A_795 = vector.broadcast %jit3A_793 : i32 to vector<16xi32>
        %broadcast_in_dim3A_796 = vector.broadcast %jit3A_794 : i32 to vector<16xi32>
        %select_n3A_797 = arith.select %le3A_792, %broadcast_in_dim3A_795, %broadcast_in_dim3A_796 : vector<16xi1>, vector<16xi32>
        %add3A_798 = arith.addi %add3A_787, %select_n3A_797 : vector<16xi32>
        %add3A_799 = arith.constant 3 : i32
        %add3A_800 = vector.broadcast %add3A_799 : i32 to vector<16xi32>
        %add3A_801 = arith.addi %add3A_798, %add3A_800 : vector<16xi32>
        %gather3A_802 = tpu.vector_load_idx %arg9[%add3A_801] : memref<128xf32, #tpu.memory_space<vmem>>[vector<16xi32>], vector<16xf32>,
        %le3A_803 = arith.cmpf ole, %gather3A_802, %convert_element_type3A_754 : vector<16xf32>
        %jit3A_804 = arith.constant 4 : i32
        %jit3A_805 = arith.constant 0 : i32
        %broadcast_in_dim3A_806 = vector.broadcast %jit3A_804 : i32 to vector<16xi32>
        %broadcast_in_dim3A_807 = vector.broadcast %jit3A_805 : i32 to vector<16xi32>
        %select_n3A_808 = arith.select %le3A_803, %broadcast_in_dim3A_806, %broadcast_in_dim3A_807 : vector<16xi1>, vector<16xi32>
        %add3A_809 = arith.addi %add3A_798, %select_n3A_808 : vector<16xi32>
        %add3A_810 = arith.constant 1 : i32
        %add3A_811 = vector.broadcast %add3A_810 : i32 to vector<16xi32>
        %add3A_812 = arith.addi %add3A_809, %add3A_811 : vector<16xi32>
        %gather3A_813 = tpu.vector_load_idx %arg9[%add3A_812] : memref<128xf32, #tpu.memory_space<vmem>>[vector<16xi32>], vector<16xf32>,
        %le3A_814 = arith.cmpf ole, %gather3A_813, %convert_element_type3A_754 : vector<16xf32>
        %jit3A_815 = arith.constant 2 : i32
        %jit3A_816 = arith.constant 0 : i32
        %broadcast_in_dim3A_817 = vector.broadcast %jit3A_815 : i32 to vector<16xi32>
        %broadcast_in_dim3A_818 = vector.broadcast %jit3A_816 : i32 to vector<16xi32>
        %select_n3A_819 = arith.select %le3A_814, %broadcast_in_dim3A_817, %broadcast_in_dim3A_818 : vector<16xi1>, vector<16xi32>
        %add3A_820 = arith.addi %add3A_809, %select_n3A_819 : vector<16xi32>
        %add3A_821 = arith.constant 0 : i32
        %add3A_822 = vector.broadcast %add3A_821 : i32 to vector<16xi32>
        %add3A_823 = arith.addi %add3A_820, %add3A_822 : vector<16xi32>
        %gather3A_824 = tpu.vector_load_idx %arg9[%add3A_823] : memref<128xf32, #tpu.memory_space<vmem>>[vector<16xi32>], vector<16xf32>,
        %le3A_825 = arith.cmpf ole, %gather3A_824, %convert_element_type3A_754 : vector<16xf32>
        %jit3A_826 = arith.constant 1 : i32
        %jit3A_827 = arith.constant 0 : i32
        %broadcast_in_dim3A_828 = vector.broadcast %jit3A_826 : i32 to vector<16xi32>
        %broadcast_in_dim3A_829 = vector.broadcast %jit3A_827 : i32 to vector<16xi32>
        %select_n3A_830 = arith.select %le3A_825, %broadcast_in_dim3A_828, %broadcast_in_dim3A_829 : vector<16xi1>, vector<16xi32>
        %add3A_831 = arith.addi %add3A_820, %select_n3A_830 : vector<16xi32>
        %jit3A_832 = arith.constant 1 : i32
        %jit3A_833 = arith.constant 127 : i32
        %max3A_834 = vector.broadcast %jit3A_832 : i32 to vector<16xi32>
        %max3A_835 = arith.maxsi %max3A_834, %add3A_831 : vector<16xi32>
        %min3A_836 = vector.broadcast %jit3A_833 : i32 to vector<16xi32>
        %min3A_837 = arith.minsi %min3A_836, %max3A_835 : vector<16xi32>
        %sub3A_838 = arith.constant 1 : i32
        %sub3A_839 = vector.broadcast %sub3A_838 : i32 to vector<16xi32>
        %sub3A_840 = arith.subi %min3A_837, %sub3A_839 : vector<16xi32>
        %gather3A_841 = tpu.vector_load_idx %arg9[%sub3A_840] : memref<128xf32, #tpu.memory_space<vmem>>[vector<16xi32>], vector<16xf32>,
        %gather3A_842 = tpu.vector_load_idx %arg10[%sub3A_840] : memref<128xf32, #tpu.memory_space<vmem>>[vector<16xi32>], vector<16xf32>,
        %gather3A_843 = tpu.vector_load_idx %arg9[%min3A_837] : memref<128xf32, #tpu.memory_space<vmem>>[vector<16xi32>], vector<16xf32>,
        %gather3A_844 = tpu.vector_load_idx %arg10[%min3A_837] : memref<128xf32, #tpu.memory_space<vmem>>[vector<16xi32>], vector<16xf32>,
        %sub3A_845 = arith.subf %gather3A_843, %gather3A_841 : vector<16xf32>
        %abs3A_846 = math.absf %sub3A_845 : vector<16xf32>
        %le3A_847 = arith.constant 1.42108547E-14 : f32
        %le3A_848 = vector.broadcast %le3A_847 : f32 to vector<16xf32>
        %le3A_849 = arith.cmpf ole, %abs3A_846, %le3A_848 : vector<16xf32>
        %sub3A_850 = arith.subf %convert_element_type3A_754, %gather3A_841 : vector<16xf32>
        %jit3A_851 = arith.constant 1.000000e+00 : f32
        %broadcast_in_dim3A_852 = vector.broadcast %jit3A_851 : f32 to vector<16xf32>
        %select_n3A_853 = arith.select %le3A_849, %broadcast_in_dim3A_852, %sub3A_845 : vector<16xi1>, vector<16xf32>
        %div3A_854 = arith.divf %sub3A_850, %select_n3A_853 : vector<16xf32>
        %sub3A_855 = arith.subf %gather3A_844, %gather3A_842 : vector<16xf32>
        %mul3A_856 = arith.mulf %div3A_854, %sub3A_855 : vector<16xf32>
        %add3A_857 = arith.addf %gather3A_842, %mul3A_856 : vector<16xf32>
        %select_n3A_858 = arith.select %le3A_849, %gather3A_842, %add3A_857 : vector<16xi1>, vector<16xf32>
        %lt3A_859 = vector.broadcast %squeeze3A : f32 to vector<16xf32>
        %lt3A_860 = arith.cmpf olt, %convert_element_type3A_754, %lt3A_859 : vector<16xf32>
        %broadcast_in_dim3A_861 = vector.broadcast %squeeze3A_494 : f32 to vector<16xf32>
        %select_n3A_862 = arith.select %lt3A_860, %broadcast_in_dim3A_861, %select_n3A_858 : vector<16xi1>, vector<16xf32>
        %gt3A_863 = vector.broadcast %squeeze3A_496 : f32 to vector<16xf32>
        %gt3A_864 = arith.cmpf ogt, %convert_element_type3A_754, %gt3A_863 : vector<16xf32>
        %broadcast_in_dim3A_865 = vector.broadcast %squeeze3A_498 : f32 to vector<16xf32>
        %select_n3A_866 = arith.select %gt3A_864, %broadcast_in_dim3A_865, %select_n3A_862 : vector<16xi1>, vector<16xf32>
        %add3A_867 = arith.constant 5.000000e-01 : f32
        %add3A_868 = vector.broadcast %add3A_867 : f32 to vector<16xf32>
        %add3A_869 = arith.addf %select_n3A_866, %add3A_868 : vector<16xf32>
        %max3A_870 = arith.constant 0.000000e+00 : f32
        %max3A_871 = vector.broadcast %max3A_870 : f32 to vector<16xf32>
        %max3A_872 = arith.maximumf %add3A_869, %max3A_871 : vector<16xf32>
        %min3A_873 = arith.constant 2.550000e+02 : f32
        %min3A_874 = vector.broadcast %min3A_873 : f32 to vector<16xf32>
        %min3A_875 = arith.minimumf %max3A_872, %min3A_874 : vector<16xf32>
        %add3A_876 = arith.constant 32 : i32
        %add3A_877 = arith.addi %mul3A_39, %add3A_876 : i32
        %add3A_878 = vector.broadcast %add3A_877 : i32 to vector<16xi32>
        %add3A_879 = arith.addi %add3A_878, %iota3A : vector<16xi32>
        %convert_element_type3A_880 = arith.fptosi %min3A_875 : vector<16xf32> to vector<16xi32>
        tpu.vector_store_idx %arg11[%add3A_879], %convert_element_type3A_880 : memref<512xi32, #tpu.memory_space<vmem>>[vector<16xi32>], vector<16xi32>,
        %add3A_881 = arith.constant 48 : i32
        %add3A_882 = vector.broadcast %add3A_881 : i32 to vector<16xi32>
        %add3A_883 = arith.addi %iota3A, %add3A_882 : vector<16xi32>
        %convert_element_type3A_884 = arith.sitofp %add3A_883 : vector<16xi32> to vector<16xf32>
        %add3A_885 = arith.constant 63 : i32
        %add3A_886 = vector.broadcast %add3A_885 : i32 to vector<16xi32>
        %add3A_887 = arith.addi %sub3A_492, %add3A_886 : vector<16xi32>
        %gather3A_888 = tpu.vector_load_idx %arg9[%add3A_887] : memref<128xf32, #tpu.memory_space<vmem>>[vector<16xi32>], vector<16xf32>,
        %le3A_889 = arith.cmpf ole, %gather3A_888, %convert_element_type3A_884 : vector<16xf32>
        %jit3A_890 = arith.constant 64 : i32
        %jit3A_891 = arith.constant 0 : i32
        %broadcast_in_dim3A_892 = vector.broadcast %jit3A_890 : i32 to vector<16xi32>
        %broadcast_in_dim3A_893 = vector.broadcast %jit3A_891 : i32 to vector<16xi32>
        %select_n3A_894 = arith.select %le3A_889, %broadcast_in_dim3A_892, %broadcast_in_dim3A_893 : vector<16xi1>, vector<16xi32>
        %add3A_895 = arith.addi %sub3A_492, %select_n3A_894 : vector<16xi32>
        %add3A_896 = arith.constant 31 : i32
        %add3A_897 = vector.broadcast %add3A_896 : i32 to vector<16xi32>
        %add3A_898 = arith.addi %add3A_895, %add3A_897 : vector<16xi32>
        %gather3A_899 = tpu.vector_load_idx %arg9[%add3A_898] : memref<128xf32, #tpu.memory_space<vmem>>[vector<16xi32>], vector<16xf32>,
        %le3A_900 = arith.cmpf ole, %gather3A_899, %convert_element_type3A_884 : vector<16xf32>
        %jit3A_901 = arith.constant 32 : i32
        %jit3A_902 = arith.constant 0 : i32
        %broadcast_in_dim3A_903 = vector.broadcast %jit3A_901 : i32 to vector<16xi32>
        %broadcast_in_dim3A_904 = vector.broadcast %jit3A_902 : i32 to vector<16xi32>
        %select_n3A_905 = arith.select %le3A_900, %broadcast_in_dim3A_903, %broadcast_in_dim3A_904 : vector<16xi1>, vector<16xi32>
        %add3A_906 = arith.addi %add3A_895, %select_n3A_905 : vector<16xi32>
        %add3A_907 = arith.constant 15 : i32
        %add3A_908 = vector.broadcast %add3A_907 : i32 to vector<16xi32>
        %add3A_909 = arith.addi %add3A_906, %add3A_908 : vector<16xi32>
        %gather3A_910 = tpu.vector_load_idx %arg9[%add3A_909] : memref<128xf32, #tpu.memory_space<vmem>>[vector<16xi32>], vector<16xf32>,
        %le3A_911 = arith.cmpf ole, %gather3A_910, %convert_element_type3A_884 : vector<16xf32>
        %jit3A_912 = arith.constant 16 : i32
        %jit3A_913 = arith.constant 0 : i32
        %broadcast_in_dim3A_914 = vector.broadcast %jit3A_912 : i32 to vector<16xi32>
        %broadcast_in_dim3A_915 = vector.broadcast %jit3A_913 : i32 to vector<16xi32>
        %select_n3A_916 = arith.select %le3A_911, %broadcast_in_dim3A_914, %broadcast_in_dim3A_915 : vector<16xi1>, vector<16xi32>
        %add3A_917 = arith.addi %add3A_906, %select_n3A_916 : vector<16xi32>
        %add3A_918 = arith.constant 7 : i32
        %add3A_919 = vector.broadcast %add3A_918 : i32 to vector<16xi32>
        %add3A_920 = arith.addi %add3A_917, %add3A_919 : vector<16xi32>
        %gather3A_921 = tpu.vector_load_idx %arg9[%add3A_920] : memref<128xf32, #tpu.memory_space<vmem>>[vector<16xi32>], vector<16xf32>,
        %le3A_922 = arith.cmpf ole, %gather3A_921, %convert_element_type3A_884 : vector<16xf32>
        %jit3A_923 = arith.constant 8 : i32
        %jit3A_924 = arith.constant 0 : i32
        %broadcast_in_dim3A_925 = vector.broadcast %jit3A_923 : i32 to vector<16xi32>
        %broadcast_in_dim3A_926 = vector.broadcast %jit3A_924 : i32 to vector<16xi32>
        %select_n3A_927 = arith.select %le3A_922, %broadcast_in_dim3A_925, %broadcast_in_dim3A_926 : vector<16xi1>, vector<16xi32>
        %add3A_928 = arith.addi %add3A_917, %select_n3A_927 : vector<16xi32>
        %add3A_929 = arith.constant 3 : i32
        %add3A_930 = vector.broadcast %add3A_929 : i32 to vector<16xi32>
        %add3A_931 = arith.addi %add3A_928, %add3A_930 : vector<16xi32>
        %gather3A_932 = tpu.vector_load_idx %arg9[%add3A_931] : memref<128xf32, #tpu.memory_space<vmem>>[vector<16xi32>], vector<16xf32>,
        %le3A_933 = arith.cmpf ole, %gather3A_932, %convert_element_type3A_884 : vector<16xf32>
        %jit3A_934 = arith.constant 4 : i32
        %jit3A_935 = arith.constant 0 : i32
        %broadcast_in_dim3A_936 = vector.broadcast %jit3A_934 : i32 to vector<16xi32>
        %broadcast_in_dim3A_937 = vector.broadcast %jit3A_935 : i32 to vector<16xi32>
        %select_n3A_938 = arith.select %le3A_933, %broadcast_in_dim3A_936, %broadcast_in_dim3A_937 : vector<16xi1>, vector<16xi32>
        %add3A_939 = arith.addi %add3A_928, %select_n3A_938 : vector<16xi32>
        %add3A_940 = arith.constant 1 : i32
        %add3A_941 = vector.broadcast %add3A_940 : i32 to vector<16xi32>
        %add3A_942 = arith.addi %add3A_939, %add3A_941 : vector<16xi32>
        %gather3A_943 = tpu.vector_load_idx %arg9[%add3A_942] : memref<128xf32, #tpu.memory_space<vmem>>[vector<16xi32>], vector<16xf32>,
        %le3A_944 = arith.cmpf ole, %gather3A_943, %convert_element_type3A_884 : vector<16xf32>
        %jit3A_945 = arith.constant 2 : i32
        %jit3A_946 = arith.constant 0 : i32
        %broadcast_in_dim3A_947 = vector.broadcast %jit3A_945 : i32 to vector<16xi32>
        %broadcast_in_dim3A_948 = vector.broadcast %jit3A_946 : i32 to vector<16xi32>
        %select_n3A_949 = arith.select %le3A_944, %broadcast_in_dim3A_947, %broadcast_in_dim3A_948 : vector<16xi1>, vector<16xi32>
        %add3A_950 = arith.addi %add3A_939, %select_n3A_949 : vector<16xi32>
        %add3A_951 = arith.constant 0 : i32
        %add3A_952 = vector.broadcast %add3A_951 : i32 to vector<16xi32>
        %add3A_953 = arith.addi %add3A_950, %add3A_952 : vector<16xi32>
        %gather3A_954 = tpu.vector_load_idx %arg9[%add3A_953] : memref<128xf32, #tpu.memory_space<vmem>>[vector<16xi32>], vector<16xf32>,
        %le3A_955 = arith.cmpf ole, %gather3A_954, %convert_element_type3A_884 : vector<16xf32>
        %jit3A_956 = arith.constant 1 : i32
        %jit3A_957 = arith.constant 0 : i32
        %broadcast_in_dim3A_958 = vector.broadcast %jit3A_956 : i32 to vector<16xi32>
        %broadcast_in_dim3A_959 = vector.broadcast %jit3A_957 : i32 to vector<16xi32>
        %select_n3A_960 = arith.select %le3A_955, %broadcast_in_dim3A_958, %broadcast_in_dim3A_959 : vector<16xi1>, vector<16xi32>
        %add3A_961 = arith.addi %add3A_950, %select_n3A_960 : vector<16xi32>
        %jit3A_962 = arith.constant 1 : i32
        %jit3A_963 = arith.constant 127 : i32
        %max3A_964 = vector.broadcast %jit3A_962 : i32 to vector<16xi32>
        %max3A_965 = arith.maxsi %max3A_964, %add3A_961 : vector<16xi32>
        %min3A_966 = vector.broadcast %jit3A_963 : i32 to vector<16xi32>
        %min3A_967 = arith.minsi %min3A_966, %max3A_965 : vector<16xi32>
        %sub3A_968 = arith.constant 1 : i32
        %sub3A_969 = vector.broadcast %sub3A_968 : i32 to vector<16xi32>
        %sub3A_970 = arith.subi %min3A_967, %sub3A_969 : vector<16xi32>
        %gather3A_971 = tpu.vector_load_idx %arg9[%sub3A_970] : memref<128xf32, #tpu.memory_space<vmem>>[vector<16xi32>], vector<16xf32>,
        %gather3A_972 = tpu.vector_load_idx %arg10[%sub3A_970] : memref<128xf32, #tpu.memory_space<vmem>>[vector<16xi32>], vector<16xf32>,
        %gather3A_973 = tpu.vector_load_idx %arg9[%min3A_967] : memref<128xf32, #tpu.memory_space<vmem>>[vector<16xi32>], vector<16xf32>,
        %gather3A_974 = tpu.vector_load_idx %arg10[%min3A_967] : memref<128xf32, #tpu.memory_space<vmem>>[vector<16xi32>], vector<16xf32>,
        %sub3A_975 = arith.subf %gather3A_973, %gather3A_971 : vector<16xf32>
        %abs3A_976 = math.absf %sub3A_975 : vector<16xf32>
        %le3A_977 = arith.constant 1.42108547E-14 : f32
        %le3A_978 = vector.broadcast %le3A_977 : f32 to vector<16xf32>
        %le3A_979 = arith.cmpf ole, %abs3A_976, %le3A_978 : vector<16xf32>
        %sub3A_980 = arith.subf %convert_element_type3A_884, %gather3A_971 : vector<16xf32>
        %jit3A_981 = arith.constant 1.000000e+00 : f32
        %broadcast_in_dim3A_982 = vector.broadcast %jit3A_981 : f32 to vector<16xf32>
        %select_n3A_983 = arith.select %le3A_979, %broadcast_in_dim3A_982, %sub3A_975 : vector<16xi1>, vector<16xf32>
        %div3A_984 = arith.divf %sub3A_980, %select_n3A_983 : vector<16xf32>
        %sub3A_985 = arith.subf %gather3A_974, %gather3A_972 : vector<16xf32>
        %mul3A_986 = arith.mulf %div3A_984, %sub3A_985 : vector<16xf32>
        %add3A_987 = arith.addf %gather3A_972, %mul3A_986 : vector<16xf32>
        %select_n3A_988 = arith.select %le3A_979, %gather3A_972, %add3A_987 : vector<16xi1>, vector<16xf32>
        %lt3A_989 = vector.broadcast %squeeze3A : f32 to vector<16xf32>
        %lt3A_990 = arith.cmpf olt, %convert_element_type3A_884, %lt3A_989 : vector<16xf32>
        %broadcast_in_dim3A_991 = vector.broadcast %squeeze3A_494 : f32 to vector<16xf32>
        %select_n3A_992 = arith.select %lt3A_990, %broadcast_in_dim3A_991, %select_n3A_988 : vector<16xi1>, vector<16xf32>
        %gt3A_993 = vector.broadcast %squeeze3A_496 : f32 to vector<16xf32>
        %gt3A_994 = arith.cmpf ogt, %convert_element_type3A_884, %gt3A_993 : vector<16xf32>
        %broadcast_in_dim3A_995 = vector.broadcast %squeeze3A_498 : f32 to vector<16xf32>
        %select_n3A_996 = arith.select %gt3A_994, %broadcast_in_dim3A_995, %select_n3A_992 : vector<16xi1>, vector<16xf32>
        %add3A_997 = arith.constant 5.000000e-01 : f32
        %add3A_998 = vector.broadcast %add3A_997 : f32 to vector<16xf32>
        %add3A_999 = arith.addf %select_n3A_996, %add3A_998 : vector<16xf32>
        %max3A_1000 = arith.constant 0.000000e+00 : f32
        %max3A_1001 = vector.broadcast %max3A_1000 : f32 to vector<16xf32>
        %max3A_1002 = arith.maximumf %add3A_999, %max3A_1001 : vector<16xf32>
        %min3A_1003 = arith.constant 2.550000e+02 : f32
        %min3A_1004 = vector.broadcast %min3A_1003 : f32 to vector<16xf32>
        %min3A_1005 = arith.minimumf %max3A_1002, %min3A_1004 : vector<16xf32>
        %add3A_1006 = arith.constant 48 : i32
        %add3A_1007 = arith.addi %mul3A_39, %add3A_1006 : i32
        %add3A_1008 = vector.broadcast %add3A_1007 : i32 to vector<16xi32>
        %add3A_1009 = arith.addi %add3A_1008, %iota3A : vector<16xi32>
        %convert_element_type3A_1010 = arith.fptosi %min3A_1005 : vector<16xf32> to vector<16xi32>
        tpu.vector_store_idx %arg11[%add3A_1009], %convert_element_type3A_1010 : memref<512xi32, #tpu.memory_space<vmem>>[vector<16xi32>], vector<16xi32>,
        %add3A_1011 = arith.constant 64 : i32
        %add3A_1012 = vector.broadcast %add3A_1011 : i32 to vector<16xi32>
        %add3A_1013 = arith.addi %iota3A, %add3A_1012 : vector<16xi32>
        %convert_element_type3A_1014 = arith.sitofp %add3A_1013 : vector<16xi32> to vector<16xf32>
        %add3A_1015 = arith.constant 63 : i32
        %add3A_1016 = vector.broadcast %add3A_1015 : i32 to vector<16xi32>
        %add3A_1017 = arith.addi %sub3A_492, %add3A_1016 : vector<16xi32>
        %gather3A_1018 = tpu.vector_load_idx %arg9[%add3A_1017] : memref<128xf32, #tpu.memory_space<vmem>>[vector<16xi32>], vector<16xf32>,
        %le3A_1019 = arith.cmpf ole, %gather3A_1018, %convert_element_type3A_1014 : vector<16xf32>
        %jit3A_1020 = arith.constant 64 : i32
        %jit3A_1021 = arith.constant 0 : i32
        %broadcast_in_dim3A_1022 = vector.broadcast %jit3A_1020 : i32 to vector<16xi32>
        %broadcast_in_dim3A_1023 = vector.broadcast %jit3A_1021 : i32 to vector<16xi32>
        %select_n3A_1024 = arith.select %le3A_1019, %broadcast_in_dim3A_1022, %broadcast_in_dim3A_1023 : vector<16xi1>, vector<16xi32>
        %add3A_1025 = arith.addi %sub3A_492, %select_n3A_1024 : vector<16xi32>
        %add3A_1026 = arith.constant 31 : i32
        %add3A_1027 = vector.broadcast %add3A_1026 : i32 to vector<16xi32>
        %add3A_1028 = arith.addi %add3A_1025, %add3A_1027 : vector<16xi32>
        %gather3A_1029 = tpu.vector_load_idx %arg9[%add3A_1028] : memref<128xf32, #tpu.memory_space<vmem>>[vector<16xi32>], vector<16xf32>,
        %le3A_1030 = arith.cmpf ole, %gather3A_1029, %convert_element_type3A_1014 : vector<16xf32>
        %jit3A_1031 = arith.constant 32 : i32
        %jit3A_1032 = arith.constant 0 : i32
        %broadcast_in_dim3A_1033 = vector.broadcast %jit3A_1031 : i32 to vector<16xi32>
        %broadcast_in_dim3A_1034 = vector.broadcast %jit3A_1032 : i32 to vector<16xi32>
        %select_n3A_1035 = arith.select %le3A_1030, %broadcast_in_dim3A_1033, %broadcast_in_dim3A_1034 : vector<16xi1>, vector<16xi32>
        %add3A_1036 = arith.addi %add3A_1025, %select_n3A_1035 : vector<16xi32>
        %add3A_1037 = arith.constant 15 : i32
        %add3A_1038 = vector.broadcast %add3A_1037 : i32 to vector<16xi32>
        %add3A_1039 = arith.addi %add3A_1036, %add3A_1038 : vector<16xi32>
        %gather3A_1040 = tpu.vector_load_idx %arg9[%add3A_1039] : memref<128xf32, #tpu.memory_space<vmem>>[vector<16xi32>], vector<16xf32>,
        %le3A_1041 = arith.cmpf ole, %gather3A_1040, %convert_element_type3A_1014 : vector<16xf32>
        %jit3A_1042 = arith.constant 16 : i32
        %jit3A_1043 = arith.constant 0 : i32
        %broadcast_in_dim3A_1044 = vector.broadcast %jit3A_1042 : i32 to vector<16xi32>
        %broadcast_in_dim3A_1045 = vector.broadcast %jit3A_1043 : i32 to vector<16xi32>
        %select_n3A_1046 = arith.select %le3A_1041, %broadcast_in_dim3A_1044, %broadcast_in_dim3A_1045 : vector<16xi1>, vector<16xi32>
        %add3A_1047 = arith.addi %add3A_1036, %select_n3A_1046 : vector<16xi32>
        %add3A_1048 = arith.constant 7 : i32
        %add3A_1049 = vector.broadcast %add3A_1048 : i32 to vector<16xi32>
        %add3A_1050 = arith.addi %add3A_1047, %add3A_1049 : vector<16xi32>
        %gather3A_1051 = tpu.vector_load_idx %arg9[%add3A_1050] : memref<128xf32, #tpu.memory_space<vmem>>[vector<16xi32>], vector<16xf32>,
        %le3A_1052 = arith.cmpf ole, %gather3A_1051, %convert_element_type3A_1014 : vector<16xf32>
        %jit3A_1053 = arith.constant 8 : i32
        %jit3A_1054 = arith.constant 0 : i32
        %broadcast_in_dim3A_1055 = vector.broadcast %jit3A_1053 : i32 to vector<16xi32>
        %broadcast_in_dim3A_1056 = vector.broadcast %jit3A_1054 : i32 to vector<16xi32>
        %select_n3A_1057 = arith.select %le3A_1052, %broadcast_in_dim3A_1055, %broadcast_in_dim3A_1056 : vector<16xi1>, vector<16xi32>
        %add3A_1058 = arith.addi %add3A_1047, %select_n3A_1057 : vector<16xi32>
        %add3A_1059 = arith.constant 3 : i32
        %add3A_1060 = vector.broadcast %add3A_1059 : i32 to vector<16xi32>
        %add3A_1061 = arith.addi %add3A_1058, %add3A_1060 : vector<16xi32>
        %gather3A_1062 = tpu.vector_load_idx %arg9[%add3A_1061] : memref<128xf32, #tpu.memory_space<vmem>>[vector<16xi32>], vector<16xf32>,
        %le3A_1063 = arith.cmpf ole, %gather3A_1062, %convert_element_type3A_1014 : vector<16xf32>
        %jit3A_1064 = arith.constant 4 : i32
        %jit3A_1065 = arith.constant 0 : i32
        %broadcast_in_dim3A_1066 = vector.broadcast %jit3A_1064 : i32 to vector<16xi32>
        %broadcast_in_dim3A_1067 = vector.broadcast %jit3A_1065 : i32 to vector<16xi32>
        %select_n3A_1068 = arith.select %le3A_1063, %broadcast_in_dim3A_1066, %broadcast_in_dim3A_1067 : vector<16xi1>, vector<16xi32>
        %add3A_1069 = arith.addi %add3A_1058, %select_n3A_1068 : vector<16xi32>
        %add3A_1070 = arith.constant 1 : i32
        %add3A_1071 = vector.broadcast %add3A_1070 : i32 to vector<16xi32>
        %add3A_1072 = arith.addi %add3A_1069, %add3A_1071 : vector<16xi32>
        %gather3A_1073 = tpu.vector_load_idx %arg9[%add3A_1072] : memref<128xf32, #tpu.memory_space<vmem>>[vector<16xi32>], vector<16xf32>,
        %le3A_1074 = arith.cmpf ole, %gather3A_1073, %convert_element_type3A_1014 : vector<16xf32>
        %jit3A_1075 = arith.constant 2 : i32
        %jit3A_1076 = arith.constant 0 : i32
        %broadcast_in_dim3A_1077 = vector.broadcast %jit3A_1075 : i32 to vector<16xi32>
        %broadcast_in_dim3A_1078 = vector.broadcast %jit3A_1076 : i32 to vector<16xi32>
        %select_n3A_1079 = arith.select %le3A_1074, %broadcast_in_dim3A_1077, %broadcast_in_dim3A_1078 : vector<16xi1>, vector<16xi32>
        %add3A_1080 = arith.addi %add3A_1069, %select_n3A_1079 : vector<16xi32>
        %add3A_1081 = arith.constant 0 : i32
        %add3A_1082 = vector.broadcast %add3A_1081 : i32 to vector<16xi32>
        %add3A_1083 = arith.addi %add3A_1080, %add3A_1082 : vector<16xi32>
        %gather3A_1084 = tpu.vector_load_idx %arg9[%add3A_1083] : memref<128xf32, #tpu.memory_space<vmem>>[vector<16xi32>], vector<16xf32>,
        %le3A_1085 = arith.cmpf ole, %gather3A_1084, %convert_element_type3A_1014 : vector<16xf32>
        %jit3A_1086 = arith.constant 1 : i32
        %jit3A_1087 = arith.constant 0 : i32
        %broadcast_in_dim3A_1088 = vector.broadcast %jit3A_1086 : i32 to vector<16xi32>
        %broadcast_in_dim3A_1089 = vector.broadcast %jit3A_1087 : i32 to vector<16xi32>
        %select_n3A_1090 = arith.select %le3A_1085, %broadcast_in_dim3A_1088, %broadcast_in_dim3A_1089 : vector<16xi1>, vector<16xi32>
        %add3A_1091 = arith.addi %add3A_1080, %select_n3A_1090 : vector<16xi32>
        %jit3A_1092 = arith.constant 1 : i32
        %jit3A_1093 = arith.constant 127 : i32
        %max3A_1094 = vector.broadcast %jit3A_1092 : i32 to vector<16xi32>
        %max3A_1095 = arith.maxsi %max3A_1094, %add3A_1091 : vector<16xi32>
        %min3A_1096 = vector.broadcast %jit3A_1093 : i32 to vector<16xi32>
        %min3A_1097 = arith.minsi %min3A_1096, %max3A_1095 : vector<16xi32>
        %sub3A_1098 = arith.constant 1 : i32
        %sub3A_1099 = vector.broadcast %sub3A_1098 : i32 to vector<16xi32>
        %sub3A_1100 = arith.subi %min3A_1097, %sub3A_1099 : vector<16xi32>
        %gather3A_1101 = tpu.vector_load_idx %arg9[%sub3A_1100] : memref<128xf32, #tpu.memory_space<vmem>>[vector<16xi32>], vector<16xf32>,
        %gather3A_1102 = tpu.vector_load_idx %arg10[%sub3A_1100] : memref<128xf32, #tpu.memory_space<vmem>>[vector<16xi32>], vector<16xf32>,
        %gather3A_1103 = tpu.vector_load_idx %arg9[%min3A_1097] : memref<128xf32, #tpu.memory_space<vmem>>[vector<16xi32>], vector<16xf32>,
        %gather3A_1104 = tpu.vector_load_idx %arg10[%min3A_1097] : memref<128xf32, #tpu.memory_space<vmem>>[vector<16xi32>], vector<16xf32>,
        %sub3A_1105 = arith.subf %gather3A_1103, %gather3A_1101 : vector<16xf32>
        %abs3A_1106 = math.absf %sub3A_1105 : vector<16xf32>
        %le3A_1107 = arith.constant 1.42108547E-14 : f32
        %le3A_1108 = vector.broadcast %le3A_1107 : f32 to vector<16xf32>
        %le3A_1109 = arith.cmpf ole, %abs3A_1106, %le3A_1108 : vector<16xf32>
        %sub3A_1110 = arith.subf %convert_element_type3A_1014, %gather3A_1101 : vector<16xf32>
        %jit3A_1111 = arith.constant 1.000000e+00 : f32
        %broadcast_in_dim3A_1112 = vector.broadcast %jit3A_1111 : f32 to vector<16xf32>
        %select_n3A_1113 = arith.select %le3A_1109, %broadcast_in_dim3A_1112, %sub3A_1105 : vector<16xi1>, vector<16xf32>
        %div3A_1114 = arith.divf %sub3A_1110, %select_n3A_1113 : vector<16xf32>
        %sub3A_1115 = arith.subf %gather3A_1104, %gather3A_1102 : vector<16xf32>
        %mul3A_1116 = arith.mulf %div3A_1114, %sub3A_1115 : vector<16xf32>
        %add3A_1117 = arith.addf %gather3A_1102, %mul3A_1116 : vector<16xf32>
        %select_n3A_1118 = arith.select %le3A_1109, %gather3A_1102, %add3A_1117 : vector<16xi1>, vector<16xf32>
        %lt3A_1119 = vector.broadcast %squeeze3A : f32 to vector<16xf32>
        %lt3A_1120 = arith.cmpf olt, %convert_element_type3A_1014, %lt3A_1119 : vector<16xf32>
        %broadcast_in_dim3A_1121 = vector.broadcast %squeeze3A_494 : f32 to vector<16xf32>
        %select_n3A_1122 = arith.select %lt3A_1120, %broadcast_in_dim3A_1121, %select_n3A_1118 : vector<16xi1>, vector<16xf32>
        %gt3A_1123 = vector.broadcast %squeeze3A_496 : f32 to vector<16xf32>
        %gt3A_1124 = arith.cmpf ogt, %convert_element_type3A_1014, %gt3A_1123 : vector<16xf32>
        %broadcast_in_dim3A_1125 = vector.broadcast %squeeze3A_498 : f32 to vector<16xf32>
        %select_n3A_1126 = arith.select %gt3A_1124, %broadcast_in_dim3A_1125, %select_n3A_1122 : vector<16xi1>, vector<16xf32>
        %add3A_1127 = arith.constant 5.000000e-01 : f32
        %add3A_1128 = vector.broadcast %add3A_1127 : f32 to vector<16xf32>
        %add3A_1129 = arith.addf %select_n3A_1126, %add3A_1128 : vector<16xf32>
        %max3A_1130 = arith.constant 0.000000e+00 : f32
        %max3A_1131 = vector.broadcast %max3A_1130 : f32 to vector<16xf32>
        %max3A_1132 = arith.maximumf %add3A_1129, %max3A_1131 : vector<16xf32>
        %min3A_1133 = arith.constant 2.550000e+02 : f32
        %min3A_1134 = vector.broadcast %min3A_1133 : f32 to vector<16xf32>
        %min3A_1135 = arith.minimumf %max3A_1132, %min3A_1134 : vector<16xf32>
        %add3A_1136 = arith.constant 64 : i32
        %add3A_1137 = arith.addi %mul3A_39, %add3A_1136 : i32
        %add3A_1138 = vector.broadcast %add3A_1137 : i32 to vector<16xi32>
        %add3A_1139 = arith.addi %add3A_1138, %iota3A : vector<16xi32>
        %convert_element_type3A_1140 = arith.fptosi %min3A_1135 : vector<16xf32> to vector<16xi32>
        tpu.vector_store_idx %arg11[%add3A_1139], %convert_element_type3A_1140 : memref<512xi32, #tpu.memory_space<vmem>>[vector<16xi32>], vector<16xi32>,
        %add3A_1141 = arith.constant 80 : i32
        %add3A_1142 = vector.broadcast %add3A_1141 : i32 to vector<16xi32>
        %add3A_1143 = arith.addi %iota3A, %add3A_1142 : vector<16xi32>
        %convert_element_type3A_1144 = arith.sitofp %add3A_1143 : vector<16xi32> to vector<16xf32>
        %add3A_1145 = arith.constant 63 : i32
        %add3A_1146 = vector.broadcast %add3A_1145 : i32 to vector<16xi32>
        %add3A_1147 = arith.addi %sub3A_492, %add3A_1146 : vector<16xi32>
        %gather3A_1148 = tpu.vector_load_idx %arg9[%add3A_1147] : memref<128xf32, #tpu.memory_space<vmem>>[vector<16xi32>], vector<16xf32>,
        %le3A_1149 = arith.cmpf ole, %gather3A_1148, %convert_element_type3A_1144 : vector<16xf32>
        %jit3A_1150 = arith.constant 64 : i32
        %jit3A_1151 = arith.constant 0 : i32
        %broadcast_in_dim3A_1152 = vector.broadcast %jit3A_1150 : i32 to vector<16xi32>
        %broadcast_in_dim3A_1153 = vector.broadcast %jit3A_1151 : i32 to vector<16xi32>
        %select_n3A_1154 = arith.select %le3A_1149, %broadcast_in_dim3A_1152, %broadcast_in_dim3A_1153 : vector<16xi1>, vector<16xi32>
        %add3A_1155 = arith.addi %sub3A_492, %select_n3A_1154 : vector<16xi32>
        %add3A_1156 = arith.constant 31 : i32
        %add3A_1157 = vector.broadcast %add3A_1156 : i32 to vector<16xi32>
        %add3A_1158 = arith.addi %add3A_1155, %add3A_1157 : vector<16xi32>
        %gather3A_1159 = tpu.vector_load_idx %arg9[%add3A_1158] : memref<128xf32, #tpu.memory_space<vmem>>[vector<16xi32>], vector<16xf32>,
        %le3A_1160 = arith.cmpf ole, %gather3A_1159, %convert_element_type3A_1144 : vector<16xf32>
        %jit3A_1161 = arith.constant 32 : i32
        %jit3A_1162 = arith.constant 0 : i32
        %broadcast_in_dim3A_1163 = vector.broadcast %jit3A_1161 : i32 to vector<16xi32>
        %broadcast_in_dim3A_1164 = vector.broadcast %jit3A_1162 : i32 to vector<16xi32>
        %select_n3A_1165 = arith.select %le3A_1160, %broadcast_in_dim3A_1163, %broadcast_in_dim3A_1164 : vector<16xi1>, vector<16xi32>
        %add3A_1166 = arith.addi %add3A_1155, %select_n3A_1165 : vector<16xi32>
        %add3A_1167 = arith.constant 15 : i32
        %add3A_1168 = vector.broadcast %add3A_1167 : i32 to vector<16xi32>
        %add3A_1169 = arith.addi %add3A_1166, %add3A_1168 : vector<16xi32>
        %gather3A_1170 = tpu.vector_load_idx %arg9[%add3A_1169] : memref<128xf32, #tpu.memory_space<vmem>>[vector<16xi32>], vector<16xf32>,
        %le3A_1171 = arith.cmpf ole, %gather3A_1170, %convert_element_type3A_1144 : vector<16xf32>
        %jit3A_1172 = arith.constant 16 : i32
        %jit3A_1173 = arith.constant 0 : i32
        %broadcast_in_dim3A_1174 = vector.broadcast %jit3A_1172 : i32 to vector<16xi32>
        %broadcast_in_dim3A_1175 = vector.broadcast %jit3A_1173 : i32 to vector<16xi32>
        %select_n3A_1176 = arith.select %le3A_1171, %broadcast_in_dim3A_1174, %broadcast_in_dim3A_1175 : vector<16xi1>, vector<16xi32>
        %add3A_1177 = arith.addi %add3A_1166, %select_n3A_1176 : vector<16xi32>
        %add3A_1178 = arith.constant 7 : i32
        %add3A_1179 = vector.broadcast %add3A_1178 : i32 to vector<16xi32>
        %add3A_1180 = arith.addi %add3A_1177, %add3A_1179 : vector<16xi32>
        %gather3A_1181 = tpu.vector_load_idx %arg9[%add3A_1180] : memref<128xf32, #tpu.memory_space<vmem>>[vector<16xi32>], vector<16xf32>,
        %le3A_1182 = arith.cmpf ole, %gather3A_1181, %convert_element_type3A_1144 : vector<16xf32>
        %jit3A_1183 = arith.constant 8 : i32
        %jit3A_1184 = arith.constant 0 : i32
        %broadcast_in_dim3A_1185 = vector.broadcast %jit3A_1183 : i32 to vector<16xi32>
        %broadcast_in_dim3A_1186 = vector.broadcast %jit3A_1184 : i32 to vector<16xi32>
        %select_n3A_1187 = arith.select %le3A_1182, %broadcast_in_dim3A_1185, %broadcast_in_dim3A_1186 : vector<16xi1>, vector<16xi32>
        %add3A_1188 = arith.addi %add3A_1177, %select_n3A_1187 : vector<16xi32>
        %add3A_1189 = arith.constant 3 : i32
        %add3A_1190 = vector.broadcast %add3A_1189 : i32 to vector<16xi32>
        %add3A_1191 = arith.addi %add3A_1188, %add3A_1190 : vector<16xi32>
        %gather3A_1192 = tpu.vector_load_idx %arg9[%add3A_1191] : memref<128xf32, #tpu.memory_space<vmem>>[vector<16xi32>], vector<16xf32>,
        %le3A_1193 = arith.cmpf ole, %gather3A_1192, %convert_element_type3A_1144 : vector<16xf32>
        %jit3A_1194 = arith.constant 4 : i32
        %jit3A_1195 = arith.constant 0 : i32
        %broadcast_in_dim3A_1196 = vector.broadcast %jit3A_1194 : i32 to vector<16xi32>
        %broadcast_in_dim3A_1197 = vector.broadcast %jit3A_1195 : i32 to vector<16xi32>
        %select_n3A_1198 = arith.select %le3A_1193, %broadcast_in_dim3A_1196, %broadcast_in_dim3A_1197 : vector<16xi1>, vector<16xi32>
        %add3A_1199 = arith.addi %add3A_1188, %select_n3A_1198 : vector<16xi32>
        %add3A_1200 = arith.constant 1 : i32
        %add3A_1201 = vector.broadcast %add3A_1200 : i32 to vector<16xi32>
        %add3A_1202 = arith.addi %add3A_1199, %add3A_1201 : vector<16xi32>
        %gather3A_1203 = tpu.vector_load_idx %arg9[%add3A_1202] : memref<128xf32, #tpu.memory_space<vmem>>[vector<16xi32>], vector<16xf32>,
        %le3A_1204 = arith.cmpf ole, %gather3A_1203, %convert_element_type3A_1144 : vector<16xf32>
        %jit3A_1205 = arith.constant 2 : i32
        %jit3A_1206 = arith.constant 0 : i32
        %broadcast_in_dim3A_1207 = vector.broadcast %jit3A_1205 : i32 to vector<16xi32>
        %broadcast_in_dim3A_1208 = vector.broadcast %jit3A_1206 : i32 to vector<16xi32>
        %select_n3A_1209 = arith.select %le3A_1204, %broadcast_in_dim3A_1207, %broadcast_in_dim3A_1208 : vector<16xi1>, vector<16xi32>
        %add3A_1210 = arith.addi %add3A_1199, %select_n3A_1209 : vector<16xi32>
        %add3A_1211 = arith.constant 0 : i32
        %add3A_1212 = vector.broadcast %add3A_1211 : i32 to vector<16xi32>
        %add3A_1213 = arith.addi %add3A_1210, %add3A_1212 : vector<16xi32>
        %gather3A_1214 = tpu.vector_load_idx %arg9[%add3A_1213] : memref<128xf32, #tpu.memory_space<vmem>>[vector<16xi32>], vector<16xf32>,
        %le3A_1215 = arith.cmpf ole, %gather3A_1214, %convert_element_type3A_1144 : vector<16xf32>
        %jit3A_1216 = arith.constant 1 : i32
        %jit3A_1217 = arith.constant 0 : i32
        %broadcast_in_dim3A_1218 = vector.broadcast %jit3A_1216 : i32 to vector<16xi32>
        %broadcast_in_dim3A_1219 = vector.broadcast %jit3A_1217 : i32 to vector<16xi32>
        %select_n3A_1220 = arith.select %le3A_1215, %broadcast_in_dim3A_1218, %broadcast_in_dim3A_1219 : vector<16xi1>, vector<16xi32>
        %add3A_1221 = arith.addi %add3A_1210, %select_n3A_1220 : vector<16xi32>
        %jit3A_1222 = arith.constant 1 : i32
        %jit3A_1223 = arith.constant 127 : i32
        %max3A_1224 = vector.broadcast %jit3A_1222 : i32 to vector<16xi32>
        %max3A_1225 = arith.maxsi %max3A_1224, %add3A_1221 : vector<16xi32>
        %min3A_1226 = vector.broadcast %jit3A_1223 : i32 to vector<16xi32>
        %min3A_1227 = arith.minsi %min3A_1226, %max3A_1225 : vector<16xi32>
        %sub3A_1228 = arith.constant 1 : i32
        %sub3A_1229 = vector.broadcast %sub3A_1228 : i32 to vector<16xi32>
        %sub3A_1230 = arith.subi %min3A_1227, %sub3A_1229 : vector<16xi32>
        %gather3A_1231 = tpu.vector_load_idx %arg9[%sub3A_1230] : memref<128xf32, #tpu.memory_space<vmem>>[vector<16xi32>], vector<16xf32>,
        %gather3A_1232 = tpu.vector_load_idx %arg10[%sub3A_1230] : memref<128xf32, #tpu.memory_space<vmem>>[vector<16xi32>], vector<16xf32>,
        %gather3A_1233 = tpu.vector_load_idx %arg9[%min3A_1227] : memref<128xf32, #tpu.memory_space<vmem>>[vector<16xi32>], vector<16xf32>,
        %gather3A_1234 = tpu.vector_load_idx %arg10[%min3A_1227] : memref<128xf32, #tpu.memory_space<vmem>>[vector<16xi32>], vector<16xf32>,
        %sub3A_1235 = arith.subf %gather3A_1233, %gather3A_1231 : vector<16xf32>
        %abs3A_1236 = math.absf %sub3A_1235 : vector<16xf32>
        %le3A_1237 = arith.constant 1.42108547E-14 : f32
        %le3A_1238 = vector.broadcast %le3A_1237 : f32 to vector<16xf32>
        %le3A_1239 = arith.cmpf ole, %abs3A_1236, %le3A_1238 : vector<16xf32>
        %sub3A_1240 = arith.subf %convert_element_type3A_1144, %gather3A_1231 : vector<16xf32>
        %jit3A_1241 = arith.constant 1.000000e+00 : f32
        %broadcast_in_dim3A_1242 = vector.broadcast %jit3A_1241 : f32 to vector<16xf32>
        %select_n3A_1243 = arith.select %le3A_1239, %broadcast_in_dim3A_1242, %sub3A_1235 : vector<16xi1>, vector<16xf32>
        %div3A_1244 = arith.divf %sub3A_1240, %select_n3A_1243 : vector<16xf32>
        %sub3A_1245 = arith.subf %gather3A_1234, %gather3A_1232 : vector<16xf32>
        %mul3A_1246 = arith.mulf %div3A_1244, %sub3A_1245 : vector<16xf32>
        %add3A_1247 = arith.addf %gather3A_1232, %mul3A_1246 : vector<16xf32>
        %select_n3A_1248 = arith.select %le3A_1239, %gather3A_1232, %add3A_1247 : vector<16xi1>, vector<16xf32>
        %lt3A_1249 = vector.broadcast %squeeze3A : f32 to vector<16xf32>
        %lt3A_1250 = arith.cmpf olt, %convert_element_type3A_1144, %lt3A_1249 : vector<16xf32>
        %broadcast_in_dim3A_1251 = vector.broadcast %squeeze3A_494 : f32 to vector<16xf32>
        %select_n3A_1252 = arith.select %lt3A_1250, %broadcast_in_dim3A_1251, %select_n3A_1248 : vector<16xi1>, vector<16xf32>
        %gt3A_1253 = vector.broadcast %squeeze3A_496 : f32 to vector<16xf32>
        %gt3A_1254 = arith.cmpf ogt, %convert_element_type3A_1144, %gt3A_1253 : vector<16xf32>
        %broadcast_in_dim3A_1255 = vector.broadcast %squeeze3A_498 : f32 to vector<16xf32>
        %select_n3A_1256 = arith.select %gt3A_1254, %broadcast_in_dim3A_1255, %select_n3A_1252 : vector<16xi1>, vector<16xf32>
        %add3A_1257 = arith.constant 5.000000e-01 : f32
        %add3A_1258 = vector.broadcast %add3A_1257 : f32 to vector<16xf32>
        %add3A_1259 = arith.addf %select_n3A_1256, %add3A_1258 : vector<16xf32>
        %max3A_1260 = arith.constant 0.000000e+00 : f32
        %max3A_1261 = vector.broadcast %max3A_1260 : f32 to vector<16xf32>
        %max3A_1262 = arith.maximumf %add3A_1259, %max3A_1261 : vector<16xf32>
        %min3A_1263 = arith.constant 2.550000e+02 : f32
        %min3A_1264 = vector.broadcast %min3A_1263 : f32 to vector<16xf32>
        %min3A_1265 = arith.minimumf %max3A_1262, %min3A_1264 : vector<16xf32>
        %add3A_1266 = arith.constant 80 : i32
        %add3A_1267 = arith.addi %mul3A_39, %add3A_1266 : i32
        %add3A_1268 = vector.broadcast %add3A_1267 : i32 to vector<16xi32>
        %add3A_1269 = arith.addi %add3A_1268, %iota3A : vector<16xi32>
        %convert_element_type3A_1270 = arith.fptosi %min3A_1265 : vector<16xf32> to vector<16xi32>
        tpu.vector_store_idx %arg11[%add3A_1269], %convert_element_type3A_1270 : memref<512xi32, #tpu.memory_space<vmem>>[vector<16xi32>], vector<16xi32>,
        %add3A_1271 = arith.constant 96 : i32
        %add3A_1272 = vector.broadcast %add3A_1271 : i32 to vector<16xi32>
        %add3A_1273 = arith.addi %iota3A, %add3A_1272 : vector<16xi32>
        %convert_element_type3A_1274 = arith.sitofp %add3A_1273 : vector<16xi32> to vector<16xf32>
        %add3A_1275 = arith.constant 63 : i32
        %add3A_1276 = vector.broadcast %add3A_1275 : i32 to vector<16xi32>
        %add3A_1277 = arith.addi %sub3A_492, %add3A_1276 : vector<16xi32>
        %gather3A_1278 = tpu.vector_load_idx %arg9[%add3A_1277] : memref<128xf32, #tpu.memory_space<vmem>>[vector<16xi32>], vector<16xf32>,
        %le3A_1279 = arith.cmpf ole, %gather3A_1278, %convert_element_type3A_1274 : vector<16xf32>
        %jit3A_1280 = arith.constant 64 : i32
        %jit3A_1281 = arith.constant 0 : i32
        %broadcast_in_dim3A_1282 = vector.broadcast %jit3A_1280 : i32 to vector<16xi32>
        %broadcast_in_dim3A_1283 = vector.broadcast %jit3A_1281 : i32 to vector<16xi32>
        %select_n3A_1284 = arith.select %le3A_1279, %broadcast_in_dim3A_1282, %broadcast_in_dim3A_1283 : vector<16xi1>, vector<16xi32>
        %add3A_1285 = arith.addi %sub3A_492, %select_n3A_1284 : vector<16xi32>
        %add3A_1286 = arith.constant 31 : i32
        %add3A_1287 = vector.broadcast %add3A_1286 : i32 to vector<16xi32>
        %add3A_1288 = arith.addi %add3A_1285, %add3A_1287 : vector<16xi32>
        %gather3A_1289 = tpu.vector_load_idx %arg9[%add3A_1288] : memref<128xf32, #tpu.memory_space<vmem>>[vector<16xi32>], vector<16xf32>,
        %le3A_1290 = arith.cmpf ole, %gather3A_1289, %convert_element_type3A_1274 : vector<16xf32>
        %jit3A_1291 = arith.constant 32 : i32
        %jit3A_1292 = arith.constant 0 : i32
        %broadcast_in_dim3A_1293 = vector.broadcast %jit3A_1291 : i32 to vector<16xi32>
        %broadcast_in_dim3A_1294 = vector.broadcast %jit3A_1292 : i32 to vector<16xi32>
        %select_n3A_1295 = arith.select %le3A_1290, %broadcast_in_dim3A_1293, %broadcast_in_dim3A_1294 : vector<16xi1>, vector<16xi32>
        %add3A_1296 = arith.addi %add3A_1285, %select_n3A_1295 : vector<16xi32>
        %add3A_1297 = arith.constant 15 : i32
        %add3A_1298 = vector.broadcast %add3A_1297 : i32 to vector<16xi32>
        %add3A_1299 = arith.addi %add3A_1296, %add3A_1298 : vector<16xi32>
        %gather3A_1300 = tpu.vector_load_idx %arg9[%add3A_1299] : memref<128xf32, #tpu.memory_space<vmem>>[vector<16xi32>], vector<16xf32>,
        %le3A_1301 = arith.cmpf ole, %gather3A_1300, %convert_element_type3A_1274 : vector<16xf32>
        %jit3A_1302 = arith.constant 16 : i32
        %jit3A_1303 = arith.constant 0 : i32
        %broadcast_in_dim3A_1304 = vector.broadcast %jit3A_1302 : i32 to vector<16xi32>
        %broadcast_in_dim3A_1305 = vector.broadcast %jit3A_1303 : i32 to vector<16xi32>
        %select_n3A_1306 = arith.select %le3A_1301, %broadcast_in_dim3A_1304, %broadcast_in_dim3A_1305 : vector<16xi1>, vector<16xi32>
        %add3A_1307 = arith.addi %add3A_1296, %select_n3A_1306 : vector<16xi32>
        %add3A_1308 = arith.constant 7 : i32
        %add3A_1309 = vector.broadcast %add3A_1308 : i32 to vector<16xi32>
        %add3A_1310 = arith.addi %add3A_1307, %add3A_1309 : vector<16xi32>
        %gather3A_1311 = tpu.vector_load_idx %arg9[%add3A_1310] : memref<128xf32, #tpu.memory_space<vmem>>[vector<16xi32>], vector<16xf32>,
        %le3A_1312 = arith.cmpf ole, %gather3A_1311, %convert_element_type3A_1274 : vector<16xf32>
        %jit3A_1313 = arith.constant 8 : i32
        %jit3A_1314 = arith.constant 0 : i32
        %broadcast_in_dim3A_1315 = vector.broadcast %jit3A_1313 : i32 to vector<16xi32>
        %broadcast_in_dim3A_1316 = vector.broadcast %jit3A_1314 : i32 to vector<16xi32>
        %select_n3A_1317 = arith.select %le3A_1312, %broadcast_in_dim3A_1315, %broadcast_in_dim3A_1316 : vector<16xi1>, vector<16xi32>
        %add3A_1318 = arith.addi %add3A_1307, %select_n3A_1317 : vector<16xi32>
        %add3A_1319 = arith.constant 3 : i32
        %add3A_1320 = vector.broadcast %add3A_1319 : i32 to vector<16xi32>
        %add3A_1321 = arith.addi %add3A_1318, %add3A_1320 : vector<16xi32>
        %gather3A_1322 = tpu.vector_load_idx %arg9[%add3A_1321] : memref<128xf32, #tpu.memory_space<vmem>>[vector<16xi32>], vector<16xf32>,
        %le3A_1323 = arith.cmpf ole, %gather3A_1322, %convert_element_type3A_1274 : vector<16xf32>
        %jit3A_1324 = arith.constant 4 : i32
        %jit3A_1325 = arith.constant 0 : i32
        %broadcast_in_dim3A_1326 = vector.broadcast %jit3A_1324 : i32 to vector<16xi32>
        %broadcast_in_dim3A_1327 = vector.broadcast %jit3A_1325 : i32 to vector<16xi32>
        %select_n3A_1328 = arith.select %le3A_1323, %broadcast_in_dim3A_1326, %broadcast_in_dim3A_1327 : vector<16xi1>, vector<16xi32>
        %add3A_1329 = arith.addi %add3A_1318, %select_n3A_1328 : vector<16xi32>
        %add3A_1330 = arith.constant 1 : i32
        %add3A_1331 = vector.broadcast %add3A_1330 : i32 to vector<16xi32>
        %add3A_1332 = arith.addi %add3A_1329, %add3A_1331 : vector<16xi32>
        %gather3A_1333 = tpu.vector_load_idx %arg9[%add3A_1332] : memref<128xf32, #tpu.memory_space<vmem>>[vector<16xi32>], vector<16xf32>,
        %le3A_1334 = arith.cmpf ole, %gather3A_1333, %convert_element_type3A_1274 : vector<16xf32>
        %jit3A_1335 = arith.constant 2 : i32
        %jit3A_1336 = arith.constant 0 : i32
        %broadcast_in_dim3A_1337 = vector.broadcast %jit3A_1335 : i32 to vector<16xi32>
        %broadcast_in_dim3A_1338 = vector.broadcast %jit3A_1336 : i32 to vector<16xi32>
        %select_n3A_1339 = arith.select %le3A_1334, %broadcast_in_dim3A_1337, %broadcast_in_dim3A_1338 : vector<16xi1>, vector<16xi32>
        %add3A_1340 = arith.addi %add3A_1329, %select_n3A_1339 : vector<16xi32>
        %add3A_1341 = arith.constant 0 : i32
        %add3A_1342 = vector.broadcast %add3A_1341 : i32 to vector<16xi32>
        %add3A_1343 = arith.addi %add3A_1340, %add3A_1342 : vector<16xi32>
        %gather3A_1344 = tpu.vector_load_idx %arg9[%add3A_1343] : memref<128xf32, #tpu.memory_space<vmem>>[vector<16xi32>], vector<16xf32>,
        %le3A_1345 = arith.cmpf ole, %gather3A_1344, %convert_element_type3A_1274 : vector<16xf32>
        %jit3A_1346 = arith.constant 1 : i32
        %jit3A_1347 = arith.constant 0 : i32
        %broadcast_in_dim3A_1348 = vector.broadcast %jit3A_1346 : i32 to vector<16xi32>
        %broadcast_in_dim3A_1349 = vector.broadcast %jit3A_1347 : i32 to vector<16xi32>
        %select_n3A_1350 = arith.select %le3A_1345, %broadcast_in_dim3A_1348, %broadcast_in_dim3A_1349 : vector<16xi1>, vector<16xi32>
        %add3A_1351 = arith.addi %add3A_1340, %select_n3A_1350 : vector<16xi32>
        %jit3A_1352 = arith.constant 1 : i32
        %jit3A_1353 = arith.constant 127 : i32
        %max3A_1354 = vector.broadcast %jit3A_1352 : i32 to vector<16xi32>
        %max3A_1355 = arith.maxsi %max3A_1354, %add3A_1351 : vector<16xi32>
        %min3A_1356 = vector.broadcast %jit3A_1353 : i32 to vector<16xi32>
        %min3A_1357 = arith.minsi %min3A_1356, %max3A_1355 : vector<16xi32>
        %sub3A_1358 = arith.constant 1 : i32
        %sub3A_1359 = vector.broadcast %sub3A_1358 : i32 to vector<16xi32>
        %sub3A_1360 = arith.subi %min3A_1357, %sub3A_1359 : vector<16xi32>
        %gather3A_1361 = tpu.vector_load_idx %arg9[%sub3A_1360] : memref<128xf32, #tpu.memory_space<vmem>>[vector<16xi32>], vector<16xf32>,
        %gather3A_1362 = tpu.vector_load_idx %arg10[%sub3A_1360] : memref<128xf32, #tpu.memory_space<vmem>>[vector<16xi32>], vector<16xf32>,
        %gather3A_1363 = tpu.vector_load_idx %arg9[%min3A_1357] : memref<128xf32, #tpu.memory_space<vmem>>[vector<16xi32>], vector<16xf32>,
        %gather3A_1364 = tpu.vector_load_idx %arg10[%min3A_1357] : memref<128xf32, #tpu.memory_space<vmem>>[vector<16xi32>], vector<16xf32>,
        %sub3A_1365 = arith.subf %gather3A_1363, %gather3A_1361 : vector<16xf32>
        %abs3A_1366 = math.absf %sub3A_1365 : vector<16xf32>
        %le3A_1367 = arith.constant 1.42108547E-14 : f32
        %le3A_1368 = vector.broadcast %le3A_1367 : f32 to vector<16xf32>
        %le3A_1369 = arith.cmpf ole, %abs3A_1366, %le3A_1368 : vector<16xf32>
        %sub3A_1370 = arith.subf %convert_element_type3A_1274, %gather3A_1361 : vector<16xf32>
        %jit3A_1371 = arith.constant 1.000000e+00 : f32
        %broadcast_in_dim3A_1372 = vector.broadcast %jit3A_1371 : f32 to vector<16xf32>
        %select_n3A_1373 = arith.select %le3A_1369, %broadcast_in_dim3A_1372, %sub3A_1365 : vector<16xi1>, vector<16xf32>
        %div3A_1374 = arith.divf %sub3A_1370, %select_n3A_1373 : vector<16xf32>
        %sub3A_1375 = arith.subf %gather3A_1364, %gather3A_1362 : vector<16xf32>
        %mul3A_1376 = arith.mulf %div3A_1374, %sub3A_1375 : vector<16xf32>
        %add3A_1377 = arith.addf %gather3A_1362, %mul3A_1376 : vector<16xf32>
        %select_n3A_1378 = arith.select %le3A_1369, %gather3A_1362, %add3A_1377 : vector<16xi1>, vector<16xf32>
        %lt3A_1379 = vector.broadcast %squeeze3A : f32 to vector<16xf32>
        %lt3A_1380 = arith.cmpf olt, %convert_element_type3A_1274, %lt3A_1379 : vector<16xf32>
        %broadcast_in_dim3A_1381 = vector.broadcast %squeeze3A_494 : f32 to vector<16xf32>
        %select_n3A_1382 = arith.select %lt3A_1380, %broadcast_in_dim3A_1381, %select_n3A_1378 : vector<16xi1>, vector<16xf32>
        %gt3A_1383 = vector.broadcast %squeeze3A_496 : f32 to vector<16xf32>
        %gt3A_1384 = arith.cmpf ogt, %convert_element_type3A_1274, %gt3A_1383 : vector<16xf32>
        %broadcast_in_dim3A_1385 = vector.broadcast %squeeze3A_498 : f32 to vector<16xf32>
        %select_n3A_1386 = arith.select %gt3A_1384, %broadcast_in_dim3A_1385, %select_n3A_1382 : vector<16xi1>, vector<16xf32>
        %add3A_1387 = arith.constant 5.000000e-01 : f32
        %add3A_1388 = vector.broadcast %add3A_1387 : f32 to vector<16xf32>
        %add3A_1389 = arith.addf %select_n3A_1386, %add3A_1388 : vector<16xf32>
        %max3A_1390 = arith.constant 0.000000e+00 : f32
        %max3A_1391 = vector.broadcast %max3A_1390 : f32 to vector<16xf32>
        %max3A_1392 = arith.maximumf %add3A_1389, %max3A_1391 : vector<16xf32>
        %min3A_1393 = arith.constant 2.550000e+02 : f32
        %min3A_1394 = vector.broadcast %min3A_1393 : f32 to vector<16xf32>
        %min3A_1395 = arith.minimumf %max3A_1392, %min3A_1394 : vector<16xf32>
        %add3A_1396 = arith.constant 96 : i32
        %add3A_1397 = arith.addi %mul3A_39, %add3A_1396 : i32
        %add3A_1398 = vector.broadcast %add3A_1397 : i32 to vector<16xi32>
        %add3A_1399 = arith.addi %add3A_1398, %iota3A : vector<16xi32>
        %convert_element_type3A_1400 = arith.fptosi %min3A_1395 : vector<16xf32> to vector<16xi32>
        tpu.vector_store_idx %arg11[%add3A_1399], %convert_element_type3A_1400 : memref<512xi32, #tpu.memory_space<vmem>>[vector<16xi32>], vector<16xi32>,
        %add3A_1401 = arith.constant 112 : i32
        %add3A_1402 = vector.broadcast %add3A_1401 : i32 to vector<16xi32>
        %add3A_1403 = arith.addi %iota3A, %add3A_1402 : vector<16xi32>
        %convert_element_type3A_1404 = arith.sitofp %add3A_1403 : vector<16xi32> to vector<16xf32>
        %add3A_1405 = arith.constant 63 : i32
        %add3A_1406 = vector.broadcast %add3A_1405 : i32 to vector<16xi32>
        %add3A_1407 = arith.addi %sub3A_492, %add3A_1406 : vector<16xi32>
        %gather3A_1408 = tpu.vector_load_idx %arg9[%add3A_1407] : memref<128xf32, #tpu.memory_space<vmem>>[vector<16xi32>], vector<16xf32>,
        %le3A_1409 = arith.cmpf ole, %gather3A_1408, %convert_element_type3A_1404 : vector<16xf32>
        %jit3A_1410 = arith.constant 64 : i32
        %jit3A_1411 = arith.constant 0 : i32
        %broadcast_in_dim3A_1412 = vector.broadcast %jit3A_1410 : i32 to vector<16xi32>
        %broadcast_in_dim3A_1413 = vector.broadcast %jit3A_1411 : i32 to vector<16xi32>
        %select_n3A_1414 = arith.select %le3A_1409, %broadcast_in_dim3A_1412, %broadcast_in_dim3A_1413 : vector<16xi1>, vector<16xi32>
        %add3A_1415 = arith.addi %sub3A_492, %select_n3A_1414 : vector<16xi32>
        %add3A_1416 = arith.constant 31 : i32
        %add3A_1417 = vector.broadcast %add3A_1416 : i32 to vector<16xi32>
        %add3A_1418 = arith.addi %add3A_1415, %add3A_1417 : vector<16xi32>
        %gather3A_1419 = tpu.vector_load_idx %arg9[%add3A_1418] : memref<128xf32, #tpu.memory_space<vmem>>[vector<16xi32>], vector<16xf32>,
        %le3A_1420 = arith.cmpf ole, %gather3A_1419, %convert_element_type3A_1404 : vector<16xf32>
        %jit3A_1421 = arith.constant 32 : i32
        %jit3A_1422 = arith.constant 0 : i32
        %broadcast_in_dim3A_1423 = vector.broadcast %jit3A_1421 : i32 to vector<16xi32>
        %broadcast_in_dim3A_1424 = vector.broadcast %jit3A_1422 : i32 to vector<16xi32>
        %select_n3A_1425 = arith.select %le3A_1420, %broadcast_in_dim3A_1423, %broadcast_in_dim3A_1424 : vector<16xi1>, vector<16xi32>
        %add3A_1426 = arith.addi %add3A_1415, %select_n3A_1425 : vector<16xi32>
        %add3A_1427 = arith.constant 15 : i32
        %add3A_1428 = vector.broadcast %add3A_1427 : i32 to vector<16xi32>
        %add3A_1429 = arith.addi %add3A_1426, %add3A_1428 : vector<16xi32>
        %gather3A_1430 = tpu.vector_load_idx %arg9[%add3A_1429] : memref<128xf32, #tpu.memory_space<vmem>>[vector<16xi32>], vector<16xf32>,
        %le3A_1431 = arith.cmpf ole, %gather3A_1430, %convert_element_type3A_1404 : vector<16xf32>
        %jit3A_1432 = arith.constant 16 : i32
        %jit3A_1433 = arith.constant 0 : i32
        %broadcast_in_dim3A_1434 = vector.broadcast %jit3A_1432 : i32 to vector<16xi32>
        %broadcast_in_dim3A_1435 = vector.broadcast %jit3A_1433 : i32 to vector<16xi32>
        %select_n3A_1436 = arith.select %le3A_1431, %broadcast_in_dim3A_1434, %broadcast_in_dim3A_1435 : vector<16xi1>, vector<16xi32>
        %add3A_1437 = arith.addi %add3A_1426, %select_n3A_1436 : vector<16xi32>
        %add3A_1438 = arith.constant 7 : i32
        %add3A_1439 = vector.broadcast %add3A_1438 : i32 to vector<16xi32>
        %add3A_1440 = arith.addi %add3A_1437, %add3A_1439 : vector<16xi32>
        %gather3A_1441 = tpu.vector_load_idx %arg9[%add3A_1440] : memref<128xf32, #tpu.memory_space<vmem>>[vector<16xi32>], vector<16xf32>,
        %le3A_1442 = arith.cmpf ole, %gather3A_1441, %convert_element_type3A_1404 : vector<16xf32>
        %jit3A_1443 = arith.constant 8 : i32
        %jit3A_1444 = arith.constant 0 : i32
        %broadcast_in_dim3A_1445 = vector.broadcast %jit3A_1443 : i32 to vector<16xi32>
        %broadcast_in_dim3A_1446 = vector.broadcast %jit3A_1444 : i32 to vector<16xi32>
        %select_n3A_1447 = arith.select %le3A_1442, %broadcast_in_dim3A_1445, %broadcast_in_dim3A_1446 : vector<16xi1>, vector<16xi32>
        %add3A_1448 = arith.addi %add3A_1437, %select_n3A_1447 : vector<16xi32>
        %add3A_1449 = arith.constant 3 : i32
        %add3A_1450 = vector.broadcast %add3A_1449 : i32 to vector<16xi32>
        %add3A_1451 = arith.addi %add3A_1448, %add3A_1450 : vector<16xi32>
        %gather3A_1452 = tpu.vector_load_idx %arg9[%add3A_1451] : memref<128xf32, #tpu.memory_space<vmem>>[vector<16xi32>], vector<16xf32>,
        %le3A_1453 = arith.cmpf ole, %gather3A_1452, %convert_element_type3A_1404 : vector<16xf32>
        %jit3A_1454 = arith.constant 4 : i32
        %jit3A_1455 = arith.constant 0 : i32
        %broadcast_in_dim3A_1456 = vector.broadcast %jit3A_1454 : i32 to vector<16xi32>
        %broadcast_in_dim3A_1457 = vector.broadcast %jit3A_1455 : i32 to vector<16xi32>
        %select_n3A_1458 = arith.select %le3A_1453, %broadcast_in_dim3A_1456, %broadcast_in_dim3A_1457 : vector<16xi1>, vector<16xi32>
        %add3A_1459 = arith.addi %add3A_1448, %select_n3A_1458 : vector<16xi32>
        %add3A_1460 = arith.constant 1 : i32
        %add3A_1461 = vector.broadcast %add3A_1460 : i32 to vector<16xi32>
        %add3A_1462 = arith.addi %add3A_1459, %add3A_1461 : vector<16xi32>
        %gather3A_1463 = tpu.vector_load_idx %arg9[%add3A_1462] : memref<128xf32, #tpu.memory_space<vmem>>[vector<16xi32>], vector<16xf32>,
        %le3A_1464 = arith.cmpf ole, %gather3A_1463, %convert_element_type3A_1404 : vector<16xf32>
        %jit3A_1465 = arith.constant 2 : i32
        %jit3A_1466 = arith.constant 0 : i32
        %broadcast_in_dim3A_1467 = vector.broadcast %jit3A_1465 : i32 to vector<16xi32>
        %broadcast_in_dim3A_1468 = vector.broadcast %jit3A_1466 : i32 to vector<16xi32>
        %select_n3A_1469 = arith.select %le3A_1464, %broadcast_in_dim3A_1467, %broadcast_in_dim3A_1468 : vector<16xi1>, vector<16xi32>
        %add3A_1470 = arith.addi %add3A_1459, %select_n3A_1469 : vector<16xi32>
        %add3A_1471 = arith.constant 0 : i32
        %add3A_1472 = vector.broadcast %add3A_1471 : i32 to vector<16xi32>
        %add3A_1473 = arith.addi %add3A_1470, %add3A_1472 : vector<16xi32>
        %gather3A_1474 = tpu.vector_load_idx %arg9[%add3A_1473] : memref<128xf32, #tpu.memory_space<vmem>>[vector<16xi32>], vector<16xf32>,
        %le3A_1475 = arith.cmpf ole, %gather3A_1474, %convert_element_type3A_1404 : vector<16xf32>
        %jit3A_1476 = arith.constant 1 : i32
        %jit3A_1477 = arith.constant 0 : i32
        %broadcast_in_dim3A_1478 = vector.broadcast %jit3A_1476 : i32 to vector<16xi32>
        %broadcast_in_dim3A_1479 = vector.broadcast %jit3A_1477 : i32 to vector<16xi32>
        %select_n3A_1480 = arith.select %le3A_1475, %broadcast_in_dim3A_1478, %broadcast_in_dim3A_1479 : vector<16xi1>, vector<16xi32>
        %add3A_1481 = arith.addi %add3A_1470, %select_n3A_1480 : vector<16xi32>
        %jit3A_1482 = arith.constant 1 : i32
        %jit3A_1483 = arith.constant 127 : i32
        %max3A_1484 = vector.broadcast %jit3A_1482 : i32 to vector<16xi32>
        %max3A_1485 = arith.maxsi %max3A_1484, %add3A_1481 : vector<16xi32>
        %min3A_1486 = vector.broadcast %jit3A_1483 : i32 to vector<16xi32>
        %min3A_1487 = arith.minsi %min3A_1486, %max3A_1485 : vector<16xi32>
        %sub3A_1488 = arith.constant 1 : i32
        %sub3A_1489 = vector.broadcast %sub3A_1488 : i32 to vector<16xi32>
        %sub3A_1490 = arith.subi %min3A_1487, %sub3A_1489 : vector<16xi32>
        %gather3A_1491 = tpu.vector_load_idx %arg9[%sub3A_1490] : memref<128xf32, #tpu.memory_space<vmem>>[vector<16xi32>], vector<16xf32>,
        %gather3A_1492 = tpu.vector_load_idx %arg10[%sub3A_1490] : memref<128xf32, #tpu.memory_space<vmem>>[vector<16xi32>], vector<16xf32>,
        %gather3A_1493 = tpu.vector_load_idx %arg9[%min3A_1487] : memref<128xf32, #tpu.memory_space<vmem>>[vector<16xi32>], vector<16xf32>,
        %gather3A_1494 = tpu.vector_load_idx %arg10[%min3A_1487] : memref<128xf32, #tpu.memory_space<vmem>>[vector<16xi32>], vector<16xf32>,
        %sub3A_1495 = arith.subf %gather3A_1493, %gather3A_1491 : vector<16xf32>
        %abs3A_1496 = math.absf %sub3A_1495 : vector<16xf32>
        %le3A_1497 = arith.constant 1.42108547E-14 : f32
        %le3A_1498 = vector.broadcast %le3A_1497 : f32 to vector<16xf32>
        %le3A_1499 = arith.cmpf ole, %abs3A_1496, %le3A_1498 : vector<16xf32>
        %sub3A_1500 = arith.subf %convert_element_type3A_1404, %gather3A_1491 : vector<16xf32>
        %jit3A_1501 = arith.constant 1.000000e+00 : f32
        %broadcast_in_dim3A_1502 = vector.broadcast %jit3A_1501 : f32 to vector<16xf32>
        %select_n3A_1503 = arith.select %le3A_1499, %broadcast_in_dim3A_1502, %sub3A_1495 : vector<16xi1>, vector<16xf32>
        %div3A_1504 = arith.divf %sub3A_1500, %select_n3A_1503 : vector<16xf32>
        %sub3A_1505 = arith.subf %gather3A_1494, %gather3A_1492 : vector<16xf32>
        %mul3A_1506 = arith.mulf %div3A_1504, %sub3A_1505 : vector<16xf32>
        %add3A_1507 = arith.addf %gather3A_1492, %mul3A_1506 : vector<16xf32>
        %select_n3A_1508 = arith.select %le3A_1499, %gather3A_1492, %add3A_1507 : vector<16xi1>, vector<16xf32>
        %lt3A_1509 = vector.broadcast %squeeze3A : f32 to vector<16xf32>
        %lt3A_1510 = arith.cmpf olt, %convert_element_type3A_1404, %lt3A_1509 : vector<16xf32>
        %broadcast_in_dim3A_1511 = vector.broadcast %squeeze3A_494 : f32 to vector<16xf32>
        %select_n3A_1512 = arith.select %lt3A_1510, %broadcast_in_dim3A_1511, %select_n3A_1508 : vector<16xi1>, vector<16xf32>
        %gt3A_1513 = vector.broadcast %squeeze3A_496 : f32 to vector<16xf32>
        %gt3A_1514 = arith.cmpf ogt, %convert_element_type3A_1404, %gt3A_1513 : vector<16xf32>
        %broadcast_in_dim3A_1515 = vector.broadcast %squeeze3A_498 : f32 to vector<16xf32>
        %select_n3A_1516 = arith.select %gt3A_1514, %broadcast_in_dim3A_1515, %select_n3A_1512 : vector<16xi1>, vector<16xf32>
        %add3A_1517 = arith.constant 5.000000e-01 : f32
        %add3A_1518 = vector.broadcast %add3A_1517 : f32 to vector<16xf32>
        %add3A_1519 = arith.addf %select_n3A_1516, %add3A_1518 : vector<16xf32>
        %max3A_1520 = arith.constant 0.000000e+00 : f32
        %max3A_1521 = vector.broadcast %max3A_1520 : f32 to vector<16xf32>
        %max3A_1522 = arith.maximumf %add3A_1519, %max3A_1521 : vector<16xf32>
        %min3A_1523 = arith.constant 2.550000e+02 : f32
        %min3A_1524 = vector.broadcast %min3A_1523 : f32 to vector<16xf32>
        %min3A_1525 = arith.minimumf %max3A_1522, %min3A_1524 : vector<16xf32>
        %add3A_1526 = arith.constant 112 : i32
        %add3A_1527 = arith.addi %mul3A_39, %add3A_1526 : i32
        %add3A_1528 = vector.broadcast %add3A_1527 : i32 to vector<16xi32>
        %add3A_1529 = arith.addi %add3A_1528, %iota3A : vector<16xi32>
        %convert_element_type3A_1530 = arith.fptosi %min3A_1525 : vector<16xf32> to vector<16xi32>
        tpu.vector_store_idx %arg11[%add3A_1529], %convert_element_type3A_1530 : memref<512xi32, #tpu.memory_space<vmem>>[vector<16xi32>], vector<16xi32>,
        %add3A_1531 = arith.constant 128 : i32
        %add3A_1532 = vector.broadcast %add3A_1531 : i32 to vector<16xi32>
        %add3A_1533 = arith.addi %iota3A, %add3A_1532 : vector<16xi32>
        %convert_element_type3A_1534 = arith.sitofp %add3A_1533 : vector<16xi32> to vector<16xf32>
        %add3A_1535 = arith.constant 63 : i32
        %add3A_1536 = vector.broadcast %add3A_1535 : i32 to vector<16xi32>
        %add3A_1537 = arith.addi %sub3A_492, %add3A_1536 : vector<16xi32>
        %gather3A_1538 = tpu.vector_load_idx %arg9[%add3A_1537] : memref<128xf32, #tpu.memory_space<vmem>>[vector<16xi32>], vector<16xf32>,
        %le3A_1539 = arith.cmpf ole, %gather3A_1538, %convert_element_type3A_1534 : vector<16xf32>
        %jit3A_1540 = arith.constant 64 : i32
        %jit3A_1541 = arith.constant 0 : i32
        %broadcast_in_dim3A_1542 = vector.broadcast %jit3A_1540 : i32 to vector<16xi32>
        %broadcast_in_dim3A_1543 = vector.broadcast %jit3A_1541 : i32 to vector<16xi32>
        %select_n3A_1544 = arith.select %le3A_1539, %broadcast_in_dim3A_1542, %broadcast_in_dim3A_1543 : vector<16xi1>, vector<16xi32>
        %add3A_1545 = arith.addi %sub3A_492, %select_n3A_1544 : vector<16xi32>
        %add3A_1546 = arith.constant 31 : i32
        %add3A_1547 = vector.broadcast %add3A_1546 : i32 to vector<16xi32>
        %add3A_1548 = arith.addi %add3A_1545, %add3A_1547 : vector<16xi32>
        %gather3A_1549 = tpu.vector_load_idx %arg9[%add3A_1548] : memref<128xf32, #tpu.memory_space<vmem>>[vector<16xi32>], vector<16xf32>,
        %le3A_1550 = arith.cmpf ole, %gather3A_1549, %convert_element_type3A_1534 : vector<16xf32>
        %jit3A_1551 = arith.constant 32 : i32
        %jit3A_1552 = arith.constant 0 : i32
        %broadcast_in_dim3A_1553 = vector.broadcast %jit3A_1551 : i32 to vector<16xi32>
        %broadcast_in_dim3A_1554 = vector.broadcast %jit3A_1552 : i32 to vector<16xi32>
        %select_n3A_1555 = arith.select %le3A_1550, %broadcast_in_dim3A_1553, %broadcast_in_dim3A_1554 : vector<16xi1>, vector<16xi32>
        %add3A_1556 = arith.addi %add3A_1545, %select_n3A_1555 : vector<16xi32>
        %add3A_1557 = arith.constant 15 : i32
        %add3A_1558 = vector.broadcast %add3A_1557 : i32 to vector<16xi32>
        %add3A_1559 = arith.addi %add3A_1556, %add3A_1558 : vector<16xi32>
        %gather3A_1560 = tpu.vector_load_idx %arg9[%add3A_1559] : memref<128xf32, #tpu.memory_space<vmem>>[vector<16xi32>], vector<16xf32>,
        %le3A_1561 = arith.cmpf ole, %gather3A_1560, %convert_element_type3A_1534 : vector<16xf32>
        %jit3A_1562 = arith.constant 16 : i32
        %jit3A_1563 = arith.constant 0 : i32
        %broadcast_in_dim3A_1564 = vector.broadcast %jit3A_1562 : i32 to vector<16xi32>
        %broadcast_in_dim3A_1565 = vector.broadcast %jit3A_1563 : i32 to vector<16xi32>
        %select_n3A_1566 = arith.select %le3A_1561, %broadcast_in_dim3A_1564, %broadcast_in_dim3A_1565 : vector<16xi1>, vector<16xi32>
        %add3A_1567 = arith.addi %add3A_1556, %select_n3A_1566 : vector<16xi32>
        %add3A_1568 = arith.constant 7 : i32
        %add3A_1569 = vector.broadcast %add3A_1568 : i32 to vector<16xi32>
        %add3A_1570 = arith.addi %add3A_1567, %add3A_1569 : vector<16xi32>
        %gather3A_1571 = tpu.vector_load_idx %arg9[%add3A_1570] : memref<128xf32, #tpu.memory_space<vmem>>[vector<16xi32>], vector<16xf32>,
        %le3A_1572 = arith.cmpf ole, %gather3A_1571, %convert_element_type3A_1534 : vector<16xf32>
        %jit3A_1573 = arith.constant 8 : i32
        %jit3A_1574 = arith.constant 0 : i32
        %broadcast_in_dim3A_1575 = vector.broadcast %jit3A_1573 : i32 to vector<16xi32>
        %broadcast_in_dim3A_1576 = vector.broadcast %jit3A_1574 : i32 to vector<16xi32>
        %select_n3A_1577 = arith.select %le3A_1572, %broadcast_in_dim3A_1575, %broadcast_in_dim3A_1576 : vector<16xi1>, vector<16xi32>
        %add3A_1578 = arith.addi %add3A_1567, %select_n3A_1577 : vector<16xi32>
        %add3A_1579 = arith.constant 3 : i32
        %add3A_1580 = vector.broadcast %add3A_1579 : i32 to vector<16xi32>
        %add3A_1581 = arith.addi %add3A_1578, %add3A_1580 : vector<16xi32>
        %gather3A_1582 = tpu.vector_load_idx %arg9[%add3A_1581] : memref<128xf32, #tpu.memory_space<vmem>>[vector<16xi32>], vector<16xf32>,
        %le3A_1583 = arith.cmpf ole, %gather3A_1582, %convert_element_type3A_1534 : vector<16xf32>
        %jit3A_1584 = arith.constant 4 : i32
        %jit3A_1585 = arith.constant 0 : i32
        %broadcast_in_dim3A_1586 = vector.broadcast %jit3A_1584 : i32 to vector<16xi32>
        %broadcast_in_dim3A_1587 = vector.broadcast %jit3A_1585 : i32 to vector<16xi32>
        %select_n3A_1588 = arith.select %le3A_1583, %broadcast_in_dim3A_1586, %broadcast_in_dim3A_1587 : vector<16xi1>, vector<16xi32>
        %add3A_1589 = arith.addi %add3A_1578, %select_n3A_1588 : vector<16xi32>
        %add3A_1590 = arith.constant 1 : i32
        %add3A_1591 = vector.broadcast %add3A_1590 : i32 to vector<16xi32>
        %add3A_1592 = arith.addi %add3A_1589, %add3A_1591 : vector<16xi32>
        %gather3A_1593 = tpu.vector_load_idx %arg9[%add3A_1592] : memref<128xf32, #tpu.memory_space<vmem>>[vector<16xi32>], vector<16xf32>,
        %le3A_1594 = arith.cmpf ole, %gather3A_1593, %convert_element_type3A_1534 : vector<16xf32>
        %jit3A_1595 = arith.constant 2 : i32
        %jit3A_1596 = arith.constant 0 : i32
        %broadcast_in_dim3A_1597 = vector.broadcast %jit3A_1595 : i32 to vector<16xi32>
        %broadcast_in_dim3A_1598 = vector.broadcast %jit3A_1596 : i32 to vector<16xi32>
        %select_n3A_1599 = arith.select %le3A_1594, %broadcast_in_dim3A_1597, %broadcast_in_dim3A_1598 : vector<16xi1>, vector<16xi32>
        %add3A_1600 = arith.addi %add3A_1589, %select_n3A_1599 : vector<16xi32>
        %add3A_1601 = arith.constant 0 : i32
        %add3A_1602 = vector.broadcast %add3A_1601 : i32 to vector<16xi32>
        %add3A_1603 = arith.addi %add3A_1600, %add3A_1602 : vector<16xi32>
        %gather3A_1604 = tpu.vector_load_idx %arg9[%add3A_1603] : memref<128xf32, #tpu.memory_space<vmem>>[vector<16xi32>], vector<16xf32>,
        %le3A_1605 = arith.cmpf ole, %gather3A_1604, %convert_element_type3A_1534 : vector<16xf32>
        %jit3A_1606 = arith.constant 1 : i32
        %jit3A_1607 = arith.constant 0 : i32
        %broadcast_in_dim3A_1608 = vector.broadcast %jit3A_1606 : i32 to vector<16xi32>
        %broadcast_in_dim3A_1609 = vector.broadcast %jit3A_1607 : i32 to vector<16xi32>
        %select_n3A_1610 = arith.select %le3A_1605, %broadcast_in_dim3A_1608, %broadcast_in_dim3A_1609 : vector<16xi1>, vector<16xi32>
        %add3A_1611 = arith.addi %add3A_1600, %select_n3A_1610 : vector<16xi32>
        %jit3A_1612 = arith.constant 1 : i32
        %jit3A_1613 = arith.constant 127 : i32
        %max3A_1614 = vector.broadcast %jit3A_1612 : i32 to vector<16xi32>
        %max3A_1615 = arith.maxsi %max3A_1614, %add3A_1611 : vector<16xi32>
        %min3A_1616 = vector.broadcast %jit3A_1613 : i32 to vector<16xi32>
        %min3A_1617 = arith.minsi %min3A_1616, %max3A_1615 : vector<16xi32>
        %sub3A_1618 = arith.constant 1 : i32
        %sub3A_1619 = vector.broadcast %sub3A_1618 : i32 to vector<16xi32>
        %sub3A_1620 = arith.subi %min3A_1617, %sub3A_1619 : vector<16xi32>
        %gather3A_1621 = tpu.vector_load_idx %arg9[%sub3A_1620] : memref<128xf32, #tpu.memory_space<vmem>>[vector<16xi32>], vector<16xf32>,
        %gather3A_1622 = tpu.vector_load_idx %arg10[%sub3A_1620] : memref<128xf32, #tpu.memory_space<vmem>>[vector<16xi32>], vector<16xf32>,
        %gather3A_1623 = tpu.vector_load_idx %arg9[%min3A_1617] : memref<128xf32, #tpu.memory_space<vmem>>[vector<16xi32>], vector<16xf32>,
        %gather3A_1624 = tpu.vector_load_idx %arg10[%min3A_1617] : memref<128xf32, #tpu.memory_space<vmem>>[vector<16xi32>], vector<16xf32>,
        %sub3A_1625 = arith.subf %gather3A_1623, %gather3A_1621 : vector<16xf32>
        %abs3A_1626 = math.absf %sub3A_1625 : vector<16xf32>
        %le3A_1627 = arith.constant 1.42108547E-14 : f32
        %le3A_1628 = vector.broadcast %le3A_1627 : f32 to vector<16xf32>
        %le3A_1629 = arith.cmpf ole, %abs3A_1626, %le3A_1628 : vector<16xf32>
        %sub3A_1630 = arith.subf %convert_element_type3A_1534, %gather3A_1621 : vector<16xf32>
        %jit3A_1631 = arith.constant 1.000000e+00 : f32
        %broadcast_in_dim3A_1632 = vector.broadcast %jit3A_1631 : f32 to vector<16xf32>
        %select_n3A_1633 = arith.select %le3A_1629, %broadcast_in_dim3A_1632, %sub3A_1625 : vector<16xi1>, vector<16xf32>
        %div3A_1634 = arith.divf %sub3A_1630, %select_n3A_1633 : vector<16xf32>
        %sub3A_1635 = arith.subf %gather3A_1624, %gather3A_1622 : vector<16xf32>
        %mul3A_1636 = arith.mulf %div3A_1634, %sub3A_1635 : vector<16xf32>
        %add3A_1637 = arith.addf %gather3A_1622, %mul3A_1636 : vector<16xf32>
        %select_n3A_1638 = arith.select %le3A_1629, %gather3A_1622, %add3A_1637 : vector<16xi1>, vector<16xf32>
        %lt3A_1639 = vector.broadcast %squeeze3A : f32 to vector<16xf32>
        %lt3A_1640 = arith.cmpf olt, %convert_element_type3A_1534, %lt3A_1639 : vector<16xf32>
        %broadcast_in_dim3A_1641 = vector.broadcast %squeeze3A_494 : f32 to vector<16xf32>
        %select_n3A_1642 = arith.select %lt3A_1640, %broadcast_in_dim3A_1641, %select_n3A_1638 : vector<16xi1>, vector<16xf32>
        %gt3A_1643 = vector.broadcast %squeeze3A_496 : f32 to vector<16xf32>
        %gt3A_1644 = arith.cmpf ogt, %convert_element_type3A_1534, %gt3A_1643 : vector<16xf32>
        %broadcast_in_dim3A_1645 = vector.broadcast %squeeze3A_498 : f32 to vector<16xf32>
        %select_n3A_1646 = arith.select %gt3A_1644, %broadcast_in_dim3A_1645, %select_n3A_1642 : vector<16xi1>, vector<16xf32>
        %add3A_1647 = arith.constant 5.000000e-01 : f32
        %add3A_1648 = vector.broadcast %add3A_1647 : f32 to vector<16xf32>
        %add3A_1649 = arith.addf %select_n3A_1646, %add3A_1648 : vector<16xf32>
        %max3A_1650 = arith.constant 0.000000e+00 : f32
        %max3A_1651 = vector.broadcast %max3A_1650 : f32 to vector<16xf32>
        %max3A_1652 = arith.maximumf %add3A_1649, %max3A_1651 : vector<16xf32>
        %min3A_1653 = arith.constant 2.550000e+02 : f32
        %min3A_1654 = vector.broadcast %min3A_1653 : f32 to vector<16xf32>
        %min3A_1655 = arith.minimumf %max3A_1652, %min3A_1654 : vector<16xf32>
        %add3A_1656 = arith.constant 128 : i32
        %add3A_1657 = arith.addi %mul3A_39, %add3A_1656 : i32
        %add3A_1658 = vector.broadcast %add3A_1657 : i32 to vector<16xi32>
        %add3A_1659 = arith.addi %add3A_1658, %iota3A : vector<16xi32>
        %convert_element_type3A_1660 = arith.fptosi %min3A_1655 : vector<16xf32> to vector<16xi32>
        tpu.vector_store_idx %arg11[%add3A_1659], %convert_element_type3A_1660 : memref<512xi32, #tpu.memory_space<vmem>>[vector<16xi32>], vector<16xi32>,
        %add3A_1661 = arith.constant 144 : i32
        %add3A_1662 = vector.broadcast %add3A_1661 : i32 to vector<16xi32>
        %add3A_1663 = arith.addi %iota3A, %add3A_1662 : vector<16xi32>
        %convert_element_type3A_1664 = arith.sitofp %add3A_1663 : vector<16xi32> to vector<16xf32>
        %add3A_1665 = arith.constant 63 : i32
        %add3A_1666 = vector.broadcast %add3A_1665 : i32 to vector<16xi32>
        %add3A_1667 = arith.addi %sub3A_492, %add3A_1666 : vector<16xi32>
        %gather3A_1668 = tpu.vector_load_idx %arg9[%add3A_1667] : memref<128xf32, #tpu.memory_space<vmem>>[vector<16xi32>], vector<16xf32>,
        %le3A_1669 = arith.cmpf ole, %gather3A_1668, %convert_element_type3A_1664 : vector<16xf32>
        %jit3A_1670 = arith.constant 64 : i32
        %jit3A_1671 = arith.constant 0 : i32
        %broadcast_in_dim3A_1672 = vector.broadcast %jit3A_1670 : i32 to vector<16xi32>
        %broadcast_in_dim3A_1673 = vector.broadcast %jit3A_1671 : i32 to vector<16xi32>
        %select_n3A_1674 = arith.select %le3A_1669, %broadcast_in_dim3A_1672, %broadcast_in_dim3A_1673 : vector<16xi1>, vector<16xi32>
        %add3A_1675 = arith.addi %sub3A_492, %select_n3A_1674 : vector<16xi32>
        %add3A_1676 = arith.constant 31 : i32
        %add3A_1677 = vector.broadcast %add3A_1676 : i32 to vector<16xi32>
        %add3A_1678 = arith.addi %add3A_1675, %add3A_1677 : vector<16xi32>
        %gather3A_1679 = tpu.vector_load_idx %arg9[%add3A_1678] : memref<128xf32, #tpu.memory_space<vmem>>[vector<16xi32>], vector<16xf32>,
        %le3A_1680 = arith.cmpf ole, %gather3A_1679, %convert_element_type3A_1664 : vector<16xf32>
        %jit3A_1681 = arith.constant 32 : i32
        %jit3A_1682 = arith.constant 0 : i32
        %broadcast_in_dim3A_1683 = vector.broadcast %jit3A_1681 : i32 to vector<16xi32>
        %broadcast_in_dim3A_1684 = vector.broadcast %jit3A_1682 : i32 to vector<16xi32>
        %select_n3A_1685 = arith.select %le3A_1680, %broadcast_in_dim3A_1683, %broadcast_in_dim3A_1684 : vector<16xi1>, vector<16xi32>
        %add3A_1686 = arith.addi %add3A_1675, %select_n3A_1685 : vector<16xi32>
        %add3A_1687 = arith.constant 15 : i32
        %add3A_1688 = vector.broadcast %add3A_1687 : i32 to vector<16xi32>
        %add3A_1689 = arith.addi %add3A_1686, %add3A_1688 : vector<16xi32>
        %gather3A_1690 = tpu.vector_load_idx %arg9[%add3A_1689] : memref<128xf32, #tpu.memory_space<vmem>>[vector<16xi32>], vector<16xf32>,
        %le3A_1691 = arith.cmpf ole, %gather3A_1690, %convert_element_type3A_1664 : vector<16xf32>
        %jit3A_1692 = arith.constant 16 : i32
        %jit3A_1693 = arith.constant 0 : i32
        %broadcast_in_dim3A_1694 = vector.broadcast %jit3A_1692 : i32 to vector<16xi32>
        %broadcast_in_dim3A_1695 = vector.broadcast %jit3A_1693 : i32 to vector<16xi32>
        %select_n3A_1696 = arith.select %le3A_1691, %broadcast_in_dim3A_1694, %broadcast_in_dim3A_1695 : vector<16xi1>, vector<16xi32>
        %add3A_1697 = arith.addi %add3A_1686, %select_n3A_1696 : vector<16xi32>
        %add3A_1698 = arith.constant 7 : i32
        %add3A_1699 = vector.broadcast %add3A_1698 : i32 to vector<16xi32>
        %add3A_1700 = arith.addi %add3A_1697, %add3A_1699 : vector<16xi32>
        %gather3A_1701 = tpu.vector_load_idx %arg9[%add3A_1700] : memref<128xf32, #tpu.memory_space<vmem>>[vector<16xi32>], vector<16xf32>,
        %le3A_1702 = arith.cmpf ole, %gather3A_1701, %convert_element_type3A_1664 : vector<16xf32>
        %jit3A_1703 = arith.constant 8 : i32
        %jit3A_1704 = arith.constant 0 : i32
        %broadcast_in_dim3A_1705 = vector.broadcast %jit3A_1703 : i32 to vector<16xi32>
        %broadcast_in_dim3A_1706 = vector.broadcast %jit3A_1704 : i32 to vector<16xi32>
        %select_n3A_1707 = arith.select %le3A_1702, %broadcast_in_dim3A_1705, %broadcast_in_dim3A_1706 : vector<16xi1>, vector<16xi32>
        %add3A_1708 = arith.addi %add3A_1697, %select_n3A_1707 : vector<16xi32>
        %add3A_1709 = arith.constant 3 : i32
        %add3A_1710 = vector.broadcast %add3A_1709 : i32 to vector<16xi32>
        %add3A_1711 = arith.addi %add3A_1708, %add3A_1710 : vector<16xi32>
        %gather3A_1712 = tpu.vector_load_idx %arg9[%add3A_1711] : memref<128xf32, #tpu.memory_space<vmem>>[vector<16xi32>], vector<16xf32>,
        %le3A_1713 = arith.cmpf ole, %gather3A_1712, %convert_element_type3A_1664 : vector<16xf32>
        %jit3A_1714 = arith.constant 4 : i32
        %jit3A_1715 = arith.constant 0 : i32
        %broadcast_in_dim3A_1716 = vector.broadcast %jit3A_1714 : i32 to vector<16xi32>
        %broadcast_in_dim3A_1717 = vector.broadcast %jit3A_1715 : i32 to vector<16xi32>
        %select_n3A_1718 = arith.select %le3A_1713, %broadcast_in_dim3A_1716, %broadcast_in_dim3A_1717 : vector<16xi1>, vector<16xi32>
        %add3A_1719 = arith.addi %add3A_1708, %select_n3A_1718 : vector<16xi32>
        %add3A_1720 = arith.constant 1 : i32
        %add3A_1721 = vector.broadcast %add3A_1720 : i32 to vector<16xi32>
        %add3A_1722 = arith.addi %add3A_1719, %add3A_1721 : vector<16xi32>
        %gather3A_1723 = tpu.vector_load_idx %arg9[%add3A_1722] : memref<128xf32, #tpu.memory_space<vmem>>[vector<16xi32>], vector<16xf32>,
        %le3A_1724 = arith.cmpf ole, %gather3A_1723, %convert_element_type3A_1664 : vector<16xf32>
        %jit3A_1725 = arith.constant 2 : i32
        %jit3A_1726 = arith.constant 0 : i32
        %broadcast_in_dim3A_1727 = vector.broadcast %jit3A_1725 : i32 to vector<16xi32>
        %broadcast_in_dim3A_1728 = vector.broadcast %jit3A_1726 : i32 to vector<16xi32>
        %select_n3A_1729 = arith.select %le3A_1724, %broadcast_in_dim3A_1727, %broadcast_in_dim3A_1728 : vector<16xi1>, vector<16xi32>
        %add3A_1730 = arith.addi %add3A_1719, %select_n3A_1729 : vector<16xi32>
        %add3A_1731 = arith.constant 0 : i32
        %add3A_1732 = vector.broadcast %add3A_1731 : i32 to vector<16xi32>
        %add3A_1733 = arith.addi %add3A_1730, %add3A_1732 : vector<16xi32>
        %gather3A_1734 = tpu.vector_load_idx %arg9[%add3A_1733] : memref<128xf32, #tpu.memory_space<vmem>>[vector<16xi32>], vector<16xf32>,
        %le3A_1735 = arith.cmpf ole, %gather3A_1734, %convert_element_type3A_1664 : vector<16xf32>
        %jit3A_1736 = arith.constant 1 : i32
        %jit3A_1737 = arith.constant 0 : i32
        %broadcast_in_dim3A_1738 = vector.broadcast %jit3A_1736 : i32 to vector<16xi32>
        %broadcast_in_dim3A_1739 = vector.broadcast %jit3A_1737 : i32 to vector<16xi32>
        %select_n3A_1740 = arith.select %le3A_1735, %broadcast_in_dim3A_1738, %broadcast_in_dim3A_1739 : vector<16xi1>, vector<16xi32>
        %add3A_1741 = arith.addi %add3A_1730, %select_n3A_1740 : vector<16xi32>
        %jit3A_1742 = arith.constant 1 : i32
        %jit3A_1743 = arith.constant 127 : i32
        %max3A_1744 = vector.broadcast %jit3A_1742 : i32 to vector<16xi32>
        %max3A_1745 = arith.maxsi %max3A_1744, %add3A_1741 : vector<16xi32>
        %min3A_1746 = vector.broadcast %jit3A_1743 : i32 to vector<16xi32>
        %min3A_1747 = arith.minsi %min3A_1746, %max3A_1745 : vector<16xi32>
        %sub3A_1748 = arith.constant 1 : i32
        %sub3A_1749 = vector.broadcast %sub3A_1748 : i32 to vector<16xi32>
        %sub3A_1750 = arith.subi %min3A_1747, %sub3A_1749 : vector<16xi32>
        %gather3A_1751 = tpu.vector_load_idx %arg9[%sub3A_1750] : memref<128xf32, #tpu.memory_space<vmem>>[vector<16xi32>], vector<16xf32>,
        %gather3A_1752 = tpu.vector_load_idx %arg10[%sub3A_1750] : memref<128xf32, #tpu.memory_space<vmem>>[vector<16xi32>], vector<16xf32>,
        %gather3A_1753 = tpu.vector_load_idx %arg9[%min3A_1747] : memref<128xf32, #tpu.memory_space<vmem>>[vector<16xi32>], vector<16xf32>,
        %gather3A_1754 = tpu.vector_load_idx %arg10[%min3A_1747] : memref<128xf32, #tpu.memory_space<vmem>>[vector<16xi32>], vector<16xf32>,
        %sub3A_1755 = arith.subf %gather3A_1753, %gather3A_1751 : vector<16xf32>
        %abs3A_1756 = math.absf %sub3A_1755 : vector<16xf32>
        %le3A_1757 = arith.constant 1.42108547E-14 : f32
        %le3A_1758 = vector.broadcast %le3A_1757 : f32 to vector<16xf32>
        %le3A_1759 = arith.cmpf ole, %abs3A_1756, %le3A_1758 : vector<16xf32>
        %sub3A_1760 = arith.subf %convert_element_type3A_1664, %gather3A_1751 : vector<16xf32>
        %jit3A_1761 = arith.constant 1.000000e+00 : f32
        %broadcast_in_dim3A_1762 = vector.broadcast %jit3A_1761 : f32 to vector<16xf32>
        %select_n3A_1763 = arith.select %le3A_1759, %broadcast_in_dim3A_1762, %sub3A_1755 : vector<16xi1>, vector<16xf32>
        %div3A_1764 = arith.divf %sub3A_1760, %select_n3A_1763 : vector<16xf32>
        %sub3A_1765 = arith.subf %gather3A_1754, %gather3A_1752 : vector<16xf32>
        %mul3A_1766 = arith.mulf %div3A_1764, %sub3A_1765 : vector<16xf32>
        %add3A_1767 = arith.addf %gather3A_1752, %mul3A_1766 : vector<16xf32>
        %select_n3A_1768 = arith.select %le3A_1759, %gather3A_1752, %add3A_1767 : vector<16xi1>, vector<16xf32>
        %lt3A_1769 = vector.broadcast %squeeze3A : f32 to vector<16xf32>
        %lt3A_1770 = arith.cmpf olt, %convert_element_type3A_1664, %lt3A_1769 : vector<16xf32>
        %broadcast_in_dim3A_1771 = vector.broadcast %squeeze3A_494 : f32 to vector<16xf32>
        %select_n3A_1772 = arith.select %lt3A_1770, %broadcast_in_dim3A_1771, %select_n3A_1768 : vector<16xi1>, vector<16xf32>
        %gt3A_1773 = vector.broadcast %squeeze3A_496 : f32 to vector<16xf32>
        %gt3A_1774 = arith.cmpf ogt, %convert_element_type3A_1664, %gt3A_1773 : vector<16xf32>
        %broadcast_in_dim3A_1775 = vector.broadcast %squeeze3A_498 : f32 to vector<16xf32>
        %select_n3A_1776 = arith.select %gt3A_1774, %broadcast_in_dim3A_1775, %select_n3A_1772 : vector<16xi1>, vector<16xf32>
        %add3A_1777 = arith.constant 5.000000e-01 : f32
        %add3A_1778 = vector.broadcast %add3A_1777 : f32 to vector<16xf32>
        %add3A_1779 = arith.addf %select_n3A_1776, %add3A_1778 : vector<16xf32>
        %max3A_1780 = arith.constant 0.000000e+00 : f32
        %max3A_1781 = vector.broadcast %max3A_1780 : f32 to vector<16xf32>
        %max3A_1782 = arith.maximumf %add3A_1779, %max3A_1781 : vector<16xf32>
        %min3A_1783 = arith.constant 2.550000e+02 : f32
        %min3A_1784 = vector.broadcast %min3A_1783 : f32 to vector<16xf32>
        %min3A_1785 = arith.minimumf %max3A_1782, %min3A_1784 : vector<16xf32>
        %add3A_1786 = arith.constant 144 : i32
        %add3A_1787 = arith.addi %mul3A_39, %add3A_1786 : i32
        %add3A_1788 = vector.broadcast %add3A_1787 : i32 to vector<16xi32>
        %add3A_1789 = arith.addi %add3A_1788, %iota3A : vector<16xi32>
        %convert_element_type3A_1790 = arith.fptosi %min3A_1785 : vector<16xf32> to vector<16xi32>
        tpu.vector_store_idx %arg11[%add3A_1789], %convert_element_type3A_1790 : memref<512xi32, #tpu.memory_space<vmem>>[vector<16xi32>], vector<16xi32>,
        %add3A_1791 = arith.constant 160 : i32
        %add3A_1792 = vector.broadcast %add3A_1791 : i32 to vector<16xi32>
        %add3A_1793 = arith.addi %iota3A, %add3A_1792 : vector<16xi32>
        %convert_element_type3A_1794 = arith.sitofp %add3A_1793 : vector<16xi32> to vector<16xf32>
        %add3A_1795 = arith.constant 63 : i32
        %add3A_1796 = vector.broadcast %add3A_1795 : i32 to vector<16xi32>
        %add3A_1797 = arith.addi %sub3A_492, %add3A_1796 : vector<16xi32>
        %gather3A_1798 = tpu.vector_load_idx %arg9[%add3A_1797] : memref<128xf32, #tpu.memory_space<vmem>>[vector<16xi32>], vector<16xf32>,
        %le3A_1799 = arith.cmpf ole, %gather3A_1798, %convert_element_type3A_1794 : vector<16xf32>
        %jit3A_1800 = arith.constant 64 : i32
        %jit3A_1801 = arith.constant 0 : i32
        %broadcast_in_dim3A_1802 = vector.broadcast %jit3A_1800 : i32 to vector<16xi32>
        %broadcast_in_dim3A_1803 = vector.broadcast %jit3A_1801 : i32 to vector<16xi32>
        %select_n3A_1804 = arith.select %le3A_1799, %broadcast_in_dim3A_1802, %broadcast_in_dim3A_1803 : vector<16xi1>, vector<16xi32>
        %add3A_1805 = arith.addi %sub3A_492, %select_n3A_1804 : vector<16xi32>
        %add3A_1806 = arith.constant 31 : i32
        %add3A_1807 = vector.broadcast %add3A_1806 : i32 to vector<16xi32>
        %add3A_1808 = arith.addi %add3A_1805, %add3A_1807 : vector<16xi32>
        %gather3A_1809 = tpu.vector_load_idx %arg9[%add3A_1808] : memref<128xf32, #tpu.memory_space<vmem>>[vector<16xi32>], vector<16xf32>,
        %le3A_1810 = arith.cmpf ole, %gather3A_1809, %convert_element_type3A_1794 : vector<16xf32>
        %jit3A_1811 = arith.constant 32 : i32
        %jit3A_1812 = arith.constant 0 : i32
        %broadcast_in_dim3A_1813 = vector.broadcast %jit3A_1811 : i32 to vector<16xi32>
        %broadcast_in_dim3A_1814 = vector.broadcast %jit3A_1812 : i32 to vector<16xi32>
        %select_n3A_1815 = arith.select %le3A_1810, %broadcast_in_dim3A_1813, %broadcast_in_dim3A_1814 : vector<16xi1>, vector<16xi32>
        %add3A_1816 = arith.addi %add3A_1805, %select_n3A_1815 : vector<16xi32>
        %add3A_1817 = arith.constant 15 : i32
        %add3A_1818 = vector.broadcast %add3A_1817 : i32 to vector<16xi32>
        %add3A_1819 = arith.addi %add3A_1816, %add3A_1818 : vector<16xi32>
        %gather3A_1820 = tpu.vector_load_idx %arg9[%add3A_1819] : memref<128xf32, #tpu.memory_space<vmem>>[vector<16xi32>], vector<16xf32>,
        %le3A_1821 = arith.cmpf ole, %gather3A_1820, %convert_element_type3A_1794 : vector<16xf32>
        %jit3A_1822 = arith.constant 16 : i32
        %jit3A_1823 = arith.constant 0 : i32
        %broadcast_in_dim3A_1824 = vector.broadcast %jit3A_1822 : i32 to vector<16xi32>
        %broadcast_in_dim3A_1825 = vector.broadcast %jit3A_1823 : i32 to vector<16xi32>
        %select_n3A_1826 = arith.select %le3A_1821, %broadcast_in_dim3A_1824, %broadcast_in_dim3A_1825 : vector<16xi1>, vector<16xi32>
        %add3A_1827 = arith.addi %add3A_1816, %select_n3A_1826 : vector<16xi32>
        %add3A_1828 = arith.constant 7 : i32
        %add3A_1829 = vector.broadcast %add3A_1828 : i32 to vector<16xi32>
        %add3A_1830 = arith.addi %add3A_1827, %add3A_1829 : vector<16xi32>
        %gather3A_1831 = tpu.vector_load_idx %arg9[%add3A_1830] : memref<128xf32, #tpu.memory_space<vmem>>[vector<16xi32>], vector<16xf32>,
        %le3A_1832 = arith.cmpf ole, %gather3A_1831, %convert_element_type3A_1794 : vector<16xf32>
        %jit3A_1833 = arith.constant 8 : i32
        %jit3A_1834 = arith.constant 0 : i32
        %broadcast_in_dim3A_1835 = vector.broadcast %jit3A_1833 : i32 to vector<16xi32>
        %broadcast_in_dim3A_1836 = vector.broadcast %jit3A_1834 : i32 to vector<16xi32>
        %select_n3A_1837 = arith.select %le3A_1832, %broadcast_in_dim3A_1835, %broadcast_in_dim3A_1836 : vector<16xi1>, vector<16xi32>
        %add3A_1838 = arith.addi %add3A_1827, %select_n3A_1837 : vector<16xi32>
        %add3A_1839 = arith.constant 3 : i32
        %add3A_1840 = vector.broadcast %add3A_1839 : i32 to vector<16xi32>
        %add3A_1841 = arith.addi %add3A_1838, %add3A_1840 : vector<16xi32>
        %gather3A_1842 = tpu.vector_load_idx %arg9[%add3A_1841] : memref<128xf32, #tpu.memory_space<vmem>>[vector<16xi32>], vector<16xf32>,
        %le3A_1843 = arith.cmpf ole, %gather3A_1842, %convert_element_type3A_1794 : vector<16xf32>
        %jit3A_1844 = arith.constant 4 : i32
        %jit3A_1845 = arith.constant 0 : i32
        %broadcast_in_dim3A_1846 = vector.broadcast %jit3A_1844 : i32 to vector<16xi32>
        %broadcast_in_dim3A_1847 = vector.broadcast %jit3A_1845 : i32 to vector<16xi32>
        %select_n3A_1848 = arith.select %le3A_1843, %broadcast_in_dim3A_1846, %broadcast_in_dim3A_1847 : vector<16xi1>, vector<16xi32>
        %add3A_1849 = arith.addi %add3A_1838, %select_n3A_1848 : vector<16xi32>
        %add3A_1850 = arith.constant 1 : i32
        %add3A_1851 = vector.broadcast %add3A_1850 : i32 to vector<16xi32>
        %add3A_1852 = arith.addi %add3A_1849, %add3A_1851 : vector<16xi32>
        %gather3A_1853 = tpu.vector_load_idx %arg9[%add3A_1852] : memref<128xf32, #tpu.memory_space<vmem>>[vector<16xi32>], vector<16xf32>,
        %le3A_1854 = arith.cmpf ole, %gather3A_1853, %convert_element_type3A_1794 : vector<16xf32>
        %jit3A_1855 = arith.constant 2 : i32
        %jit3A_1856 = arith.constant 0 : i32
        %broadcast_in_dim3A_1857 = vector.broadcast %jit3A_1855 : i32 to vector<16xi32>
        %broadcast_in_dim3A_1858 = vector.broadcast %jit3A_1856 : i32 to vector<16xi32>
        %select_n3A_1859 = arith.select %le3A_1854, %broadcast_in_dim3A_1857, %broadcast_in_dim3A_1858 : vector<16xi1>, vector<16xi32>
        %add3A_1860 = arith.addi %add3A_1849, %select_n3A_1859 : vector<16xi32>
        %add3A_1861 = arith.constant 0 : i32
        %add3A_1862 = vector.broadcast %add3A_1861 : i32 to vector<16xi32>
        %add3A_1863 = arith.addi %add3A_1860, %add3A_1862 : vector<16xi32>
        %gather3A_1864 = tpu.vector_load_idx %arg9[%add3A_1863] : memref<128xf32, #tpu.memory_space<vmem>>[vector<16xi32>], vector<16xf32>,
        %le3A_1865 = arith.cmpf ole, %gather3A_1864, %convert_element_type3A_1794 : vector<16xf32>
        %jit3A_1866 = arith.constant 1 : i32
        %jit3A_1867 = arith.constant 0 : i32
        %broadcast_in_dim3A_1868 = vector.broadcast %jit3A_1866 : i32 to vector<16xi32>
        %broadcast_in_dim3A_1869 = vector.broadcast %jit3A_1867 : i32 to vector<16xi32>
        %select_n3A_1870 = arith.select %le3A_1865, %broadcast_in_dim3A_1868, %broadcast_in_dim3A_1869 : vector<16xi1>, vector<16xi32>
        %add3A_1871 = arith.addi %add3A_1860, %select_n3A_1870 : vector<16xi32>
        %jit3A_1872 = arith.constant 1 : i32
        %jit3A_1873 = arith.constant 127 : i32
        %max3A_1874 = vector.broadcast %jit3A_1872 : i32 to vector<16xi32>
        %max3A_1875 = arith.maxsi %max3A_1874, %add3A_1871 : vector<16xi32>
        %min3A_1876 = vector.broadcast %jit3A_1873 : i32 to vector<16xi32>
        %min3A_1877 = arith.minsi %min3A_1876, %max3A_1875 : vector<16xi32>
        %sub3A_1878 = arith.constant 1 : i32
        %sub3A_1879 = vector.broadcast %sub3A_1878 : i32 to vector<16xi32>
        %sub3A_1880 = arith.subi %min3A_1877, %sub3A_1879 : vector<16xi32>
        %gather3A_1881 = tpu.vector_load_idx %arg9[%sub3A_1880] : memref<128xf32, #tpu.memory_space<vmem>>[vector<16xi32>], vector<16xf32>,
        %gather3A_1882 = tpu.vector_load_idx %arg10[%sub3A_1880] : memref<128xf32, #tpu.memory_space<vmem>>[vector<16xi32>], vector<16xf32>,
        %gather3A_1883 = tpu.vector_load_idx %arg9[%min3A_1877] : memref<128xf32, #tpu.memory_space<vmem>>[vector<16xi32>], vector<16xf32>,
        %gather3A_1884 = tpu.vector_load_idx %arg10[%min3A_1877] : memref<128xf32, #tpu.memory_space<vmem>>[vector<16xi32>], vector<16xf32>,
        %sub3A_1885 = arith.subf %gather3A_1883, %gather3A_1881 : vector<16xf32>
        %abs3A_1886 = math.absf %sub3A_1885 : vector<16xf32>
        %le3A_1887 = arith.constant 1.42108547E-14 : f32
        %le3A_1888 = vector.broadcast %le3A_1887 : f32 to vector<16xf32>
        %le3A_1889 = arith.cmpf ole, %abs3A_1886, %le3A_1888 : vector<16xf32>
        %sub3A_1890 = arith.subf %convert_element_type3A_1794, %gather3A_1881 : vector<16xf32>
        %jit3A_1891 = arith.constant 1.000000e+00 : f32
        %broadcast_in_dim3A_1892 = vector.broadcast %jit3A_1891 : f32 to vector<16xf32>
        %select_n3A_1893 = arith.select %le3A_1889, %broadcast_in_dim3A_1892, %sub3A_1885 : vector<16xi1>, vector<16xf32>
        %div3A_1894 = arith.divf %sub3A_1890, %select_n3A_1893 : vector<16xf32>
        %sub3A_1895 = arith.subf %gather3A_1884, %gather3A_1882 : vector<16xf32>
        %mul3A_1896 = arith.mulf %div3A_1894, %sub3A_1895 : vector<16xf32>
        %add3A_1897 = arith.addf %gather3A_1882, %mul3A_1896 : vector<16xf32>
        %select_n3A_1898 = arith.select %le3A_1889, %gather3A_1882, %add3A_1897 : vector<16xi1>, vector<16xf32>
        %lt3A_1899 = vector.broadcast %squeeze3A : f32 to vector<16xf32>
        %lt3A_1900 = arith.cmpf olt, %convert_element_type3A_1794, %lt3A_1899 : vector<16xf32>
        %broadcast_in_dim3A_1901 = vector.broadcast %squeeze3A_494 : f32 to vector<16xf32>
        %select_n3A_1902 = arith.select %lt3A_1900, %broadcast_in_dim3A_1901, %select_n3A_1898 : vector<16xi1>, vector<16xf32>
        %gt3A_1903 = vector.broadcast %squeeze3A_496 : f32 to vector<16xf32>
        %gt3A_1904 = arith.cmpf ogt, %convert_element_type3A_1794, %gt3A_1903 : vector<16xf32>
        %broadcast_in_dim3A_1905 = vector.broadcast %squeeze3A_498 : f32 to vector<16xf32>
        %select_n3A_1906 = arith.select %gt3A_1904, %broadcast_in_dim3A_1905, %select_n3A_1902 : vector<16xi1>, vector<16xf32>
        %add3A_1907 = arith.constant 5.000000e-01 : f32
        %add3A_1908 = vector.broadcast %add3A_1907 : f32 to vector<16xf32>
        %add3A_1909 = arith.addf %select_n3A_1906, %add3A_1908 : vector<16xf32>
        %max3A_1910 = arith.constant 0.000000e+00 : f32
        %max3A_1911 = vector.broadcast %max3A_1910 : f32 to vector<16xf32>
        %max3A_1912 = arith.maximumf %add3A_1909, %max3A_1911 : vector<16xf32>
        %min3A_1913 = arith.constant 2.550000e+02 : f32
        %min3A_1914 = vector.broadcast %min3A_1913 : f32 to vector<16xf32>
        %min3A_1915 = arith.minimumf %max3A_1912, %min3A_1914 : vector<16xf32>
        %add3A_1916 = arith.constant 160 : i32
        %add3A_1917 = arith.addi %mul3A_39, %add3A_1916 : i32
        %add3A_1918 = vector.broadcast %add3A_1917 : i32 to vector<16xi32>
        %add3A_1919 = arith.addi %add3A_1918, %iota3A : vector<16xi32>
        %convert_element_type3A_1920 = arith.fptosi %min3A_1915 : vector<16xf32> to vector<16xi32>
        tpu.vector_store_idx %arg11[%add3A_1919], %convert_element_type3A_1920 : memref<512xi32, #tpu.memory_space<vmem>>[vector<16xi32>], vector<16xi32>,
        %add3A_1921 = arith.constant 176 : i32
        %add3A_1922 = vector.broadcast %add3A_1921 : i32 to vector<16xi32>
        %add3A_1923 = arith.addi %iota3A, %add3A_1922 : vector<16xi32>
        %convert_element_type3A_1924 = arith.sitofp %add3A_1923 : vector<16xi32> to vector<16xf32>
        %add3A_1925 = arith.constant 63 : i32
        %add3A_1926 = vector.broadcast %add3A_1925 : i32 to vector<16xi32>
        %add3A_1927 = arith.addi %sub3A_492, %add3A_1926 : vector<16xi32>
        %gather3A_1928 = tpu.vector_load_idx %arg9[%add3A_1927] : memref<128xf32, #tpu.memory_space<vmem>>[vector<16xi32>], vector<16xf32>,
        %le3A_1929 = arith.cmpf ole, %gather3A_1928, %convert_element_type3A_1924 : vector<16xf32>
        %jit3A_1930 = arith.constant 64 : i32
        %jit3A_1931 = arith.constant 0 : i32
        %broadcast_in_dim3A_1932 = vector.broadcast %jit3A_1930 : i32 to vector<16xi32>
        %broadcast_in_dim3A_1933 = vector.broadcast %jit3A_1931 : i32 to vector<16xi32>
        %select_n3A_1934 = arith.select %le3A_1929, %broadcast_in_dim3A_1932, %broadcast_in_dim3A_1933 : vector<16xi1>, vector<16xi32>
        %add3A_1935 = arith.addi %sub3A_492, %select_n3A_1934 : vector<16xi32>
        %add3A_1936 = arith.constant 31 : i32
        %add3A_1937 = vector.broadcast %add3A_1936 : i32 to vector<16xi32>
        %add3A_1938 = arith.addi %add3A_1935, %add3A_1937 : vector<16xi32>
        %gather3A_1939 = tpu.vector_load_idx %arg9[%add3A_1938] : memref<128xf32, #tpu.memory_space<vmem>>[vector<16xi32>], vector<16xf32>,
        %le3A_1940 = arith.cmpf ole, %gather3A_1939, %convert_element_type3A_1924 : vector<16xf32>
        %jit3A_1941 = arith.constant 32 : i32
        %jit3A_1942 = arith.constant 0 : i32
        %broadcast_in_dim3A_1943 = vector.broadcast %jit3A_1941 : i32 to vector<16xi32>
        %broadcast_in_dim3A_1944 = vector.broadcast %jit3A_1942 : i32 to vector<16xi32>
        %select_n3A_1945 = arith.select %le3A_1940, %broadcast_in_dim3A_1943, %broadcast_in_dim3A_1944 : vector<16xi1>, vector<16xi32>
        %add3A_1946 = arith.addi %add3A_1935, %select_n3A_1945 : vector<16xi32>
        %add3A_1947 = arith.constant 15 : i32
        %add3A_1948 = vector.broadcast %add3A_1947 : i32 to vector<16xi32>
        %add3A_1949 = arith.addi %add3A_1946, %add3A_1948 : vector<16xi32>
        %gather3A_1950 = tpu.vector_load_idx %arg9[%add3A_1949] : memref<128xf32, #tpu.memory_space<vmem>>[vector<16xi32>], vector<16xf32>,
        %le3A_1951 = arith.cmpf ole, %gather3A_1950, %convert_element_type3A_1924 : vector<16xf32>
        %jit3A_1952 = arith.constant 16 : i32
        %jit3A_1953 = arith.constant 0 : i32
        %broadcast_in_dim3A_1954 = vector.broadcast %jit3A_1952 : i32 to vector<16xi32>
        %broadcast_in_dim3A_1955 = vector.broadcast %jit3A_1953 : i32 to vector<16xi32>
        %select_n3A_1956 = arith.select %le3A_1951, %broadcast_in_dim3A_1954, %broadcast_in_dim3A_1955 : vector<16xi1>, vector<16xi32>
        %add3A_1957 = arith.addi %add3A_1946, %select_n3A_1956 : vector<16xi32>
        %add3A_1958 = arith.constant 7 : i32
        %add3A_1959 = vector.broadcast %add3A_1958 : i32 to vector<16xi32>
        %add3A_1960 = arith.addi %add3A_1957, %add3A_1959 : vector<16xi32>
        %gather3A_1961 = tpu.vector_load_idx %arg9[%add3A_1960] : memref<128xf32, #tpu.memory_space<vmem>>[vector<16xi32>], vector<16xf32>,
        %le3A_1962 = arith.cmpf ole, %gather3A_1961, %convert_element_type3A_1924 : vector<16xf32>
        %jit3A_1963 = arith.constant 8 : i32
        %jit3A_1964 = arith.constant 0 : i32
        %broadcast_in_dim3A_1965 = vector.broadcast %jit3A_1963 : i32 to vector<16xi32>
        %broadcast_in_dim3A_1966 = vector.broadcast %jit3A_1964 : i32 to vector<16xi32>
        %select_n3A_1967 = arith.select %le3A_1962, %broadcast_in_dim3A_1965, %broadcast_in_dim3A_1966 : vector<16xi1>, vector<16xi32>
        %add3A_1968 = arith.addi %add3A_1957, %select_n3A_1967 : vector<16xi32>
        %add3A_1969 = arith.constant 3 : i32
        %add3A_1970 = vector.broadcast %add3A_1969 : i32 to vector<16xi32>
        %add3A_1971 = arith.addi %add3A_1968, %add3A_1970 : vector<16xi32>
        %gather3A_1972 = tpu.vector_load_idx %arg9[%add3A_1971] : memref<128xf32, #tpu.memory_space<vmem>>[vector<16xi32>], vector<16xf32>,
        %le3A_1973 = arith.cmpf ole, %gather3A_1972, %convert_element_type3A_1924 : vector<16xf32>
        %jit3A_1974 = arith.constant 4 : i32
        %jit3A_1975 = arith.constant 0 : i32
        %broadcast_in_dim3A_1976 = vector.broadcast %jit3A_1974 : i32 to vector<16xi32>
        %broadcast_in_dim3A_1977 = vector.broadcast %jit3A_1975 : i32 to vector<16xi32>
        %select_n3A_1978 = arith.select %le3A_1973, %broadcast_in_dim3A_1976, %broadcast_in_dim3A_1977 : vector<16xi1>, vector<16xi32>
        %add3A_1979 = arith.addi %add3A_1968, %select_n3A_1978 : vector<16xi32>
        %add3A_1980 = arith.constant 1 : i32
        %add3A_1981 = vector.broadcast %add3A_1980 : i32 to vector<16xi32>
        %add3A_1982 = arith.addi %add3A_1979, %add3A_1981 : vector<16xi32>
        %gather3A_1983 = tpu.vector_load_idx %arg9[%add3A_1982] : memref<128xf32, #tpu.memory_space<vmem>>[vector<16xi32>], vector<16xf32>,
        %le3A_1984 = arith.cmpf ole, %gather3A_1983, %convert_element_type3A_1924 : vector<16xf32>
        %jit3A_1985 = arith.constant 2 : i32
        %jit3A_1986 = arith.constant 0 : i32
        %broadcast_in_dim3A_1987 = vector.broadcast %jit3A_1985 : i32 to vector<16xi32>
        %broadcast_in_dim3A_1988 = vector.broadcast %jit3A_1986 : i32 to vector<16xi32>
        %select_n3A_1989 = arith.select %le3A_1984, %broadcast_in_dim3A_1987, %broadcast_in_dim3A_1988 : vector<16xi1>, vector<16xi32>
        %add3A_1990 = arith.addi %add3A_1979, %select_n3A_1989 : vector<16xi32>
        %add3A_1991 = arith.constant 0 : i32
        %add3A_1992 = vector.broadcast %add3A_1991 : i32 to vector<16xi32>
        %add3A_1993 = arith.addi %add3A_1990, %add3A_1992 : vector<16xi32>
        %gather3A_1994 = tpu.vector_load_idx %arg9[%add3A_1993] : memref<128xf32, #tpu.memory_space<vmem>>[vector<16xi32>], vector<16xf32>,
        %le3A_1995 = arith.cmpf ole, %gather3A_1994, %convert_element_type3A_1924 : vector<16xf32>
        %jit3A_1996 = arith.constant 1 : i32
        %jit3A_1997 = arith.constant 0 : i32
        %broadcast_in_dim3A_1998 = vector.broadcast %jit3A_1996 : i32 to vector<16xi32>
        %broadcast_in_dim3A_1999 = vector.broadcast %jit3A_1997 : i32 to vector<16xi32>
        %select_n3A_2000 = arith.select %le3A_1995, %broadcast_in_dim3A_1998, %broadcast_in_dim3A_1999 : vector<16xi1>, vector<16xi32>
        %add3A_2001 = arith.addi %add3A_1990, %select_n3A_2000 : vector<16xi32>
        %jit3A_2002 = arith.constant 1 : i32
        %jit3A_2003 = arith.constant 127 : i32
        %max3A_2004 = vector.broadcast %jit3A_2002 : i32 to vector<16xi32>
        %max3A_2005 = arith.maxsi %max3A_2004, %add3A_2001 : vector<16xi32>
        %min3A_2006 = vector.broadcast %jit3A_2003 : i32 to vector<16xi32>
        %min3A_2007 = arith.minsi %min3A_2006, %max3A_2005 : vector<16xi32>
        %sub3A_2008 = arith.constant 1 : i32
        %sub3A_2009 = vector.broadcast %sub3A_2008 : i32 to vector<16xi32>
        %sub3A_2010 = arith.subi %min3A_2007, %sub3A_2009 : vector<16xi32>
        %gather3A_2011 = tpu.vector_load_idx %arg9[%sub3A_2010] : memref<128xf32, #tpu.memory_space<vmem>>[vector<16xi32>], vector<16xf32>,
        %gather3A_2012 = tpu.vector_load_idx %arg10[%sub3A_2010] : memref<128xf32, #tpu.memory_space<vmem>>[vector<16xi32>], vector<16xf32>,
        %gather3A_2013 = tpu.vector_load_idx %arg9[%min3A_2007] : memref<128xf32, #tpu.memory_space<vmem>>[vector<16xi32>], vector<16xf32>,
        %gather3A_2014 = tpu.vector_load_idx %arg10[%min3A_2007] : memref<128xf32, #tpu.memory_space<vmem>>[vector<16xi32>], vector<16xf32>,
        %sub3A_2015 = arith.subf %gather3A_2013, %gather3A_2011 : vector<16xf32>
        %abs3A_2016 = math.absf %sub3A_2015 : vector<16xf32>
        %le3A_2017 = arith.constant 1.42108547E-14 : f32
        %le3A_2018 = vector.broadcast %le3A_2017 : f32 to vector<16xf32>
        %le3A_2019 = arith.cmpf ole, %abs3A_2016, %le3A_2018 : vector<16xf32>
        %sub3A_2020 = arith.subf %convert_element_type3A_1924, %gather3A_2011 : vector<16xf32>
        %jit3A_2021 = arith.constant 1.000000e+00 : f32
        %broadcast_in_dim3A_2022 = vector.broadcast %jit3A_2021 : f32 to vector<16xf32>
        %select_n3A_2023 = arith.select %le3A_2019, %broadcast_in_dim3A_2022, %sub3A_2015 : vector<16xi1>, vector<16xf32>
        %div3A_2024 = arith.divf %sub3A_2020, %select_n3A_2023 : vector<16xf32>
        %sub3A_2025 = arith.subf %gather3A_2014, %gather3A_2012 : vector<16xf32>
        %mul3A_2026 = arith.mulf %div3A_2024, %sub3A_2025 : vector<16xf32>
        %add3A_2027 = arith.addf %gather3A_2012, %mul3A_2026 : vector<16xf32>
        %select_n3A_2028 = arith.select %le3A_2019, %gather3A_2012, %add3A_2027 : vector<16xi1>, vector<16xf32>
        %lt3A_2029 = vector.broadcast %squeeze3A : f32 to vector<16xf32>
        %lt3A_2030 = arith.cmpf olt, %convert_element_type3A_1924, %lt3A_2029 : vector<16xf32>
        %broadcast_in_dim3A_2031 = vector.broadcast %squeeze3A_494 : f32 to vector<16xf32>
        %select_n3A_2032 = arith.select %lt3A_2030, %broadcast_in_dim3A_2031, %select_n3A_2028 : vector<16xi1>, vector<16xf32>
        %gt3A_2033 = vector.broadcast %squeeze3A_496 : f32 to vector<16xf32>
        %gt3A_2034 = arith.cmpf ogt, %convert_element_type3A_1924, %gt3A_2033 : vector<16xf32>
        %broadcast_in_dim3A_2035 = vector.broadcast %squeeze3A_498 : f32 to vector<16xf32>
        %select_n3A_2036 = arith.select %gt3A_2034, %broadcast_in_dim3A_2035, %select_n3A_2032 : vector<16xi1>, vector<16xf32>
        %add3A_2037 = arith.constant 5.000000e-01 : f32
        %add3A_2038 = vector.broadcast %add3A_2037 : f32 to vector<16xf32>
        %add3A_2039 = arith.addf %select_n3A_2036, %add3A_2038 : vector<16xf32>
        %max3A_2040 = arith.constant 0.000000e+00 : f32
        %max3A_2041 = vector.broadcast %max3A_2040 : f32 to vector<16xf32>
        %max3A_2042 = arith.maximumf %add3A_2039, %max3A_2041 : vector<16xf32>
        %min3A_2043 = arith.constant 2.550000e+02 : f32
        %min3A_2044 = vector.broadcast %min3A_2043 : f32 to vector<16xf32>
        %min3A_2045 = arith.minimumf %max3A_2042, %min3A_2044 : vector<16xf32>
        %add3A_2046 = arith.constant 176 : i32
        %add3A_2047 = arith.addi %mul3A_39, %add3A_2046 : i32
        %add3A_2048 = vector.broadcast %add3A_2047 : i32 to vector<16xi32>
        %add3A_2049 = arith.addi %add3A_2048, %iota3A : vector<16xi32>
        %convert_element_type3A_2050 = arith.fptosi %min3A_2045 : vector<16xf32> to vector<16xi32>
        tpu.vector_store_idx %arg11[%add3A_2049], %convert_element_type3A_2050 : memref<512xi32, #tpu.memory_space<vmem>>[vector<16xi32>], vector<16xi32>,
        %add3A_2051 = arith.constant 192 : i32
        %add3A_2052 = vector.broadcast %add3A_2051 : i32 to vector<16xi32>
        %add3A_2053 = arith.addi %iota3A, %add3A_2052 : vector<16xi32>
        %convert_element_type3A_2054 = arith.sitofp %add3A_2053 : vector<16xi32> to vector<16xf32>
        %add3A_2055 = arith.constant 63 : i32
        %add3A_2056 = vector.broadcast %add3A_2055 : i32 to vector<16xi32>
        %add3A_2057 = arith.addi %sub3A_492, %add3A_2056 : vector<16xi32>
        %gather3A_2058 = tpu.vector_load_idx %arg9[%add3A_2057] : memref<128xf32, #tpu.memory_space<vmem>>[vector<16xi32>], vector<16xf32>,
        %le3A_2059 = arith.cmpf ole, %gather3A_2058, %convert_element_type3A_2054 : vector<16xf32>
        %jit3A_2060 = arith.constant 64 : i32
        %jit3A_2061 = arith.constant 0 : i32
        %broadcast_in_dim3A_2062 = vector.broadcast %jit3A_2060 : i32 to vector<16xi32>
        %broadcast_in_dim3A_2063 = vector.broadcast %jit3A_2061 : i32 to vector<16xi32>
        %select_n3A_2064 = arith.select %le3A_2059, %broadcast_in_dim3A_2062, %broadcast_in_dim3A_2063 : vector<16xi1>, vector<16xi32>
        %add3A_2065 = arith.addi %sub3A_492, %select_n3A_2064 : vector<16xi32>
        %add3A_2066 = arith.constant 31 : i32
        %add3A_2067 = vector.broadcast %add3A_2066 : i32 to vector<16xi32>
        %add3A_2068 = arith.addi %add3A_2065, %add3A_2067 : vector<16xi32>
        %gather3A_2069 = tpu.vector_load_idx %arg9[%add3A_2068] : memref<128xf32, #tpu.memory_space<vmem>>[vector<16xi32>], vector<16xf32>,
        %le3A_2070 = arith.cmpf ole, %gather3A_2069, %convert_element_type3A_2054 : vector<16xf32>
        %jit3A_2071 = arith.constant 32 : i32
        %jit3A_2072 = arith.constant 0 : i32
        %broadcast_in_dim3A_2073 = vector.broadcast %jit3A_2071 : i32 to vector<16xi32>
        %broadcast_in_dim3A_2074 = vector.broadcast %jit3A_2072 : i32 to vector<16xi32>
        %select_n3A_2075 = arith.select %le3A_2070, %broadcast_in_dim3A_2073, %broadcast_in_dim3A_2074 : vector<16xi1>, vector<16xi32>
        %add3A_2076 = arith.addi %add3A_2065, %select_n3A_2075 : vector<16xi32>
        %add3A_2077 = arith.constant 15 : i32
        %add3A_2078 = vector.broadcast %add3A_2077 : i32 to vector<16xi32>
        %add3A_2079 = arith.addi %add3A_2076, %add3A_2078 : vector<16xi32>
        %gather3A_2080 = tpu.vector_load_idx %arg9[%add3A_2079] : memref<128xf32, #tpu.memory_space<vmem>>[vector<16xi32>], vector<16xf32>,
        %le3A_2081 = arith.cmpf ole, %gather3A_2080, %convert_element_type3A_2054 : vector<16xf32>
        %jit3A_2082 = arith.constant 16 : i32
        %jit3A_2083 = arith.constant 0 : i32
        %broadcast_in_dim3A_2084 = vector.broadcast %jit3A_2082 : i32 to vector<16xi32>
        %broadcast_in_dim3A_2085 = vector.broadcast %jit3A_2083 : i32 to vector<16xi32>
        %select_n3A_2086 = arith.select %le3A_2081, %broadcast_in_dim3A_2084, %broadcast_in_dim3A_2085 : vector<16xi1>, vector<16xi32>
        %add3A_2087 = arith.addi %add3A_2076, %select_n3A_2086 : vector<16xi32>
        %add3A_2088 = arith.constant 7 : i32
        %add3A_2089 = vector.broadcast %add3A_2088 : i32 to vector<16xi32>
        %add3A_2090 = arith.addi %add3A_2087, %add3A_2089 : vector<16xi32>
        %gather3A_2091 = tpu.vector_load_idx %arg9[%add3A_2090] : memref<128xf32, #tpu.memory_space<vmem>>[vector<16xi32>], vector<16xf32>,
        %le3A_2092 = arith.cmpf ole, %gather3A_2091, %convert_element_type3A_2054 : vector<16xf32>
        %jit3A_2093 = arith.constant 8 : i32
        %jit3A_2094 = arith.constant 0 : i32
        %broadcast_in_dim3A_2095 = vector.broadcast %jit3A_2093 : i32 to vector<16xi32>
        %broadcast_in_dim3A_2096 = vector.broadcast %jit3A_2094 : i32 to vector<16xi32>
        %select_n3A_2097 = arith.select %le3A_2092, %broadcast_in_dim3A_2095, %broadcast_in_dim3A_2096 : vector<16xi1>, vector<16xi32>
        %add3A_2098 = arith.addi %add3A_2087, %select_n3A_2097 : vector<16xi32>
        %add3A_2099 = arith.constant 3 : i32
        %add3A_2100 = vector.broadcast %add3A_2099 : i32 to vector<16xi32>
        %add3A_2101 = arith.addi %add3A_2098, %add3A_2100 : vector<16xi32>
        %gather3A_2102 = tpu.vector_load_idx %arg9[%add3A_2101] : memref<128xf32, #tpu.memory_space<vmem>>[vector<16xi32>], vector<16xf32>,
        %le3A_2103 = arith.cmpf ole, %gather3A_2102, %convert_element_type3A_2054 : vector<16xf32>
        %jit3A_2104 = arith.constant 4 : i32
        %jit3A_2105 = arith.constant 0 : i32
        %broadcast_in_dim3A_2106 = vector.broadcast %jit3A_2104 : i32 to vector<16xi32>
        %broadcast_in_dim3A_2107 = vector.broadcast %jit3A_2105 : i32 to vector<16xi32>
        %select_n3A_2108 = arith.select %le3A_2103, %broadcast_in_dim3A_2106, %broadcast_in_dim3A_2107 : vector<16xi1>, vector<16xi32>
        %add3A_2109 = arith.addi %add3A_2098, %select_n3A_2108 : vector<16xi32>
        %add3A_2110 = arith.constant 1 : i32
        %add3A_2111 = vector.broadcast %add3A_2110 : i32 to vector<16xi32>
        %add3A_2112 = arith.addi %add3A_2109, %add3A_2111 : vector<16xi32>
        %gather3A_2113 = tpu.vector_load_idx %arg9[%add3A_2112] : memref<128xf32, #tpu.memory_space<vmem>>[vector<16xi32>], vector<16xf32>,
        %le3A_2114 = arith.cmpf ole, %gather3A_2113, %convert_element_type3A_2054 : vector<16xf32>
        %jit3A_2115 = arith.constant 2 : i32
        %jit3A_2116 = arith.constant 0 : i32
        %broadcast_in_dim3A_2117 = vector.broadcast %jit3A_2115 : i32 to vector<16xi32>
        %broadcast_in_dim3A_2118 = vector.broadcast %jit3A_2116 : i32 to vector<16xi32>
        %select_n3A_2119 = arith.select %le3A_2114, %broadcast_in_dim3A_2117, %broadcast_in_dim3A_2118 : vector<16xi1>, vector<16xi32>
        %add3A_2120 = arith.addi %add3A_2109, %select_n3A_2119 : vector<16xi32>
        %add3A_2121 = arith.constant 0 : i32
        %add3A_2122 = vector.broadcast %add3A_2121 : i32 to vector<16xi32>
        %add3A_2123 = arith.addi %add3A_2120, %add3A_2122 : vector<16xi32>
        %gather3A_2124 = tpu.vector_load_idx %arg9[%add3A_2123] : memref<128xf32, #tpu.memory_space<vmem>>[vector<16xi32>], vector<16xf32>,
        %le3A_2125 = arith.cmpf ole, %gather3A_2124, %convert_element_type3A_2054 : vector<16xf32>
        %jit3A_2126 = arith.constant 1 : i32
        %jit3A_2127 = arith.constant 0 : i32
        %broadcast_in_dim3A_2128 = vector.broadcast %jit3A_2126 : i32 to vector<16xi32>
        %broadcast_in_dim3A_2129 = vector.broadcast %jit3A_2127 : i32 to vector<16xi32>
        %select_n3A_2130 = arith.select %le3A_2125, %broadcast_in_dim3A_2128, %broadcast_in_dim3A_2129 : vector<16xi1>, vector<16xi32>
        %add3A_2131 = arith.addi %add3A_2120, %select_n3A_2130 : vector<16xi32>
        %jit3A_2132 = arith.constant 1 : i32
        %jit3A_2133 = arith.constant 127 : i32
        %max3A_2134 = vector.broadcast %jit3A_2132 : i32 to vector<16xi32>
        %max3A_2135 = arith.maxsi %max3A_2134, %add3A_2131 : vector<16xi32>
        %min3A_2136 = vector.broadcast %jit3A_2133 : i32 to vector<16xi32>
        %min3A_2137 = arith.minsi %min3A_2136, %max3A_2135 : vector<16xi32>
        %sub3A_2138 = arith.constant 1 : i32
        %sub3A_2139 = vector.broadcast %sub3A_2138 : i32 to vector<16xi32>
        %sub3A_2140 = arith.subi %min3A_2137, %sub3A_2139 : vector<16xi32>
        %gather3A_2141 = tpu.vector_load_idx %arg9[%sub3A_2140] : memref<128xf32, #tpu.memory_space<vmem>>[vector<16xi32>], vector<16xf32>,
        %gather3A_2142 = tpu.vector_load_idx %arg10[%sub3A_2140] : memref<128xf32, #tpu.memory_space<vmem>>[vector<16xi32>], vector<16xf32>,
        %gather3A_2143 = tpu.vector_load_idx %arg9[%min3A_2137] : memref<128xf32, #tpu.memory_space<vmem>>[vector<16xi32>], vector<16xf32>,
        %gather3A_2144 = tpu.vector_load_idx %arg10[%min3A_2137] : memref<128xf32, #tpu.memory_space<vmem>>[vector<16xi32>], vector<16xf32>,
        %sub3A_2145 = arith.subf %gather3A_2143, %gather3A_2141 : vector<16xf32>
        %abs3A_2146 = math.absf %sub3A_2145 : vector<16xf32>
        %le3A_2147 = arith.constant 1.42108547E-14 : f32
        %le3A_2148 = vector.broadcast %le3A_2147 : f32 to vector<16xf32>
        %le3A_2149 = arith.cmpf ole, %abs3A_2146, %le3A_2148 : vector<16xf32>
        %sub3A_2150 = arith.subf %convert_element_type3A_2054, %gather3A_2141 : vector<16xf32>
        %jit3A_2151 = arith.constant 1.000000e+00 : f32
        %broadcast_in_dim3A_2152 = vector.broadcast %jit3A_2151 : f32 to vector<16xf32>
        %select_n3A_2153 = arith.select %le3A_2149, %broadcast_in_dim3A_2152, %sub3A_2145 : vector<16xi1>, vector<16xf32>
        %div3A_2154 = arith.divf %sub3A_2150, %select_n3A_2153 : vector<16xf32>
        %sub3A_2155 = arith.subf %gather3A_2144, %gather3A_2142 : vector<16xf32>
        %mul3A_2156 = arith.mulf %div3A_2154, %sub3A_2155 : vector<16xf32>
        %add3A_2157 = arith.addf %gather3A_2142, %mul3A_2156 : vector<16xf32>
        %select_n3A_2158 = arith.select %le3A_2149, %gather3A_2142, %add3A_2157 : vector<16xi1>, vector<16xf32>
        %lt3A_2159 = vector.broadcast %squeeze3A : f32 to vector<16xf32>
        %lt3A_2160 = arith.cmpf olt, %convert_element_type3A_2054, %lt3A_2159 : vector<16xf32>
        %broadcast_in_dim3A_2161 = vector.broadcast %squeeze3A_494 : f32 to vector<16xf32>
        %select_n3A_2162 = arith.select %lt3A_2160, %broadcast_in_dim3A_2161, %select_n3A_2158 : vector<16xi1>, vector<16xf32>
        %gt3A_2163 = vector.broadcast %squeeze3A_496 : f32 to vector<16xf32>
        %gt3A_2164 = arith.cmpf ogt, %convert_element_type3A_2054, %gt3A_2163 : vector<16xf32>
        %broadcast_in_dim3A_2165 = vector.broadcast %squeeze3A_498 : f32 to vector<16xf32>
        %select_n3A_2166 = arith.select %gt3A_2164, %broadcast_in_dim3A_2165, %select_n3A_2162 : vector<16xi1>, vector<16xf32>
        %add3A_2167 = arith.constant 5.000000e-01 : f32
        %add3A_2168 = vector.broadcast %add3A_2167 : f32 to vector<16xf32>
        %add3A_2169 = arith.addf %select_n3A_2166, %add3A_2168 : vector<16xf32>
        %max3A_2170 = arith.constant 0.000000e+00 : f32
        %max3A_2171 = vector.broadcast %max3A_2170 : f32 to vector<16xf32>
        %max3A_2172 = arith.maximumf %add3A_2169, %max3A_2171 : vector<16xf32>
        %min3A_2173 = arith.constant 2.550000e+02 : f32
        %min3A_2174 = vector.broadcast %min3A_2173 : f32 to vector<16xf32>
        %min3A_2175 = arith.minimumf %max3A_2172, %min3A_2174 : vector<16xf32>
        %add3A_2176 = arith.constant 192 : i32
        %add3A_2177 = arith.addi %mul3A_39, %add3A_2176 : i32
        %add3A_2178 = vector.broadcast %add3A_2177 : i32 to vector<16xi32>
        %add3A_2179 = arith.addi %add3A_2178, %iota3A : vector<16xi32>
        %convert_element_type3A_2180 = arith.fptosi %min3A_2175 : vector<16xf32> to vector<16xi32>
        tpu.vector_store_idx %arg11[%add3A_2179], %convert_element_type3A_2180 : memref<512xi32, #tpu.memory_space<vmem>>[vector<16xi32>], vector<16xi32>,
        %add3A_2181 = arith.constant 208 : i32
        %add3A_2182 = vector.broadcast %add3A_2181 : i32 to vector<16xi32>
        %add3A_2183 = arith.addi %iota3A, %add3A_2182 : vector<16xi32>
        %convert_element_type3A_2184 = arith.sitofp %add3A_2183 : vector<16xi32> to vector<16xf32>
        %add3A_2185 = arith.constant 63 : i32
        %add3A_2186 = vector.broadcast %add3A_2185 : i32 to vector<16xi32>
        %add3A_2187 = arith.addi %sub3A_492, %add3A_2186 : vector<16xi32>
        %gather3A_2188 = tpu.vector_load_idx %arg9[%add3A_2187] : memref<128xf32, #tpu.memory_space<vmem>>[vector<16xi32>], vector<16xf32>,
        %le3A_2189 = arith.cmpf ole, %gather3A_2188, %convert_element_type3A_2184 : vector<16xf32>
        %jit3A_2190 = arith.constant 64 : i32
        %jit3A_2191 = arith.constant 0 : i32
        %broadcast_in_dim3A_2192 = vector.broadcast %jit3A_2190 : i32 to vector<16xi32>
        %broadcast_in_dim3A_2193 = vector.broadcast %jit3A_2191 : i32 to vector<16xi32>
        %select_n3A_2194 = arith.select %le3A_2189, %broadcast_in_dim3A_2192, %broadcast_in_dim3A_2193 : vector<16xi1>, vector<16xi32>
        %add3A_2195 = arith.addi %sub3A_492, %select_n3A_2194 : vector<16xi32>
        %add3A_2196 = arith.constant 31 : i32
        %add3A_2197 = vector.broadcast %add3A_2196 : i32 to vector<16xi32>
        %add3A_2198 = arith.addi %add3A_2195, %add3A_2197 : vector<16xi32>
        %gather3A_2199 = tpu.vector_load_idx %arg9[%add3A_2198] : memref<128xf32, #tpu.memory_space<vmem>>[vector<16xi32>], vector<16xf32>,
        %le3A_2200 = arith.cmpf ole, %gather3A_2199, %convert_element_type3A_2184 : vector<16xf32>
        %jit3A_2201 = arith.constant 32 : i32
        %jit3A_2202 = arith.constant 0 : i32
        %broadcast_in_dim3A_2203 = vector.broadcast %jit3A_2201 : i32 to vector<16xi32>
        %broadcast_in_dim3A_2204 = vector.broadcast %jit3A_2202 : i32 to vector<16xi32>
        %select_n3A_2205 = arith.select %le3A_2200, %broadcast_in_dim3A_2203, %broadcast_in_dim3A_2204 : vector<16xi1>, vector<16xi32>
        %add3A_2206 = arith.addi %add3A_2195, %select_n3A_2205 : vector<16xi32>
        %add3A_2207 = arith.constant 15 : i32
        %add3A_2208 = vector.broadcast %add3A_2207 : i32 to vector<16xi32>
        %add3A_2209 = arith.addi %add3A_2206, %add3A_2208 : vector<16xi32>
        %gather3A_2210 = tpu.vector_load_idx %arg9[%add3A_2209] : memref<128xf32, #tpu.memory_space<vmem>>[vector<16xi32>], vector<16xf32>,
        %le3A_2211 = arith.cmpf ole, %gather3A_2210, %convert_element_type3A_2184 : vector<16xf32>
        %jit3A_2212 = arith.constant 16 : i32
        %jit3A_2213 = arith.constant 0 : i32
        %broadcast_in_dim3A_2214 = vector.broadcast %jit3A_2212 : i32 to vector<16xi32>
        %broadcast_in_dim3A_2215 = vector.broadcast %jit3A_2213 : i32 to vector<16xi32>
        %select_n3A_2216 = arith.select %le3A_2211, %broadcast_in_dim3A_2214, %broadcast_in_dim3A_2215 : vector<16xi1>, vector<16xi32>
        %add3A_2217 = arith.addi %add3A_2206, %select_n3A_2216 : vector<16xi32>
        %add3A_2218 = arith.constant 7 : i32
        %add3A_2219 = vector.broadcast %add3A_2218 : i32 to vector<16xi32>
        %add3A_2220 = arith.addi %add3A_2217, %add3A_2219 : vector<16xi32>
        %gather3A_2221 = tpu.vector_load_idx %arg9[%add3A_2220] : memref<128xf32, #tpu.memory_space<vmem>>[vector<16xi32>], vector<16xf32>,
        %le3A_2222 = arith.cmpf ole, %gather3A_2221, %convert_element_type3A_2184 : vector<16xf32>
        %jit3A_2223 = arith.constant 8 : i32
        %jit3A_2224 = arith.constant 0 : i32
        %broadcast_in_dim3A_2225 = vector.broadcast %jit3A_2223 : i32 to vector<16xi32>
        %broadcast_in_dim3A_2226 = vector.broadcast %jit3A_2224 : i32 to vector<16xi32>
        %select_n3A_2227 = arith.select %le3A_2222, %broadcast_in_dim3A_2225, %broadcast_in_dim3A_2226 : vector<16xi1>, vector<16xi32>
        %add3A_2228 = arith.addi %add3A_2217, %select_n3A_2227 : vector<16xi32>
        %add3A_2229 = arith.constant 3 : i32
        %add3A_2230 = vector.broadcast %add3A_2229 : i32 to vector<16xi32>
        %add3A_2231 = arith.addi %add3A_2228, %add3A_2230 : vector<16xi32>
        %gather3A_2232 = tpu.vector_load_idx %arg9[%add3A_2231] : memref<128xf32, #tpu.memory_space<vmem>>[vector<16xi32>], vector<16xf32>,
        %le3A_2233 = arith.cmpf ole, %gather3A_2232, %convert_element_type3A_2184 : vector<16xf32>
        %jit3A_2234 = arith.constant 4 : i32
        %jit3A_2235 = arith.constant 0 : i32
        %broadcast_in_dim3A_2236 = vector.broadcast %jit3A_2234 : i32 to vector<16xi32>
        %broadcast_in_dim3A_2237 = vector.broadcast %jit3A_2235 : i32 to vector<16xi32>
        %select_n3A_2238 = arith.select %le3A_2233, %broadcast_in_dim3A_2236, %broadcast_in_dim3A_2237 : vector<16xi1>, vector<16xi32>
        %add3A_2239 = arith.addi %add3A_2228, %select_n3A_2238 : vector<16xi32>
        %add3A_2240 = arith.constant 1 : i32
        %add3A_2241 = vector.broadcast %add3A_2240 : i32 to vector<16xi32>
        %add3A_2242 = arith.addi %add3A_2239, %add3A_2241 : vector<16xi32>
        %gather3A_2243 = tpu.vector_load_idx %arg9[%add3A_2242] : memref<128xf32, #tpu.memory_space<vmem>>[vector<16xi32>], vector<16xf32>,
        %le3A_2244 = arith.cmpf ole, %gather3A_2243, %convert_element_type3A_2184 : vector<16xf32>
        %jit3A_2245 = arith.constant 2 : i32
        %jit3A_2246 = arith.constant 0 : i32
        %broadcast_in_dim3A_2247 = vector.broadcast %jit3A_2245 : i32 to vector<16xi32>
        %broadcast_in_dim3A_2248 = vector.broadcast %jit3A_2246 : i32 to vector<16xi32>
        %select_n3A_2249 = arith.select %le3A_2244, %broadcast_in_dim3A_2247, %broadcast_in_dim3A_2248 : vector<16xi1>, vector<16xi32>
        %add3A_2250 = arith.addi %add3A_2239, %select_n3A_2249 : vector<16xi32>
        %add3A_2251 = arith.constant 0 : i32
        %add3A_2252 = vector.broadcast %add3A_2251 : i32 to vector<16xi32>
        %add3A_2253 = arith.addi %add3A_2250, %add3A_2252 : vector<16xi32>
        %gather3A_2254 = tpu.vector_load_idx %arg9[%add3A_2253] : memref<128xf32, #tpu.memory_space<vmem>>[vector<16xi32>], vector<16xf32>,
        %le3A_2255 = arith.cmpf ole, %gather3A_2254, %convert_element_type3A_2184 : vector<16xf32>
        %jit3A_2256 = arith.constant 1 : i32
        %jit3A_2257 = arith.constant 0 : i32
        %broadcast_in_dim3A_2258 = vector.broadcast %jit3A_2256 : i32 to vector<16xi32>
        %broadcast_in_dim3A_2259 = vector.broadcast %jit3A_2257 : i32 to vector<16xi32>
        %select_n3A_2260 = arith.select %le3A_2255, %broadcast_in_dim3A_2258, %broadcast_in_dim3A_2259 : vector<16xi1>, vector<16xi32>
        %add3A_2261 = arith.addi %add3A_2250, %select_n3A_2260 : vector<16xi32>
        %jit3A_2262 = arith.constant 1 : i32
        %jit3A_2263 = arith.constant 127 : i32
        %max3A_2264 = vector.broadcast %jit3A_2262 : i32 to vector<16xi32>
        %max3A_2265 = arith.maxsi %max3A_2264, %add3A_2261 : vector<16xi32>
        %min3A_2266 = vector.broadcast %jit3A_2263 : i32 to vector<16xi32>
        %min3A_2267 = arith.minsi %min3A_2266, %max3A_2265 : vector<16xi32>
        %sub3A_2268 = arith.constant 1 : i32
        %sub3A_2269 = vector.broadcast %sub3A_2268 : i32 to vector<16xi32>
        %sub3A_2270 = arith.subi %min3A_2267, %sub3A_2269 : vector<16xi32>
        %gather3A_2271 = tpu.vector_load_idx %arg9[%sub3A_2270] : memref<128xf32, #tpu.memory_space<vmem>>[vector<16xi32>], vector<16xf32>,
        %gather3A_2272 = tpu.vector_load_idx %arg10[%sub3A_2270] : memref<128xf32, #tpu.memory_space<vmem>>[vector<16xi32>], vector<16xf32>,
        %gather3A_2273 = tpu.vector_load_idx %arg9[%min3A_2267] : memref<128xf32, #tpu.memory_space<vmem>>[vector<16xi32>], vector<16xf32>,
        %gather3A_2274 = tpu.vector_load_idx %arg10[%min3A_2267] : memref<128xf32, #tpu.memory_space<vmem>>[vector<16xi32>], vector<16xf32>,
        %sub3A_2275 = arith.subf %gather3A_2273, %gather3A_2271 : vector<16xf32>
        %abs3A_2276 = math.absf %sub3A_2275 : vector<16xf32>
        %le3A_2277 = arith.constant 1.42108547E-14 : f32
        %le3A_2278 = vector.broadcast %le3A_2277 : f32 to vector<16xf32>
        %le3A_2279 = arith.cmpf ole, %abs3A_2276, %le3A_2278 : vector<16xf32>
        %sub3A_2280 = arith.subf %convert_element_type3A_2184, %gather3A_2271 : vector<16xf32>
        %jit3A_2281 = arith.constant 1.000000e+00 : f32
        %broadcast_in_dim3A_2282 = vector.broadcast %jit3A_2281 : f32 to vector<16xf32>
        %select_n3A_2283 = arith.select %le3A_2279, %broadcast_in_dim3A_2282, %sub3A_2275 : vector<16xi1>, vector<16xf32>
        %div3A_2284 = arith.divf %sub3A_2280, %select_n3A_2283 : vector<16xf32>
        %sub3A_2285 = arith.subf %gather3A_2274, %gather3A_2272 : vector<16xf32>
        %mul3A_2286 = arith.mulf %div3A_2284, %sub3A_2285 : vector<16xf32>
        %add3A_2287 = arith.addf %gather3A_2272, %mul3A_2286 : vector<16xf32>
        %select_n3A_2288 = arith.select %le3A_2279, %gather3A_2272, %add3A_2287 : vector<16xi1>, vector<16xf32>
        %lt3A_2289 = vector.broadcast %squeeze3A : f32 to vector<16xf32>
        %lt3A_2290 = arith.cmpf olt, %convert_element_type3A_2184, %lt3A_2289 : vector<16xf32>
        %broadcast_in_dim3A_2291 = vector.broadcast %squeeze3A_494 : f32 to vector<16xf32>
        %select_n3A_2292 = arith.select %lt3A_2290, %broadcast_in_dim3A_2291, %select_n3A_2288 : vector<16xi1>, vector<16xf32>
        %gt3A_2293 = vector.broadcast %squeeze3A_496 : f32 to vector<16xf32>
        %gt3A_2294 = arith.cmpf ogt, %convert_element_type3A_2184, %gt3A_2293 : vector<16xf32>
        %broadcast_in_dim3A_2295 = vector.broadcast %squeeze3A_498 : f32 to vector<16xf32>
        %select_n3A_2296 = arith.select %gt3A_2294, %broadcast_in_dim3A_2295, %select_n3A_2292 : vector<16xi1>, vector<16xf32>
        %add3A_2297 = arith.constant 5.000000e-01 : f32
        %add3A_2298 = vector.broadcast %add3A_2297 : f32 to vector<16xf32>
        %add3A_2299 = arith.addf %select_n3A_2296, %add3A_2298 : vector<16xf32>
        %max3A_2300 = arith.constant 0.000000e+00 : f32
        %max3A_2301 = vector.broadcast %max3A_2300 : f32 to vector<16xf32>
        %max3A_2302 = arith.maximumf %add3A_2299, %max3A_2301 : vector<16xf32>
        %min3A_2303 = arith.constant 2.550000e+02 : f32
        %min3A_2304 = vector.broadcast %min3A_2303 : f32 to vector<16xf32>
        %min3A_2305 = arith.minimumf %max3A_2302, %min3A_2304 : vector<16xf32>
        %add3A_2306 = arith.constant 208 : i32
        %add3A_2307 = arith.addi %mul3A_39, %add3A_2306 : i32
        %add3A_2308 = vector.broadcast %add3A_2307 : i32 to vector<16xi32>
        %add3A_2309 = arith.addi %add3A_2308, %iota3A : vector<16xi32>
        %convert_element_type3A_2310 = arith.fptosi %min3A_2305 : vector<16xf32> to vector<16xi32>
        tpu.vector_store_idx %arg11[%add3A_2309], %convert_element_type3A_2310 : memref<512xi32, #tpu.memory_space<vmem>>[vector<16xi32>], vector<16xi32>,
        %add3A_2311 = arith.constant 224 : i32
        %add3A_2312 = vector.broadcast %add3A_2311 : i32 to vector<16xi32>
        %add3A_2313 = arith.addi %iota3A, %add3A_2312 : vector<16xi32>
        %convert_element_type3A_2314 = arith.sitofp %add3A_2313 : vector<16xi32> to vector<16xf32>
        %add3A_2315 = arith.constant 63 : i32
        %add3A_2316 = vector.broadcast %add3A_2315 : i32 to vector<16xi32>
        %add3A_2317 = arith.addi %sub3A_492, %add3A_2316 : vector<16xi32>
        %gather3A_2318 = tpu.vector_load_idx %arg9[%add3A_2317] : memref<128xf32, #tpu.memory_space<vmem>>[vector<16xi32>], vector<16xf32>,
        %le3A_2319 = arith.cmpf ole, %gather3A_2318, %convert_element_type3A_2314 : vector<16xf32>
        %jit3A_2320 = arith.constant 64 : i32
        %jit3A_2321 = arith.constant 0 : i32
        %broadcast_in_dim3A_2322 = vector.broadcast %jit3A_2320 : i32 to vector<16xi32>
        %broadcast_in_dim3A_2323 = vector.broadcast %jit3A_2321 : i32 to vector<16xi32>
        %select_n3A_2324 = arith.select %le3A_2319, %broadcast_in_dim3A_2322, %broadcast_in_dim3A_2323 : vector<16xi1>, vector<16xi32>
        %add3A_2325 = arith.addi %sub3A_492, %select_n3A_2324 : vector<16xi32>
        %add3A_2326 = arith.constant 31 : i32
        %add3A_2327 = vector.broadcast %add3A_2326 : i32 to vector<16xi32>
        %add3A_2328 = arith.addi %add3A_2325, %add3A_2327 : vector<16xi32>
        %gather3A_2329 = tpu.vector_load_idx %arg9[%add3A_2328] : memref<128xf32, #tpu.memory_space<vmem>>[vector<16xi32>], vector<16xf32>,
        %le3A_2330 = arith.cmpf ole, %gather3A_2329, %convert_element_type3A_2314 : vector<16xf32>
        %jit3A_2331 = arith.constant 32 : i32
        %jit3A_2332 = arith.constant 0 : i32
        %broadcast_in_dim3A_2333 = vector.broadcast %jit3A_2331 : i32 to vector<16xi32>
        %broadcast_in_dim3A_2334 = vector.broadcast %jit3A_2332 : i32 to vector<16xi32>
        %select_n3A_2335 = arith.select %le3A_2330, %broadcast_in_dim3A_2333, %broadcast_in_dim3A_2334 : vector<16xi1>, vector<16xi32>
        %add3A_2336 = arith.addi %add3A_2325, %select_n3A_2335 : vector<16xi32>
        %add3A_2337 = arith.constant 15 : i32
        %add3A_2338 = vector.broadcast %add3A_2337 : i32 to vector<16xi32>
        %add3A_2339 = arith.addi %add3A_2336, %add3A_2338 : vector<16xi32>
        %gather3A_2340 = tpu.vector_load_idx %arg9[%add3A_2339] : memref<128xf32, #tpu.memory_space<vmem>>[vector<16xi32>], vector<16xf32>,
        %le3A_2341 = arith.cmpf ole, %gather3A_2340, %convert_element_type3A_2314 : vector<16xf32>
        %jit3A_2342 = arith.constant 16 : i32
        %jit3A_2343 = arith.constant 0 : i32
        %broadcast_in_dim3A_2344 = vector.broadcast %jit3A_2342 : i32 to vector<16xi32>
        %broadcast_in_dim3A_2345 = vector.broadcast %jit3A_2343 : i32 to vector<16xi32>
        %select_n3A_2346 = arith.select %le3A_2341, %broadcast_in_dim3A_2344, %broadcast_in_dim3A_2345 : vector<16xi1>, vector<16xi32>
        %add3A_2347 = arith.addi %add3A_2336, %select_n3A_2346 : vector<16xi32>
        %add3A_2348 = arith.constant 7 : i32
        %add3A_2349 = vector.broadcast %add3A_2348 : i32 to vector<16xi32>
        %add3A_2350 = arith.addi %add3A_2347, %add3A_2349 : vector<16xi32>
        %gather3A_2351 = tpu.vector_load_idx %arg9[%add3A_2350] : memref<128xf32, #tpu.memory_space<vmem>>[vector<16xi32>], vector<16xf32>,
        %le3A_2352 = arith.cmpf ole, %gather3A_2351, %convert_element_type3A_2314 : vector<16xf32>
        %jit3A_2353 = arith.constant 8 : i32
        %jit3A_2354 = arith.constant 0 : i32
        %broadcast_in_dim3A_2355 = vector.broadcast %jit3A_2353 : i32 to vector<16xi32>
        %broadcast_in_dim3A_2356 = vector.broadcast %jit3A_2354 : i32 to vector<16xi32>
        %select_n3A_2357 = arith.select %le3A_2352, %broadcast_in_dim3A_2355, %broadcast_in_dim3A_2356 : vector<16xi1>, vector<16xi32>
        %add3A_2358 = arith.addi %add3A_2347, %select_n3A_2357 : vector<16xi32>
        %add3A_2359 = arith.constant 3 : i32
        %add3A_2360 = vector.broadcast %add3A_2359 : i32 to vector<16xi32>
        %add3A_2361 = arith.addi %add3A_2358, %add3A_2360 : vector<16xi32>
        %gather3A_2362 = tpu.vector_load_idx %arg9[%add3A_2361] : memref<128xf32, #tpu.memory_space<vmem>>[vector<16xi32>], vector<16xf32>,
        %le3A_2363 = arith.cmpf ole, %gather3A_2362, %convert_element_type3A_2314 : vector<16xf32>
        %jit3A_2364 = arith.constant 4 : i32
        %jit3A_2365 = arith.constant 0 : i32
        %broadcast_in_dim3A_2366 = vector.broadcast %jit3A_2364 : i32 to vector<16xi32>
        %broadcast_in_dim3A_2367 = vector.broadcast %jit3A_2365 : i32 to vector<16xi32>
        %select_n3A_2368 = arith.select %le3A_2363, %broadcast_in_dim3A_2366, %broadcast_in_dim3A_2367 : vector<16xi1>, vector<16xi32>
        %add3A_2369 = arith.addi %add3A_2358, %select_n3A_2368 : vector<16xi32>
        %add3A_2370 = arith.constant 1 : i32
        %add3A_2371 = vector.broadcast %add3A_2370 : i32 to vector<16xi32>
        %add3A_2372 = arith.addi %add3A_2369, %add3A_2371 : vector<16xi32>
        %gather3A_2373 = tpu.vector_load_idx %arg9[%add3A_2372] : memref<128xf32, #tpu.memory_space<vmem>>[vector<16xi32>], vector<16xf32>,
        %le3A_2374 = arith.cmpf ole, %gather3A_2373, %convert_element_type3A_2314 : vector<16xf32>
        %jit3A_2375 = arith.constant 2 : i32
        %jit3A_2376 = arith.constant 0 : i32
        %broadcast_in_dim3A_2377 = vector.broadcast %jit3A_2375 : i32 to vector<16xi32>
        %broadcast_in_dim3A_2378 = vector.broadcast %jit3A_2376 : i32 to vector<16xi32>
        %select_n3A_2379 = arith.select %le3A_2374, %broadcast_in_dim3A_2377, %broadcast_in_dim3A_2378 : vector<16xi1>, vector<16xi32>
        %add3A_2380 = arith.addi %add3A_2369, %select_n3A_2379 : vector<16xi32>
        %add3A_2381 = arith.constant 0 : i32
        %add3A_2382 = vector.broadcast %add3A_2381 : i32 to vector<16xi32>
        %add3A_2383 = arith.addi %add3A_2380, %add3A_2382 : vector<16xi32>
        %gather3A_2384 = tpu.vector_load_idx %arg9[%add3A_2383] : memref<128xf32, #tpu.memory_space<vmem>>[vector<16xi32>], vector<16xf32>,
        %le3A_2385 = arith.cmpf ole, %gather3A_2384, %convert_element_type3A_2314 : vector<16xf32>
        %jit3A_2386 = arith.constant 1 : i32
        %jit3A_2387 = arith.constant 0 : i32
        %broadcast_in_dim3A_2388 = vector.broadcast %jit3A_2386 : i32 to vector<16xi32>
        %broadcast_in_dim3A_2389 = vector.broadcast %jit3A_2387 : i32 to vector<16xi32>
        %select_n3A_2390 = arith.select %le3A_2385, %broadcast_in_dim3A_2388, %broadcast_in_dim3A_2389 : vector<16xi1>, vector<16xi32>
        %add3A_2391 = arith.addi %add3A_2380, %select_n3A_2390 : vector<16xi32>
        %jit3A_2392 = arith.constant 1 : i32
        %jit3A_2393 = arith.constant 127 : i32
        %max3A_2394 = vector.broadcast %jit3A_2392 : i32 to vector<16xi32>
        %max3A_2395 = arith.maxsi %max3A_2394, %add3A_2391 : vector<16xi32>
        %min3A_2396 = vector.broadcast %jit3A_2393 : i32 to vector<16xi32>
        %min3A_2397 = arith.minsi %min3A_2396, %max3A_2395 : vector<16xi32>
        %sub3A_2398 = arith.constant 1 : i32
        %sub3A_2399 = vector.broadcast %sub3A_2398 : i32 to vector<16xi32>
        %sub3A_2400 = arith.subi %min3A_2397, %sub3A_2399 : vector<16xi32>
        %gather3A_2401 = tpu.vector_load_idx %arg9[%sub3A_2400] : memref<128xf32, #tpu.memory_space<vmem>>[vector<16xi32>], vector<16xf32>,
        %gather3A_2402 = tpu.vector_load_idx %arg10[%sub3A_2400] : memref<128xf32, #tpu.memory_space<vmem>>[vector<16xi32>], vector<16xf32>,
        %gather3A_2403 = tpu.vector_load_idx %arg9[%min3A_2397] : memref<128xf32, #tpu.memory_space<vmem>>[vector<16xi32>], vector<16xf32>,
        %gather3A_2404 = tpu.vector_load_idx %arg10[%min3A_2397] : memref<128xf32, #tpu.memory_space<vmem>>[vector<16xi32>], vector<16xf32>,
        %sub3A_2405 = arith.subf %gather3A_2403, %gather3A_2401 : vector<16xf32>
        %abs3A_2406 = math.absf %sub3A_2405 : vector<16xf32>
        %le3A_2407 = arith.constant 1.42108547E-14 : f32
        %le3A_2408 = vector.broadcast %le3A_2407 : f32 to vector<16xf32>
        %le3A_2409 = arith.cmpf ole, %abs3A_2406, %le3A_2408 : vector<16xf32>
        %sub3A_2410 = arith.subf %convert_element_type3A_2314, %gather3A_2401 : vector<16xf32>
        %jit3A_2411 = arith.constant 1.000000e+00 : f32
        %broadcast_in_dim3A_2412 = vector.broadcast %jit3A_2411 : f32 to vector<16xf32>
        %select_n3A_2413 = arith.select %le3A_2409, %broadcast_in_dim3A_2412, %sub3A_2405 : vector<16xi1>, vector<16xf32>
        %div3A_2414 = arith.divf %sub3A_2410, %select_n3A_2413 : vector<16xf32>
        %sub3A_2415 = arith.subf %gather3A_2404, %gather3A_2402 : vector<16xf32>
        %mul3A_2416 = arith.mulf %div3A_2414, %sub3A_2415 : vector<16xf32>
        %add3A_2417 = arith.addf %gather3A_2402, %mul3A_2416 : vector<16xf32>
        %select_n3A_2418 = arith.select %le3A_2409, %gather3A_2402, %add3A_2417 : vector<16xi1>, vector<16xf32>
        %lt3A_2419 = vector.broadcast %squeeze3A : f32 to vector<16xf32>
        %lt3A_2420 = arith.cmpf olt, %convert_element_type3A_2314, %lt3A_2419 : vector<16xf32>
        %broadcast_in_dim3A_2421 = vector.broadcast %squeeze3A_494 : f32 to vector<16xf32>
        %select_n3A_2422 = arith.select %lt3A_2420, %broadcast_in_dim3A_2421, %select_n3A_2418 : vector<16xi1>, vector<16xf32>
        %gt3A_2423 = vector.broadcast %squeeze3A_496 : f32 to vector<16xf32>
        %gt3A_2424 = arith.cmpf ogt, %convert_element_type3A_2314, %gt3A_2423 : vector<16xf32>
        %broadcast_in_dim3A_2425 = vector.broadcast %squeeze3A_498 : f32 to vector<16xf32>
        %select_n3A_2426 = arith.select %gt3A_2424, %broadcast_in_dim3A_2425, %select_n3A_2422 : vector<16xi1>, vector<16xf32>
        %add3A_2427 = arith.constant 5.000000e-01 : f32
        %add3A_2428 = vector.broadcast %add3A_2427 : f32 to vector<16xf32>
        %add3A_2429 = arith.addf %select_n3A_2426, %add3A_2428 : vector<16xf32>
        %max3A_2430 = arith.constant 0.000000e+00 : f32
        %max3A_2431 = vector.broadcast %max3A_2430 : f32 to vector<16xf32>
        %max3A_2432 = arith.maximumf %add3A_2429, %max3A_2431 : vector<16xf32>
        %min3A_2433 = arith.constant 2.550000e+02 : f32
        %min3A_2434 = vector.broadcast %min3A_2433 : f32 to vector<16xf32>
        %min3A_2435 = arith.minimumf %max3A_2432, %min3A_2434 : vector<16xf32>
        %add3A_2436 = arith.constant 224 : i32
        %add3A_2437 = arith.addi %mul3A_39, %add3A_2436 : i32
        %add3A_2438 = vector.broadcast %add3A_2437 : i32 to vector<16xi32>
        %add3A_2439 = arith.addi %add3A_2438, %iota3A : vector<16xi32>
        %convert_element_type3A_2440 = arith.fptosi %min3A_2435 : vector<16xf32> to vector<16xi32>
        tpu.vector_store_idx %arg11[%add3A_2439], %convert_element_type3A_2440 : memref<512xi32, #tpu.memory_space<vmem>>[vector<16xi32>], vector<16xi32>,
        %add3A_2441 = arith.constant 240 : i32
        %add3A_2442 = vector.broadcast %add3A_2441 : i32 to vector<16xi32>
        %add3A_2443 = arith.addi %iota3A, %add3A_2442 : vector<16xi32>
        %convert_element_type3A_2444 = arith.sitofp %add3A_2443 : vector<16xi32> to vector<16xf32>
        %add3A_2445 = arith.constant 63 : i32
        %add3A_2446 = vector.broadcast %add3A_2445 : i32 to vector<16xi32>
        %add3A_2447 = arith.addi %sub3A_492, %add3A_2446 : vector<16xi32>
        %gather3A_2448 = tpu.vector_load_idx %arg9[%add3A_2447] : memref<128xf32, #tpu.memory_space<vmem>>[vector<16xi32>], vector<16xf32>,
        %le3A_2449 = arith.cmpf ole, %gather3A_2448, %convert_element_type3A_2444 : vector<16xf32>
        %jit3A_2450 = arith.constant 64 : i32
        %jit3A_2451 = arith.constant 0 : i32
        %broadcast_in_dim3A_2452 = vector.broadcast %jit3A_2450 : i32 to vector<16xi32>
        %broadcast_in_dim3A_2453 = vector.broadcast %jit3A_2451 : i32 to vector<16xi32>
        %select_n3A_2454 = arith.select %le3A_2449, %broadcast_in_dim3A_2452, %broadcast_in_dim3A_2453 : vector<16xi1>, vector<16xi32>
        %add3A_2455 = arith.addi %sub3A_492, %select_n3A_2454 : vector<16xi32>
        %add3A_2456 = arith.constant 31 : i32
        %add3A_2457 = vector.broadcast %add3A_2456 : i32 to vector<16xi32>
        %add3A_2458 = arith.addi %add3A_2455, %add3A_2457 : vector<16xi32>
        %gather3A_2459 = tpu.vector_load_idx %arg9[%add3A_2458] : memref<128xf32, #tpu.memory_space<vmem>>[vector<16xi32>], vector<16xf32>,
        %le3A_2460 = arith.cmpf ole, %gather3A_2459, %convert_element_type3A_2444 : vector<16xf32>
        %jit3A_2461 = arith.constant 32 : i32
        %jit3A_2462 = arith.constant 0 : i32
        %broadcast_in_dim3A_2463 = vector.broadcast %jit3A_2461 : i32 to vector<16xi32>
        %broadcast_in_dim3A_2464 = vector.broadcast %jit3A_2462 : i32 to vector<16xi32>
        %select_n3A_2465 = arith.select %le3A_2460, %broadcast_in_dim3A_2463, %broadcast_in_dim3A_2464 : vector<16xi1>, vector<16xi32>
        %add3A_2466 = arith.addi %add3A_2455, %select_n3A_2465 : vector<16xi32>
        %add3A_2467 = arith.constant 15 : i32
        %add3A_2468 = vector.broadcast %add3A_2467 : i32 to vector<16xi32>
        %add3A_2469 = arith.addi %add3A_2466, %add3A_2468 : vector<16xi32>
        %gather3A_2470 = tpu.vector_load_idx %arg9[%add3A_2469] : memref<128xf32, #tpu.memory_space<vmem>>[vector<16xi32>], vector<16xf32>,
        %le3A_2471 = arith.cmpf ole, %gather3A_2470, %convert_element_type3A_2444 : vector<16xf32>
        %jit3A_2472 = arith.constant 16 : i32
        %jit3A_2473 = arith.constant 0 : i32
        %broadcast_in_dim3A_2474 = vector.broadcast %jit3A_2472 : i32 to vector<16xi32>
        %broadcast_in_dim3A_2475 = vector.broadcast %jit3A_2473 : i32 to vector<16xi32>
        %select_n3A_2476 = arith.select %le3A_2471, %broadcast_in_dim3A_2474, %broadcast_in_dim3A_2475 : vector<16xi1>, vector<16xi32>
        %add3A_2477 = arith.addi %add3A_2466, %select_n3A_2476 : vector<16xi32>
        %add3A_2478 = arith.constant 7 : i32
        %add3A_2479 = vector.broadcast %add3A_2478 : i32 to vector<16xi32>
        %add3A_2480 = arith.addi %add3A_2477, %add3A_2479 : vector<16xi32>
        %gather3A_2481 = tpu.vector_load_idx %arg9[%add3A_2480] : memref<128xf32, #tpu.memory_space<vmem>>[vector<16xi32>], vector<16xf32>,
        %le3A_2482 = arith.cmpf ole, %gather3A_2481, %convert_element_type3A_2444 : vector<16xf32>
        %jit3A_2483 = arith.constant 8 : i32
        %jit3A_2484 = arith.constant 0 : i32
        %broadcast_in_dim3A_2485 = vector.broadcast %jit3A_2483 : i32 to vector<16xi32>
        %broadcast_in_dim3A_2486 = vector.broadcast %jit3A_2484 : i32 to vector<16xi32>
        %select_n3A_2487 = arith.select %le3A_2482, %broadcast_in_dim3A_2485, %broadcast_in_dim3A_2486 : vector<16xi1>, vector<16xi32>
        %add3A_2488 = arith.addi %add3A_2477, %select_n3A_2487 : vector<16xi32>
        %add3A_2489 = arith.constant 3 : i32
        %add3A_2490 = vector.broadcast %add3A_2489 : i32 to vector<16xi32>
        %add3A_2491 = arith.addi %add3A_2488, %add3A_2490 : vector<16xi32>
        %gather3A_2492 = tpu.vector_load_idx %arg9[%add3A_2491] : memref<128xf32, #tpu.memory_space<vmem>>[vector<16xi32>], vector<16xf32>,
        %le3A_2493 = arith.cmpf ole, %gather3A_2492, %convert_element_type3A_2444 : vector<16xf32>
        %jit3A_2494 = arith.constant 4 : i32
        %jit3A_2495 = arith.constant 0 : i32
        %broadcast_in_dim3A_2496 = vector.broadcast %jit3A_2494 : i32 to vector<16xi32>
        %broadcast_in_dim3A_2497 = vector.broadcast %jit3A_2495 : i32 to vector<16xi32>
        %select_n3A_2498 = arith.select %le3A_2493, %broadcast_in_dim3A_2496, %broadcast_in_dim3A_2497 : vector<16xi1>, vector<16xi32>
        %add3A_2499 = arith.addi %add3A_2488, %select_n3A_2498 : vector<16xi32>
        %add3A_2500 = arith.constant 1 : i32
        %add3A_2501 = vector.broadcast %add3A_2500 : i32 to vector<16xi32>
        %add3A_2502 = arith.addi %add3A_2499, %add3A_2501 : vector<16xi32>
        %gather3A_2503 = tpu.vector_load_idx %arg9[%add3A_2502] : memref<128xf32, #tpu.memory_space<vmem>>[vector<16xi32>], vector<16xf32>,
        %le3A_2504 = arith.cmpf ole, %gather3A_2503, %convert_element_type3A_2444 : vector<16xf32>
        %jit3A_2505 = arith.constant 2 : i32
        %jit3A_2506 = arith.constant 0 : i32
        %broadcast_in_dim3A_2507 = vector.broadcast %jit3A_2505 : i32 to vector<16xi32>
        %broadcast_in_dim3A_2508 = vector.broadcast %jit3A_2506 : i32 to vector<16xi32>
        %select_n3A_2509 = arith.select %le3A_2504, %broadcast_in_dim3A_2507, %broadcast_in_dim3A_2508 : vector<16xi1>, vector<16xi32>
        %add3A_2510 = arith.addi %add3A_2499, %select_n3A_2509 : vector<16xi32>
        %add3A_2511 = arith.constant 0 : i32
        %add3A_2512 = vector.broadcast %add3A_2511 : i32 to vector<16xi32>
        %add3A_2513 = arith.addi %add3A_2510, %add3A_2512 : vector<16xi32>
        %gather3A_2514 = tpu.vector_load_idx %arg9[%add3A_2513] : memref<128xf32, #tpu.memory_space<vmem>>[vector<16xi32>], vector<16xf32>,
        %le3A_2515 = arith.cmpf ole, %gather3A_2514, %convert_element_type3A_2444 : vector<16xf32>
        %jit3A_2516 = arith.constant 1 : i32
        %jit3A_2517 = arith.constant 0 : i32
        %broadcast_in_dim3A_2518 = vector.broadcast %jit3A_2516 : i32 to vector<16xi32>
        %broadcast_in_dim3A_2519 = vector.broadcast %jit3A_2517 : i32 to vector<16xi32>
        %select_n3A_2520 = arith.select %le3A_2515, %broadcast_in_dim3A_2518, %broadcast_in_dim3A_2519 : vector<16xi1>, vector<16xi32>
        %add3A_2521 = arith.addi %add3A_2510, %select_n3A_2520 : vector<16xi32>
        %jit3A_2522 = arith.constant 1 : i32
        %jit3A_2523 = arith.constant 127 : i32
        %max3A_2524 = vector.broadcast %jit3A_2522 : i32 to vector<16xi32>
        %max3A_2525 = arith.maxsi %max3A_2524, %add3A_2521 : vector<16xi32>
        %min3A_2526 = vector.broadcast %jit3A_2523 : i32 to vector<16xi32>
        %min3A_2527 = arith.minsi %min3A_2526, %max3A_2525 : vector<16xi32>
        %sub3A_2528 = arith.constant 1 : i32
        %sub3A_2529 = vector.broadcast %sub3A_2528 : i32 to vector<16xi32>
        %sub3A_2530 = arith.subi %min3A_2527, %sub3A_2529 : vector<16xi32>
        %gather3A_2531 = tpu.vector_load_idx %arg9[%sub3A_2530] : memref<128xf32, #tpu.memory_space<vmem>>[vector<16xi32>], vector<16xf32>,
        %gather3A_2532 = tpu.vector_load_idx %arg10[%sub3A_2530] : memref<128xf32, #tpu.memory_space<vmem>>[vector<16xi32>], vector<16xf32>,
        %gather3A_2533 = tpu.vector_load_idx %arg9[%min3A_2527] : memref<128xf32, #tpu.memory_space<vmem>>[vector<16xi32>], vector<16xf32>,
        %gather3A_2534 = tpu.vector_load_idx %arg10[%min3A_2527] : memref<128xf32, #tpu.memory_space<vmem>>[vector<16xi32>], vector<16xf32>,
        %sub3A_2535 = arith.subf %gather3A_2533, %gather3A_2531 : vector<16xf32>
        %abs3A_2536 = math.absf %sub3A_2535 : vector<16xf32>
        %le3A_2537 = arith.constant 1.42108547E-14 : f32
        %le3A_2538 = vector.broadcast %le3A_2537 : f32 to vector<16xf32>
        %le3A_2539 = arith.cmpf ole, %abs3A_2536, %le3A_2538 : vector<16xf32>
        %sub3A_2540 = arith.subf %convert_element_type3A_2444, %gather3A_2531 : vector<16xf32>
        %jit3A_2541 = arith.constant 1.000000e+00 : f32
        %broadcast_in_dim3A_2542 = vector.broadcast %jit3A_2541 : f32 to vector<16xf32>
        %select_n3A_2543 = arith.select %le3A_2539, %broadcast_in_dim3A_2542, %sub3A_2535 : vector<16xi1>, vector<16xf32>
        %div3A_2544 = arith.divf %sub3A_2540, %select_n3A_2543 : vector<16xf32>
        %sub3A_2545 = arith.subf %gather3A_2534, %gather3A_2532 : vector<16xf32>
        %mul3A_2546 = arith.mulf %div3A_2544, %sub3A_2545 : vector<16xf32>
        %add3A_2547 = arith.addf %gather3A_2532, %mul3A_2546 : vector<16xf32>
        %select_n3A_2548 = arith.select %le3A_2539, %gather3A_2532, %add3A_2547 : vector<16xi1>, vector<16xf32>
        %lt3A_2549 = vector.broadcast %squeeze3A : f32 to vector<16xf32>
        %lt3A_2550 = arith.cmpf olt, %convert_element_type3A_2444, %lt3A_2549 : vector<16xf32>
        %broadcast_in_dim3A_2551 = vector.broadcast %squeeze3A_494 : f32 to vector<16xf32>
        %select_n3A_2552 = arith.select %lt3A_2550, %broadcast_in_dim3A_2551, %select_n3A_2548 : vector<16xi1>, vector<16xf32>
        %gt3A_2553 = vector.broadcast %squeeze3A_496 : f32 to vector<16xf32>
        %gt3A_2554 = arith.cmpf ogt, %convert_element_type3A_2444, %gt3A_2553 : vector<16xf32>
        %broadcast_in_dim3A_2555 = vector.broadcast %squeeze3A_498 : f32 to vector<16xf32>
        %select_n3A_2556 = arith.select %gt3A_2554, %broadcast_in_dim3A_2555, %select_n3A_2552 : vector<16xi1>, vector<16xf32>
        %add3A_2557 = arith.constant 5.000000e-01 : f32
        %add3A_2558 = vector.broadcast %add3A_2557 : f32 to vector<16xf32>
        %add3A_2559 = arith.addf %select_n3A_2556, %add3A_2558 : vector<16xf32>
        %max3A_2560 = arith.constant 0.000000e+00 : f32
        %max3A_2561 = vector.broadcast %max3A_2560 : f32 to vector<16xf32>
        %max3A_2562 = arith.maximumf %add3A_2559, %max3A_2561 : vector<16xf32>
        %min3A_2563 = arith.constant 2.550000e+02 : f32
        %min3A_2564 = vector.broadcast %min3A_2563 : f32 to vector<16xf32>
        %min3A_2565 = arith.minimumf %max3A_2562, %min3A_2564 : vector<16xf32>
        %add3A_2566 = arith.constant 240 : i32
        %add3A_2567 = arith.addi %mul3A_39, %add3A_2566 : i32
        %add3A_2568 = vector.broadcast %add3A_2567 : i32 to vector<16xi32>
        %add3A_2569 = arith.addi %add3A_2568, %iota3A : vector<16xi32>
        %convert_element_type3A_2570 = arith.fptosi %min3A_2565 : vector<16xf32> to vector<16xi32>
        tpu.vector_store_idx %arg11[%add3A_2569], %convert_element_type3A_2570 : memref<512xi32, #tpu.memory_space<vmem>>[vector<16xi32>], vector<16xi32>,
      } else {
      }
      %ge3A = arith.constant 2 : i32
      %ge3A_44 = arith.cmpi sge, %scan3A_24, %ge3A : i32
      %convert_element_type3A_45 = arith.extui %ge3A_44 : i1 to i32
      %cond3A_46 = arith.constant 0 : i32
      %cond3A_47 = arith.cmpi ne, %convert_element_type3A_45, %cond3A_46 : i32
      scf.if %cond3A_47 {
        %eq3A_66 = arith.constant 0 : i32
        %eq3A_67 = arith.cmpi eq, %rem3A_35, %eq3A_66 : i32
        %convert_element_type3A_68 = arith.extui %eq3A_67 : i1 to i32
        %cond3A_69 = arith.constant 0 : i32
        %cond3A_70 = arith.cmpi ne, %convert_element_type3A_68, %cond3A_69 : i32
        scf.if %cond3A_70 {
          %dma_wait3A_97 = arith.constant 0 : i32
          %dma_wait3A_98 = arith.constant 0 : i32
          %dma_wait3A_99 = arith.constant 0 : i32
          %dma_wait3A_100 = tpu.memref_slice %arg6[%dma_wait3A_97, %dma_wait3A_98, %dma_wait3A_99] : memref<2x128x256xf32, #tpu.memory_space<vmem>> -> memref<1x128x256xf32, #tpu.memory_space<vmem>>
          %dma_wait3A_101 = tpu.memref_squeeze %dma_wait3A_100 : memref<1x128x256xf32, #tpu.memory_space<vmem>> -> memref<128x256xf32, #tpu.memory_space<vmem>>
          %dma_wait3A_102 = arith.constant 0 : i32
          %dma_wait3A_103 = arith.constant 0 : i32
          %dma_wait3A_104 = tpu.memref_slice %arg6[%dma_wait3A_97, %dma_wait3A_102, %dma_wait3A_103] : memref<2x128x256xf32, #tpu.memory_space<vmem>> -> memref<1x128x256xf32, #tpu.memory_space<vmem>>
          %dma_wait3A_105 = tpu.memref_squeeze %dma_wait3A_104 : memref<1x128x256xf32, #tpu.memory_space<vmem>> -> memref<128x256xf32, #tpu.memory_space<vmem>>
          tpu.wait_dma2 semaphore(%arg12 : memref<!tpu.dma_semaphore, #tpu.memory_space<semaphore_mem>>) src(%arg4 : memref<128x256xf32, #tpu.memory_space<hbm>>) dst(%dma_wait3A_105 : memref<128x256xf32, #tpu.memory_space<vmem>>)
        } else {
        }
        %eq3A_71 = arith.constant 1 : i32
        %eq3A_72 = arith.cmpi eq, %rem3A_35, %eq3A_71 : i32
        %convert_element_type3A_73 = arith.extui %eq3A_72 : i1 to i32
        %cond3A_74 = arith.constant 0 : i32
        %cond3A_75 = arith.cmpi ne, %convert_element_type3A_73, %cond3A_74 : i32
        scf.if %cond3A_75 {
          %dma_wait3A_97 = arith.constant 1 : i32
          %dma_wait3A_98 = arith.constant 0 : i32
          %dma_wait3A_99 = arith.constant 0 : i32
          %dma_wait3A_100 = tpu.memref_slice %arg6[%dma_wait3A_97, %dma_wait3A_98, %dma_wait3A_99] : memref<2x128x256xf32, #tpu.memory_space<vmem>> -> memref<1x128x256xf32, #tpu.memory_space<vmem>>
          %dma_wait3A_101 = tpu.memref_squeeze %dma_wait3A_100 : memref<1x128x256xf32, #tpu.memory_space<vmem>> -> memref<128x256xf32, #tpu.memory_space<vmem>>
          %dma_wait3A_102 = arith.constant 0 : i32
          %dma_wait3A_103 = arith.constant 0 : i32
          %dma_wait3A_104 = tpu.memref_slice %arg6[%dma_wait3A_97, %dma_wait3A_102, %dma_wait3A_103] : memref<2x128x256xf32, #tpu.memory_space<vmem>> -> memref<1x128x256xf32, #tpu.memory_space<vmem>>
          %dma_wait3A_105 = tpu.memref_squeeze %dma_wait3A_104 : memref<1x128x256xf32, #tpu.memory_space<vmem>> -> memref<128x256xf32, #tpu.memory_space<vmem>>
          tpu.wait_dma2 semaphore(%arg13 : memref<!tpu.dma_semaphore, #tpu.memory_space<semaphore_mem>>) src(%arg4 : memref<128x256xf32, #tpu.memory_space<hbm>>) dst(%dma_wait3A_105 : memref<128x256xf32, #tpu.memory_space<vmem>>)
        } else {
        }
        %sub3A_76 = arith.constant 2 : i32
        %sub3A_77 = arith.subi %scan3A_24, %sub3A_76 : i32
        %div3A_78 = arith.constant 4 : i32
        %div3A_79 = arith.divsi %sub3A_77, %div3A_78 : i32
        %rem3A_80 = arith.constant 4 : i32
        %rem3A_81 = arith.remsi %sub3A_77, %rem3A_80 : i32
        %rem3A_82 = arith.constant 2 : i32
        %rem3A_83 = arith.remsi %div3A_79, %rem3A_82 : i32
        %mul3A_84 = arith.constant 256 : i32
        %mul3A_85 = arith.muli %rem3A_83, %mul3A_84 : i32
        %mul3A_86 = arith.constant 128 : i32
        %mul3A_87 = arith.muli %rem3A_81, %mul3A_86 : i32
        %sub3A_88 = arith.subi %iota3A, %iota3A : vector<16xi32>
        %add3A_89 = vector.broadcast %rem3A_35 : i32 to vector<16xi32>
        %add3A_90 = arith.addi %sub3A_88, %add3A_89 : vector<16xi32>
        %scan3A_91 = arith.constant 0 : i32
        %scan3A_92 = arith.constant 0 : i32
        %scan3A_93 = arith.constant 8 : i32
        %scan3A_94 = arith.addi %scan3A_92, %scan3A_93 : i32
        %scan3A_95 = arith.constant 1 : i32
        scf.for %scan3A_97 = %scan3A_92 to %scan3A_94 step %scan3A_95  : i32 {
          %mul3A_98 = arith.constant 16 : i32
          %mul3A_99 = arith.muli %scan3A_97, %mul3A_98 : i32
          %add3A_100 = vector.broadcast %mul3A_99 : i32 to vector<16xi32>
          %add3A_101 = arith.addi %add3A_100, %iota3A : vector<16xi32>
          %add3A_102 = vector.broadcast %mul3A_87 : i32 to vector<16xi32>
          %add3A_103 = arith.addi %add3A_102, %add3A_101 : vector<16xi32>
          %shift_right_logical3A = arith.constant 1 : i32
          %shift_right_logical3A_104 = vector.broadcast %shift_right_logical3A : i32 to vector<16xi32>
          %shift_right_logical3A_105 = arith.shrui %add3A_103, %shift_right_logical3A_104 : vector<16xi32>
          %and3A = arith.constant 1 : i32
          %and3A_106 = vector.broadcast %and3A : i32 to vector<16xi32>
          %and3A_107 = arith.andi %add3A_103, %and3A_106 : vector<16xi32>
          %eq3A_108 = arith.constant 1 : i32
          %eq3A_109 = vector.broadcast %eq3A_108 : i32 to vector<16xi32>
          %eq3A_110 = arith.cmpi eq, %and3A_107, %eq3A_109 : vector<16xi32>
          %sub3A_111 = arith.constant 1 : i32
          %sub3A_112 = vector.broadcast %sub3A_111 : i32 to vector<16xi32>
          %sub3A_113 = arith.subi %shift_right_logical3A_105, %sub3A_112 : vector<16xi32>
          %max3A = arith.constant 0 : i32
          %max3A_114 = vector.broadcast %max3A : i32 to vector<16xi32>
          %max3A_115 = arith.maxsi %sub3A_113, %max3A_114 : vector<16xi32>
          %select_n3A = arith.select %eq3A_110, %shift_right_logical3A_105, %max3A_115 : vector<16xi1>, vector<16xi32>
          %add3A_116 = arith.constant 1 : i32
          %add3A_117 = vector.broadcast %add3A_116 : i32 to vector<16xi32>
          %add3A_118 = arith.addi %shift_right_logical3A_105, %add3A_117 : vector<16xi32>
          %min3A = arith.constant 255 : i32
          %min3A_119 = vector.broadcast %min3A : i32 to vector<16xi32>
          %min3A_120 = arith.minsi %add3A_118, %min3A_119 : vector<16xi32>
          %select_n3A_121 = arith.select %eq3A_110, %min3A_120, %shift_right_logical3A_105 : vector<16xi1>, vector<16xi32>
          %jit3A = arith.constant -6.750000e-01 : f32
          %jit3A_122 = arith.constant -2.250000e-01 : f32
          %broadcast_in_dim3A = vector.broadcast %jit3A : f32 to vector<16xf32>
          %broadcast_in_dim3A_123 = vector.broadcast %jit3A_122 : f32 to vector<16xf32>
          %select_n3A_124 = arith.select %eq3A_110, %broadcast_in_dim3A, %broadcast_in_dim3A_123 : vector<16xi1>, vector<16xf32>
          %jit3A_125 = arith.constant -2.250000e-01 : f32
          %jit3A_126 = arith.constant -6.750000e-01 : f32
          %broadcast_in_dim3A_127 = vector.broadcast %jit3A_125 : f32 to vector<16xf32>
          %broadcast_in_dim3A_128 = vector.broadcast %jit3A_126 : f32 to vector<16xf32>
          %select_n3A_129 = arith.select %eq3A_110, %broadcast_in_dim3A_127, %broadcast_in_dim3A_128 : vector<16xi1>, vector<16xf32>
          %add3A_130 = vector.broadcast %mul3A_85 : i32 to vector<16xi32>
          %add3A_131 = arith.addi %add3A_130, %select_n3A : vector<16xi32>
          %gather3A = tpu.vector_load_idx %arg11[%add3A_131] : memref<512xi32, #tpu.memory_space<vmem>>[vector<16xi32>], vector<16xi32>,
          %add3A_132 = vector.broadcast %mul3A_85 : i32 to vector<16xi32>
          %add3A_133 = arith.addi %add3A_132, %select_n3A_121 : vector<16xi32>
          %gather3A_134 = tpu.vector_load_idx %arg11[%add3A_133] : memref<512xi32, #tpu.memory_space<vmem>>[vector<16xi32>], vector<16xi32>,
          tpu.vector_store_idx %arg6[%add3A_90, %add3A_101, %gather3A], %select_n3A_124 {add = true} : memref<2x128x256xf32, #tpu.memory_space<vmem>>[vector<16xi32>, vector<16xi32>, vector<16xi32>], vector<16xf32>,
          tpu.vector_store_idx %arg6[%add3A_90, %add3A_101, %gather3A_134], %select_n3A_129 {add = true} : memref<2x128x256xf32, #tpu.memory_space<vmem>>[vector<16xi32>, vector<16xi32>, vector<16xi32>], vector<16xf32>,
        }
        %scan3A_96 = arith.constant 8 : i32
      } else {
      }
      %sub3A = arith.subi %iota3A, %iota3A : vector<16xi32>
      %add3A_48 = vector.broadcast %rem3A_35 : i32 to vector<16xi32>
      %add3A_49 = arith.addi %sub3A, %add3A_48 : vector<16xi32>
      %scan3A_50 = arith.constant 0 : i32
      %scan3A_51 = arith.constant 0 : i32
      %scan3A_52 = arith.constant 8 : i32
      %scan3A_53 = arith.addi %scan3A_51, %scan3A_52 : i32
      %scan3A_54 = arith.constant 1 : i32
      scf.for %scan3A_66 = %scan3A_51 to %scan3A_53 step %scan3A_54  : i32 {
        %mul3A_67 = arith.constant 16 : i32
        %mul3A_68 = arith.muli %scan3A_66, %mul3A_67 : i32
        %add3A_69 = vector.broadcast %mul3A_68 : i32 to vector<16xi32>
        %add3A_70 = arith.addi %add3A_69, %iota3A : vector<16xi32>
        %add3A_71 = vector.broadcast %mul3A_41 : i32 to vector<16xi32>
        %add3A_72 = arith.addi %add3A_71, %add3A_70 : vector<16xi32>
        %shift_right_logical3A = arith.constant 1 : i32
        %shift_right_logical3A_73 = vector.broadcast %shift_right_logical3A : i32 to vector<16xi32>
        %shift_right_logical3A_74 = arith.shrui %add3A_72, %shift_right_logical3A_73 : vector<16xi32>
        %and3A = arith.constant 1 : i32
        %and3A_75 = vector.broadcast %and3A : i32 to vector<16xi32>
        %and3A_76 = arith.andi %add3A_72, %and3A_75 : vector<16xi32>
        %eq3A_77 = arith.constant 1 : i32
        %eq3A_78 = vector.broadcast %eq3A_77 : i32 to vector<16xi32>
        %eq3A_79 = arith.cmpi eq, %and3A_76, %eq3A_78 : vector<16xi32>
        %sub3A_80 = arith.constant 1 : i32
        %sub3A_81 = vector.broadcast %sub3A_80 : i32 to vector<16xi32>
        %sub3A_82 = arith.subi %shift_right_logical3A_74, %sub3A_81 : vector<16xi32>
        %max3A = arith.constant 0 : i32
        %max3A_83 = vector.broadcast %max3A : i32 to vector<16xi32>
        %max3A_84 = arith.maxsi %sub3A_82, %max3A_83 : vector<16xi32>
        %select_n3A = arith.select %eq3A_79, %shift_right_logical3A_74, %max3A_84 : vector<16xi1>, vector<16xi32>
        %add3A_85 = arith.constant 1 : i32
        %add3A_86 = vector.broadcast %add3A_85 : i32 to vector<16xi32>
        %add3A_87 = arith.addi %shift_right_logical3A_74, %add3A_86 : vector<16xi32>
        %min3A = arith.constant 255 : i32
        %min3A_88 = vector.broadcast %min3A : i32 to vector<16xi32>
        %min3A_89 = arith.minsi %add3A_87, %min3A_88 : vector<16xi32>
        %select_n3A_90 = arith.select %eq3A_79, %min3A_89, %shift_right_logical3A_74 : vector<16xi1>, vector<16xi32>
        %jit3A = arith.constant 6.750000e-01 : f32
        %jit3A_91 = arith.constant 2.250000e-01 : f32
        %broadcast_in_dim3A = vector.broadcast %jit3A : f32 to vector<16xf32>
        %broadcast_in_dim3A_92 = vector.broadcast %jit3A_91 : f32 to vector<16xf32>
        %select_n3A_93 = arith.select %eq3A_79, %broadcast_in_dim3A, %broadcast_in_dim3A_92 : vector<16xi1>, vector<16xf32>
        %jit3A_94 = arith.constant 2.250000e-01 : f32
        %jit3A_95 = arith.constant 6.750000e-01 : f32
        %broadcast_in_dim3A_96 = vector.broadcast %jit3A_94 : f32 to vector<16xf32>
        %broadcast_in_dim3A_97 = vector.broadcast %jit3A_95 : f32 to vector<16xf32>
        %select_n3A_98 = arith.select %eq3A_79, %broadcast_in_dim3A_96, %broadcast_in_dim3A_97 : vector<16xi1>, vector<16xf32>
        %add3A_99 = vector.broadcast %mul3A_39 : i32 to vector<16xi32>
        %add3A_100 = arith.addi %add3A_99, %select_n3A : vector<16xi32>
        %gather3A = tpu.vector_load_idx %arg11[%add3A_100] : memref<512xi32, #tpu.memory_space<vmem>>[vector<16xi32>], vector<16xi32>,
        %add3A_101 = vector.broadcast %mul3A_39 : i32 to vector<16xi32>
        %add3A_102 = arith.addi %add3A_101, %select_n3A_90 : vector<16xi32>
        %gather3A_103 = tpu.vector_load_idx %arg11[%add3A_102] : memref<512xi32, #tpu.memory_space<vmem>>[vector<16xi32>], vector<16xi32>,
        tpu.vector_store_idx %arg6[%add3A_49, %add3A_70, %gather3A], %select_n3A_93 {add = true} : memref<2x128x256xf32, #tpu.memory_space<vmem>>[vector<16xi32>, vector<16xi32>, vector<16xi32>], vector<16xf32>,
        tpu.vector_store_idx %arg6[%add3A_49, %add3A_70, %gather3A_103], %select_n3A_98 {add = true} : memref<2x128x256xf32, #tpu.memory_space<vmem>>[vector<16xi32>, vector<16xi32>, vector<16xi32>], vector<16xf32>,
      }
      %scan3A_55 = arith.constant 8 : i32
      %eq3A_56 = arith.constant 0 : i32
      %eq3A_57 = arith.cmpi eq, %rem3A_35, %eq3A_56 : i32
      %convert_element_type3A_58 = arith.extui %eq3A_57 : i1 to i32
      %cond3A_59 = arith.constant 0 : i32
      %cond3A_60 = arith.cmpi ne, %convert_element_type3A_58, %cond3A_59 : i32
      scf.if %cond3A_60 {
        %dma_start3A = arith.constant 0 : i32
        %dma_start3A_66 = arith.constant 0 : i32
        %dma_start3A_67 = arith.constant 0 : i32
        %dma_start3A_68 = tpu.memref_slice %arg6[%dma_start3A, %dma_start3A_66, %dma_start3A_67] : memref<2x128x256xf32, #tpu.memory_space<vmem>> -> memref<1x128x256xf32, #tpu.memory_space<vmem>>
        %dma_start3A_69 = tpu.memref_squeeze %dma_start3A_68 : memref<1x128x256xf32, #tpu.memory_space<vmem>> -> memref<128x256xf32, #tpu.memory_space<vmem>>
        %dma_start3A_70 = arith.constant 0 : i32
        %dma_start3A_71 = tpu.memref_slice %arg5[%div3A_31, %rem3A_33, %mul3A_41, %dma_start3A_70] : memref<16x8x512x256xf32, #tpu.memory_space<hbm>> -> memref<1x1x128x256xf32, #tpu.memory_space<hbm>>
        %dma_start3A_72 = tpu.memref_squeeze %dma_start3A_71 : memref<1x1x128x256xf32, #tpu.memory_space<hbm>> -> memref<128x256xf32, #tpu.memory_space<hbm>>
        %dma_start3A_73 = arith.constant 0 : i32
        %dma_start3A_74 = tpu.memref_slice %arg5[%div3A_31, %rem3A_33, %mul3A_41, %dma_start3A_73] : memref<16x8x512x256xf32, #tpu.memory_space<hbm>> -> memref<1x1x128x256xf32, #tpu.memory_space<hbm>>
        %dma_start3A_75 = tpu.memref_squeeze %dma_start3A_74 : memref<1x1x128x256xf32, #tpu.memory_space<hbm>> -> memref<128x256xf32, #tpu.memory_space<hbm>>
        %dma_start3A_76 = arith.constant 0 : i32
        %dma_start3A_77 = arith.constant 0 : i32
        %dma_start3A_78 = tpu.memref_slice %arg6[%dma_start3A, %dma_start3A_76, %dma_start3A_77] : memref<2x128x256xf32, #tpu.memory_space<vmem>> -> memref<1x128x256xf32, #tpu.memory_space<vmem>>
        %dma_start3A_79 = tpu.memref_squeeze %dma_start3A_78 : memref<1x128x256xf32, #tpu.memory_space<vmem>> -> memref<128x256xf32, #tpu.memory_space<vmem>>
        tpu.enqueue_dma source(%dma_start3A_79 : memref<128x256xf32, #tpu.memory_space<vmem>>) target(%dma_start3A_75 : memref<128x256xf32, #tpu.memory_space<hbm>>) target_semaphore(%arg12 : memref<!tpu.dma_semaphore, #tpu.memory_space<semaphore_mem>>)
      } else {
      }
      %eq3A_61 = arith.constant 1 : i32
      %eq3A_62 = arith.cmpi eq, %rem3A_35, %eq3A_61 : i32
      %convert_element_type3A_63 = arith.extui %eq3A_62 : i1 to i32
      %cond3A_64 = arith.constant 0 : i32
      %cond3A_65 = arith.cmpi ne, %convert_element_type3A_63, %cond3A_64 : i32
      scf.if %cond3A_65 {
        %dma_start3A = arith.constant 1 : i32
        %dma_start3A_66 = arith.constant 0 : i32
        %dma_start3A_67 = arith.constant 0 : i32
        %dma_start3A_68 = tpu.memref_slice %arg6[%dma_start3A, %dma_start3A_66, %dma_start3A_67] : memref<2x128x256xf32, #tpu.memory_space<vmem>> -> memref<1x128x256xf32, #tpu.memory_space<vmem>>
        %dma_start3A_69 = tpu.memref_squeeze %dma_start3A_68 : memref<1x128x256xf32, #tpu.memory_space<vmem>> -> memref<128x256xf32, #tpu.memory_space<vmem>>
        %dma_start3A_70 = arith.constant 0 : i32
        %dma_start3A_71 = tpu.memref_slice %arg5[%div3A_31, %rem3A_33, %mul3A_41, %dma_start3A_70] : memref<16x8x512x256xf32, #tpu.memory_space<hbm>> -> memref<1x1x128x256xf32, #tpu.memory_space<hbm>>
        %dma_start3A_72 = tpu.memref_squeeze %dma_start3A_71 : memref<1x1x128x256xf32, #tpu.memory_space<hbm>> -> memref<128x256xf32, #tpu.memory_space<hbm>>
        %dma_start3A_73 = arith.constant 0 : i32
        %dma_start3A_74 = tpu.memref_slice %arg5[%div3A_31, %rem3A_33, %mul3A_41, %dma_start3A_73] : memref<16x8x512x256xf32, #tpu.memory_space<hbm>> -> memref<1x1x128x256xf32, #tpu.memory_space<hbm>>
        %dma_start3A_75 = tpu.memref_squeeze %dma_start3A_74 : memref<1x1x128x256xf32, #tpu.memory_space<hbm>> -> memref<128x256xf32, #tpu.memory_space<hbm>>
        %dma_start3A_76 = arith.constant 0 : i32
        %dma_start3A_77 = arith.constant 0 : i32
        %dma_start3A_78 = tpu.memref_slice %arg6[%dma_start3A, %dma_start3A_76, %dma_start3A_77] : memref<2x128x256xf32, #tpu.memory_space<vmem>> -> memref<1x128x256xf32, #tpu.memory_space<vmem>>
        %dma_start3A_79 = tpu.memref_squeeze %dma_start3A_78 : memref<1x128x256xf32, #tpu.memory_space<vmem>> -> memref<128x256xf32, #tpu.memory_space<vmem>>
        tpu.enqueue_dma source(%dma_start3A_79 : memref<128x256xf32, #tpu.memory_space<vmem>>) target(%dma_start3A_75 : memref<128x256xf32, #tpu.memory_space<hbm>>) target_semaphore(%arg13 : memref<!tpu.dma_semaphore, #tpu.memory_space<semaphore_mem>>)
      } else {
      }
    }
    %scan3A_6 = arith.constant 16 : i32
    %dma_wait3A = arith.constant 0 : i32
    %dma_wait3A_7 = arith.constant 0 : i32
    %dma_wait3A_8 = arith.constant 0 : i32
    %dma_wait3A_9 = tpu.memref_slice %arg6[%dma_wait3A, %dma_wait3A_7, %dma_wait3A_8] : memref<2x128x256xf32, #tpu.memory_space<vmem>> -> memref<1x128x256xf32, #tpu.memory_space<vmem>>
    %dma_wait3A_10 = tpu.memref_squeeze %dma_wait3A_9 : memref<1x128x256xf32, #tpu.memory_space<vmem>> -> memref<128x256xf32, #tpu.memory_space<vmem>>
    %dma_wait3A_11 = arith.constant 0 : i32
    %dma_wait3A_12 = arith.constant 0 : i32
    %dma_wait3A_13 = tpu.memref_slice %arg6[%dma_wait3A, %dma_wait3A_11, %dma_wait3A_12] : memref<2x128x256xf32, #tpu.memory_space<vmem>> -> memref<1x128x256xf32, #tpu.memory_space<vmem>>
    %dma_wait3A_14 = tpu.memref_squeeze %dma_wait3A_13 : memref<1x128x256xf32, #tpu.memory_space<vmem>> -> memref<128x256xf32, #tpu.memory_space<vmem>>
    tpu.wait_dma2 semaphore(%arg12 : memref<!tpu.dma_semaphore, #tpu.memory_space<semaphore_mem>>) src(%arg4 : memref<128x256xf32, #tpu.memory_space<hbm>>) dst(%dma_wait3A_14 : memref<128x256xf32, #tpu.memory_space<vmem>>)
    %dma_wait3A_15 = arith.constant 1 : i32
    %dma_wait3A_16 = arith.constant 0 : i32
    %dma_wait3A_17 = arith.constant 0 : i32
    %dma_wait3A_18 = tpu.memref_slice %arg6[%dma_wait3A_15, %dma_wait3A_16, %dma_wait3A_17] : memref<2x128x256xf32, #tpu.memory_space<vmem>> -> memref<1x128x256xf32, #tpu.memory_space<vmem>>
    %dma_wait3A_19 = tpu.memref_squeeze %dma_wait3A_18 : memref<1x128x256xf32, #tpu.memory_space<vmem>> -> memref<128x256xf32, #tpu.memory_space<vmem>>
    %dma_wait3A_20 = arith.constant 0 : i32
    %dma_wait3A_21 = arith.constant 0 : i32
    %dma_wait3A_22 = tpu.memref_slice %arg6[%dma_wait3A_15, %dma_wait3A_20, %dma_wait3A_21] : memref<2x128x256xf32, #tpu.memory_space<vmem>> -> memref<1x128x256xf32, #tpu.memory_space<vmem>>
    %dma_wait3A_23 = tpu.memref_squeeze %dma_wait3A_22 : memref<1x128x256xf32, #tpu.memory_space<vmem>> -> memref<128x256xf32, #tpu.memory_space<vmem>>
    tpu.wait_dma2 semaphore(%arg13 : memref<!tpu.dma_semaphore, #tpu.memory_space<semaphore_mem>>) src(%arg4 : memref<128x256xf32, #tpu.memory_space<hbm>>) dst(%dma_wait3A_23 : memref<128x256xf32, #tpu.memory_space<vmem>>)
    return
  }
}

</mosaic_0001>

<sc_bundles>
// kernel: kernel.3.cloned.1.call-start
scs
__scs_entry_jumppad:
0x0: {  	(pc) =	sbr.rel $0x88, $3  }
0x1: {  	(tag) =	ssettag $0x0;
	lr =	simm.s32 $0x1  }
0x2: {  	[smem:$0x3F9F] =	sst lr;
	_ =	strace $0xD0000000  }
0x3: {  	_ = 	snop  }
0x4: {  	_ = 	snop  }
0x5: {  	_ = 	snop  }
0x6: {  	_ = 	snop  }
0x7: {  	_ = 	snop  }
__scs_overlays_trampoline_lowered:
0x8: {  	[smem:$0x3FAE] =	sst s0  }
0x9: {  	[smem:$0x3FAF] =	sst s1  }
0xa: {  	[smem:$0x3FB0] =	sst s2  }
0xb: {  	[smem:$0x3FB1] =	sst s3  }
0xc: {  	[smem:$0x3FB2] =	sst s4  }
0xd: {  	[smem:$0x3FB3] =	sst s5  }
0xe: {  	[smem:$0x3FB4] =	sst s6  }
0xf: {  	[smem:$0x3FB5] =	sst s7  }
0x10: {  	[smem:$0x3FB6] =	sst s8  }
0x11: {  	[smem:$0x3FB7] =	sst s9;
	s0 =	simm.s32 @!p0 $0x0  }
0x12: {  	s1 =	sld [smem:$0x3F9D];
	s0 =	simm.s32 @p0 $0x1  }
0x13: {  	[smem:$0x3FB8] =	sst s0;
	s0 =	simm.s32 @!p1 $0x0  }
0x14: {  	s2 =	sld [smem:$0x3F9C];
	s0 =	simm.s32 @p1 $0x1  }
0x15: {  	[smem:$0x3FB9] =	sst s0;
	s0 =	simm.s32 @!p2 $0x0  }
0x16: {  	s3 =	sld [smem:$0x3FDB];
	s0 =	simm.s32 @p2 $0x1  }
0x17: {  	s4 =	simm.s32 $0x1BF5;
	[smem:$0x3FBB] =	sst s0  }
0x18: {  	s0 =	sld [smem:$0x3F9E];
	_ =	swait.ge [sflag:s4], $0x0  }
0x19: {  	s7 =	sld [smem:$0x3F9F]  }
0x1a: {  	s8 =	sadd.s32 $0xFFFFE003, lr  }
0x1b: {  	s9 =	sadd.s32 $0xFFFFFEF7, lr;
	s5 =	simm.s32 $0xFFFFFFFF;
	p2 =	slt.u32 s8, $0xFFFFF086  }
0x1c: {  	p1 =	slt.u32 s9, $0xF7A;
	s5 =	simm.s32 @!p2 $0x0  }
0x1d: {  	s5 =	simm.s32 @p1 $0x1;
	p0 =	seq.s32 s7, s2  }
0x1e: {  	s7 =	smul.u32 @!p0 $0xF7A, s2;
	p2 =	seq.s32 @!p0 s5, $0x0  }
0x1f: {  	s9 =	smul.u32 $0xF7A, s1;
	s8 =	simm.s32 @!p0 $0x1BF5;
	p2 =	por !p2, p0  }
0x20: {  	[sflag:s8] =	ssyncset.s32 @!p0 $0xFFFFF086;
	s6 =	sadd.s32 @!p0 s3, s7;
	s7 =	simm.s32 @!p0 $0x108  }
0x21: {  	s3 =	sadd.s32 s3, s9;
	s6 =	sadd.s32 @!p0 $0x88, s6;
	s7 =	simm.s32 @p2 $0x1082  }
0x22: {  	[simem:s7], [sflag:s8] =	dma.local @!p0 [hbm:s6], $0xF7A  }
0x23: {  	s9 =	sor.u32 $0xD0000000, s2;
	s6 =	simm.s32 $0x108;
	_ =	swait.ge @!p0 [sflag:s8], $0x0  }
0x24: {  	s3 =	sadd.s32 $0x88, s3;
	s6 =	simm.s32 @!p1 $0x1082;
	[sflag:s4] =	ssyncset.s32 $0xFFFFF086  }
0x25: {  	[simem:s6], [sflag:s4] =	dma.local [hbm:s3], $0xF7A  }
0x26: {  	[smem:$0x3F9F] =	sst s1;
	(tag) =	ssettag s2;
	_ =	strace s9  }
0x27: {  	s1 =	sld [smem:$0x3FAF]  }
0x28: {  	s2 =	sld [smem:$0x3FB0]  }
0x29: {  	s4 =	sld [smem:$0x3FB2]  }
0x2a: {  	p0 =	seq.s32 s5, $0x0;
	s5 =	sld [smem:$0x3FB3]  }
0x2b: {  	s6 =	sld [smem:$0x3FB4]  }
0x2c: {  	s7 =	sld [smem:$0x3FB5]  }
0x2d: {  	s3 =	simm.s32 $0x108;
	s8 =	sld [smem:$0x3FB6]  }
0x2e: {  	s3 =	simm.s32 @!p0 $0x1082;
	s9 =	sld [smem:$0x3FB7]  }
0x2f: {  	lr =	sadd.s32 s0, s3;
	s0 =	sld [smem:$0x3FAE]  }
0x30: {  	s3 =	sld [smem:$0x3FB1]  }
0x31: {  	[smem:$0x3FBA] =	sst s10  }
0x32: {  	s10 =	sld [smem:$0x3FB8];
	_ =	sdelay $0x3  }
0x33: {  	p0 =	seq.s32 s10, $0x1;
	s10 =	sld [smem:$0x3FBA];
	_ =	sdelay $0x3  }
0x34: {  	[smem:$0x3FBA] =	sst s10  }
0x35: {  	s10 =	sld [smem:$0x3FB9];
	_ =	sdelay $0x3  }
0x36: {  	p1 =	seq.s32 s10, $0x1;
	s10 =	sld [smem:$0x3FBA];
	_ =	sdelay $0x3  }
0x37: {  	[smem:$0x3FBA] =	sst s10  }
0x38: {  	s10 =	sld [smem:$0x3FBB]  }
0x39: {  	_ = 	snop;
	(pc) =	sbr.ind lr, $3  }
0x3a: {  	_ = 	snop  }
0x3b: {  	_ = 	snop  }
0x3c: {  	p2 =	seq.s32 s10, $0x1;
	s10 =	sld [smem:$0x3FBA]  }
0x3d: {  	_ =	shalt  }
0x3e: {  	_ =	shalt  }
0x3f: {  	_ =	shalt  }
0x40: {  	_ =	shalt  }
0x41: {  	_ =	shalt  }
0x42: {  	_ =	shalt  }
0x43: {  	_ =	shalt  }
0x44: {  	_ =	shalt  }
0x45: {  	_ =	shalt  }
0x46: {  	_ =	shalt  }
0x47: {  	_ =	shalt  }
0x48: {  	_ =	shalt  }
0x49: {  	_ =	shalt  }
0x4a: {  	_ =	shalt  }
0x4b: {  	_ =	shalt  }
0x4c: {  	_ =	shalt  }
0x4d: {  	_ =	shalt  }
0x4e: {  	_ =	shalt  }
0x4f: {  	_ =	shalt  }
0x50: {  	_ =	shalt  }
0x51: {  	_ =	shalt  }
0x52: {  	_ =	shalt  }
0x53: {  	_ =	shalt  }
0x54: {  	_ =	shalt  }
0x55: {  	_ =	shalt  }
0x56: {  	_ =	shalt  }
0x57: {  	_ =	shalt  }
0x58: {  	_ =	shalt  }
0x59: {  	_ =	shalt  }
0x5a: {  	_ =	shalt  }
0x5b: {  	_ =	shalt  }
0x5c: {  	_ =	shalt  }
0x5d: {  	_ =	shalt  }
0x5e: {  	_ =	shalt  }
0x5f: {  	_ =	shalt  }
0x60: {  	_ =	shalt  }
0x61: {  	_ =	shalt  }
0x62: {  	_ =	shalt  }
0x63: {  	_ =	shalt  }
0x64: {  	_ =	shalt  }
0x65: {  	_ =	shalt  }
0x66: {  	_ =	shalt  }
0x67: {  	_ =	shalt  }
0x68: {  	_ =	shalt  }
0x69: {  	_ =	shalt  }
0x6a: {  	_ =	shalt  }
0x6b: {  	_ =	shalt  }
0x6c: {  	_ =	shalt  }
0x6d: {  	_ =	shalt  }
0x6e: {  	_ =	shalt  }
0x6f: {  	_ =	shalt  }
0x70: {  	_ =	shalt  }
0x71: {  	_ =	shalt  }
0x72: {  	_ =	shalt  }
0x73: {  	_ =	shalt  }
0x74: {  	_ =	shalt  }
0x75: {  	_ =	shalt  }
0x76: {  	_ =	shalt  }
0x77: {  	_ =	shalt  }
0x78: {  	_ =	shalt  }
0x79: {  	_ =	shalt  }
0x7a: {  	_ =	shalt  }
0x7b: {  	_ =	shalt  }
0x7c: {  	_ =	shalt  }
0x7d: {  	_ =	shalt  }
0x7e: {  	_ =	shalt  }
0x7f: {  	_ =	shalt  }
0x80: {  	_ =	shalt  }
0x81: {  	_ =	shalt  }
0x82: {  	_ =	shalt  }
0x83: {  	_ =	shalt  }
0x84: {  	_ =	shalt  }
0x85: {  	_ =	shalt  }
0x86: {  	_ =	shalt  }
0x87: {  	_ =	shalt  }
.Lfunc_end0:
.L_simem_size_0:
called_computation_lowered:
.L_overlay_start_0:
0x88: {  	s2 =	sld [smem:$0x3FD9]  }
0x89: {  	s3 =	sld [smem:$0x3FFE];
	_ =	sdelay $0x1  }
0x8a: {  	s1 =	srdreg.scid  }
0x8b: {  	s0 =	sand.u32 $0x1, s1  }
0x8c: {  	s17 =	sshll.u32 s0, $0xA;
	s2 =	sadd.s32 s3, s2  }
0x8d: {  	s2 =	sadd.s32 s2, s17  }
0x8e: {  	[smem:$0x3FC6] =	sst s2  }
0x8f: {  	_ = 	snop  }
0x90: {  	s2 =	sld [smem:$0x3FD0];
	(tm) =	ssettm $0x1  }
0x91: {  	s18 =	sld [smem:$0x3FFB];
	_ =	sdelay $0x3  }
0x92: {  	_ =	strace s18  }
0x93: {  	s3 =	sld [smem:$0x3FFC];
	_ =	sdelay $0x3  }
0x94: {  	_ =	strace s3  }
0x95: {  	s3 =	sld [smem:$0x3FFD];
	_ =	sdelay $0x3  }
0x96: {  	_ =	strace s3  }
0x97: {  	_ =	strace $0x8FFFFFFF  }
0x98: {  	s19 =	sld [smem:$0x3FDB];
	_ =	sdelay $0x1  }
0x99: {  	s4 =	simm.s32 $_scs_section_size  }
0x9a: {  	s5 =	simm.s32 $_size__tile_overlayer_lowered;
	s6 =	simm.s32 $_tile_overlayer_lowered  }
0x9b: {  	s22 =	simm.s32 $0x1BFF;
	s21 =	sshll.u32 s6, $0x1;
	s3 =	sadd.s32 s4, s19  }
0x9c: {  	s7 =	simm.s32 $0x0;
	s20 =	sshll.u32 s5, $0x1;
	s5 =	sadd.s32 s21, s3  }
0x9d: {  	[timem:s7], [sflag:s22] =	dma.local [hbm:s5], s20  }
0x9e: {  	_ =	swait.ge [sflag:s22], s20  }
0x9f: {  	s4 =	ssub.s32 $0x0, s20;
	[sflag:s22] =	ssyncset.done $0x0  }
0xa0: {  	[sflag:s22] =	ssyncadd.s32 s4;
	_ =	sdelay $0x1  }
0xa1: {  	s23 =	simm.s32 $0x1B8B  }
0xa2: {  	_ =	swait.ge [sflag:s23], $0x1  }
0xa3: {  	[sflag:s23] =	ssyncset.done $0x0  }
0xa4: {  	s25 =	simm.s32 $0x1B8E;
	s24 =	sld [smem:$0x3FFE];
	[sflag:s23] =	ssyncadd.s32 $0xFFFFFFFF  }
0xa5: {  	s26 =	simm.s32 $execute0_lowered;
	[smem:$0x3FD2] =	sst s25  }
0xa6: {  	s5 =	sshll.u32 s26, $0x1;
	_ =	strace $0x80000046;
	[dreg:$0x1] =	wrdreg $0xFFFFFFFF  }
0xa7: {  	s28 =	simm.s32 $_size_execute0_lowered;
	s3 =	sadd.s32 s3, s5;
	[dreg:$0x0] =	wrdreg $0x0  }
0xa8: {  	s5 =	sshll.u32 s28, $0x1;
	[dreg:$0x2] =	wrdreg s3  }
0xa9: {  	[dreg:$0x3] =	wrdreg s5  }
0xaa: {  	[dreg:$0x4] =	wrdreg $0xC0  }
0xab: {  	_ =	task [dreg:s7], $0x5FFFF  }
0xac: {  	[dreg:$0x1] =	wrdreg $0xFFFFFFFF  }
0xad: {  	[dreg:$0x0] =	wrdreg $0x60  }
0xae: {  	[dreg:$0x2] =	wrdreg s24  }
0xaf: {  	[dreg:$0x3] =	wrdreg s2  }
0xb0: {  	[dreg:$0x4] =	wrdreg $0x9  }
0xb1: {  	_ =	task.clear_ibuf [dreg:s7], $0x5FFFF;
	_ =	strace $0x90000046  }
0xb2: {  	s29 =	simm.s32 $0x9;
	_ =	strace $0x80000048  }
0xb3: {  	_ =	swait.ge [sflag:s29], $0x1  }
0xb4: {  	[sflag:s29] =	ssyncadd.s32 $0xFFFFFFFF  }
0xb5: {  	_ =	strace $0x90000048  }
0xb6: {  	_ =	sfence  }
0xb7: {  	s30 =	sld [smem:$0x0];
	_ =	sdelay $0x2  }
0xb8: {  	s31 =	sshll.u32 s1, $0xD;
	s1 =	sshrl.u32 s1, $0x2  }
0xb9: {  	s3 =	sand.u32 $0x4000, s31;
	s1 =	sadd.s32 s1, s30  }
0xba: {  	s0 =	sor.u32 s3, s0;
	s1 =	sshll.u32 s1, $0x11  }
0xbb: {  	s0 =	sor.u32 s1, s0  }
0xbc: {  	s0 =	sadd.s32 $0x8F2B, s0  }
0xbd: {  	[sflag:s0] =	ssyncadd.remote.s32 $0x1  }
0xbe: {  	_ =	sfence.sel $0xFFFF  }
0xbf: {  	[dreg:$0x0] =	wrdreg $0xFFFFFFFF;
	(pc) =	sbr.abs _section_cstart, $3  }
0xc0: {  	[dreg:$0x1] =	wrdreg $0xFFFFFFFF  }
0xc1: {  	_ =	task.clear_ibuf [dreg:s7], $0x2FFFF;
	_ =	strace $0x9FFFFFFF  }
0xc2: {  	(tm) =	ssettm $0x7FFFFFFF  }
0xc3: {  	_ =	shalt  }
tec
execute0_lowered:
.L_overlay_start_1:
0x0: {  	(tag) =	ssettag $0x1  }
0x1: {  	v0 =	vimm.f32 $1.500000000e+01;
	vm0 =	vcmask $0x300  }
0x2: {  	vm14 =	vcmask $0x704;
	vm1 =	vcmask $0xB08;
	vm13 =	vcmask $0xF0C  }
0x3: {  	vm2 =	vcmask $0x1310;
	vm12 =	vcmask $0x1714;
	vm3 =	vcmask $0x1B18  }
0x4: {  	vm11 =	vcmask $0x1F1C;
	vm4 =	vcmask $0x2320;
	vm10 =	vcmask $0x2724  }
0x5: {  	vm5 =	vcmask $0x2B28;
	vm9 =	vcmask $0x2F2C;
	vm6 =	vcmask $0x3330  }
0x6: {  	vm8 =	vcmask $0x3734;
	vm7 =	vcmask $0x3B38;
	v7 =	vimm.f32 $4.700000000e+01  }
0x7: {  	v8 =	vimm.f32 $6.300000000e+01;
	v10 =	vimm.f32 $7.900000000e+01;
	v13 =	vimm.f32 $9.500000000e+01  }
0x8: {  	v14 =	vimm.f32 $1.110000000e+02;
	v16 =	vimm.f32 $1.270000000e+02;
	v19 =	vimm.f32 $1.430000000e+02  }
0x9: {  	v20 =	vimm.f32 $1.590000000e+02;
	v22 =	vimm.f32 $1.750000000e+02;
	v24 =	vimm.f32 $2.070000000e+02  }
0xa: {  	v25 =	vimm.f32 $2.230000000e+02;
	v26 =	vimm.f32 $2.390000000e+02;
	v27 =	vimm.f32 $2.550000000e+02  }
0xb: {  	v28 =	vimm.f32 $-6.750000110e-01;
	v29 =	vimm.f32 $-2.249999940e-01;
	v30 =	vimm.f32 $6.750000110e-01  }
0xc: {  	v31 =	vimm.f32 $2.249999940e-01;
	v0 =	vsel vm0, $0x0, v0;
	v7 =	vsel vm0, $0x42000000, v7  }
0xd: {  	v8 =	vsel vm0, $0x42400000, v8;
	v10 =	vsel vm0, $0x42800000, v10;
	v13 =	vsel vm0, $0x42A00000, v13  }
0xe: {  	v14 =	vsel vm0, $0x42C00000, v14;
	v16 =	vsel vm0, $0x42E00000, v16;
	v19 =	vsel vm0, $0x43000000, v19  }
0xf: {  	v20 =	vsel vm0, $0x43100000, v20;
	v22 =	vsel vm0, $0x43200000, v22;
	v24 =	vsel vm0, $0x43400000, v24  }
0x10: {  	v25 =	vsel vm0, $0x43500000, v25;
	v26 =	vsel vm0, $0x43600000, v26;
	v27 =	vsel vm0, $0x43700000, v27  }
0x11: {  	v28 =	vsel vm0, $0xBE666666, v28;
	v29 =	vsel vm0, $0xBF2CCCCD, v29;
	v30 =	vsel vm0, $0x3E666666, v30  }
0x12: {  	v31 =	vsel vm0, $0x3F2CCCCD, v31;
	v1 =	vsel vm14, $0x3F800000, v0;
	v0 =	vlaneseq.u32  }
0x13: {  	v7 =	vsel vm14, $0x42040000, v7;
	v8 =	vsel vm14, $0x42440000, v8;
	v10 =	vsel vm14, $0x42820000, v10  }
0x14: {  	v13 =	vsel vm14, $0x42A20000, v13;
	v14 =	vsel vm14, $0x42C20000, v14;
	v16 =	vsel vm14, $0x42E20000, v16  }
0x15: {  	v19 =	vsel vm14, $0x43010000, v19;
	v20 =	vsel vm14, $0x43110000, v20;
	v22 =	vsel vm14, $0x43210000, v22  }
0x16: {  	v24 =	vsel vm14, $0x43410000, v24;
	v25 =	vsel vm14, $0x43510000, v25;
	v26 =	vsel vm14, $0x43610000, v26  }
0x17: {  	v27 =	vsel vm14, $0x43710000, v27;
	v28 =	vsel vm1, $0xBE666666, v28;
	v29 =	vsel vm1, $0xBF2CCCCD, v29  }
0x18: {  	v30 =	vsel vm1, $0x3E666666, v30;
	v31 =	vsel vm1, $0x3F2CCCCD, v31;
	v1 =	vsel vm1, $0x40000000, v1  }
0x19: {  	v2 =	vmul.u32 $0xFFFFFFFF, v0;
	v7 =	vsel vm1, $0x42080000, v7;
	v8 =	vsel vm1, $0x42480000, v8  }
0x1a: {  	v10 =	vsel vm1, $0x42840000, v10;
	v13 =	vsel vm1, $0x42A40000, v13;
	v14 =	vsel vm1, $0x42C40000, v14  }
0x1b: {  	v16 =	vsel vm1, $0x42E40000, v16;
	v19 =	vsel vm1, $0x43020000, v19;
	v20 =	vsel vm1, $0x43120000, v20  }
0x1c: {  	v22 =	vsel vm1, $0x43220000, v22;
	v24 =	vsel vm1, $0x43420000, v24;
	v25 =	vsel vm1, $0x43520000, v25  }
0x1d: {  	v26 =	vsel vm1, $0x43620000, v26;
	v27 =	vsel vm1, $0x43720000, v27;
	v28 =	vsel vm2, $0xBE666666, v28  }
0x1e: {  	v29 =	vsel vm2, $0xBF2CCCCD, v29;
	v30 =	vsel vm2, $0x3E666666, v30;
	v31 =	vsel vm2, $0x3F2CCCCD, v31  }
0x1f: {  	v1 =	vsel vm13, $0x40400000, v1;
	v7 =	vsel vm13, $0x420C0000, v7;
	v8 =	vsel vm13, $0x424C0000, v8  }
0x20: {  	v10 =	vsel vm13, $0x42860000, v10;
	v13 =	vsel vm13, $0x42A60000, v13;
	v14 =	vsel vm13, $0x42C60000, v14  }
0x21: {  	v16 =	vsel vm13, $0x42E60000, v16;
	v19 =	vsel vm13, $0x43030000, v19;
	v20 =	vsel vm13, $0x43130000, v20  }
0x22: {  	v22 =	vsel vm13, $0x43230000, v22;
	v24 =	vsel vm13, $0x43430000, v24;
	v25 =	vsel vm13, $0x43530000, v25  }
0x23: {  	v26 =	vsel vm13, $0x43630000, v26;
	v27 =	vsel vm13, $0x43730000, v27;
	v28 =	vsel vm3, $0xBE666666, v28  }
0x24: {  	v29 =	vsel vm3, $0xBF2CCCCD, v29;
	v30 =	vsel vm3, $0x3E666666, v30;
	v31 =	vsel vm3, $0x3F2CCCCD, v31  }
0x25: {  	v3 =	vsel vm2, $0x40800000, v1;
	v1 =	vadd.s32 $0xF, v2;
	v7 =	vsel vm2, $0x42100000, v7  }
0x26: {  	v8 =	vsel vm2, $0x42500000, v8;
	v10 =	vsel vm2, $0x42880000, v10;
	v13 =	vsel vm2, $0x42A80000, v13  }
0x27: {  	v14 =	vsel vm2, $0x42C80000, v14;
	v16 =	vsel vm2, $0x42E80000, v16;
	v21 =	vsel vm2, $0x43040000, v19  }
0x28: {  	v20 =	vsel vm2, $0x43140000, v20;
	v19 =	vor.u32 $0x70, v0;
	v22 =	vsel vm2, $0x43240000, v22  }
0x29: {  	v24 =	vsel vm2, $0x43440000, v24;
	v25 =	vsel vm2, $0x43540000, v25;
	v26 =	vsel vm2, $0x43640000, v26  }
0x2a: {  	v27 =	vsel vm2, $0x43740000, v27;
	v28 =	vsel vm4, $0xBE666666, v28;
	v29 =	vsel vm4, $0xBF2CCCCD, v29  }
0x2b: {  	v30 =	vsel vm4, $0x3E666666, v30;
	v31 =	vsel vm4, $0x3F2CCCCD, v31;
	v2 =	vsel vm12, $0x40A00000, v3  }
0x2c: {  	v3 =	vimm.f32 $3.100000000e+01;
	v9 =	vsel vm12, $0x42140000, v7;
	v7 =	vor.u32 $0x10, v0  }
0x2d: {  	v8 =	vsel vm12, $0x42540000, v8;
	v10 =	vsel vm12, $0x428A0000, v10;
	v15 =	vsel vm12, $0x42AA0000, v13  }
0x2e: {  	v13 =	vor.u32 $0x40, v0;
	v14 =	vsel vm12, $0x42CA0000, v14;
	v16 =	vsel vm12, $0x42EA0000, v16  }
0x2f: {  	v21 =	vsel vm12, $0x43050000, v21;
	v20 =	vsel vm12, $0x43150000, v20;
	v22 =	vsel vm12, $0x43250000, v22  }
0x30: {  	v24 =	vsel vm12, $0x43450000, v24;
	v25 =	vsel vm12, $0x43550000, v25;
	v26 =	vsel vm12, $0x43650000, v26  }
0x31: {  	v27 =	vsel vm12, $0x43750000, v27;
	v28 =	vsel vm5, $0xBE666666, v28;
	v29 =	vsel vm5, $0xBF2CCCCD, v29  }
0x32: {  	v30 =	vsel vm5, $0x3E666666, v30;
	v31 =	vsel vm5, $0x3F2CCCCD, v31;
	v2 =	vsel vm3, $0x40C00000, v2  }
0x33: {  	v3 =	vsel vm0, $0x41800000, v3;
	v9 =	vsel vm3, $0x42180000, v9;
	v8 =	vsel vm3, $0x42580000, v8  }
0x34: {  	v10 =	vsel vm3, $0x428C0000, v10;
	v15 =	vsel vm3, $0x42AC0000, v15;
	v14 =	vsel vm3, $0x42CC0000, v14  }
0x35: {  	v16 =	vsel vm3, $0x42EC0000, v16;
	v21 =	vsel vm3, $0x43060000, v21;
	v20 =	vsel vm3, $0x43160000, v20  }
0x36: {  	v22 =	vsel vm3, $0x43260000, v22;
	v24 =	vsel vm3, $0x43460000, v24;
	v25 =	vsel vm3, $0x43560000, v25  }
0x37: {  	v26 =	vsel vm3, $0x43660000, v26;
	v27 =	vsel vm3, $0x43760000, v27;
	v28 =	vsel vm6, $0xBE666666, v28  }
0x38: {  	v29 =	vsel vm6, $0xBF2CCCCD, v29;
	v30 =	vsel vm6, $0x3E666666, v30;
	v31 =	vsel vm6, $0x3F2CCCCD, v31  }
0x39: {  	v2 =	vsel vm11, $0x40E00000, v2;
	v3 =	vsel vm14, $0x41880000, v3;
	v9 =	vsel vm11, $0x421C0000, v9  }
0x3a: {  	v8 =	vsel vm11, $0x425C0000, v8;
	v12 =	vsel vm11, $0x428E0000, v10;
	v15 =	vsel vm11, $0x42AE0000, v15  }
0x3b: {  	v14 =	vsel vm11, $0x42CE0000, v14;
	v18 =	vsel vm11, $0x42EE0000, v16;
	v21 =	vsel vm11, $0x43070000, v21  }
0x3c: {  	v20 =	vsel vm11, $0x43170000, v20;
	v22 =	vsel vm11, $0x43270000, v22;
	v24 =	vsel vm11, $0x43470000, v24  }
0x3d: {  	v25 =	vsel vm11, $0x43570000, v25;
	v26 =	vsel vm11, $0x43670000, v26;
	v27 =	vsel vm11, $0x43770000, v27  }
0x3e: {  	v28 =	vsel vm7, $0xBE666666, v28;
	v29 =	vsel vm7, $0xBF2CCCCD, v29;
	v30 =	vsel vm7, $0x3E666666, v30  }
0x3f: {  	v31 =	vsel vm7, $0x3F2CCCCD, v31;
	v2 =	vsel vm4, $0x41000000, v2;
	v3 =	vsel vm1, $0x41900000, v3  }
0x40: {  	v9 =	vsel vm4, $0x42200000, v9;
	v8 =	vsel vm4, $0x42600000, v8;
	v12 =	vsel vm4, $0x42900000, v12  }
0x41: {  	v15 =	vsel vm4, $0x42B00000, v15;
	v14 =	vsel vm4, $0x42D00000, v14;
	v18 =	vsel vm4, $0x42F00000, v18  }
0x42: {  	v21 =	vsel vm4, $0x43080000, v21;
	v20 =	vsel vm4, $0x43180000, v20;
	v22 =	vsel vm4, $0x43280000, v22  }
0x43: {  	v24 =	vsel vm4, $0x43480000, v24;
	v25 =	vsel vm4, $0x43580000, v25;
	v26 =	vsel vm4, $0x43680000, v26  }
0x44: {  	v27 =	vsel vm4, $0x43780000, v27;
	v2 =	vsel vm10, $0x41100000, v2;
	v3 =	vsel vm13, $0x41980000, v3  }
0x45: {  	v9 =	vsel vm10, $0x42240000, v9;
	v8 =	vsel vm10, $0x42640000, v8;
	v12 =	vsel vm10, $0x42920000, v12  }
0x46: {  	v15 =	vsel vm10, $0x42B20000, v15;
	v14 =	vsel vm10, $0x42D20000, v14;
	v18 =	vsel vm10, $0x42F20000, v18  }
0x47: {  	v21 =	vsel vm10, $0x43090000, v21;
	v20 =	vsel vm10, $0x43190000, v20;
	v22 =	vsel vm10, $0x43290000, v22  }
0x48: {  	v24 =	vsel vm10, $0x43490000, v24;
	v25 =	vsel vm10, $0x43590000, v25;
	v26 =	vsel vm10, $0x43690000, v26  }
0x49: {  	v27 =	vsel vm10, $0x43790000, v27;
	v2 =	vsel vm5, $0x41200000, v2;
	v3 =	vsel vm2, $0x41A00000, v3  }
0x4a: {  	v9 =	vsel vm5, $0x42280000, v9;
	v8 =	vsel vm5, $0x42680000, v8;
	v12 =	vsel vm5, $0x42940000, v12  }
0x4b: {  	v15 =	vsel vm5, $0x42B40000, v15;
	v14 =	vsel vm5, $0x42D40000, v14;
	v18 =	vsel vm5, $0x42F40000, v18  }
0x4c: {  	v21 =	vsel vm5, $0x430A0000, v21;
	v20 =	vsel vm5, $0x431A0000, v20;
	v22 =	vsel vm5, $0x432A0000, v22  }
0x4d: {  	v24 =	vsel vm5, $0x434A0000, v24;
	v25 =	vsel vm5, $0x435A0000, v25;
	v26 =	vsel vm5, $0x436A0000, v26  }
0x4e: {  	v27 =	vsel vm5, $0x437A0000, v27;
	v2 =	vsel vm9, $0x41300000, v2;
	v3 =	vsel vm12, $0x41A80000, v3  }
0x4f: {  	v9 =	vsel vm9, $0x422C0000, v9;
	v11 =	vsel vm9, $0x426C0000, v8;
	v12 =	vsel vm9, $0x42960000, v12  }
0x50: {  	v15 =	vsel vm9, $0x42B60000, v15;
	v17 =	vsel vm9, $0x42D60000, v14;
	v18 =	vsel vm9, $0x42F60000, v18  }
0x51: {  	v21 =	vsel vm9, $0x430B0000, v21;
	v20 =	vsel vm9, $0x431B0000, v20;
	v22 =	vsel vm9, $0x432B0000, v22  }
0x52: {  	v24 =	vsel vm9, $0x434B0000, v24;
	v25 =	vsel vm9, $0x435B0000, v25;
	v26 =	vsel vm9, $0x436B0000, v26  }
0x53: {  	v27 =	vsel vm9, $0x437B0000, v27;
	v2 =	vsel vm6, $0x41400000, v2;
	v5 =	vsel vm3, $0x41B00000, v3  }
0x54: {  	v9 =	vsel vm6, $0x42300000, v9;
	v11 =	vsel vm6, $0x42700000, v11;
	v12 =	vsel vm6, $0x42980000, v12  }
0x55: {  	v15 =	vsel vm6, $0x42B80000, v15;
	v17 =	vsel vm6, $0x42D80000, v17;
	v18 =	vsel vm6, $0x42F80000, v18  }
0x56: {  	v21 =	vsel vm6, $0x430C0000, v21;
	v20 =	vsel vm6, $0x431C0000, v20;
	v22 =	vsel vm6, $0x432C0000, v22  }
0x57: {  	v24 =	vsel vm6, $0x434C0000, v24;
	v25 =	vsel vm6, $0x435C0000, v25;
	v26 =	vsel vm6, $0x436C0000, v26  }
0x58: {  	v27 =	vsel vm6, $0x437C0000, v27;
	v4 =	vsel vm8, $0x41500000, v2;
	v2 =	vimm.s32 $0x3F  }
0x59: {  	v5 =	vsel vm11, $0x41B80000, v5;
	v9 =	vsel vm8, $0x42340000, v9;
	v11 =	vsel vm8, $0x42740000, v11  }
0x5a: {  	v12 =	vsel vm8, $0x429A0000, v12;
	v15 =	vsel vm8, $0x42BA0000, v15;
	v17 =	vsel vm8, $0x42DA0000, v17  }
0x5b: {  	v18 =	vsel vm8, $0x42FA0000, v18;
	v21 =	vsel vm8, $0x430D0000, v21;
	v23 =	vsel vm8, $0x431D0000, v20  }
0x5c: {  	v20 =	vsel vm7, $0x430E0000, v21;
	v21 =	vsel vm7, $0x431E0000, v23;
	v23 =	vimm.f32 $1.910000000e+02  }
0x5d: {  	v22 =	vsel vm8, $0x432D0000, v22;
	v24 =	vsel vm8, $0x434D0000, v24;
	v23 =	vsel vm0, $0x43300000, v23  }
0x5e: {  	v25 =	vsel vm8, $0x435D0000, v25;
	v26 =	vsel vm8, $0x436D0000, v26;
	v23 =	vsel vm14, $0x43310000, v23  }
0x5f: {  	v27 =	vsel vm8, $0x437D0000, v27;
	v3 =	vsel vm7, $0x41600000, v4;
	v23 =	vsel vm1, $0x43320000, v23  }
0x60: {  	s5 =	rddreg [dreg:$0x0];
	v4 =	vimm.s32 $0x0;
	v6 =	vsel vm4, $0x41C00000, v5;
	v23 =	vsel vm13, $0x43330000, v23  }
0x61: {  	s14 =	rddreg [dreg:$0x1];
	v8 =	vsel vm7, $0x42380000, v9;
	v9 =	vor.u32 $0x20, v0;
	v23 =	vsel vm2, $0x43340000, v23  }
0x62: {  	s0 =	rddreg [dreg:$0x2];
	s1 =	simm.s32 $0x0;
	s2 =	stileid.u32;
	v10 =	vsel vm7, $0x42780000, v11;
	v11 =	vor.u32 $0x30, v0;
	v23 =	vsel vm12, $0x43350000, v23  }
0x63: {  	s6 =	simm.s32 $0x8000;
	s7 =	simm.s32 $0x10000;
	s8 =	simm.s32 $0x10080;
	v12 =	vsel vm7, $0x429C0000, v12;
	v14 =	vsel vm7, $0x42BC0000, v15;
	v23 =	vsel vm3, $0x43360000, v23  }
0x64: {  	s9 =	simm.s32 $0x10100;
	s10 =	simm.s32 $0x10180;
	s11 =	simm.s32 $0x10200;
	v15 =	vor.u32 $0x50, v0;
	v16 =	vsel vm7, $0x42DC0000, v17;
	v23 =	vsel vm11, $0x43370000, v23  }
0x65: {  	s12 =	srdreg.scid;
	s18 =	simm.s32 $0x1;
	s19 =	simm.s32 $0x0;
	v17 =	vor.u32 $0x60, v0;
	v18 =	vsel vm7, $0x42FC0000, v18;
	v23 =	vsel vm4, $0x43380000, v23  }
0x66: {  	[smem:$0x7FF] =	sst s1;
	s3 =	sadd.s32 $0xA00, s5;
	s4 =	sadd.s32 $0x1200, s5;
	v22 =	vsel vm7, $0x432E0000, v22;
	v6 =	vsel vm10, $0x41C80000, v6;
	v23 =	vsel vm10, $0x43390000, v23  }
0x67: {  	s5 =	sadd.s32 $0x1A00, s5;
	s15 =	sshll.u32 s2, $0x11;
	s12 =	sand.u32 $0x1, s12;
	v24 =	vsel vm7, $0x434E0000, v24;
	v6 =	vsel vm5, $0x41D00000, v6;
	v23 =	vsel vm5, $0x433A0000, v23  }
0x68: {  	s17 =	sshll.u32 s2, $0x3;
	_ =	strace $0x80000047;
	s13 =	ssub.s32 $0x2, s12;
	v25 =	vsel vm7, $0x435E0000, v25;
	v6 =	vsel vm9, $0x41D80000, v6;
	v23 =	vsel vm9, $0x433B0000, v23  }
0x69: {  	s12 =	sshll.u32 s12, $0x2;
	s14 =	sadd.s32 s14, s15;
	s16 =	sshrl.u32 s13, $0x1;
	v26 =	vsel vm7, $0x436E0000, v26;
	v6 =	vsel vm6, $0x41E00000, v6;
	v23 =	vsel vm6, $0x433C0000, v23  }
0x6a: {  	s12 =	sor.u32 s12, s17;
	s17 =	simm.s32 $0x2;
	s16 =	ssub.s32 s13, s16;
	v27 =	vsel vm7, $0x437E0000, v27;
	v6 =	vsel vm8, $0x41E80000, v6;
	v23 =	vsel vm8, $0x433D0000, v23  }
0x6b: {  	s13 =	sshll.u32 s2, $0x7;
	s15 =	smax.u32 s16, $0x1;
	s16 =	simm.s32 $0x3;
	v5 =	vsel vm0, $0x7, v4;
	v6 =	vsel vm7, $0x41F00000, v6;
	v23 =	vsel vm7, $0x433E0000, v23  }
.LBB2_1:
0x6c: {  	[tilespmem:s1], [sflag:$0x3] =	stream.linear.gather [hbm4b:s5+s1], $0x8000, $0x38;
	[tilespmem:$0x10400] =	vst v63  }
0x6d: {  	_ =	swait.ge [sflag:s16], $0x8000  }
0x6e: {  	[sflag:s16] =	ssyncset.done $0x0  }
0x6f: {  	[sflag:s16] =	ssyncadd.s32 $0xFFFF8000  }
0x70: {  	[tilespmem:s6], [sflag:$0x3] =	stream.linear.gather [hbm4b:s5+s1], $0x8000, $0x38;
	[tilespmem:$0x10400] =	vst v63  }
0x71: {  	_ =	swait.ge [sflag:s16], $0x8000  }
0x72: {  	[sflag:s16] =	ssyncset.done $0x0  }
0x73: {  	s20 =	simm.s32 $0x0;
	[sflag:s16] =	ssyncadd.s32 $0xFFFF8000  }
.LBB2_2:
0x74: {  	s21 =	sand.u32 $0x3, s20  }
0x75: {  	p0 =	sne.s32 s21, $0x0  }
.Ltmp0:
0x76: {  	_ = 	snop;
	(pc) =	sbr.rel @p0 .LBB2_4-.Ltmp0, $3  }
0x77: {  	_ =	sdelay $0x1  }
0x78: {  	s22 =	sshrl.u32 s20, $0x2;
	s23 =	sshll.u32 s20, $0x6  }
0x79: {  	s22 =	sadd.s32 s12, s22;
	s23 =	sand.u32 $0x100, s23  }
0x7a: {  	s24 =	sshll.u32 s22, $0x4  }
0x7b: {  	s24 =	sand.u32 $0x70, s24  }
0x7c: {  	s24 =	sor.u32 s13, s24  }
0x7d: {  	s25 =	sadd.s32 s3, s24  }
0x7e: {  	[tilespmem:s7], [sflag:$0x3] =	stream.linear.gather [hbm4b:s25+s1], $0x80, $0x38;
	[tilespmem:$0x10400] =	vst v63  }
0x7f: {  	_ =	swait.ge [sflag:s16], $0x80  }
0x80: {  	[sflag:s16] =	ssyncset.done $0x0  }
0x81: {  	s24 =	sadd.s32 s4, s24;
	[sflag:s16] =	ssyncadd.s32 $0xFFFFFF80  }
0x82: {  	[tilespmem:s8], [sflag:$0x3] =	stream.linear.gather [hbm4b:s24+s1], $0x80, $0x38;
	[tilespmem:$0x10400] =	vst v63  }
0x83: {  	_ =	swait.ge [sflag:s16], $0x80  }
0x84: {  	[sflag:s16] =	ssyncset.done $0x0  }
0x85: {  	[sflag:s16] =	ssyncadd.s32 $0xFFFFFF80  }
0x86: {  	v32 =	vld [tilespmem:$0x10000]  }
0x87: {  	v33 =	vld [tilespmem:$0x10080]  }
0x88: {  	v34 =	vld [tilespmem:$0x10010]  }
0x89: {  	v35 =	vld [tilespmem:$0x10090]  }
0x8a: {  	v36 =	vld [tilespmem:$0x10020]  }
0x8b: {  	v37 =	vld [tilespmem:$0x100A0]  }
0x8c: {  	v38 =	vld [tilespmem:$0x10030]  }
0x8d: {  	v39 =	vld [tilespmem:$0x100B0];
	_ =	sdelay $0x1  }
0x8e: {  	(xrf1) =	vsort.ascd.msk.f32 $0xffff, v32, v33  }
0x8f: {  	v52 =	vld [tilespmem:$0x10040];
	(xrf1) =	vsort.ascd.msk.f32 $0xffff, v34, v35  }
0x90: {  	v53 =	vld [tilespmem:$0x100C0];
	(xrf1) =	vsort.ascd.msk.f32 $0xffff, v36, v37  }
0x91: {  	v54 =	vld [tilespmem:$0x10050];
	(xrf1) =	vsort.ascd.msk.f32 $0xffff, v38, v39  }
0x92: {  	v55 =	vld [tilespmem:$0x100D0]  }
0x93: {  	v56 =	vld [tilespmem:$0x10060]  }
0x94: {  	v57 =	vld [tilespmem:$0x100E0]  }
0x95: {  	v58 =	vld [tilespmem:$0x10070]  }
0x96: {  	v59 =	vld [tilespmem:$0x100F0]  }
0x97: {  	(xrf1) =	vsort.ascd.msk.f32 $0xffff, v52, v53  }
0x98: {  	(xrf1) =	vsort.ascd.msk.f32 $0xffff, v54, v55;
	_ =	sdelay $0x1  }
0x99: {  	(xrf1) =	vsort.ascd.msk.f32 $0xffff, v56, v57  }
0x9a: {  	(xrf1) =	vsort.ascd.msk.f32 $0xffff, v58, v59  }
0x9b: {  	v32, v33, _ =	vpop (xrf1)  }
0x9c: {  	v34, v35, _ =	vpop (xrf1)  }
0x9d: {  	v34 =	vperm.xlane v34, v1;
	v36, v37, _ =	vpop (xrf1)  }
0x9e: {  	v35 =	vperm.xlane v35, v1;
	v38, v39, _ =	vpop (xrf1)  }
0x9f: {  	vm8 =	vgt.f32 v32, v34;
	v38 =	vperm.xlane v38, v1  }
0xa0: {  	v60 =	vperm.xlane v39, v1;
	v40 =	vsel vm8, v34, v32;
	v41 =	vsel vm8, v35, v33  }
0xa1: {  	v32 =	vsel vm8, v32, v34;
	v33 =	vsel vm8, v33, v35;
	(xrf1) =	vsort.ascd.msk.f32 $0xffff, v40, v41  }
0xa2: {  	vm8 =	vgt.f32 v36, v38;
	(xrf1) =	vsort.ascd.msk.f32 $0xffff, v32, v33  }
0xa3: {  	v61 =	vsel vm8, v38, v36;
	v62 =	vsel vm8, v60, v37;
	v36 =	vsel vm8, v36, v38  }
0xa4: {  	v44, v63, _ =	vpop (xrf1);
	v34 =	vsel vm8, v37, v60;
	(xrf1) =	vsort.ascd.msk.f32 $0xffff, v61, v62  }
0xa5: {  	v32, v33, _ =	vpop (xrf1);
	(xrf1) =	vsort.ascd.msk.f32 $0xffff, v36, v34  }
0xa6: {  	v32 =	vperm.xlane v32, v1  }
0xa7: {  	v34, v36, _ =	vpop (xrf1)  }
0xa8: {  	v33 =	vperm.xlane v33, v1;
	v46, v45, _ =	vpop (xrf1);
	vm8 =	vgt.f32 v44, v32  }
0xa9: {  	v47 =	vsel vm8, v32, v44;
	v37 =	vperm.xlane v46, v1  }
0xaa: {  	v48 =	vsel vm8, v33, v63;
	v32 =	vsel vm8, v44, v32;
	v49 =	vperm.xlane v45, v1  }
0xab: {  	v33 =	vsel vm8, v63, v33;
	(xrf1) =	vsort.ascd.msk.f32 $0xffff, v47, v48;
	vm8 =	vgt.f32 v34, v37  }
0xac: {  	(xrf1) =	vsort.ascd.msk.f32 $0xffff, v32, v33;
	v50 =	vsel vm8, v37, v34;
	v51 =	vsel vm8, v49, v36  }
0xad: {  	v34 =	vsel vm8, v34, v37;
	v35 =	vsel vm8, v36, v49;
	(xrf1) =	vsort.ascd.msk.f32 $0xffff, v50, v51  }
0xae: {  	(xrf1) =	vsort.ascd.msk.f32 $0xffff, v34, v35;
	_ =	sdelay $0x1  }
0xaf: {  	v32, v33, _ =	vpop (xrf1)  }
0xb0: {  	v34, v35, _ =	vpop (xrf1)  }
0xb1: {  	v53, v52, _ =	vpop (xrf1)  }
0xb2: {  	v54, v55, _ =	vpop (xrf1);
	v36 =	vperm.xlane v53, v1  }
0xb3: {  	v38 =	vperm.xlane v54, v1  }
0xb4: {  	v37 =	vperm.xlane v52, v1;
	v39 =	vperm.xlane v55, v1;
	vm9 =	vgt.f32 v34, v36  }
0xb5: {  	vm8 =	vgt.f32 v32, v38;
	v58 =	vsel vm9, v36, v34  }
0xb6: {  	v59 =	vsel vm9, v37, v35;
	v56 =	vsel vm8, v38, v32;
	v57 =	vsel vm8, v39, v33  }
0xb7: {  	v32 =	vsel vm8, v32, v38;
	v33 =	vsel vm8, v33, v39;
	vm8 =	vgt.f32 v56, v58  }
0xb8: {  	v34 =	vsel vm9, v34, v36;
	v42, v43, _ =	vpop (xrf1);
	v60 =	vsel vm8, v58, v56;
	v46 =	vsel vm8, v59, v57  }
0xb9: {  	v44, v45, _ =	vpop (xrf1);
	v38 =	vsel vm8, v56, v58;
	v39 =	vsel vm8, v57, v59;
	vm8 =	vgt.f32 v32, v34  }
0xba: {  	v35 =	vsel vm9, v35, v37;
	(xrf1) =	vsort.ascd.msk.f32 $0xffff, v60, v46;
	v63 =	vsel vm8, v34, v32;
	v47, v48, _ =	vpop (xrf1)  }
0xbb: {  	v41 =	vsel vm8, v35, v33;
	v32 =	vsel vm8, v32, v34;
	v33 =	vsel vm8, v33, v35;
	v62, v61, _ =	vpop (xrf1)  }
0xbc: {  	(xrf1) =	vsort.ascd.msk.f32 $0xffff, v38, v39;
	v47 =	vperm.xlane v47, v1;
	v36 =	vperm.xlane v62, v1  }
0xbd: {  	(xrf1) =	vsort.ascd.msk.f32 $0xffff, v63, v41;
	v49 =	vperm.xlane v48, v1;
	v46 =	vperm.xlane v61, v1  }
0xbe: {  	(xrf1) =	vsort.ascd.msk.f32 $0xffff, v32, v33;
	vm13 =	vgt.f32 v44, v47;
	vm8 =	vgt.f32 v42, v36  }
0xbf: {  	v52 =	vsel vm13, v47, v44;
	v53 =	vsel vm13, v49, v45;
	v35 =	vsel vm13, v44, v47  }
0xc0: {  	v32 =	vsel vm13, v45, v49;
	v50 =	vsel vm8, v36, v42;
	v51 =	vsel vm8, v46, v43  }
0xc1: {  	v36 =	vsel vm8, v42, v36;
	v34 =	vsel vm8, v43, v46;
	vm8 =	vgt.f32 v50, v52  }
0xc2: {  	v54 =	vsel vm8, v52, v50;
	v55 =	vsel vm8, v53, v51;
	v33 =	vsel vm8, v50, v52  }
0xc3: {  	v37 =	vsel vm8, v51, v53;
	vm8 =	vgt.f32 v36, v35;
	(xrf1) =	vsort.ascd.msk.f32 $0xffff, v54, v55  }
0xc4: {  	v56 =	vsel vm8, v35, v36;
	v57 =	vsel vm8, v32, v34;
	(xrf1) =	vsort.ascd.msk.f32 $0xffff, v33, v37  }
0xc5: {  	v35 =	vsel vm8, v36, v35;
	v32 =	vsel vm8, v34, v32;
	(xrf1) =	vsort.ascd.msk.f32 $0xffff, v56, v57  }
0xc6: {  	(xrf1) =	vsort.ascd.msk.f32 $0xffff, v35, v32;
	_ =	sdelay $0x6  }
0xc7: {  	v59, v58, _ =	vpop (xrf1)  }
0xc8: {  	v60, v61, _ =	vpop (xrf1)  }
0xc9: {  	v62, v63, _ =	vpop (xrf1)  }
0xca: {  	v38, v39, _ =	vpop (xrf1)  }
0xcb: {  	v40, v41, _ =	vpop (xrf1)  }
0xcc: {  	v51, v52, _ =	vpop (xrf1)  }
0xcd: {  	v53, v54, _ =	vpop (xrf1)  }
0xce: {  	v40 =	vperm.xlane v40, v1;
	v55, v56, _ =	vpop (xrf1)  }
0xcf: {  	v41 =	vperm.xlane v41, v1;
	v46 =	vperm.xlane v55, v1  }
0xd0: {  	v42 =	vperm.xlane v51, v1;
	v47 =	vperm.xlane v56, v1  }
0xd1: {  	v43 =	vperm.xlane v52, v1;
	v44 =	vperm.xlane v53, v1;
	vm8 =	vgt.f32 v59, v46  }
0xd2: {  	v45 =	vperm.xlane v54, v1;
	v57 =	vsel vm8, v46, v59;
	v49 =	vsel vm8, v47, v58  }
0xd3: {  	v32 =	vsel vm8, v59, v46;
	v33 =	vsel vm8, v58, v47;
	vm8 =	vgt.f32 v60, v44  }
0xd4: {  	vm9 =	vgt.f32 v38, v40;
	v58 =	vsel vm8, v44, v60;
	v59 =	vsel vm8, v45, v61  }
0xd5: {  	v34 =	vsel vm8, v60, v44;
	v35 =	vsel vm8, v61, v45;
	vm8 =	vgt.f32 v62, v42  }
0xd6: {  	v50 =	vsel vm9, v40, v38;
	v38 =	vsel vm9, v38, v40;
	v60 =	vsel vm8, v42, v62  }
0xd7: {  	v61 =	vsel vm8, v43, v63;
	v36 =	vsel vm8, v62, v42;
	vm11 =	vgt.f32 v58, v50  }
0xd8: {  	v62 =	vsel vm9, v41, v39;
	v37 =	vsel vm8, v63, v43;
	vm10 =	vgt.f32 v57, v60  }
0xd9: {  	v39 =	vsel vm9, v39, v41;
	v52 =	vsel vm11, v50, v58;
	v51 =	vsel vm10, v60, v57  }
0xda: {  	v54 =	vsel vm11, v62, v59;
	v53 =	vsel vm10, v61, v49;
	vm12 =	vgt.f32 v51, v52  }
0xdb: {  	vm14 =	vgt.f32 v34, v38;
	v63 =	vsel vm12, v52, v51;
	v55 =	vsel vm12, v54, v53  }
0xdc: {  	v50 =	vsel vm11, v58, v50;
	v42 =	vsel vm11, v59, v62;
	(xrf1) =	vsort.ascd.msk.f32 $0xffff, v63, v55  }
0xdd: {  	v48 =	vsel vm10, v57, v60;
	v52 =	vsel vm12, v51, v52;
	v55 =	vsel vm12, v53, v54  }
0xde: {  	v49 =	vsel vm10, v49, v61;
	vm8 =	vgt.f32 v48, v50;
	(xrf1) =	vsort.ascd.msk.f32 $0xffff, v52, v55  }
0xdf: {  	v56 =	vsel vm8, v50, v48;
	v57 =	vsel vm8, v42, v49;
	v40 =	vsel vm8, v48, v50  }
0xe0: {  	v41 =	vsel vm8, v49, v42;
	vm8 =	vgt.f32 v32, v36;
	(xrf1) =	vsort.ascd.msk.f32 $0xffff, v56, v57  }
0xe1: {  	v59 =	vsel vm14, v38, v34;
	v61 =	vsel vm14, v39, v35;
	v58 =	vsel vm8, v36, v32  }
0xe2: {  	v60 =	vsel vm8, v37, v33;
	vm15 =	vgt.f32 v58, v59;
	(xrf1) =	vsort.ascd.msk.f32 $0xffff, v40, v41  }
0xe3: {  	v62 =	vsel vm15, v59, v58;
	v63 =	vsel vm15, v61, v60  }
0xe4: {  	v34 =	vsel vm14, v34, v38;
	v35 =	vsel vm14, v35, v39;
	(xrf1) =	vsort.ascd.msk.f32 $0xffff, v62, v63  }
0xe5: {  	v32 =	vsel vm8, v32, v36;
	v47 =	vsel vm15, v58, v59;
	v48 =	vsel vm15, v60, v61  }
0xe6: {  	v33 =	vsel vm8, v33, v37;
	vm8 =	vgt.f32 v32, v34;
	(xrf1) =	vsort.ascd.msk.f32 $0xffff, v47, v48  }
0xe7: {  	v49 =	vsel vm8, v34, v32;
	v50 =	vsel vm8, v35, v33  }
0xe8: {  	v33 =	vsel vm8, v33, v35;
	(xrf1) =	vsort.ascd.msk.f32 $0xffff, v49, v50  }
0xe9: {  	v32 =	vsel vm8, v32, v34  }
0xea: {  	v51, v52, _ =	vpop (xrf1);
	(xrf1) =	vsort.ascd.msk.f32 $0xffff, v32, v33  }
0xeb: {  	[tilespmem:$0x10100] =	vst v51  }
0xec: {  	v32, v33, _ =	vpop (xrf1);
	[tilespmem:$0x10180] =	vst v52  }
0xed: {  	[tilespmem:$0x10110] =	vst v32  }
0xee: {  	v54, v53, _ =	vpop (xrf1);
	[tilespmem:$0x10190] =	vst v33  }
0xef: {  	[tilespmem:$0x10120] =	vst v54  }
0xf0: {  	v56, v55, _ =	vpop (xrf1);
	[tilespmem:$0x101A0] =	vst v53  }
0xf1: {  	[tilespmem:$0x10130] =	vst v56  }
0xf2: {  	v58, v57, _ =	vpop (xrf1);
	[tilespmem:$0x101B0] =	vst v55  }
0xf3: {  	[tilespmem:$0x10140] =	vst v58  }
0xf4: {  	v60, v59, _ =	vpop (xrf1);
	[tilespmem:$0x101C0] =	vst v57  }
0xf5: {  	[tilespmem:$0x10150] =	vst v60  }
0xf6: {  	v62, v61, _ =	vpop (xrf1);
	[tilespmem:$0x101D0] =	vst v59  }
0xf7: {  	[tilespmem:$0x10160] =	vst v62  }
0xf8: {  	[tilespmem:$0x101E0] =	vst v61;
	v44, v63, _ =	vpop (xrf1)  }
0xf9: {  	[tilespmem:$0x10170] =	vst v44  }
0xfa: {  	[tilespmem:$0x101F0] =	vst v63  }
0xfb: {  	v32 =	vld.idx.msk [tilespmem:v2+s9+$0x0], $0xffff;
	_ =	sdelay $0x4  }
0xfc: {  	vm8 =	vle.f32 v32, v3  }
0xfd: {  	v32 =	vsel vm8, $0x40, v4  }
0xfe: {  	v45 =	vor.u32 $0x1F, v32;
	_ =	sdelay $0x4  }
0xff: {  	v33 =	vld.idx.msk [tilespmem:v45+s9+$0x0], $0xffff;
	_ =	sdelay $0x4  }
0x100: {  	vm8 =	vle.f32 v33, v3  }
0x101: {  	v33 =	vsel vm8, $0x20, v4  }
0x102: {  	v32 =	vor.u32 v32, v33  }
0x103: {  	v33 =	vor.u32 $0xF, v32;
	_ =	sdelay $0x4  }
0x104: {  	v33 =	vld.idx.msk [tilespmem:v33+s9+$0x0], $0xffff;
	_ =	sdelay $0x4  }
0x105: {  	vm8 =	vle.f32 v33, v3  }
0x106: {  	v33 =	vsel vm8, $0x10, v4  }
0x107: {  	v32 =	vor.u32 v33, v32  }
0x108: {  	v33 =	vor.u32 $0x7, v32;
	_ =	sdelay $0x4  }
0x109: {  	v33 =	vld.idx.msk [tilespmem:v33+s9+$0x0], $0xffff;
	_ =	sdelay $0x4  }
0x10a: {  	vm8 =	vle.f32 v33, v3  }
0x10b: {  	v33 =	vsel vm8, $0x8, v4  }
0x10c: {  	v32 =	vor.u32 v33, v32  }
0x10d: {  	v33 =	vor.u32 $0x3, v32;
	_ =	sdelay $0x4  }
0x10e: {  	v33 =	vld.idx.msk [tilespmem:v33+s9+$0x0], $0xffff;
	_ =	sdelay $0x4  }
0x10f: {  	vm8 =	vle.f32 v33, v3  }
0x110: {  	v33 =	vsel vm8, $0x4, v4  }
0x111: {  	v32 =	vor.u32 v33, v32  }
0x112: {  	v33 =	vor.u32 $0x1, v32;
	_ =	sdelay $0x4  }
0x113: {  	v33 =	vld.idx.msk [tilespmem:v33+s9+$0x0], $0xffff;
	_ =	sdelay $0x4  }
0x114: {  	vm8 =	vle.f32 v33, v3  }
0x115: {  	v33 =	vsel vm8, $0x2, v4  }
0x116: {  	v32 =	vor.u32 v33, v32;
	_ =	sdelay $0x4  }
0x117: {  	v33 =	vld.idx.msk [tilespmem:v32+s9+$0x0], $0xffff;
	_ =	sdelay $0x4  }
0x118: {  	vm8 =	vle.f32 v33, v3  }
0x119: {  	v33 =	vsel vm8, $0x1, v4  }
0x11a: {  	v32 =	vor.u32 v33, v32  }
0x11b: {  	v32 =	vmax.u32 v32, $0x1  }
0x11c: {  	v46 =	vadd.s32 $0xFFFFFFFF, v32;
	_ =	sdelay $0x3  }
0x11d: {  	v47 =	vld.idx.msk [tilespmem:v32+s9+$0x0], $0xffff  }
0x11e: {  	v36 =	vld.idx.msk [tilespmem:v46+s9+$0x0], $0xffff;
	_ =	sdelay $0x4  }
0x11f: {  	v39 =	vsub.f32 v47, v36;
	_ =	sdelay $0x1  }
0x120: {  	v48 =	vand.u32 $0x7FFFFFFF, v39  }
0x121: {  	vm8 =	vle.f32 v48, $1.421085470e-14  }
0x122: {  	v39 =	vsel vm8, $0x3F800000, v39  }
0x123: {  	(erf) = vrcp.f32 v39;
	_ =	sdelay $0x3  }
0x124: {  	v32 =	vld.idx.msk [tilespmem:v32+s10+$0x0], $0xffff  }
0x125: {  	v33 =	vld.idx.msk [tilespmem:v46+s10+$0x0], $0xffff;
	_ =	sdelay $0x2  }
0x126: {  	v36 =	vsub.f32 v3, v36  }
0x127: {  	v39 =	vpop (erf)  }
0x128: {  	v32 =	vsub.f32 v32, v33;
	v36 =	vmul.f32 v39, v36;
	_ =	sdelay $0x1  }
0x129: {  	v32 =	vmul.f32 v36, v32;
	_ =	sdelay $0x1  }
0x12a: {  	v36 =	vadd.f32 v32, v33  }
0x12b: {  	v32 =	vbroadcast v51, $0x0  }
0x12c: {  	v34 =	vbroadcast v44, $0xF;
	v36 =	vsel vm8, v33, v36;
	v33 =	vbroadcast v52, $0x0  }
0x12d: {  	v49 =	vmov s23;
	v35 =	vbroadcast v63, $0xF;
	vm8 =	vgt.f32 v32, v3  }
0x12e: {  	v37 =	vshrl.u32 v49, $0x7;
	v36 =	vsel vm8, v33, v36;
	vm8 =	vlt.f32 v34, v3  }
0x12f: {  	v37 =	vshll.u32 v37, v5;
	v36 =	vsel vm8, v35, v36  }
0x130: {  	v50 =	vadd.f32 $5.000000000e-01, v36;
	v36 =	vbroadcast v37, $0x0;
	_ =	sdelay $0x1  }
0x131: {  	v51 =	vmax.f32 v50, $0.0e+00;
	v52 =	vor.u32 v0, v36  }
0x132: {  	v37 =	vmin.f32 v51, $2.550000000e+02  }
0x133: {  	v37 =	vtrunc.f32 v37  }
0x134: {  	v37 =	vcvt.f32.s32 v37;
	_ =	sdelay $0x1  }
0x135: {  	[tilespmem:v52+s11+$0x0] =	vst.idx.msk $0xffff, v37  }
0x136: {  	v37 =	vld.idx.msk [tilespmem:v2+s9+$0x0], $0xffff;
	_ =	sdelay $0x4  }
0x137: {  	vm8 =	vle.f32 v37, v6  }
0x138: {  	v37 =	vsel vm8, $0x40, v4  }
0x139: {  	v53 =	vor.u32 $0x1F, v37;
	_ =	sdelay $0x4  }
0x13a: {  	v38 =	vld.idx.msk [tilespmem:v53+s9+$0x0], $0xffff;
	_ =	sdelay $0x4  }
0x13b: {  	vm8 =	vle.f32 v38, v6  }
0x13c: {  	v38 =	vsel vm8, $0x20, v4  }
0x13d: {  	v37 =	vor.u32 v37, v38  }
0x13e: {  	v38 =	vor.u32 $0xF, v37;
	_ =	sdelay $0x4  }
0x13f: {  	v38 =	vld.idx.msk [tilespmem:v38+s9+$0x0], $0xffff;
	_ =	sdelay $0x4  }
0x140: {  	vm8 =	vle.f32 v38, v6  }
0x141: {  	v38 =	vsel vm8, $0x10, v4  }
0x142: {  	v37 =	vor.u32 v38, v37  }
0x143: {  	v38 =	vor.u32 $0x7, v37;
	_ =	sdelay $0x4  }
0x144: {  	v38 =	vld.idx.msk [tilespmem:v38+s9+$0x0], $0xffff;
	_ =	sdelay $0x4  }
0x145: {  	vm8 =	vle.f32 v38, v6  }
0x146: {  	v38 =	vsel vm8, $0x8, v4  }
0x147: {  	v37 =	vor.u32 v38, v37  }
0x148: {  	v38 =	vor.u32 $0x3, v37;
	_ =	sdelay $0x4  }
0x149: {  	v38 =	vld.idx.msk [tilespmem:v38+s9+$0x0], $0xffff;
	_ =	sdelay $0x4  }
0x14a: {  	vm8 =	vle.f32 v38, v6  }
0x14b: {  	v38 =	vsel vm8, $0x4, v4  }
0x14c: {  	v37 =	vor.u32 v38, v37  }
0x14d: {  	v38 =	vor.u32 $0x1, v37;
	_ =	sdelay $0x4  }
0x14e: {  	v38 =	vld.idx.msk [tilespmem:v38+s9+$0x0], $0xffff;
	_ =	sdelay $0x4  }
0x14f: {  	vm8 =	vle.f32 v38, v6  }
0x150: {  	v38 =	vsel vm8, $0x2, v4  }
0x151: {  	v37 =	vor.u32 v38, v37;
	_ =	sdelay $0x4  }
0x152: {  	v38 =	vld.idx.msk [tilespmem:v37+s9+$0x0], $0xffff;
	_ =	sdelay $0x4  }
0x153: {  	vm8 =	vle.f32 v38, v6  }
0x154: {  	v38 =	vsel vm8, $0x1, v4  }
0x155: {  	v37 =	vor.u32 v38, v37  }
0x156: {  	v37 =	vmax.u32 v37, $0x1  }
0x157: {  	v54 =	vadd.s32 $0xFFFFFFFF, v37;
	_ =	sdelay $0x3  }
0x158: {  	v56 =	vld.idx.msk [tilespmem:v37+s9+$0x0], $0xffff  }
0x159: {  	v55 =	vld.idx.msk [tilespmem:v54+s9+$0x0], $0xffff;
	_ =	sdelay $0x4  }
0x15a: {  	v40 =	vsub.f32 v56, v55;
	_ =	sdelay $0x1  }
0x15b: {  	v57 =	vand.u32 $0x7FFFFFFF, v40  }
0x15c: {  	vm8 =	vle.f32 v57, $1.421085470e-14  }
0x15d: {  	v40 =	vsel vm8, $0x3F800000, v40  }
0x15e: {  	(erf) = vrcp.f32 v40;
	_ =	sdelay $0x3  }
0x15f: {  	v37 =	vld.idx.msk [tilespmem:v37+s10+$0x0], $0xffff  }
0x160: {  	v38 =	vld.idx.msk [tilespmem:v54+s10+$0x0], $0xffff;
	_ =	sdelay $0x2  }
0x161: {  	v39 =	vsub.f32 v6, v55  }
0x162: {  	v40 =	vpop (erf)  }
0x163: {  	v37 =	vsub.f32 v37, v38;
	v39 =	vmul.f32 v40, v39;
	_ =	sdelay $0x1  }
0x164: {  	v37 =	vmul.f32 v39, v37;
	_ =	sdelay $0x1  }
0x165: {  	v37 =	vadd.f32 v37, v38;
	_ =	sdelay $0x1  }
0x166: {  	v37 =	vsel vm8, v38, v37;
	vm8 =	vgt.f32 v32, v6  }
0x167: {  	v37 =	vsel vm8, v33, v37;
	vm8 =	vlt.f32 v34, v6  }
0x168: {  	v37 =	vsel vm8, v35, v37  }
0x169: {  	v37 =	vadd.f32 $5.000000000e-01, v37;
	_ =	sdelay $0x1  }
0x16a: {  	v58 =	vor.u32 v7, v36;
	v37 =	vmax.f32 v37, $0.0e+00  }
0x16b: {  	v37 =	vmin.f32 v37, $2.550000000e+02  }
0x16c: {  	v37 =	vtrunc.f32 v37  }
0x16d: {  	v37 =	vcvt.f32.s32 v37;
	_ =	sdelay $0x1  }
0x16e: {  	[tilespmem:v58+s11+$0x0] =	vst.idx.msk $0xffff, v37  }
0x16f: {  	v37 =	vld.idx.msk [tilespmem:v2+s9+$0x0], $0xffff;
	_ =	sdelay $0x4  }
0x170: {  	vm8 =	vle.f32 v37, v8  }
0x171: {  	v37 =	vsel vm8, $0x40, v4  }
0x172: {  	v59 =	vor.u32 $0x1F, v37;
	_ =	sdelay $0x4  }
0x173: {  	v38 =	vld.idx.msk [tilespmem:v59+s9+$0x0], $0xffff;
	_ =	sdelay $0x4  }
0x174: {  	vm8 =	vle.f32 v38, v8  }
0x175: {  	v38 =	vsel vm8, $0x20, v4  }
0x176: {  	v37 =	vor.u32 v37, v38  }
0x177: {  	v38 =	vor.u32 $0xF, v37;
	_ =	sdelay $0x4  }
0x178: {  	v38 =	vld.idx.msk [tilespmem:v38+s9+$0x0], $0xffff;
	_ =	sdelay $0x4  }
0x179: {  	vm8 =	vle.f32 v38, v8  }
0x17a: {  	v38 =	vsel vm8, $0x10, v4  }
0x17b: {  	v37 =	vor.u32 v38, v37  }
0x17c: {  	v38 =	vor.u32 $0x7, v37;
	_ =	sdelay $0x4  }
0x17d: {  	v38 =	vld.idx.msk [tilespmem:v38+s9+$0x0], $0xffff;
	_ =	sdelay $0x4  }
0x17e: {  	vm8 =	vle.f32 v38, v8  }
0x17f: {  	v38 =	vsel vm8, $0x8, v4  }
0x180: {  	v37 =	vor.u32 v38, v37  }
0x181: {  	v38 =	vor.u32 $0x3, v37;
	_ =	sdelay $0x4  }
0x182: {  	v38 =	vld.idx.msk [tilespmem:v38+s9+$0x0], $0xffff;
	_ =	sdelay $0x4  }
0x183: {  	vm8 =	vle.f32 v38, v8  }
0x184: {  	v38 =	vsel vm8, $0x4, v4  }
0x185: {  	v37 =	vor.u32 v38, v37  }
0x186: {  	v38 =	vor.u32 $0x1, v37;
	_ =	sdelay $0x4  }
0x187: {  	v38 =	vld.idx.msk [tilespmem:v38+s9+$0x0], $0xffff;
	_ =	sdelay $0x4  }
0x188: {  	vm8 =	vle.f32 v38, v8  }
0x189: {  	v38 =	vsel vm8, $0x2, v4  }
0x18a: {  	v37 =	vor.u32 v38, v37;
	_ =	sdelay $0x4  }
0x18b: {  	v38 =	vld.idx.msk [tilespmem:v37+s9+$0x0], $0xffff;
	_ =	sdelay $0x4  }
0x18c: {  	vm8 =	vle.f32 v38, v8  }
0x18d: {  	v38 =	vsel vm8, $0x1, v4  }
0x18e: {  	v37 =	vor.u32 v38, v37  }
0x18f: {  	v37 =	vmax.u32 v37, $0x1  }
0x190: {  	v60 =	vadd.s32 $0xFFFFFFFF, v37;
	_ =	sdelay $0x3  }
0x191: {  	v62 =	vld.idx.msk [tilespmem:v37+s9+$0x0], $0xffff  }
0x192: {  	v61 =	vld.idx.msk [tilespmem:v60+s9+$0x0], $0xffff;
	_ =	sdelay $0x4  }
0x193: {  	v40 =	vsub.f32 v62, v61;
	_ =	sdelay $0x1  }
0x194: {  	v63 =	vand.u32 $0x7FFFFFFF, v40  }
0x195: {  	vm8 =	vle.f32 v63, $1.421085470e-14  }
0x196: {  	v40 =	vsel vm8, $0x3F800000, v40  }
0x197: {  	(erf) = vrcp.f32 v40;
	_ =	sdelay $0x3  }
0x198: {  	v37 =	vld.idx.msk [tilespmem:v37+s10+$0x0], $0xffff  }
0x199: {  	v38 =	vld.idx.msk [tilespmem:v60+s10+$0x0], $0xffff;
	_ =	sdelay $0x2  }
0x19a: {  	v39 =	vsub.f32 v8, v61  }
0x19b: {  	v40 =	vpop (erf)  }
0x19c: {  	v37 =	vsub.f32 v37, v38;
	v39 =	vmul.f32 v40, v39;
	_ =	sdelay $0x1  }
0x19d: {  	v37 =	vmul.f32 v39, v37;
	_ =	sdelay $0x1  }
0x19e: {  	v37 =	vadd.f32 v37, v38;
	_ =	sdelay $0x1  }
0x19f: {  	v37 =	vsel vm8, v38, v37;
	vm8 =	vgt.f32 v32, v8  }
0x1a0: {  	v37 =	vsel vm8, v33, v37;
	vm8 =	vlt.f32 v34, v8  }
0x1a1: {  	v37 =	vsel vm8, v35, v37  }
0x1a2: {  	v37 =	vadd.f32 $5.000000000e-01, v37;
	_ =	sdelay $0x1  }
0x1a3: {  	v43 =	vor.u32 v9, v36;
	v37 =	vmax.f32 v37, $0.0e+00  }
0x1a4: {  	v37 =	vmin.f32 v37, $2.550000000e+02  }
0x1a5: {  	v37 =	vtrunc.f32 v37  }
0x1a6: {  	v37 =	vcvt.f32.s32 v37;
	_ =	sdelay $0x1  }
0x1a7: {  	[tilespmem:v43+s11+$0x0] =	vst.idx.msk $0xffff, v37  }
0x1a8: {  	v37 =	vld.idx.msk [tilespmem:v2+s9+$0x0], $0xffff;
	_ =	sdelay $0x4  }
0x1a9: {  	vm8 =	vle.f32 v37, v10  }
0x1aa: {  	v37 =	vsel vm8, $0x40, v4  }
0x1ab: {  	v44 =	vor.u32 $0x1F, v37;
	_ =	sdelay $0x4  }
0x1ac: {  	v38 =	vld.idx.msk [tilespmem:v44+s9+$0x0], $0xffff;
	_ =	sdelay $0x4  }
0x1ad: {  	vm8 =	vle.f32 v38, v10  }
0x1ae: {  	v38 =	vsel vm8, $0x20, v4  }
0x1af: {  	v37 =	vor.u32 v37, v38  }
0x1b0: {  	v38 =	vor.u32 $0xF, v37;
	_ =	sdelay $0x4  }
0x1b1: {  	v38 =	vld.idx.msk [tilespmem:v38+s9+$0x0], $0xffff;
	_ =	sdelay $0x4  }
0x1b2: {  	vm8 =	vle.f32 v38, v10  }
0x1b3: {  	v38 =	vsel vm8, $0x10, v4  }
0x1b4: {  	v37 =	vor.u32 v38, v37  }
0x1b5: {  	v38 =	vor.u32 $0x7, v37;
	_ =	sdelay $0x4  }
0x1b6: {  	v38 =	vld.idx.msk [tilespmem:v38+s9+$0x0], $0xffff;
	_ =	sdelay $0x4  }
0x1b7: {  	vm8 =	vle.f32 v38, v10  }
0x1b8: {  	v38 =	vsel vm8, $0x8, v4  }
0x1b9: {  	v37 =	vor.u32 v38, v37  }
0x1ba: {  	v38 =	vor.u32 $0x3, v37;
	_ =	sdelay $0x4  }
0x1bb: {  	v38 =	vld.idx.msk [tilespmem:v38+s9+$0x0], $0xffff;
	_ =	sdelay $0x4  }
0x1bc: {  	vm8 =	vle.f32 v38, v10  }
0x1bd: {  	v38 =	vsel vm8, $0x4, v4  }
0x1be: {  	v37 =	vor.u32 v38, v37  }
0x1bf: {  	v38 =	vor.u32 $0x1, v37;
	_ =	sdelay $0x4  }
0x1c0: {  	v38 =	vld.idx.msk [tilespmem:v38+s9+$0x0], $0xffff;
	_ =	sdelay $0x4  }
0x1c1: {  	vm8 =	vle.f32 v38, v10  }
0x1c2: {  	v38 =	vsel vm8, $0x2, v4  }
0x1c3: {  	v37 =	vor.u32 v38, v37;
	_ =	sdelay $0x4  }
0x1c4: {  	v38 =	vld.idx.msk [tilespmem:v37+s9+$0x0], $0xffff;
	_ =	sdelay $0x4  }
0x1c5: {  	vm8 =	vle.f32 v38, v10  }
0x1c6: {  	v38 =	vsel vm8, $0x1, v4  }
0x1c7: {  	v37 =	vor.u32 v38, v37  }
0x1c8: {  	v37 =	vmax.u32 v37, $0x1  }
0x1c9: {  	v45 =	vadd.s32 $0xFFFFFFFF, v37;
	_ =	sdelay $0x3  }
0x1ca: {  	v47 =	vld.idx.msk [tilespmem:v37+s9+$0x0], $0xffff  }
0x1cb: {  	v46 =	vld.idx.msk [tilespmem:v45+s9+$0x0], $0xffff;
	_ =	sdelay $0x4  }
0x1cc: {  	v40 =	vsub.f32 v47, v46;
	_ =	sdelay $0x1  }
0x1cd: {  	v48 =	vand.u32 $0x7FFFFFFF, v40  }
0x1ce: {  	vm8 =	vle.f32 v48, $1.421085470e-14  }
0x1cf: {  	v40 =	vsel vm8, $0x3F800000, v40  }
0x1d0: {  	(erf) = vrcp.f32 v40;
	_ =	sdelay $0x3  }
0x1d1: {  	v37 =	vld.idx.msk [tilespmem:v37+s10+$0x0], $0xffff  }
0x1d2: {  	v38 =	vld.idx.msk [tilespmem:v45+s10+$0x0], $0xffff;
	_ =	sdelay $0x2  }
0x1d3: {  	v39 =	vsub.f32 v10, v46  }
0x1d4: {  	v40 =	vpop (erf)  }
0x1d5: {  	v37 =	vsub.f32 v37, v38;
	v39 =	vmul.f32 v40, v39;
	_ =	sdelay $0x1  }
0x1d6: {  	v37 =	vmul.f32 v39, v37;
	_ =	sdelay $0x1  }
0x1d7: {  	v37 =	vadd.f32 v37, v38;
	_ =	sdelay $0x1  }
0x1d8: {  	v37 =	vsel vm8, v38, v37;
	vm8 =	vgt.f32 v32, v10  }
0x1d9: {  	v37 =	vsel vm8, v33, v37;
	vm8 =	vlt.f32 v34, v10  }
0x1da: {  	v37 =	vsel vm8, v35, v37  }
0x1db: {  	v37 =	vadd.f32 $5.000000000e-01, v37;
	_ =	sdelay $0x1  }
0x1dc: {  	v49 =	vor.u32 v11, v36;
	v37 =	vmax.f32 v37, $0.0e+00  }
0x1dd: {  	v37 =	vmin.f32 v37, $2.550000000e+02  }
0x1de: {  	v37 =	vtrunc.f32 v37  }
0x1df: {  	v37 =	vcvt.f32.s32 v37;
	_ =	sdelay $0x1  }
0x1e0: {  	[tilespmem:v49+s11+$0x0] =	vst.idx.msk $0xffff, v37  }
0x1e1: {  	v37 =	vld.idx.msk [tilespmem:v2+s9+$0x0], $0xffff;
	_ =	sdelay $0x4  }
0x1e2: {  	vm8 =	vle.f32 v37, v12  }
0x1e3: {  	v37 =	vsel vm8, $0x40, v4  }
0x1e4: {  	v50 =	vor.u32 $0x1F, v37;
	_ =	sdelay $0x4  }
0x1e5: {  	v38 =	vld.idx.msk [tilespmem:v50+s9+$0x0], $0xffff;
	_ =	sdelay $0x4  }
0x1e6: {  	vm8 =	vle.f32 v38, v12  }
0x1e7: {  	v38 =	vsel vm8, $0x20, v4  }
0x1e8: {  	v37 =	vor.u32 v37, v38  }
0x1e9: {  	v38 =	vor.u32 $0xF, v37;
	_ =	sdelay $0x4  }
0x1ea: {  	v38 =	vld.idx.msk [tilespmem:v38+s9+$0x0], $0xffff;
	_ =	sdelay $0x4  }
0x1eb: {  	vm8 =	vle.f32 v38, v12  }
0x1ec: {  	v38 =	vsel vm8, $0x10, v4  }
0x1ed: {  	v37 =	vor.u32 v38, v37  }
0x1ee: {  	v38 =	vor.u32 $0x7, v37;
	_ =	sdelay $0x4  }
0x1ef: {  	v38 =	vld.idx.msk [tilespmem:v38+s9+$0x0], $0xffff;
	_ =	sdelay $0x4  }
0x1f0: {  	vm8 =	vle.f32 v38, v12  }
0x1f1: {  	v38 =	vsel vm8, $0x8, v4  }
0x1f2: {  	v37 =	vor.u32 v38, v37  }
0x1f3: {  	v38 =	vor.u32 $0x3, v37;
	_ =	sdelay $0x4  }
0x1f4: {  	v38 =	vld.idx.msk [tilespmem:v38+s9+$0x0], $0xffff;
	_ =	sdelay $0x4  }
0x1f5: {  	vm8 =	vle.f32 v38, v12  }
0x1f6: {  	v38 =	vsel vm8, $0x4, v4  }
0x1f7: {  	v37 =	vor.u32 v38, v37  }
0x1f8: {  	v38 =	vor.u32 $0x1, v37;
	_ =	sdelay $0x4  }
0x1f9: {  	v38 =	vld.idx.msk [tilespmem:v38+s9+$0x0], $0xffff;
	_ =	sdelay $0x4  }
0x1fa: {  	vm8 =	vle.f32 v38, v12  }
0x1fb: {  	v38 =	vsel vm8, $0x2, v4  }
0x1fc: {  	v37 =	vor.u32 v38, v37;
	_ =	sdelay $0x4  }
0x1fd: {  	v38 =	vld.idx.msk [tilespmem:v37+s9+$0x0], $0xffff;
	_ =	sdelay $0x4  }
0x1fe: {  	vm8 =	vle.f32 v38, v12  }
0x1ff: {  	v38 =	vsel vm8, $0x1, v4  }
0x200: {  	v37 =	vor.u32 v38, v37  }
0x201: {  	v37 =	vmax.u32 v37, $0x1  }
0x202: {  	v51 =	vadd.s32 $0xFFFFFFFF, v37;
	_ =	sdelay $0x3  }
0x203: {  	v53 =	vld.idx.msk [tilespmem:v37+s9+$0x0], $0xffff  }
0x204: {  	v52 =	vld.idx.msk [tilespmem:v51+s9+$0x0], $0xffff;
	_ =	sdelay $0x4  }
0x205: {  	v40 =	vsub.f32 v53, v52;
	_ =	sdelay $0x1  }
0x206: {  	v54 =	vand.u32 $0x7FFFFFFF, v40  }
0x207: {  	vm8 =	vle.f32 v54, $1.421085470e-14  }
0x208: {  	v40 =	vsel vm8, $0x3F800000, v40  }
0x209: {  	(erf) = vrcp.f32 v40;
	_ =	sdelay $0x3  }
0x20a: {  	v37 =	vld.idx.msk [tilespmem:v37+s10+$0x0], $0xffff  }
0x20b: {  	v38 =	vld.idx.msk [tilespmem:v51+s10+$0x0], $0xffff;
	_ =	sdelay $0x2  }
0x20c: {  	v39 =	vsub.f32 v12, v52  }
0x20d: {  	v40 =	vpop (erf)  }
0x20e: {  	v37 =	vsub.f32 v37, v38;
	v39 =	vmul.f32 v40, v39;
	_ =	sdelay $0x1  }
0x20f: {  	v37 =	vmul.f32 v39, v37;
	_ =	sdelay $0x1  }
0x210: {  	v37 =	vadd.f32 v37, v38;
	_ =	sdelay $0x1  }
0x211: {  	v37 =	vsel vm8, v38, v37;
	vm8 =	vgt.f32 v32, v12  }
0x212: {  	v37 =	vsel vm8, v33, v37;
	vm8 =	vlt.f32 v34, v12  }
0x213: {  	v37 =	vsel vm8, v35, v37  }
0x214: {  	v37 =	vadd.f32 $5.000000000e-01, v37;
	_ =	sdelay $0x1  }
0x215: {  	v55 =	vor.u32 v13, v36;
	v37 =	vmax.f32 v37, $0.0e+00  }
0x216: {  	v37 =	vmin.f32 v37, $2.550000000e+02  }
0x217: {  	v37 =	vtrunc.f32 v37  }
0x218: {  	v37 =	vcvt.f32.s32 v37;
	_ =	sdelay $0x1  }
0x219: {  	[tilespmem:v55+s11+$0x0] =	vst.idx.msk $0xffff, v37  }
0x21a: {  	v37 =	vld.idx.msk [tilespmem:v2+s9+$0x0], $0xffff;
	_ =	sdelay $0x4  }
0x21b: {  	vm8 =	vle.f32 v37, v14  }
0x21c: {  	v37 =	vsel vm8, $0x40, v4  }
0x21d: {  	v56 =	vor.u32 $0x1F, v37;
	_ =	sdelay $0x4  }
0x21e: {  	v38 =	vld.idx.msk [tilespmem:v56+s9+$0x0], $0xffff;
	_ =	sdelay $0x4  }
0x21f: {  	vm8 =	vle.f32 v38, v14  }
0x220: {  	v38 =	vsel vm8, $0x20, v4  }
0x221: {  	v37 =	vor.u32 v37, v38  }
0x222: {  	v38 =	vor.u32 $0xF, v37;
	_ =	sdelay $0x4  }
0x223: {  	v38 =	vld.idx.msk [tilespmem:v38+s9+$0x0], $0xffff;
	_ =	sdelay $0x4  }
0x224: {  	vm8 =	vle.f32 v38, v14  }
0x225: {  	v38 =	vsel vm8, $0x10, v4  }
0x226: {  	v37 =	vor.u32 v38, v37  }
0x227: {  	v38 =	vor.u32 $0x7, v37;
	_ =	sdelay $0x4  }
0x228: {  	v38 =	vld.idx.msk [tilespmem:v38+s9+$0x0], $0xffff;
	_ =	sdelay $0x4  }
0x229: {  	vm8 =	vle.f32 v38, v14  }
0x22a: {  	v38 =	vsel vm8, $0x8, v4  }
0x22b: {  	v37 =	vor.u32 v38, v37  }
0x22c: {  	v38 =	vor.u32 $0x3, v37;
	_ =	sdelay $0x4  }
0x22d: {  	v38 =	vld.idx.msk [tilespmem:v38+s9+$0x0], $0xffff;
	_ =	sdelay $0x4  }
0x22e: {  	vm8 =	vle.f32 v38, v14  }
0x22f: {  	v38 =	vsel vm8, $0x4, v4  }
0x230: {  	v37 =	vor.u32 v38, v37  }
0x231: {  	v38 =	vor.u32 $0x1, v37;
	_ =	sdelay $0x4  }
0x232: {  	v38 =	vld.idx.msk [tilespmem:v38+s9+$0x0], $0xffff;
	_ =	sdelay $0x4  }
0x233: {  	vm8 =	vle.f32 v38, v14  }
0x234: {  	v38 =	vsel vm8, $0x2, v4  }
0x235: {  	v37 =	vor.u32 v38, v37;
	_ =	sdelay $0x4  }
0x236: {  	v38 =	vld.idx.msk [tilespmem:v37+s9+$0x0], $0xffff;
	_ =	sdelay $0x4  }
0x237: {  	vm8 =	vle.f32 v38, v14  }
0x238: {  	v38 =	vsel vm8, $0x1, v4  }
0x239: {  	v37 =	vor.u32 v38, v37  }
0x23a: {  	v37 =	vmax.u32 v37, $0x1  }
0x23b: {  	v57 =	vadd.s32 $0xFFFFFFFF, v37;
	_ =	sdelay $0x3  }
0x23c: {  	v59 =	vld.idx.msk [tilespmem:v37+s9+$0x0], $0xffff  }
0x23d: {  	v58 =	vld.idx.msk [tilespmem:v57+s9+$0x0], $0xffff;
	_ =	sdelay $0x4  }
0x23e: {  	v40 =	vsub.f32 v59, v58;
	_ =	sdelay $0x1  }
0x23f: {  	v60 =	vand.u32 $0x7FFFFFFF, v40  }
0x240: {  	vm8 =	vle.f32 v60, $1.421085470e-14  }
0x241: {  	v40 =	vsel vm8, $0x3F800000, v40  }
0x242: {  	(erf) = vrcp.f32 v40;
	_ =	sdelay $0x3  }
0x243: {  	v37 =	vld.idx.msk [tilespmem:v37+s10+$0x0], $0xffff  }
0x244: {  	v38 =	vld.idx.msk [tilespmem:v57+s10+$0x0], $0xffff;
	_ =	sdelay $0x2  }
0x245: {  	v39 =	vsub.f32 v14, v58  }
0x246: {  	v40 =	vpop (erf)  }
0x247: {  	v37 =	vsub.f32 v37, v38;
	v39 =	vmul.f32 v40, v39;
	_ =	sdelay $0x1  }
0x248: {  	v37 =	vmul.f32 v39, v37;
	_ =	sdelay $0x1  }
0x249: {  	v37 =	vadd.f32 v37, v38;
	_ =	sdelay $0x1  }
0x24a: {  	v37 =	vsel vm8, v38, v37;
	vm8 =	vgt.f32 v32, v14  }
0x24b: {  	v37 =	vsel vm8, v33, v37;
	vm8 =	vlt.f32 v34, v14  }
0x24c: {  	v37 =	vsel vm8, v35, v37  }
0x24d: {  	v37 =	vadd.f32 $5.000000000e-01, v37;
	_ =	sdelay $0x1  }
0x24e: {  	v61 =	vor.u32 v15, v36;
	v37 =	vmax.f32 v37, $0.0e+00  }
0x24f: {  	v37 =	vmin.f32 v37, $2.550000000e+02  }
0x250: {  	v37 =	vtrunc.f32 v37  }
0x251: {  	v37 =	vcvt.f32.s32 v37;
	_ =	sdelay $0x1  }
0x252: {  	[tilespmem:v61+s11+$0x0] =	vst.idx.msk $0xffff, v37  }
0x253: {  	v37 =	vld.idx.msk [tilespmem:v2+s9+$0x0], $0xffff;
	_ =	sdelay $0x4  }
0x254: {  	vm8 =	vle.f32 v37, v16  }
0x255: {  	v37 =	vsel vm8, $0x40, v4  }
0x256: {  	v62 =	vor.u32 $0x1F, v37;
	_ =	sdelay $0x4  }
0x257: {  	v38 =	vld.idx.msk [tilespmem:v62+s9+$0x0], $0xffff;
	_ =	sdelay $0x4  }
0x258: {  	vm8 =	vle.f32 v38, v16  }
0x259: {  	v38 =	vsel vm8, $0x20, v4  }
0x25a: {  	v37 =	vor.u32 v37, v38  }
0x25b: {  	v38 =	vor.u32 $0xF, v37;
	_ =	sdelay $0x4  }
0x25c: {  	v38 =	vld.idx.msk [tilespmem:v38+s9+$0x0], $0xffff;
	_ =	sdelay $0x4  }
0x25d: {  	vm8 =	vle.f32 v38, v16  }
0x25e: {  	v38 =	vsel vm8, $0x10, v4  }
0x25f: {  	v37 =	vor.u32 v38, v37  }
0x260: {  	v38 =	vor.u32 $0x7, v37;
	_ =	sdelay $0x4  }
0x261: {  	v38 =	vld.idx.msk [tilespmem:v38+s9+$0x0], $0xffff;
	_ =	sdelay $0x4  }
0x262: {  	vm8 =	vle.f32 v38, v16  }
0x263: {  	v38 =	vsel vm8, $0x8, v4  }
0x264: {  	v37 =	vor.u32 v38, v37  }
0x265: {  	v38 =	vor.u32 $0x3, v37;
	_ =	sdelay $0x4  }
0x266: {  	v38 =	vld.idx.msk [tilespmem:v38+s9+$0x0], $0xffff;
	_ =	sdelay $0x4  }
0x267: {  	vm8 =	vle.f32 v38, v16  }
0x268: {  	v38 =	vsel vm8, $0x4, v4  }
0x269: {  	v37 =	vor.u32 v38, v37  }
0x26a: {  	v38 =	vor.u32 $0x1, v37;
	_ =	sdelay $0x4  }
0x26b: {  	v38 =	vld.idx.msk [tilespmem:v38+s9+$0x0], $0xffff;
	_ =	sdelay $0x4  }
0x26c: {  	vm8 =	vle.f32 v38, v16  }
0x26d: {  	v38 =	vsel vm8, $0x2, v4  }
0x26e: {  	v37 =	vor.u32 v38, v37;
	_ =	sdelay $0x4  }
0x26f: {  	v38 =	vld.idx.msk [tilespmem:v37+s9+$0x0], $0xffff;
	_ =	sdelay $0x4  }
0x270: {  	vm8 =	vle.f32 v38, v16  }
0x271: {  	v38 =	vsel vm8, $0x1, v4  }
0x272: {  	v37 =	vor.u32 v38, v37  }
0x273: {  	v37 =	vmax.u32 v37, $0x1  }
0x274: {  	v63 =	vadd.s32 $0xFFFFFFFF, v37;
	_ =	sdelay $0x3  }
0x275: {  	v45 =	vld.idx.msk [tilespmem:v37+s9+$0x0], $0xffff  }
0x276: {  	v44 =	vld.idx.msk [tilespmem:v63+s9+$0x0], $0xffff;
	_ =	sdelay $0x4  }
0x277: {  	v40 =	vsub.f32 v45, v44;
	_ =	sdelay $0x1  }
0x278: {  	v46 =	vand.u32 $0x7FFFFFFF, v40  }
0x279: {  	vm8 =	vle.f32 v46, $1.421085470e-14  }
0x27a: {  	v40 =	vsel vm8, $0x3F800000, v40  }
0x27b: {  	(erf) = vrcp.f32 v40;
	_ =	sdelay $0x3  }
0x27c: {  	v37 =	vld.idx.msk [tilespmem:v37+s10+$0x0], $0xffff  }
0x27d: {  	v38 =	vld.idx.msk [tilespmem:v63+s10+$0x0], $0xffff;
	_ =	sdelay $0x2  }
0x27e: {  	v39 =	vsub.f32 v16, v44  }
0x27f: {  	v40 =	vpop (erf)  }
0x280: {  	v37 =	vsub.f32 v37, v38;
	v39 =	vmul.f32 v40, v39;
	_ =	sdelay $0x1  }
0x281: {  	v37 =	vmul.f32 v39, v37;
	_ =	sdelay $0x1  }
0x282: {  	v37 =	vadd.f32 v37, v38;
	_ =	sdelay $0x1  }
0x283: {  	v37 =	vsel vm8, v38, v37;
	vm8 =	vgt.f32 v32, v16  }
0x284: {  	v37 =	vsel vm8, v33, v37;
	vm8 =	vlt.f32 v34, v16  }
0x285: {  	v37 =	vsel vm8, v35, v37  }
0x286: {  	v37 =	vadd.f32 $5.000000000e-01, v37;
	_ =	sdelay $0x1  }
0x287: {  	v47 =	vor.u32 v17, v36;
	v37 =	vmax.f32 v37, $0.0e+00  }
0x288: {  	v37 =	vmin.f32 v37, $2.550000000e+02  }
0x289: {  	v37 =	vtrunc.f32 v37  }
0x28a: {  	v37 =	vcvt.f32.s32 v37;
	_ =	sdelay $0x1  }
0x28b: {  	[tilespmem:v47+s11+$0x0] =	vst.idx.msk $0xffff, v37  }
0x28c: {  	v37 =	vld.idx.msk [tilespmem:v2+s9+$0x0], $0xffff;
	_ =	sdelay $0x4  }
0x28d: {  	vm8 =	vle.f32 v37, v18  }
0x28e: {  	v37 =	vsel vm8, $0x40, v4  }
0x28f: {  	v48 =	vor.u32 $0x1F, v37;
	_ =	sdelay $0x4  }
0x290: {  	v38 =	vld.idx.msk [tilespmem:v48+s9+$0x0], $0xffff;
	_ =	sdelay $0x4  }
0x291: {  	vm8 =	vle.f32 v38, v18  }
0x292: {  	v38 =	vsel vm8, $0x20, v4  }
0x293: {  	v37 =	vor.u32 v37, v38  }
0x294: {  	v38 =	vor.u32 $0xF, v37;
	_ =	sdelay $0x4  }
0x295: {  	v38 =	vld.idx.msk [tilespmem:v38+s9+$0x0], $0xffff;
	_ =	sdelay $0x4  }
0x296: {  	vm8 =	vle.f32 v38, v18  }
0x297: {  	v38 =	vsel vm8, $0x10, v4  }
0x298: {  	v37 =	vor.u32 v38, v37  }
0x299: {  	v38 =	vor.u32 $0x7, v37;
	_ =	sdelay $0x4  }
0x29a: {  	v38 =	vld.idx.msk [tilespmem:v38+s9+$0x0], $0xffff;
	_ =	sdelay $0x4  }
0x29b: {  	vm8 =	vle.f32 v38, v18  }
0x29c: {  	v38 =	vsel vm8, $0x8, v4  }
0x29d: {  	v37 =	vor.u32 v38, v37  }
0x29e: {  	v38 =	vor.u32 $0x3, v37;
	_ =	sdelay $0x4  }
0x29f: {  	v38 =	vld.idx.msk [tilespmem:v38+s9+$0x0], $0xffff;
	_ =	sdelay $0x4  }
0x2a0: {  	vm8 =	vle.f32 v38, v18  }
0x2a1: {  	v38 =	vsel vm8, $0x4, v4  }
0x2a2: {  	v37 =	vor.u32 v38, v37  }
0x2a3: {  	v38 =	vor.u32 $0x1, v37;
	_ =	sdelay $0x4  }
0x2a4: {  	v38 =	vld.idx.msk [tilespmem:v38+s9+$0x0], $0xffff;
	_ =	sdelay $0x4  }
0x2a5: {  	vm8 =	vle.f32 v38, v18  }
0x2a6: {  	v38 =	vsel vm8, $0x2, v4  }
0x2a7: {  	v37 =	vor.u32 v38, v37;
	_ =	sdelay $0x4  }
0x2a8: {  	v38 =	vld.idx.msk [tilespmem:v37+s9+$0x0], $0xffff;
	_ =	sdelay $0x4  }
0x2a9: {  	vm8 =	vle.f32 v38, v18  }
0x2aa: {  	v38 =	vsel vm8, $0x1, v4  }
0x2ab: {  	v37 =	vor.u32 v38, v37  }
0x2ac: {  	v37 =	vmax.u32 v37, $0x1  }
0x2ad: {  	v49 =	vadd.s32 $0xFFFFFFFF, v37;
	_ =	sdelay $0x3  }
0x2ae: {  	v51 =	vld.idx.msk [tilespmem:v37+s9+$0x0], $0xffff  }
0x2af: {  	v50 =	vld.idx.msk [tilespmem:v49+s9+$0x0], $0xffff;
	_ =	sdelay $0x4  }
0x2b0: {  	v40 =	vsub.f32 v51, v50;
	_ =	sdelay $0x1  }
0x2b1: {  	v52 =	vand.u32 $0x7FFFFFFF, v40  }
0x2b2: {  	vm8 =	vle.f32 v52, $1.421085470e-14  }
0x2b3: {  	v40 =	vsel vm8, $0x3F800000, v40  }
0x2b4: {  	(erf) = vrcp.f32 v40;
	_ =	sdelay $0x3  }
0x2b5: {  	v37 =	vld.idx.msk [tilespmem:v37+s10+$0x0], $0xffff  }
0x2b6: {  	v38 =	vld.idx.msk [tilespmem:v49+s10+$0x0], $0xffff;
	_ =	sdelay $0x2  }
0x2b7: {  	v39 =	vsub.f32 v18, v50  }
0x2b8: {  	v40 =	vpop (erf)  }
0x2b9: {  	v37 =	vsub.f32 v37, v38;
	v39 =	vmul.f32 v40, v39;
	_ =	sdelay $0x1  }
0x2ba: {  	v37 =	vmul.f32 v39, v37;
	_ =	sdelay $0x1  }
0x2bb: {  	v37 =	vadd.f32 v37, v38;
	_ =	sdelay $0x1  }
0x2bc: {  	v37 =	vsel vm8, v38, v37;
	vm8 =	vgt.f32 v32, v18  }
0x2bd: {  	v37 =	vsel vm8, v33, v37;
	vm8 =	vlt.f32 v34, v18  }
0x2be: {  	v37 =	vsel vm8, v35, v37  }
0x2bf: {  	v37 =	vadd.f32 $5.000000000e-01, v37;
	_ =	sdelay $0x1  }
0x2c0: {  	v36 =	vor.u32 v19, v36;
	v37 =	vmax.f32 v37, $0.0e+00  }
0x2c1: {  	v37 =	vmin.f32 v37, $2.550000000e+02  }
0x2c2: {  	v37 =	vtrunc.f32 v37  }
0x2c3: {  	v37 =	vcvt.f32.s32 v37;
	_ =	sdelay $0x1  }
0x2c4: {  	[tilespmem:v36+s11+$0x0] =	vst.idx.msk $0xffff, v37  }
0x2c5: {  	v36 =	vld.idx.msk [tilespmem:v2+s9+$0x0], $0xffff;
	_ =	sdelay $0x4  }
0x2c6: {  	vm8 =	vle.f32 v36, v20  }
0x2c7: {  	v36 =	vsel vm8, $0x40, v4  }
0x2c8: {  	v53 =	vor.u32 $0x1F, v36;
	_ =	sdelay $0x4  }
0x2c9: {  	v37 =	vld.idx.msk [tilespmem:v53+s9+$0x0], $0xffff;
	_ =	sdelay $0x4  }
0x2ca: {  	vm8 =	vle.f32 v37, v20  }
0x2cb: {  	v37 =	vsel vm8, $0x20, v4  }
0x2cc: {  	v36 =	vor.u32 v36, v37  }
0x2cd: {  	v37 =	vor.u32 $0xF, v36;
	_ =	sdelay $0x4  }
0x2ce: {  	v37 =	vld.idx.msk [tilespmem:v37+s9+$0x0], $0xffff;
	_ =	sdelay $0x4  }
0x2cf: {  	vm8 =	vle.f32 v37, v20  }
0x2d0: {  	v37 =	vsel vm8, $0x10, v4  }
0x2d1: {  	v36 =	vor.u32 v37, v36  }
0x2d2: {  	v37 =	vor.u32 $0x7, v36;
	_ =	sdelay $0x4  }
0x2d3: {  	v37 =	vld.idx.msk [tilespmem:v37+s9+$0x0], $0xffff;
	_ =	sdelay $0x4  }
0x2d4: {  	vm8 =	vle.f32 v37, v20  }
0x2d5: {  	v37 =	vsel vm8, $0x8, v4  }
0x2d6: {  	v36 =	vor.u32 v37, v36  }
0x2d7: {  	v37 =	vor.u32 $0x3, v36;
	_ =	sdelay $0x4  }
0x2d8: {  	v37 =	vld.idx.msk [tilespmem:v37+s9+$0x0], $0xffff;
	_ =	sdelay $0x4  }
0x2d9: {  	vm8 =	vle.f32 v37, v20  }
0x2da: {  	v37 =	vsel vm8, $0x4, v4  }
0x2db: {  	v36 =	vor.u32 v37, v36  }
0x2dc: {  	v37 =	vor.u32 $0x1, v36;
	_ =	sdelay $0x4  }
0x2dd: {  	v37 =	vld.idx.msk [tilespmem:v37+s9+$0x0], $0xffff;
	_ =	sdelay $0x4  }
0x2de: {  	vm8 =	vle.f32 v37, v20  }
0x2df: {  	v37 =	vsel vm8, $0x2, v4  }
0x2e0: {  	v36 =	vor.u32 v37, v36;
	_ =	sdelay $0x4  }
0x2e1: {  	v37 =	vld.idx.msk [tilespmem:v36+s9+$0x0], $0xffff;
	_ =	sdelay $0x4  }
0x2e2: {  	vm8 =	vle.f32 v37, v20  }
0x2e3: {  	v37 =	vsel vm8, $0x1, v4  }
0x2e4: {  	v36 =	vor.u32 v37, v36  }
0x2e5: {  	v36 =	vmax.u32 v36, $0x1  }
0x2e6: {  	v54 =	vadd.s32 $0xFFFFFFFF, v36;
	_ =	sdelay $0x3  }
0x2e7: {  	v56 =	vld.idx.msk [tilespmem:v36+s9+$0x0], $0xffff  }
0x2e8: {  	v55 =	vld.idx.msk [tilespmem:v54+s9+$0x0], $0xffff;
	_ =	sdelay $0x4  }
0x2e9: {  	v39 =	vsub.f32 v56, v55;
	_ =	sdelay $0x1  }
0x2ea: {  	v57 =	vand.u32 $0x7FFFFFFF, v39  }
0x2eb: {  	vm8 =	vle.f32 v57, $1.421085470e-14  }
0x2ec: {  	v39 =	vsel vm8, $0x3F800000, v39  }
0x2ed: {  	(erf) = vrcp.f32 v39;
	_ =	sdelay $0x3  }
0x2ee: {  	v36 =	vld.idx.msk [tilespmem:v36+s10+$0x0], $0xffff  }
0x2ef: {  	v37 =	vld.idx.msk [tilespmem:v54+s10+$0x0], $0xffff;
	_ =	sdelay $0x2  }
0x2f0: {  	v38 =	vsub.f32 v20, v55  }
0x2f1: {  	v39 =	vpop (erf)  }
0x2f2: {  	v36 =	vsub.f32 v36, v37;
	v38 =	vmul.f32 v39, v38;
	_ =	sdelay $0x1  }
0x2f3: {  	v36 =	vmul.f32 v38, v36;
	_ =	sdelay $0x1  }
0x2f4: {  	v36 =	vadd.f32 v36, v37  }
0x2f5: {  	s31 =	sor.u32 $0x80, s23  }
0x2f6: {  	v58 =	vmov s31;
	v36 =	vsel vm8, v37, v36;
	vm8 =	vgt.f32 v32, v20  }
0x2f7: {  	v37 =	vshrl.u32 v58, $0x7;
	v36 =	vsel vm8, v33, v36;
	vm8 =	vlt.f32 v34, v20  }
0x2f8: {  	v37 =	vshll.u32 v37, v5;
	v36 =	vsel vm8, v35, v36  }
0x2f9: {  	v59 =	vadd.f32 $5.000000000e-01, v36;
	v36 =	vbroadcast v37, $0x0;
	_ =	sdelay $0x1  }
0x2fa: {  	v60 =	vmax.f32 v59, $0.0e+00;
	v61 =	vor.u32 v0, v36  }
0x2fb: {  	v37 =	vmin.f32 v60, $2.550000000e+02  }
0x2fc: {  	v37 =	vtrunc.f32 v37  }
0x2fd: {  	v37 =	vcvt.f32.s32 v37;
	_ =	sdelay $0x1  }
0x2fe: {  	[tilespmem:v61+s11+$0x0] =	vst.idx.msk $0xffff, v37  }
0x2ff: {  	v37 =	vld.idx.msk [tilespmem:v2+s9+$0x0], $0xffff;
	_ =	sdelay $0x4  }
0x300: {  	vm8 =	vle.f32 v37, v21  }
0x301: {  	v37 =	vsel vm8, $0x40, v4  }
0x302: {  	v62 =	vor.u32 $0x1F, v37;
	_ =	sdelay $0x4  }
0x303: {  	v38 =	vld.idx.msk [tilespmem:v62+s9+$0x0], $0xffff;
	_ =	sdelay $0x4  }
0x304: {  	vm8 =	vle.f32 v38, v21  }
0x305: {  	v38 =	vsel vm8, $0x20, v4  }
0x306: {  	v37 =	vor.u32 v37, v38  }
0x307: {  	v38 =	vor.u32 $0xF, v37;
	_ =	sdelay $0x4  }
0x308: {  	v38 =	vld.idx.msk [tilespmem:v38+s9+$0x0], $0xffff;
	_ =	sdelay $0x4  }
0x309: {  	vm8 =	vle.f32 v38, v21  }
0x30a: {  	v38 =	vsel vm8, $0x10, v4  }
0x30b: {  	v37 =	vor.u32 v38, v37  }
0x30c: {  	v38 =	vor.u32 $0x7, v37;
	_ =	sdelay $0x4  }
0x30d: {  	v38 =	vld.idx.msk [tilespmem:v38+s9+$0x0], $0xffff;
	_ =	sdelay $0x4  }
0x30e: {  	vm8 =	vle.f32 v38, v21  }
0x30f: {  	v38 =	vsel vm8, $0x8, v4  }
0x310: {  	v37 =	vor.u32 v38, v37  }
0x311: {  	v38 =	vor.u32 $0x3, v37;
	_ =	sdelay $0x4  }
0x312: {  	v38 =	vld.idx.msk [tilespmem:v38+s9+$0x0], $0xffff;
	_ =	sdelay $0x4  }
0x313: {  	vm8 =	vle.f32 v38, v21  }
0x314: {  	v38 =	vsel vm8, $0x4, v4  }
0x315: {  	v37 =	vor.u32 v38, v37  }
0x316: {  	v38 =	vor.u32 $0x1, v37;
	_ =	sdelay $0x4  }
0x317: {  	v38 =	vld.idx.msk [tilespmem:v38+s9+$0x0], $0xffff;
	_ =	sdelay $0x4  }
0x318: {  	vm8 =	vle.f32 v38, v21  }
0x319: {  	v38 =	vsel vm8, $0x2, v4  }
0x31a: {  	v37 =	vor.u32 v38, v37;
	_ =	sdelay $0x4  }
0x31b: {  	v38 =	vld.idx.msk [tilespmem:v37+s9+$0x0], $0xffff;
	_ =	sdelay $0x4  }
0x31c: {  	vm8 =	vle.f32 v38, v21  }
0x31d: {  	v38 =	vsel vm8, $0x1, v4  }
0x31e: {  	v37 =	vor.u32 v38, v37  }
0x31f: {  	v37 =	vmax.u32 v37, $0x1  }
0x320: {  	v63 =	vadd.s32 $0xFFFFFFFF, v37;
	_ =	sdelay $0x3  }
0x321: {  	v45 =	vld.idx.msk [tilespmem:v37+s9+$0x0], $0xffff  }
0x322: {  	v44 =	vld.idx.msk [tilespmem:v63+s9+$0x0], $0xffff;
	_ =	sdelay $0x4  }
0x323: {  	v40 =	vsub.f32 v45, v44;
	_ =	sdelay $0x1  }
0x324: {  	v46 =	vand.u32 $0x7FFFFFFF, v40  }
0x325: {  	vm8 =	vle.f32 v46, $1.421085470e-14  }
0x326: {  	v40 =	vsel vm8, $0x3F800000, v40  }
0x327: {  	(erf) = vrcp.f32 v40;
	_ =	sdelay $0x3  }
0x328: {  	v37 =	vld.idx.msk [tilespmem:v37+s10+$0x0], $0xffff  }
0x329: {  	v38 =	vld.idx.msk [tilespmem:v63+s10+$0x0], $0xffff;
	_ =	sdelay $0x2  }
0x32a: {  	v39 =	vsub.f32 v21, v44  }
0x32b: {  	v40 =	vpop (erf)  }
0x32c: {  	v37 =	vsub.f32 v37, v38;
	v39 =	vmul.f32 v40, v39;
	_ =	sdelay $0x1  }
0x32d: {  	v37 =	vmul.f32 v39, v37;
	_ =	sdelay $0x1  }
0x32e: {  	v37 =	vadd.f32 v37, v38;
	_ =	sdelay $0x1  }
0x32f: {  	v37 =	vsel vm8, v38, v37;
	vm8 =	vgt.f32 v32, v21  }
0x330: {  	v37 =	vsel vm8, v33, v37;
	vm8 =	vlt.f32 v34, v21  }
0x331: {  	v37 =	vsel vm8, v35, v37  }
0x332: {  	v37 =	vadd.f32 $5.000000000e-01, v37;
	_ =	sdelay $0x1  }
0x333: {  	v47 =	vor.u32 v7, v36;
	v37 =	vmax.f32 v37, $0.0e+00  }
0x334: {  	v37 =	vmin.f32 v37, $2.550000000e+02  }
0x335: {  	v37 =	vtrunc.f32 v37  }
0x336: {  	v37 =	vcvt.f32.s32 v37;
	_ =	sdelay $0x1  }
0x337: {  	[tilespmem:v47+s11+$0x0] =	vst.idx.msk $0xffff, v37  }
0x338: {  	v37 =	vld.idx.msk [tilespmem:v2+s9+$0x0], $0xffff;
	_ =	sdelay $0x4  }
0x339: {  	vm8 =	vle.f32 v37, v22  }
0x33a: {  	v37 =	vsel vm8, $0x40, v4  }
0x33b: {  	v48 =	vor.u32 $0x1F, v37;
	_ =	sdelay $0x4  }
0x33c: {  	v38 =	vld.idx.msk [tilespmem:v48+s9+$0x0], $0xffff;
	_ =	sdelay $0x4  }
0x33d: {  	vm8 =	vle.f32 v38, v22  }
0x33e: {  	v38 =	vsel vm8, $0x20, v4  }
0x33f: {  	v37 =	vor.u32 v37, v38  }
0x340: {  	v38 =	vor.u32 $0xF, v37;
	_ =	sdelay $0x4  }
0x341: {  	v38 =	vld.idx.msk [tilespmem:v38+s9+$0x0], $0xffff;
	_ =	sdelay $0x4  }
0x342: {  	vm8 =	vle.f32 v38, v22  }
0x343: {  	v38 =	vsel vm8, $0x10, v4  }
0x344: {  	v37 =	vor.u32 v38, v37  }
0x345: {  	v38 =	vor.u32 $0x7, v37;
	_ =	sdelay $0x4  }
0x346: {  	v38 =	vld.idx.msk [tilespmem:v38+s9+$0x0], $0xffff;
	_ =	sdelay $0x4  }
0x347: {  	vm8 =	vle.f32 v38, v22  }
0x348: {  	v38 =	vsel vm8, $0x8, v4  }
0x349: {  	v37 =	vor.u32 v38, v37  }
0x34a: {  	v38 =	vor.u32 $0x3, v37;
	_ =	sdelay $0x4  }
0x34b: {  	v38 =	vld.idx.msk [tilespmem:v38+s9+$0x0], $0xffff;
	_ =	sdelay $0x4  }
0x34c: {  	vm8 =	vle.f32 v38, v22  }
0x34d: {  	v38 =	vsel vm8, $0x4, v4  }
0x34e: {  	v37 =	vor.u32 v38, v37  }
0x34f: {  	v38 =	vor.u32 $0x1, v37;
	_ =	sdelay $0x4  }
0x350: {  	v38 =	vld.idx.msk [tilespmem:v38+s9+$0x0], $0xffff;
	_ =	sdelay $0x4  }
0x351: {  	vm8 =	vle.f32 v38, v22  }
0x352: {  	v38 =	vsel vm8, $0x2, v4  }
0x353: {  	v37 =	vor.u32 v38, v37;
	_ =	sdelay $0x4  }
0x354: {  	v38 =	vld.idx.msk [tilespmem:v37+s9+$0x0], $0xffff;
	_ =	sdelay $0x4  }
0x355: {  	vm8 =	vle.f32 v38, v22  }
0x356: {  	v38 =	vsel vm8, $0x1, v4  }
0x357: {  	v37 =	vor.u32 v38, v37  }
0x358: {  	v37 =	vmax.u32 v37, $0x1  }
0x359: {  	v49 =	vadd.s32 $0xFFFFFFFF, v37;
	_ =	sdelay $0x3  }
0x35a: {  	v51 =	vld.idx.msk [tilespmem:v37+s9+$0x0], $0xffff  }
0x35b: {  	v50 =	vld.idx.msk [tilespmem:v49+s9+$0x0], $0xffff;
	_ =	sdelay $0x4  }
0x35c: {  	v40 =	vsub.f32 v51, v50;
	_ =	sdelay $0x1  }
0x35d: {  	v52 =	vand.u32 $0x7FFFFFFF, v40  }
0x35e: {  	vm8 =	vle.f32 v52, $1.421085470e-14  }
0x35f: {  	v40 =	vsel vm8, $0x3F800000, v40  }
0x360: {  	(erf) = vrcp.f32 v40;
	_ =	sdelay $0x3  }
0x361: {  	v37 =	vld.idx.msk [tilespmem:v37+s10+$0x0], $0xffff  }
0x362: {  	v38 =	vld.idx.msk [tilespmem:v49+s10+$0x0], $0xffff;
	_ =	sdelay $0x2  }
0x363: {  	v39 =	vsub.f32 v22, v50  }
0x364: {  	v40 =	vpop (erf)  }
0x365: {  	v37 =	vsub.f32 v37, v38;
	v39 =	vmul.f32 v40, v39;
	_ =	sdelay $0x1  }
0x366: {  	v37 =	vmul.f32 v39, v37;
	_ =	sdelay $0x1  }
0x367: {  	v37 =	vadd.f32 v37, v38;
	_ =	sdelay $0x1  }
0x368: {  	v37 =	vsel vm8, v38, v37;
	vm8 =	vgt.f32 v32, v22  }
0x369: {  	v37 =	vsel vm8, v33, v37;
	vm8 =	vlt.f32 v34, v22  }
0x36a: {  	v37 =	vsel vm8, v35, v37  }
0x36b: {  	v37 =	vadd.f32 $5.000000000e-01, v37;
	_ =	sdelay $0x1  }
0x36c: {  	v53 =	vor.u32 v9, v36;
	v37 =	vmax.f32 v37, $0.0e+00  }
0x36d: {  	v37 =	vmin.f32 v37, $2.550000000e+02  }
0x36e: {  	v37 =	vtrunc.f32 v37  }
0x36f: {  	v37 =	vcvt.f32.s32 v37;
	_ =	sdelay $0x1  }
0x370: {  	[tilespmem:v53+s11+$0x0] =	vst.idx.msk $0xffff, v37  }
0x371: {  	v37 =	vld.idx.msk [tilespmem:v2+s9+$0x0], $0xffff;
	_ =	sdelay $0x4  }
0x372: {  	vm8 =	vle.f32 v37, v23  }
0x373: {  	v37 =	vsel vm8, $0x40, v4  }
0x374: {  	v54 =	vor.u32 $0x1F, v37;
	_ =	sdelay $0x4  }
0x375: {  	v38 =	vld.idx.msk [tilespmem:v54+s9+$0x0], $0xffff;
	_ =	sdelay $0x4  }
0x376: {  	vm8 =	vle.f32 v38, v23  }
0x377: {  	v38 =	vsel vm8, $0x20, v4  }
0x378: {  	v37 =	vor.u32 v37, v38  }
0x379: {  	v38 =	vor.u32 $0xF, v37;
	_ =	sdelay $0x4  }
0x37a: {  	v38 =	vld.idx.msk [tilespmem:v38+s9+$0x0], $0xffff;
	_ =	sdelay $0x4  }
0x37b: {  	vm8 =	vle.f32 v38, v23  }
0x37c: {  	v38 =	vsel vm8, $0x10, v4  }
0x37d: {  	v37 =	vor.u32 v38, v37  }
0x37e: {  	v38 =	vor.u32 $0x7, v37;
	_ =	sdelay $0x4  }
0x37f: {  	v38 =	vld.idx.msk [tilespmem:v38+s9+$0x0], $0xffff;
	_ =	sdelay $0x4  }
0x380: {  	vm8 =	vle.f32 v38, v23  }
0x381: {  	v38 =	vsel vm8, $0x8, v4  }
0x382: {  	v37 =	vor.u32 v38, v37  }
0x383: {  	v38 =	vor.u32 $0x3, v37;
	_ =	sdelay $0x4  }
0x384: {  	v38 =	vld.idx.msk [tilespmem:v38+s9+$0x0], $0xffff;
	_ =	sdelay $0x4  }
0x385: {  	vm8 =	vle.f32 v38, v23  }
0x386: {  	v38 =	vsel vm8, $0x4, v4  }
0x387: {  	v37 =	vor.u32 v38, v37  }
0x388: {  	v38 =	vor.u32 $0x1, v37;
	_ =	sdelay $0x4  }
0x389: {  	v38 =	vld.idx.msk [tilespmem:v38+s9+$0x0], $0xffff;
	_ =	sdelay $0x4  }
0x38a: {  	vm8 =	vle.f32 v38, v23  }
0x38b: {  	v38 =	vsel vm8, $0x2, v4  }
0x38c: {  	v37 =	vor.u32 v38, v37;
	_ =	sdelay $0x4  }
0x38d: {  	v38 =	vld.idx.msk [tilespmem:v37+s9+$0x0], $0xffff;
	_ =	sdelay $0x4  }
0x38e: {  	vm8 =	vle.f32 v38, v23  }
0x38f: {  	v38 =	vsel vm8, $0x1, v4  }
0x390: {  	v37 =	vor.u32 v38, v37  }
0x391: {  	v37 =	vmax.u32 v37, $0x1  }
0x392: {  	v55 =	vadd.s32 $0xFFFFFFFF, v37;
	_ =	sdelay $0x3  }
0x393: {  	v57 =	vld.idx.msk [tilespmem:v37+s9+$0x0], $0xffff  }
0x394: {  	v56 =	vld.idx.msk [tilespmem:v55+s9+$0x0], $0xffff;
	_ =	sdelay $0x4  }
0x395: {  	v40 =	vsub.f32 v57, v56;
	_ =	sdelay $0x1  }
0x396: {  	v58 =	vand.u32 $0x7FFFFFFF, v40  }
0x397: {  	vm8 =	vle.f32 v58, $1.421085470e-14  }
0x398: {  	v40 =	vsel vm8, $0x3F800000, v40  }
0x399: {  	(erf) = vrcp.f32 v40;
	_ =	sdelay $0x3  }
0x39a: {  	v37 =	vld.idx.msk [tilespmem:v37+s10+$0x0], $0xffff  }
0x39b: {  	v38 =	vld.idx.msk [tilespmem:v55+s10+$0x0], $0xffff;
	_ =	sdelay $0x2  }
0x39c: {  	v39 =	vsub.f32 v23, v56  }
0x39d: {  	v40 =	vpop (erf)  }
0x39e: {  	v37 =	vsub.f32 v37, v38;
	v39 =	vmul.f32 v40, v39;
	_ =	sdelay $0x1  }
0x39f: {  	v37 =	vmul.f32 v39, v37;
	_ =	sdelay $0x1  }
0x3a0: {  	v37 =	vadd.f32 v37, v38;
	_ =	sdelay $0x1  }
0x3a1: {  	v37 =	vsel vm8, v38, v37;
	vm8 =	vgt.f32 v32, v23  }
0x3a2: {  	v37 =	vsel vm8, v33, v37;
	vm8 =	vlt.f32 v34, v23  }
0x3a3: {  	v37 =	vsel vm8, v35, v37  }
0x3a4: {  	v37 =	vadd.f32 $5.000000000e-01, v37;
	_ =	sdelay $0x1  }
0x3a5: {  	v59 =	vor.u32 v11, v36;
	v37 =	vmax.f32 v37, $0.0e+00  }
0x3a6: {  	v37 =	vmin.f32 v37, $2.550000000e+02  }
0x3a7: {  	v37 =	vtrunc.f32 v37  }
0x3a8: {  	v37 =	vcvt.f32.s32 v37;
	_ =	sdelay $0x1  }
0x3a9: {  	[tilespmem:v59+s11+$0x0] =	vst.idx.msk $0xffff, v37  }
0x3aa: {  	v37 =	vld.idx.msk [tilespmem:v2+s9+$0x0], $0xffff;
	_ =	sdelay $0x4  }
0x3ab: {  	vm8 =	vle.f32 v37, v24  }
0x3ac: {  	v37 =	vsel vm8, $0x40, v4  }
0x3ad: {  	v60 =	vor.u32 $0x1F, v37;
	_ =	sdelay $0x4  }
0x3ae: {  	v38 =	vld.idx.msk [tilespmem:v60+s9+$0x0], $0xffff;
	_ =	sdelay $0x4  }
0x3af: {  	vm8 =	vle.f32 v38, v24  }
0x3b0: {  	v38 =	vsel vm8, $0x20, v4  }
0x3b1: {  	v37 =	vor.u32 v37, v38  }
0x3b2: {  	v38 =	vor.u32 $0xF, v37;
	_ =	sdelay $0x4  }
0x3b3: {  	v38 =	vld.idx.msk [tilespmem:v38+s9+$0x0], $0xffff;
	_ =	sdelay $0x4  }
0x3b4: {  	vm8 =	vle.f32 v38, v24  }
0x3b5: {  	v38 =	vsel vm8, $0x10, v4  }
0x3b6: {  	v37 =	vor.u32 v38, v37  }
0x3b7: {  	v38 =	vor.u32 $0x7, v37;
	_ =	sdelay $0x4  }
0x3b8: {  	v38 =	vld.idx.msk [tilespmem:v38+s9+$0x0], $0xffff;
	_ =	sdelay $0x4  }
0x3b9: {  	vm8 =	vle.f32 v38, v24  }
0x3ba: {  	v38 =	vsel vm8, $0x8, v4  }
0x3bb: {  	v37 =	vor.u32 v38, v37  }
0x3bc: {  	v38 =	vor.u32 $0x3, v37;
	_ =	sdelay $0x4  }
0x3bd: {  	v38 =	vld.idx.msk [tilespmem:v38+s9+$0x0], $0xffff;
	_ =	sdelay $0x4  }
0x3be: {  	vm8 =	vle.f32 v38, v24  }
0x3bf: {  	v38 =	vsel vm8, $0x4, v4  }
0x3c0: {  	v37 =	vor.u32 v38, v37  }
0x3c1: {  	v38 =	vor.u32 $0x1, v37;
	_ =	sdelay $0x4  }
0x3c2: {  	v38 =	vld.idx.msk [tilespmem:v38+s9+$0x0], $0xffff;
	_ =	sdelay $0x4  }
0x3c3: {  	vm8 =	vle.f32 v38, v24  }
0x3c4: {  	v38 =	vsel vm8, $0x2, v4  }
0x3c5: {  	v37 =	vor.u32 v38, v37;
	_ =	sdelay $0x4  }
0x3c6: {  	v38 =	vld.idx.msk [tilespmem:v37+s9+$0x0], $0xffff;
	_ =	sdelay $0x4  }
0x3c7: {  	vm8 =	vle.f32 v38, v24  }
0x3c8: {  	v38 =	vsel vm8, $0x1, v4  }
0x3c9: {  	v37 =	vor.u32 v38, v37  }
0x3ca: {  	v37 =	vmax.u32 v37, $0x1  }
0x3cb: {  	v61 =	vadd.s32 $0xFFFFFFFF, v37;
	_ =	sdelay $0x3  }
0x3cc: {  	v63 =	vld.idx.msk [tilespmem:v37+s9+$0x0], $0xffff  }
0x3cd: {  	v62 =	vld.idx.msk [tilespmem:v61+s9+$0x0], $0xffff;
	_ =	sdelay $0x4  }
0x3ce: {  	v40 =	vsub.f32 v63, v62;
	_ =	sdelay $0x1  }
0x3cf: {  	v44 =	vand.u32 $0x7FFFFFFF, v40  }
0x3d0: {  	vm8 =	vle.f32 v44, $1.421085470e-14  }
0x3d1: {  	v40 =	vsel vm8, $0x3F800000, v40  }
0x3d2: {  	(erf) = vrcp.f32 v40;
	_ =	sdelay $0x3  }
0x3d3: {  	v37 =	vld.idx.msk [tilespmem:v37+s10+$0x0], $0xffff  }
0x3d4: {  	v38 =	vld.idx.msk [tilespmem:v61+s10+$0x0], $0xffff;
	_ =	sdelay $0x2  }
0x3d5: {  	v39 =	vsub.f32 v24, v62  }
0x3d6: {  	v40 =	vpop (erf)  }
0x3d7: {  	v37 =	vsub.f32 v37, v38;
	v39 =	vmul.f32 v40, v39;
	_ =	sdelay $0x1  }
0x3d8: {  	v37 =	vmul.f32 v39, v37;
	_ =	sdelay $0x1  }
0x3d9: {  	v37 =	vadd.f32 v37, v38;
	_ =	sdelay $0x1  }
0x3da: {  	v37 =	vsel vm8, v38, v37;
	vm8 =	vgt.f32 v32, v24  }
0x3db: {  	v37 =	vsel vm8, v33, v37;
	vm8 =	vlt.f32 v34, v24  }
0x3dc: {  	v37 =	vsel vm8, v35, v37  }
0x3dd: {  	v37 =	vadd.f32 $5.000000000e-01, v37;
	_ =	sdelay $0x1  }
0x3de: {  	v45 =	vor.u32 v13, v36;
	v37 =	vmax.f32 v37, $0.0e+00  }
0x3df: {  	v37 =	vmin.f32 v37, $2.550000000e+02  }
0x3e0: {  	v37 =	vtrunc.f32 v37  }
0x3e1: {  	v37 =	vcvt.f32.s32 v37;
	_ =	sdelay $0x1  }
0x3e2: {  	[tilespmem:v45+s11+$0x0] =	vst.idx.msk $0xffff, v37  }
0x3e3: {  	v37 =	vld.idx.msk [tilespmem:v2+s9+$0x0], $0xffff;
	_ =	sdelay $0x4  }
0x3e4: {  	vm8 =	vle.f32 v37, v25  }
0x3e5: {  	v37 =	vsel vm8, $0x40, v4  }
0x3e6: {  	v46 =	vor.u32 $0x1F, v37;
	_ =	sdelay $0x4  }
0x3e7: {  	v38 =	vld.idx.msk [tilespmem:v46+s9+$0x0], $0xffff;
	_ =	sdelay $0x4  }
0x3e8: {  	vm8 =	vle.f32 v38, v25  }
0x3e9: {  	v38 =	vsel vm8, $0x20, v4  }
0x3ea: {  	v37 =	vor.u32 v37, v38  }
0x3eb: {  	v38 =	vor.u32 $0xF, v37;
	_ =	sdelay $0x4  }
0x3ec: {  	v38 =	vld.idx.msk [tilespmem:v38+s9+$0x0], $0xffff;
	_ =	sdelay $0x4  }
0x3ed: {  	vm8 =	vle.f32 v38, v25  }
0x3ee: {  	v38 =	vsel vm8, $0x10, v4  }
0x3ef: {  	v37 =	vor.u32 v38, v37  }
0x3f0: {  	v38 =	vor.u32 $0x7, v37;
	_ =	sdelay $0x4  }
0x3f1: {  	v38 =	vld.idx.msk [tilespmem:v38+s9+$0x0], $0xffff;
	_ =	sdelay $0x4  }
0x3f2: {  	vm8 =	vle.f32 v38, v25  }
0x3f3: {  	v38 =	vsel vm8, $0x8, v4  }
0x3f4: {  	v37 =	vor.u32 v38, v37  }
0x3f5: {  	v38 =	vor.u32 $0x3, v37;
	_ =	sdelay $0x4  }
0x3f6: {  	v38 =	vld.idx.msk [tilespmem:v38+s9+$0x0], $0xffff;
	_ =	sdelay $0x4  }
0x3f7: {  	vm8 =	vle.f32 v38, v25  }
0x3f8: {  	v38 =	vsel vm8, $0x4, v4  }
0x3f9: {  	v37 =	vor.u32 v38, v37  }
0x3fa: {  	v38 =	vor.u32 $0x1, v37;
	_ =	sdelay $0x4  }
0x3fb: {  	v38 =	vld.idx.msk [tilespmem:v38+s9+$0x0], $0xffff;
	_ =	sdelay $0x4  }
0x3fc: {  	vm8 =	vle.f32 v38, v25  }
0x3fd: {  	v38 =	vsel vm8, $0x2, v4  }
0x3fe: {  	v37 =	vor.u32 v38, v37;
	_ =	sdelay $0x4  }
0x3ff: {  	v38 =	vld.idx.msk [tilespmem:v37+s9+$0x0], $0xffff;
	_ =	sdelay $0x4  }
0x400: {  	vm8 =	vle.f32 v38, v25  }
0x401: {  	v38 =	vsel vm8, $0x1, v4  }
0x402: {  	v37 =	vor.u32 v38, v37  }
0x403: {  	v37 =	vmax.u32 v37, $0x1  }
0x404: {  	v47 =	vadd.s32 $0xFFFFFFFF, v37;
	_ =	sdelay $0x3  }
0x405: {  	v49 =	vld.idx.msk [tilespmem:v37+s9+$0x0], $0xffff  }
0x406: {  	v48 =	vld.idx.msk [tilespmem:v47+s9+$0x0], $0xffff;
	_ =	sdelay $0x4  }
0x407: {  	v40 =	vsub.f32 v49, v48;
	_ =	sdelay $0x1  }
0x408: {  	v50 =	vand.u32 $0x7FFFFFFF, v40  }
0x409: {  	vm8 =	vle.f32 v50, $1.421085470e-14  }
0x40a: {  	v40 =	vsel vm8, $0x3F800000, v40  }
0x40b: {  	(erf) = vrcp.f32 v40;
	_ =	sdelay $0x3  }
0x40c: {  	v37 =	vld.idx.msk [tilespmem:v37+s10+$0x0], $0xffff  }
0x40d: {  	v38 =	vld.idx.msk [tilespmem:v47+s10+$0x0], $0xffff;
	_ =	sdelay $0x2  }
0x40e: {  	v39 =	vsub.f32 v25, v48  }
0x40f: {  	v40 =	vpop (erf)  }
0x410: {  	v37 =	vsub.f32 v37, v38;
	v39 =	vmul.f32 v40, v39;
	_ =	sdelay $0x1  }
0x411: {  	v37 =	vmul.f32 v39, v37;
	_ =	sdelay $0x1  }
0x412: {  	v37 =	vadd.f32 v37, v38;
	_ =	sdelay $0x1  }
0x413: {  	v37 =	vsel vm8, v38, v37;
	vm8 =	vgt.f32 v32, v25  }
0x414: {  	v37 =	vsel vm8, v33, v37;
	vm8 =	vlt.f32 v34, v25  }
0x415: {  	v37 =	vsel vm8, v35, v37  }
0x416: {  	v37 =	vadd.f32 $5.000000000e-01, v37;
	_ =	sdelay $0x1  }
0x417: {  	v51 =	vor.u32 v15, v36;
	v37 =	vmax.f32 v37, $0.0e+00  }
0x418: {  	v37 =	vmin.f32 v37, $2.550000000e+02  }
0x419: {  	v37 =	vtrunc.f32 v37  }
0x41a: {  	v37 =	vcvt.f32.s32 v37;
	_ =	sdelay $0x1  }
0x41b: {  	[tilespmem:v51+s11+$0x0] =	vst.idx.msk $0xffff, v37  }
0x41c: {  	v37 =	vld.idx.msk [tilespmem:v2+s9+$0x0], $0xffff;
	_ =	sdelay $0x4  }
0x41d: {  	vm8 =	vle.f32 v37, v26  }
0x41e: {  	v37 =	vsel vm8, $0x40, v4  }
0x41f: {  	v52 =	vor.u32 $0x1F, v37;
	_ =	sdelay $0x4  }
0x420: {  	v38 =	vld.idx.msk [tilespmem:v52+s9+$0x0], $0xffff;
	_ =	sdelay $0x4  }
0x421: {  	vm8 =	vle.f32 v38, v26  }
0x422: {  	v38 =	vsel vm8, $0x20, v4  }
0x423: {  	v37 =	vor.u32 v37, v38  }
0x424: {  	v38 =	vor.u32 $0xF, v37;
	_ =	sdelay $0x4  }
0x425: {  	v38 =	vld.idx.msk [tilespmem:v38+s9+$0x0], $0xffff;
	_ =	sdelay $0x4  }
0x426: {  	vm8 =	vle.f32 v38, v26  }
0x427: {  	v38 =	vsel vm8, $0x10, v4  }
0x428: {  	v37 =	vor.u32 v38, v37  }
0x429: {  	v38 =	vor.u32 $0x7, v37;
	_ =	sdelay $0x4  }
0x42a: {  	v38 =	vld.idx.msk [tilespmem:v38+s9+$0x0], $0xffff;
	_ =	sdelay $0x4  }
0x42b: {  	vm8 =	vle.f32 v38, v26  }
0x42c: {  	v38 =	vsel vm8, $0x8, v4  }
0x42d: {  	v37 =	vor.u32 v38, v37  }
0x42e: {  	v38 =	vor.u32 $0x3, v37;
	_ =	sdelay $0x4  }
0x42f: {  	v38 =	vld.idx.msk [tilespmem:v38+s9+$0x0], $0xffff;
	_ =	sdelay $0x4  }
0x430: {  	vm8 =	vle.f32 v38, v26  }
0x431: {  	v38 =	vsel vm8, $0x4, v4  }
0x432: {  	v37 =	vor.u32 v38, v37  }
0x433: {  	v38 =	vor.u32 $0x1, v37;
	_ =	sdelay $0x4  }
0x434: {  	v38 =	vld.idx.msk [tilespmem:v38+s9+$0x0], $0xffff;
	_ =	sdelay $0x4  }
0x435: {  	vm8 =	vle.f32 v38, v26  }
0x436: {  	v38 =	vsel vm8, $0x2, v4  }
0x437: {  	v37 =	vor.u32 v38, v37;
	_ =	sdelay $0x4  }
0x438: {  	v38 =	vld.idx.msk [tilespmem:v37+s9+$0x0], $0xffff;
	_ =	sdelay $0x4  }
0x439: {  	vm8 =	vle.f32 v38, v26  }
0x43a: {  	v38 =	vsel vm8, $0x1, v4  }
0x43b: {  	v37 =	vor.u32 v38, v37  }
0x43c: {  	v37 =	vmax.u32 v37, $0x1  }
0x43d: {  	v53 =	vadd.s32 $0xFFFFFFFF, v37;
	_ =	sdelay $0x3  }
0x43e: {  	v55 =	vld.idx.msk [tilespmem:v37+s9+$0x0], $0xffff  }
0x43f: {  	v54 =	vld.idx.msk [tilespmem:v53+s9+$0x0], $0xffff;
	_ =	sdelay $0x4  }
0x440: {  	v40 =	vsub.f32 v55, v54;
	_ =	sdelay $0x1  }
0x441: {  	v56 =	vand.u32 $0x7FFFFFFF, v40  }
0x442: {  	vm8 =	vle.f32 v56, $1.421085470e-14  }
0x443: {  	v40 =	vsel vm8, $0x3F800000, v40  }
0x444: {  	(erf) = vrcp.f32 v40;
	_ =	sdelay $0x3  }
0x445: {  	v37 =	vld.idx.msk [tilespmem:v37+s10+$0x0], $0xffff  }
0x446: {  	v38 =	vld.idx.msk [tilespmem:v53+s10+$0x0], $0xffff;
	_ =	sdelay $0x2  }
0x447: {  	v39 =	vsub.f32 v26, v54  }
0x448: {  	v40 =	vpop (erf)  }
0x449: {  	v37 =	vsub.f32 v37, v38;
	v39 =	vmul.f32 v40, v39;
	_ =	sdelay $0x1  }
0x44a: {  	v37 =	vmul.f32 v39, v37;
	_ =	sdelay $0x1  }
0x44b: {  	v37 =	vadd.f32 v37, v38;
	_ =	sdelay $0x1  }
0x44c: {  	v37 =	vsel vm8, v38, v37;
	vm8 =	vgt.f32 v32, v26  }
0x44d: {  	v37 =	vsel vm8, v33, v37;
	vm8 =	vlt.f32 v34, v26  }
0x44e: {  	v37 =	vsel vm8, v35, v37  }
0x44f: {  	v37 =	vadd.f32 $5.000000000e-01, v37;
	_ =	sdelay $0x1  }
0x450: {  	v57 =	vor.u32 v17, v36;
	v37 =	vmax.f32 v37, $0.0e+00  }
0x451: {  	v37 =	vmin.f32 v37, $2.550000000e+02  }
0x452: {  	v37 =	vtrunc.f32 v37  }
0x453: {  	v37 =	vcvt.f32.s32 v37;
	_ =	sdelay $0x1  }
0x454: {  	[tilespmem:v57+s11+$0x0] =	vst.idx.msk $0xffff, v37  }
0x455: {  	v37 =	vld.idx.msk [tilespmem:v2+s9+$0x0], $0xffff;
	_ =	sdelay $0x4  }
0x456: {  	vm8 =	vle.f32 v37, v27  }
0x457: {  	v37 =	vsel vm8, $0x40, v4  }
0x458: {  	v58 =	vor.u32 $0x1F, v37;
	_ =	sdelay $0x4  }
0x459: {  	v38 =	vld.idx.msk [tilespmem:v58+s9+$0x0], $0xffff;
	_ =	sdelay $0x4  }
0x45a: {  	vm8 =	vle.f32 v38, v27  }
0x45b: {  	v38 =	vsel vm8, $0x20, v4  }
0x45c: {  	v37 =	vor.u32 v37, v38  }
0x45d: {  	v38 =	vor.u32 $0xF, v37;
	_ =	sdelay $0x4  }
0x45e: {  	v38 =	vld.idx.msk [tilespmem:v38+s9+$0x0], $0xffff;
	_ =	sdelay $0x4  }
0x45f: {  	vm8 =	vle.f32 v38, v27  }
0x460: {  	v38 =	vsel vm8, $0x10, v4  }
0x461: {  	v37 =	vor.u32 v38, v37  }
0x462: {  	v38 =	vor.u32 $0x7, v37;
	_ =	sdelay $0x4  }
0x463: {  	v38 =	vld.idx.msk [tilespmem:v38+s9+$0x0], $0xffff;
	_ =	sdelay $0x4  }
0x464: {  	vm8 =	vle.f32 v38, v27  }
0x465: {  	v38 =	vsel vm8, $0x8, v4  }
0x466: {  	v37 =	vor.u32 v38, v37  }
0x467: {  	v38 =	vor.u32 $0x3, v37;
	_ =	sdelay $0x4  }
0x468: {  	v38 =	vld.idx.msk [tilespmem:v38+s9+$0x0], $0xffff;
	_ =	sdelay $0x4  }
0x469: {  	vm8 =	vle.f32 v38, v27  }
0x46a: {  	v38 =	vsel vm8, $0x4, v4  }
0x46b: {  	v37 =	vor.u32 v38, v37  }
0x46c: {  	v38 =	vor.u32 $0x1, v37;
	_ =	sdelay $0x4  }
0x46d: {  	v38 =	vld.idx.msk [tilespmem:v38+s9+$0x0], $0xffff;
	_ =	sdelay $0x4  }
0x46e: {  	vm8 =	vle.f32 v38, v27  }
0x46f: {  	v38 =	vsel vm8, $0x2, v4  }
0x470: {  	v37 =	vor.u32 v38, v37;
	_ =	sdelay $0x4  }
0x471: {  	v38 =	vld.idx.msk [tilespmem:v37+s9+$0x0], $0xffff;
	_ =	sdelay $0x4  }
0x472: {  	vm8 =	vle.f32 v38, v27  }
0x473: {  	v38 =	vsel vm8, $0x1, v4  }
0x474: {  	v37 =	vor.u32 v38, v37  }
0x475: {  	v37 =	vmax.u32 v37, $0x1  }
0x476: {  	v59 =	vadd.s32 $0xFFFFFFFF, v37;
	_ =	sdelay $0x3  }
0x477: {  	v61 =	vld.idx.msk [tilespmem:v37+s9+$0x0], $0xffff  }
0x478: {  	v60 =	vld.idx.msk [tilespmem:v59+s9+$0x0], $0xffff;
	_ =	sdelay $0x4  }
0x479: {  	v40 =	vsub.f32 v61, v60;
	_ =	sdelay $0x1  }
0x47a: {  	v62 =	vand.u32 $0x7FFFFFFF, v40  }
0x47b: {  	vm8 =	vle.f32 v62, $1.421085470e-14  }
0x47c: {  	v40 =	vsel vm8, $0x3F800000, v40  }
0x47d: {  	(erf) = vrcp.f32 v40;
	_ =	sdelay $0x3  }
0x47e: {  	v37 =	vld.idx.msk [tilespmem:v37+s10+$0x0], $0xffff  }
0x47f: {  	v38 =	vld.idx.msk [tilespmem:v59+s10+$0x0], $0xffff;
	_ =	sdelay $0x2  }
0x480: {  	v39 =	vsub.f32 v27, v60  }
0x481: {  	v40 =	vpop (erf)  }
0x482: {  	v37 =	vsub.f32 v37, v38;
	v39 =	vmul.f32 v40, v39;
	_ =	sdelay $0x1  }
0x483: {  	v37 =	vmul.f32 v39, v37;
	_ =	sdelay $0x1  }
0x484: {  	v37 =	vadd.f32 v37, v38;
	_ =	sdelay $0x1  }
0x485: {  	v37 =	vsel vm8, v38, v37;
	vm8 =	vgt.f32 v32, v27  }
0x486: {  	v32 =	vsel vm8, v33, v37;
	vm8 =	vlt.f32 v34, v27  }
0x487: {  	v32 =	vsel vm8, v35, v32  }
0x488: {  	v32 =	vadd.f32 $5.000000000e-01, v32;
	_ =	sdelay $0x1  }
0x489: {  	v63 =	vor.u32 v19, v36;
	v32 =	vmax.f32 v32, $0.0e+00  }
0x48a: {  	v32 =	vmin.f32 v32, $2.550000000e+02  }
0x48b: {  	v32 =	vtrunc.f32 v32  }
0x48c: {  	v32 =	vcvt.f32.s32 v32;
	_ =	sdelay $0x1  }
0x48d: {  	[tilespmem:v63+s11+$0x0] =	vst.idx.msk $0xffff, v32  }
.LBB2_4:
0x48e: {  	p1 =	sgt.u32 s20, $0x1  }
.Ltmp1:
0x48f: {  	_ = 	snop;
	(pc) =	sbr.rel @!p1 .LBB2_5-.Ltmp1, $3  }
0x490: {  	_ =	sdelay $0x1  }
0x491: {  	s24 =	sand.u32 $0x1, s20  }
0x492: {  	p0 =	seq.s32 s24, $0x1  }
0x493: {  	s25 =	sadd.s32 $0xFFFFFFFE, s20  }
0x494: {  	vm8 =	vmor vm0, vm1;
	s26 =	sshll.u32 s25, $0x7  }
0x495: {  	vm8 =	vmor vm8, vm2;
	s26 =	sand.u32 $0x180, s26  }
0x496: {  	s31 =	simm.s32 $0x0;
	vm8 =	vmor vm8, vm3;
	v35 =	vor.u32 s26, v0  }
0x497: {  	vm9 =	vmor vm8, vm4;
	v32 =	vor.u32 s31, v35  }
0x498: {  	vm8 =	vmor vm9, vm5;
	v32 =	vshrl.u32 v32, $0x1  }
0x499: {  	s25 =	sshll.u32 s25, $0x6;
	vm8 =	vmor vm8, vm6;
	v33 =	vmax.u32 v32, $0x1  }
0x49a: {  	s25 =	sand.u32 $0x100, s25;
	v34 =	vmin.u32 v32, $0xFE;
	vm8 =	vmor vm8, vm7;
	v36 =	vadd.s32 $0xFFFFFFFF, v33  }
0x49b: {  	v33 =	vmov s25;
	v34 =	vadd.s32 $0x1, v34;
	v36 =	vsel vm8, v36, v32  }
0x49c: {  	s25 =	simm.s32 $0x2;
	v32 =	vsel vm8, v32, v34;
	v62 =	vadd.s32 v33, v36  }
0x49d: {  	s25 =	simm.s32 @!p0 $0x1;
	v38 =	vadd.s32 v33, v32  }
0x49e: {  	_ =	swait.ge [sflag:s25], $0x8000  }
0x49f: {  	[sflag:s25] =	ssyncset.done $0x0  }
0x4a0: {  	s24 =	sshll.u32 s24, $0xF;
	v39 =	vmov s31;
	v36 =	vmul.u32 $0x100, v0;
	[sflag:s25] =	ssyncadd.s32 $0xFFFF8000  }
0x4a1: {  	v39 =	vshll.u32 v39, $0x8;
	v32 =	vmov s24;
	s24 =	simm.s32 $0x10;
	v40 =	vld.idx.msk [tilespmem:v62+s11+$0x0], $0xffff  }
0x4a2: {  	v37 =	vor.u32 s24, v35;
	v42 =	vor.u32 v36, v39;
	v39 =	vld.idx.msk [tilespmem:v38+s11+$0x0], $0xffff  }
0x4a3: {  	v41 =	vand.u32 $0x7, v0;
	v37 =	vshrl.u32 v37, $0x1  }
0x4a4: {  	v34 =	vmul.u32 $0x80, v41;
	v63 =	vmax.u32 v37, $0x1  }
0x4a5: {  	s25 =	simm.s32 $0x20;
	v42 =	vand.u32 $0x7800, v42;
	v41 =	vadd.s32 $0xFFFFFFFF, v63;
	v38 =	vmin.u32 v37, $0xFE  }
.LBB2_7:
0x4a6: {  	p1 =	sne.s32 s25, $0x70;
	vm10 =	vmor vm9, vm5;
	v42 =	vor.u32 v32, v42;
	v43 =	vshll.u32 v40, $0x3  }
0x4a7: {  	v44 =	vshll.u32 v39, $0x3;
	vm10 =	vmor vm10, vm6;
	v43 =	vand.u32 $0xFFFFFC00, v43  }
0x4a8: {  	v40 =	vand.u32 $0x7F, v40;
	v44 =	vand.u32 $0xFFFFFC00, v44;
	v43 =	vadd.s32 v42, v43  }
0x4a9: {  	v39 =	vand.u32 $0x7F, v39;
	v42 =	vadd.s32 v42, v44;
	v40 =	vor.u32 v40, v43  }
0x4aa: {  	vm10 =	vmor vm10, vm7;
	v39 =	vor.u32 v39, v42;
	v40 =	vor.u32 v34, v40  }
0x4ab: {  	v38 =	vadd.s32 $0x1, v38;
	v41 =	vsel vm10, v41, v37;
	v39 =	vor.u32 v34, v39  }
0x4ac: {  	v37 =	vsel vm10, v37, v38;
	v38 =	vadd.s32 v33, v41  }
0x4ad: {  	v37 =	vadd.s32 v33, v37;
	_ =	sdelay $0x1  }
0x4ae: {  	[tilespmem:v40+s1+$0x0] =	vst.idx.add.f32.msk $0xffff, v28  }
0x4af: {  	[tilespmem:v39+s1+$0x0] =	vst.idx.add.f32.msk $0xffff, v29  }
0x4b0: {  	v40 =	vld.idx.msk [tilespmem:v38+s11+$0x0], $0xffff  }
.Ltmp2:
0x4b1: {  	v41 =	vmov s24;
	s24 =	smov.u32 s25;
	v38 =	vor.u32 s25, v35;
	v39 =	vld.idx.msk [tilespmem:v37+s11+$0x0], $0xffff;
	(pc) =	sbr.rel @p1 .LBB2_7-.Ltmp2, $4  }
0x4b2: {  	v41 =	vshll.u32 v41, $0x8  }
0x4b3: {  	v42 =	vor.u32 v36, v41;
	v37 =	vshrl.u32 v38, $0x1  }
0x4b4: {  	v41 =	vmax.u32 v37, $0x1;
	v38 =	vmin.u32 v37, $0xFE  }
0x4b5: {  	v42 =	vand.u32 $0x7800, v42;
	s25 =	sadd.s32 $0x10, s25;
	v41 =	vadd.s32 $0xFFFFFFFF, v41  }
0x4b6: {  	v35 =	vshll.u32 v40, $0x3  }
0x4b7: {  	v42 =	vor.u32 v32, v42;
	v43 =	vshll.u32 v39, $0x3;
	v35 =	vand.u32 $0xFFFFFC00, v35  }
0x4b8: {  	v54 =	vand.u32 $0x7F, v40;
	v43 =	vand.u32 $0xFFFFFC00, v43;
	v35 =	vadd.s32 v42, v35  }
0x4b9: {  	v55 =	vand.u32 $0x7F, v39;
	v56 =	vadd.s32 v42, v43;
	v35 =	vor.u32 v54, v35  }
0x4ba: {  	v39 =	vor.u32 v55, v56;
	v35 =	vor.u32 v34, v35  }
0x4bb: {  	v57 =	vsel vm8, v41, v37;
	v38 =	vadd.s32 $0x1, v38;
	v39 =	vor.u32 v34, v39  }
0x4bc: {  	v58 =	vsel vm8, v37, v38;
	v59 =	vadd.s32 v33, v57  }
0x4bd: {  	v60 =	vadd.s32 v33, v58;
	_ =	sdelay $0x1  }
0x4be: {  	[tilespmem:v35+s1+$0x0] =	vst.idx.add.f32.msk $0xffff, v28  }
0x4bf: {  	[tilespmem:v39+s1+$0x0] =	vst.idx.add.f32.msk $0xffff, v29  }
0x4c0: {  	v35 =	vld.idx.msk [tilespmem:v59+s11+$0x0], $0xffff  }
0x4c1: {  	v33 =	vld.idx.msk [tilespmem:v60+s11+$0x0], $0xffff  }
0x4c2: {  	v61 =	vmov s24  }
0x4c3: {  	v37 =	vshll.u32 v61, $0x8  }
0x4c4: {  	v36 =	vor.u32 v36, v37  }
0x4c5: {  	v36 =	vand.u32 $0x7800, v36;
	v62 =	vshll.u32 v35, $0x3  }
0x4c6: {  	v36 =	vor.u32 v32, v36;
	v63 =	vshll.u32 v33, $0x3;
	v37 =	vand.u32 $0xFFFFFC00, v62  }
0x4c7: {  	v35 =	vand.u32 $0x7F, v35;
	v38 =	vand.u32 $0xFFFFFC00, v63;
	v37 =	vadd.s32 v36, v37  }
0x4c8: {  	v33 =	vand.u32 $0x7F, v33;
	v36 =	vadd.s32 v36, v38;
	v35 =	vor.u32 v35, v37  }
0x4c9: {  	v33 =	vor.u32 v33, v36;
	v35 =	vor.u32 v34, v35  }
0x4ca: {  	v33 =	vor.u32 v34, v33  }
.Ltmp3:
0x4cb: {  	_ = 	snop;
	(pc) =	sbr.rel .LBB2_9-.Ltmp3, $3  }
0x4cc: {  	_ =	sdelay $0x1  }
0x4cd: {  	[tilespmem:v35+s1+$0x0] =	vst.idx.add.f32.msk $0xffff, v28  }
0x4ce: {  	[tilespmem:v33+s1+$0x0] =	vst.idx.add.f32.msk $0xffff, v29  }
.LBB2_5:
0x4cf: {  	s24 =	sshll.u32 s24, $0xF  }
0x4d0: {  	v32 =	vmov s24  }
.LBB2_9:
0x4d1: {  	vm8 =	vmor vm0, vm1  }
0x4d2: {  	s24 =	sshll.u32 s21, $0x7;
	vm8 =	vmor vm8, vm2  }
0x4d3: {  	s31 =	simm.s32 $0x0;
	v36 =	vor.u32 s24, v0;
	vm8 =	vmor vm8, vm3  }
0x4d4: {  	v33 =	vor.u32 s31, v36;
	vm9 =	vmor vm8, vm4  }
0x4d5: {  	v33 =	vshrl.u32 v33, $0x1;
	vm8 =	vmor vm9, vm5  }
0x4d6: {  	v34 =	vmax.u32 v33, $0x1;
	vm8 =	vmor vm8, vm6  }
0x4d7: {  	v35 =	vmin.u32 v33, $0xFE;
	v37 =	vadd.s32 $0xFFFFFFFF, v34;
	vm8 =	vmor vm8, vm7  }
0x4d8: {  	v34 =	vmov s23;
	v35 =	vadd.s32 $0x1, v35;
	v37 =	vsel vm8, v37, v33  }
0x4d9: {  	v33 =	vsel vm8, v33, v35;
	v38 =	vadd.s32 v34, v37  }
0x4da: {  	v39 =	vadd.s32 v34, v33;
	_ =	sdelay $0x3  }
0x4db: {  	s23 =	simm.s32 $0x10;
	v40 =	vld.idx.msk [tilespmem:v38+s11+$0x0], $0xffff  }
0x4dc: {  	v62 =	vmov s31;
	v61 =	vor.u32 s23, v36;
	v35 =	vmul.u32 $0x100, v0;
	v39 =	vld.idx.msk [tilespmem:v39+s11+$0x0], $0xffff  }
0x4dd: {  	v41 =	vand.u32 $0x7, v0;
	v42 =	vshll.u32 v62, $0x8;
	v37 =	vshrl.u32 v61, $0x1  }
0x4de: {  	v33 =	vmul.u32 $0x80, v41;
	v42 =	vor.u32 v35, v42;
	v63 =	vmax.u32 v37, $0x1  }
0x4df: {  	s24 =	simm.s32 $0x20;
	v41 =	vadd.s32 $0xFFFFFFFF, v63;
	v42 =	vand.u32 $0x7800, v42;
	v38 =	vmin.u32 v37, $0xFE  }
.LBB2_10:
0x4e0: {  	p1 =	sne.s32 s24, $0x70;
	vm10 =	vmor vm9, vm5;
	v42 =	vor.u32 v32, v42;
	v43 =	vshll.u32 v40, $0x3  }
0x4e1: {  	v44 =	vshll.u32 v39, $0x3;
	vm10 =	vmor vm10, vm6;
	v43 =	vand.u32 $0xFFFFFC00, v43  }
0x4e2: {  	v40 =	vand.u32 $0x7F, v40;
	v44 =	vand.u32 $0xFFFFFC00, v44;
	v43 =	vadd.s32 v42, v43  }
0x4e3: {  	v39 =	vand.u32 $0x7F, v39;
	v42 =	vadd.s32 v42, v44;
	v40 =	vor.u32 v40, v43  }
0x4e4: {  	vm10 =	vmor vm10, vm7;
	v39 =	vor.u32 v39, v42;
	v40 =	vor.u32 v33, v40  }
0x4e5: {  	v38 =	vadd.s32 $0x1, v38;
	v41 =	vsel vm10, v41, v37;
	v39 =	vor.u32 v33, v39  }
0x4e6: {  	v37 =	vsel vm10, v37, v38;
	v38 =	vadd.s32 v34, v41  }
0x4e7: {  	v37 =	vadd.s32 v34, v37;
	_ =	sdelay $0x1  }
0x4e8: {  	[tilespmem:v40+s1+$0x0] =	vst.idx.add.f32.msk $0xffff, v30  }
0x4e9: {  	[tilespmem:v39+s1+$0x0] =	vst.idx.add.f32.msk $0xffff, v31  }
0x4ea: {  	v40 =	vld.idx.msk [tilespmem:v38+s11+$0x0], $0xffff  }
.Ltmp4:
0x4eb: {  	v41 =	vmov s23;
	s23 =	smov.u32 s24;
	v38 =	vor.u32 s24, v36;
	v39 =	vld.idx.msk [tilespmem:v37+s11+$0x0], $0xffff;
	(pc) =	sbr.rel @p1 .LBB2_10-.Ltmp4, $4  }
0x4ec: {  	v41 =	vshll.u32 v41, $0x8  }
0x4ed: {  	v42 =	vor.u32 v35, v41;
	v37 =	vshrl.u32 v38, $0x1  }
0x4ee: {  	v41 =	vmax.u32 v37, $0x1;
	v38 =	vmin.u32 v37, $0xFE  }
0x4ef: {  	v42 =	vand.u32 $0x7800, v42;
	s24 =	sadd.s32 $0x10, s24;
	v41 =	vadd.s32 $0xFFFFFFFF, v41  }
0x4f0: {  	v36 =	vshll.u32 v40, $0x3  }
0x4f1: {  	v42 =	vor.u32 v32, v42;
	v43 =	vshll.u32 v39, $0x3;
	v36 =	vand.u32 $0xFFFFFC00, v36  }
0x4f2: {  	v52 =	vand.u32 $0x7F, v40;
	v43 =	vand.u32 $0xFFFFFC00, v43;
	v36 =	vadd.s32 v42, v36  }
0x4f3: {  	v53 =	vand.u32 $0x7F, v39;
	v54 =	vadd.s32 v42, v43;
	v36 =	vor.u32 v52, v36  }
0x4f4: {  	v39 =	vor.u32 v53, v54;
	v36 =	vor.u32 v33, v36  }
0x4f5: {  	v55 =	vsel vm8, v41, v37;
	v38 =	vadd.s32 $0x1, v38;
	v39 =	vor.u32 v33, v39  }
0x4f6: {  	v56 =	vsel vm8, v37, v38;
	v57 =	vadd.s32 v34, v55  }
0x4f7: {  	v58 =	vadd.s32 v34, v56;
	_ =	sdelay $0x1  }
0x4f8: {  	[tilespmem:v36+s1+$0x0] =	vst.idx.add.f32.msk $0xffff, v30  }
0x4f9: {  	[tilespmem:v39+s1+$0x0] =	vst.idx.add.f32.msk $0xffff, v31  }
0x4fa: {  	v36 =	vld.idx.msk [tilespmem:v57+s11+$0x0], $0xffff  }
0x4fb: {  	v34 =	vld.idx.msk [tilespmem:v58+s11+$0x0], $0xffff  }
0x4fc: {  	v59 =	vmov s23  }
0x4fd: {  	v37 =	vshll.u32 v59, $0x8  }
0x4fe: {  	v35 =	vor.u32 v35, v37  }
0x4ff: {  	v35 =	vand.u32 $0x7800, v35;
	v60 =	vshll.u32 v36, $0x3  }
0x500: {  	v61 =	vor.u32 v32, v35;
	v63 =	vshll.u32 v34, $0x3;
	v62 =	vand.u32 $0xFFFFFC00, v60  }
0x501: {  	v36 =	vand.u32 $0x7F, v36;
	v37 =	vand.u32 $0xFFFFFC00, v63;
	v35 =	vadd.s32 v61, v62  }
0x502: {  	v34 =	vand.u32 $0x7F, v34;
	v32 =	vadd.s32 v61, v37;
	v35 =	vor.u32 v36, v35  }
0x503: {  	v32 =	vor.u32 v34, v32;
	v35 =	vor.u32 v33, v35  }
0x504: {  	v32 =	vor.u32 v33, v32;
	_ =	sdelay $0x2  }
0x505: {  	s22 =	sshll.u32 s22, $0xE;
	s21 =	sshll.u32 s21, $0xC  }
0x506: {  	s22 =	sand.u32 $0x1C000, s22;
	s21 =	sadd.s32 s21, s14;
	[tilespmem:v35+s1+$0x0] =	vst.idx.add.f32.msk $0xffff, v30  }
0x507: {  	s23 =	simm.s32 @p0 $0x8000;
	s21 =	sadd.s32 s22, s21;
	s22 =	simm.s32 @p0 $0x0;
	[tilespmem:v32+s1+$0x0] =	vst.idx.add.f32.msk $0xffff, v31  }
0x508: {  	[hbm4b:s21+s22] =	stream.linear.scatter @p0 [tilespmem:s23], [sflag:$0x2], $0x8000, $0x38;
	[tilespmem:$0x10400] =	vst v63  }
0x509: {  	s20 =	sadd.s32 $0x1, s20;
	s22 =	simm.s32 @!p0 $0x0  }
0x50a: {  	[hbm4b:s21+s22] =	stream.linear.scatter @!p0 [tilespmem:s22], [sflag:$0x1], $0x8000, $0x38;
	[tilespmem:$0x10400] =	vst v63  }
0x50b: {  	p0 =	sne.s32 s20, $0x10  }
.Ltmp5:
0x50c: {  	_ = 	snop;
	(pc) =	sbr.rel @p0 .LBB2_2-.Ltmp5, $1  }
0x50d: {  	_ =	sdelay $0x3  }
0x50e: {  	s19 =	sadd.s32 $0x1, s19  }
0x50f: {  	_ =	swait.ge [sflag:s18], $0x8000;
	p0 =	sne.s32 s19, s15  }
.Ltmp6:
0x510: {  	[sflag:s18] =	ssyncset.done $0x0;
	(pc) =	sbr.rel @p0 .LBB2_1-.Ltmp6, $4  }
0x511: {  	[sflag:s18] =	ssyncadd.s32 $0xFFFF8000  }
0x512: {  	_ =	swait.ge [sflag:s17], $0x8000  }
0x513: {  	[sflag:s17] =	ssyncset.done $0x0  }
0x514: {  	[sflag:s17] =	ssyncadd.s32 $0xFFFF8000  }
0x515: {  	_ =	sfence.sel $0x180000  }
0x516: {  	[bflag:$0x0] =	sbarrier.arrive $0xFFFF  }
0x517: {  	p0 =	sne.s32 s2, $0x0;
	_ =	strace $0x90000047  }
0x518: {  	s0 =	sadd.s32 @!p0 $0x100000, s0;
	[bflag:$0x2] =	sbarrier.arrive $0xFFFF  }
0x519: {  	[sflag:s0] =	ssyncadd.tile.s32 @!p0 $0x1;
	_ =	shalt  }
.Lfunc_end2:
_tile_overlayer_lowered:
.L_overlay_start_2:
0x51a: {  	(tag) =	ssettag $0x2  }
0x51b: {  	s0 =	rddreg [dreg:$0x0];
	s2 =	stileid.u32  }
0x51c: {  	s1 =	rddreg [dreg:$0x1];
	p0 =	sne.s32 s2, $0x0  }
0x51d: {  	s3 =	rddreg [dreg:$0x2];
	[bflag:$0x3] =	sbarrier.arrive $0xFFFF;
	s2 =	simm.s32 @!p0 $0x1C03  }
0x51e: {  	[timem:s3], [sflag:s2] =	dma.local @!p0 [hbm:s0], s1  }
0x51f: {  	s0 =	simm.s32 @!p0 $0x3  }
0x520: {  	_ =	swait.ge @!p0 [sflag:s0], s1  }
0x521: {  	s1 =	ssub.s32 @!p0 $0x0, s1;
	[sflag:s0] =	ssyncset.done @!p0 $0x0  }
0x522: {  	[sflag:s0] =	ssyncadd.s32 @!p0 s1  }
0x523: {  	[bflag:$0x3] =	sbarrier.arrive $0xFFFF  }
0x524: {  	_ =	shalt  }

</sc_bundles>
